<compile_context>
chip_gen: v7x
topology: tpu7x:2x2x1
jax: 0.10.2.dev20260603
libtpu: 0.0.44.dev20260713+nightly
codegen_flags: <defaults>
</compile_context>

<pallas_src>
import functools

import jax
import jax.numpy as jnp
from jax import lax
from jax.experimental import pallas as pl
from jax.experimental.pallas import tpu as pltpu
from jax.experimental.pallas import tpu_sc as plsc

EMB = 128
HID = 128
OUT = 91
CH = 256


def _sc_gather_pack(table, idx_flat, start, count):
    info = plsc.get_sparse_core_info()
    nw = info.num_cores * info.num_subcores
    b_per_w = count // nw
    assert b_per_w * nw == count
    nbuf = 2
    n_ch = b_per_w // CH
    assert n_ch * CH == b_per_w
    half = CH // 2

    mesh = plsc.VectorSubcoreMesh(core_axis_name="c", subcore_axis_name="s")

    @functools.partial(
        pl.kernel,
        mesh=mesh,
        out_type=jax.ShapeDtypeStruct((count // 2, EMB), jnp.int32),
        scratch_types=[
            pltpu.VMEM((b_per_w,), jnp.int32),
            pltpu.VMEM((nbuf, CH, EMB), jnp.float32),
            pltpu.VMEM((nbuf, half, EMB), jnp.int32),
            pltpu.SemaphoreType.DMA,
            pltpu.SemaphoreType.DMA,
            pltpu.SemaphoreType.DMA,
            pltpu.SemaphoreType.DMA,
        ],
    )
    def k(table_hbm, idx_hbm, out_hbm, idx_v, rows_v, pk_v, g0, g1, w0, w1):
        wid = lax.axis_index("s") * info.num_cores + lax.axis_index("c")
        base = wid * b_per_w
        base2 = wid * (b_per_w // 2)
        pltpu.sync_copy(idx_hbm.at[pl.ds(start + base, b_per_w)], idx_v)
        gsem = (g0, g1)
        wsem = (w0, w1)
        gcp = [None] * n_ch
        wcp = [None] * n_ch

        def start_gather(c):
            gcp[c] = pltpu.async_copy(
                table_hbm.at[idx_v.at[pl.ds(c * CH, CH)]],
                rows_v.at[c % nbuf],
                gsem[c % nbuf],
            )

        def convert(b):
            def body(r, carry):
                for kk in range(EMB // 16):
                    a = rows_v[b, r, pl.ds(kk * 16, 16)]
                    bb = rows_v[b, r + half, pl.ds(kk * 16, 16)]
                    ua = lax.bitcast_convert_type(a, jnp.int32) + jnp.int32(0x8000)
                    ub = lax.bitcast_convert_type(bb, jnp.int32) + jnp.int32(0x8000)
                    word = lax.shift_right_logical(ua, 16) | (
                        ub & jnp.int32(-65536)
                    )
                    pk_v[b, r, pl.ds(kk * 16, 16)] = word
                return carry

            lax.fori_loop(0, half, body, 0)

        for c in range(min(nbuf, n_ch)):
            start_gather(c)
        for c in range(n_ch):
            gcp[c].wait()
            if c >= nbuf:
                wcp[c - nbuf].wait()
            convert(c % nbuf)
            wcp[c] = pltpu.async_copy(
                pk_v.at[c % nbuf],
                out_hbm.at[pl.ds(base2 + c * half, half)],
                wsem[c % nbuf],
            )
            if c + nbuf < n_ch:
                start_gather(c + nbuf)
        for c in range(max(0, n_ch - nbuf), n_ch):
            wcp[c].wait()

    return k(table, idx_flat)


_GRP = 8


def _mlp_body(x_ref, w3_ref, bh_ref, wo_ref, bo_ref, out_ref):
    ctx, pblk, _ = x_ref.shape
    half = CH // 2
    hi_mask = jnp.int32(-65536)

    def unpack(c):
        w = x_ref[c]
        lo = lax.bitcast_convert_type(lax.shift_left(w, 16), jnp.float32)
        hi = lax.bitcast_convert_type(w & hi_mask, jnp.float32)
        lo4 = lo.reshape(pblk // half, half, EMB)
        hi4 = hi.reshape(pblk // half, half, EMB)
        return jnp.concatenate([lo4, hi4], axis=1).reshape(2 * pblk, EMB)

    acc = jnp.dot(unpack(0), w3_ref[0], preferred_element_type=jnp.float32)
    for c in range(1, ctx):
        acc += jnp.dot(unpack(c), w3_ref[c], preferred_element_type=jnp.float32)
    h = jnp.maximum(acc + bh_ref[...], 0.0)
    out_ref[...] = (
        jnp.dot(h, wo_ref[...], preferred_element_type=jnp.float32) + bo_ref[...]
    )


def _mlp_body_acc(prev_ref, x_ref, w3_ref, bh_ref, wo_ref, bo_ref, out_ref):
    del prev_ref
    _mlp_body(x_ref, w3_ref, bh_ref, wo_ref, bo_ref, out_ref)


def _tc_mlp(xp, W3, b_h, W_o, b_o, bq, row_off, prev=None):
    ctx, bq2, _ = xp.shape
    pblk = _GRP * (CH // 2)
    grid = bq2 // pblk
    blk_off = row_off // (2 * pblk)
    in_specs = [
        pl.BlockSpec((ctx, pblk, EMB), lambda i: (0, i, 0)),
        pl.BlockSpec((ctx, EMB, HID), lambda i: (0, 0, 0)),
        pl.BlockSpec((1, HID), lambda i: (0, 0)),
        pl.BlockSpec((HID, OUT), lambda i: (0, 0)),
        pl.BlockSpec((1, OUT), lambda i: (0, 0)),
    ]
    args = [xp, W3, b_h.reshape(1, HID), W_o, b_o.reshape(1, OUT)]
    body = _mlp_body
    kwargs = {}
    if prev is not None:
        in_specs = [pl.BlockSpec(memory_space=pl.ANY)] + in_specs
        args = [prev] + args
        body = _mlp_body_acc
        kwargs["input_output_aliases"] = {0: 0}
    return pl.pallas_call(
        body,
        grid=(grid,),
        in_specs=in_specs,
        out_specs=pl.BlockSpec((2 * pblk, OUT), lambda i: (blk_off + i, 0)),
        out_shape=jax.ShapeDtypeStruct((bq, OUT), jnp.float32),
        **kwargs,
    )(*args)


def kernel(inputs, emb_table, W_h, b_h, W_o, b_o):
    bq, ctx = inputs.shape
    sizes = (12288, 4096)
    pieces = []
    off = 0
    for s in sizes:
        pieces.append(inputs[off : off + s].T.reshape(-1))
        off += s
    idx_flat = jnp.concatenate(pieces)
    w3 = W_h.reshape(ctx, EMB, HID)
    out = None
    off = 0
    for s in sizes:
        packed = _sc_gather_pack(emb_table, idx_flat, off * ctx, s * ctx)
        xp = packed.reshape(ctx, s // 2, EMB)
        out = _tc_mlp(xp, w3, b_h, W_o, b_o, bq, off, prev=out)
        off += s
    return out

# --- scband reference (transcript-rebuilt; emitter-appended) ---
"""Pipeline reference for scband-dependency-model-11682311045737 (READ-ONLY COPY).

The authoritative reference and input builder live on the scoring server;
editing this copy changes nothing except your own understanding.
"""

import jax, jax.numpy as jnp
import numpy as np

VOCAB = 1000000
EMB = 128
HID = 128
OUT = 91
B = 16384
CTX = 6

def setup_inputs(seed: int = 0) -> dict:
    key = jax.random.key(seed)
    k1, k2, k3, k4, k5, k6 = jax.random.split(key, 6)
    inputs = jax.random.randint(k1, (B, CTX), 0, VOCAB, dtype=jnp.int64 if jax.config.jax_enable_x64 else jnp.int32).astype(jnp.int32)
    emb_table = jax.random.normal(k2, (VOCAB, EMB), dtype=jnp.float32) * 0.02
    W_h = jax.random.normal(k3, (CTX * EMB, HID), dtype=jnp.float32) * (1.0 / np.sqrt(CTX * EMB))
    b_h = jnp.zeros((HID,), dtype=jnp.float32)
    W_o = jax.random.normal(k4, (HID, OUT), dtype=jnp.float32) * (1.0 / np.sqrt(HID))
    b_o = jnp.zeros((OUT,), dtype=jnp.float32)
    return {"inputs": inputs, "emb_table": emb_table, "W_h": W_h, "b_h": b_h, "W_o": W_o, "b_o": b_o}

def reference(inputs, emb_table, W_h, b_h, W_o, b_o):
    # emb = self.embedding(inputs)  -> gather rows
    emb = jnp.take(emb_table, inputs, axis=0)  # [B, 6, 128]
    Bq = emb.shape[0]
    x = emb.reshape(Bq, CTX * EMB)             # [B, 768]
    h = jax.nn.relu(x @ W_h + b_h)             # [B, 128]
    logits = h @ W_o + b_o                     # [B, 91]
    return logits

if __name__ == "__main__":
    import jax
    _d = setup_inputs()
    print(jax.jit(kernel)(*tuple(_d.values())))

</pallas_src>

<mosaic_0001>
#map = affine_map<(d0, d1) -> (0, 0)>
#map1 = affine_map<(d0, d1) -> (0)>
module attributes {stable_mosaic.version = 14 : i64} {
  func.func @k(%arg0: i32, %arg1: i32, %arg2: memref<1000000x128xf32, #tpu.memory_space<hbm>>, %arg3: memref<98304xi32, #tpu.memory_space<hbm>>, %arg4: memref<36864x128xi32, #tpu.memory_space<hbm>>, %arg5: memref<2304xi32, #tpu.memory_space<vmem>>, %arg6: memref<2x256x128xf32, #tpu.memory_space<vmem>>, %arg7: memref<2x128x128xi32, #tpu.memory_space<vmem>>, %arg8: memref<!tpu.dma_semaphore, #tpu.memory_space<semaphore_mem>>, %arg9: memref<!tpu.dma_semaphore, #tpu.memory_space<semaphore_mem>>, %arg10: memref<!tpu.dma_semaphore, #tpu.memory_space<semaphore_mem>>, %arg11: memref<!tpu.dma_semaphore, #tpu.memory_space<semaphore_mem>>) attributes {dimension_semantics = [#tpu.dimension_semantics<core_parallel>, #tpu.dimension_semantics<subcore_parallel>], iteration_bounds = array<i64: 2, 16>, scalar_prefetch = 0 : i64, scratch_operands = 7 : i64, tpu.core_type = #tpu.core_type<sc_vector_subcore>, window_params = [{transform_indices = #map}, {transform_indices = #map1}, {transform_indices = #map}]} {
    %mul3A = arith.constant 2 : i32
    %mul3A_0 = arith.muli %arg1, %mul3A : i32
    %add3A = arith.addi %mul3A_0, %arg0 : i32
    %mul3A_1 = arith.constant 2304 : i32
    %mul3A_2 = arith.muli %add3A, %mul3A_1 : i32
    %mul3A_3 = arith.constant 1152 : i32
    %mul3A_4 = arith.muli %add3A, %mul3A_3 : i32
    %add3A_5 = arith.constant 0 : i32
    %add3A_6 = arith.addi %add3A_5, %mul3A_2 : i32
    "tpu.region"() ({
      %run_scoped3A = tpu.sem_alloc : memref<!tpu.dma_semaphore, #tpu.memory_space<semaphore_mem>>
      %dma_start3A_490 = tpu.memref_slice %arg3[%add3A_6] : memref<98304xi32, #tpu.memory_space<hbm>> -> memref<2304xi32, #tpu.memory_space<hbm>>
      %dma_start3A_491 = tpu.memref_slice %arg3[%add3A_6] : memref<98304xi32, #tpu.memory_space<hbm>> -> memref<2304xi32, #tpu.memory_space<hbm>>
      tpu.enqueue_dma source(%dma_start3A_491 : memref<2304xi32, #tpu.memory_space<hbm>>) target(%arg5 : memref<2304xi32, #tpu.memory_space<vmem>>) target_semaphore(%run_scoped3A : memref<!tpu.dma_semaphore, #tpu.memory_space<semaphore_mem>>)
      %dma_wait3A_492 = tpu.memref_slice %arg3[%add3A_6] : memref<98304xi32, #tpu.memory_space<hbm>> -> memref<2304xi32, #tpu.memory_space<hbm>>
      %dma_wait3A_493 = tpu.memref_slice %arg3[%add3A_6] : memref<98304xi32, #tpu.memory_space<hbm>> -> memref<2304xi32, #tpu.memory_space<hbm>>
      tpu.wait_dma2 semaphore(%run_scoped3A : memref<!tpu.dma_semaphore, #tpu.memory_space<semaphore_mem>>) src(%dma_wait3A_493 : memref<2304xi32, #tpu.memory_space<hbm>>) dst(%arg5 : memref<2304xi32, #tpu.memory_space<vmem>>)
      tpu.yield
    }) : () -> ()
    %dma_start3A = arith.constant 0 : i32
    %dma_start3A_7 = arith.constant 0 : i32
    %dma_start3A_8 = arith.constant 0 : i32
    %dma_start3A_9 = tpu.memref_slice %arg6[%dma_start3A, %dma_start3A_7, %dma_start3A_8] : memref<2x256x128xf32, #tpu.memory_space<vmem>> -> memref<1x256x128xf32, #tpu.memory_space<vmem>>
    %dma_start3A_10 = tpu.memref_squeeze %dma_start3A_9 : memref<1x256x128xf32, #tpu.memory_space<vmem>> -> memref<256x128xf32, #tpu.memory_space<vmem>>
    %dma_start3A_11 = arith.constant 0 : i32
    %dma_start3A_12 = tpu.memref_slice %arg5[%dma_start3A_11] : memref<2304xi32, #tpu.memory_space<vmem>> -> memref<256xi32, #tpu.memory_space<vmem>>
    %dma_start3A_13 = arith.constant 0 : i32
    %dma_start3A_14 = arith.constant 0 : i32
    %dma_start3A_15 = tpu.memref_slice %arg2[%dma_start3A_13, %dma_start3A_14] : memref<1000000x128xf32, #tpu.memory_space<hbm>> -> memref<1000000x128xf32, #tpu.memory_space<hbm>>
    tpu.enqueue_indirect_dma source(%dma_start3A_15 : memref<1000000x128xf32, #tpu.memory_space<hbm>>) target(%dma_start3A_10 : memref<256x128xf32, #tpu.memory_space<vmem>>) offsets(%dma_start3A_12 : memref<256xi32, #tpu.memory_space<vmem>>) semaphore(%arg8 : memref<!tpu.dma_semaphore, #tpu.memory_space<semaphore_mem>>)
    %dma_start3A_16 = arith.constant 1 : i32
    %dma_start3A_17 = arith.constant 0 : i32
    %dma_start3A_18 = arith.constant 0 : i32
    %dma_start3A_19 = tpu.memref_slice %arg6[%dma_start3A_16, %dma_start3A_17, %dma_start3A_18] : memref<2x256x128xf32, #tpu.memory_space<vmem>> -> memref<1x256x128xf32, #tpu.memory_space<vmem>>
    %dma_start3A_20 = tpu.memref_squeeze %dma_start3A_19 : memref<1x256x128xf32, #tpu.memory_space<vmem>> -> memref<256x128xf32, #tpu.memory_space<vmem>>
    %dma_start3A_21 = arith.constant 256 : i32
    %dma_start3A_22 = tpu.memref_slice %arg5[%dma_start3A_21] : memref<2304xi32, #tpu.memory_space<vmem>> -> memref<256xi32, #tpu.memory_space<vmem>>
    %dma_start3A_23 = arith.constant 0 : i32
    %dma_start3A_24 = arith.constant 0 : i32
    %dma_start3A_25 = tpu.memref_slice %arg2[%dma_start3A_23, %dma_start3A_24] : memref<1000000x128xf32, #tpu.memory_space<hbm>> -> memref<1000000x128xf32, #tpu.memory_space<hbm>>
    tpu.enqueue_indirect_dma source(%dma_start3A_25 : memref<1000000x128xf32, #tpu.memory_space<hbm>>) target(%dma_start3A_20 : memref<256x128xf32, #tpu.memory_space<vmem>>) offsets(%dma_start3A_22 : memref<256xi32, #tpu.memory_space<vmem>>) semaphore(%arg9 : memref<!tpu.dma_semaphore, #tpu.memory_space<semaphore_mem>>)
    %dma_wait3A = arith.constant 0 : i32
    %dma_wait3A_26 = arith.constant 0 : i32
    %dma_wait3A_27 = arith.constant 0 : i32
    %dma_wait3A_28 = tpu.memref_slice %arg6[%dma_wait3A, %dma_wait3A_26, %dma_wait3A_27] : memref<2x256x128xf32, #tpu.memory_space<vmem>> -> memref<1x256x128xf32, #tpu.memory_space<vmem>>
    %dma_wait3A_29 = tpu.memref_squeeze %dma_wait3A_28 : memref<1x256x128xf32, #tpu.memory_space<vmem>> -> memref<256x128xf32, #tpu.memory_space<vmem>>
    %dma_wait3A_30 = arith.constant 0 : i32
    %dma_wait3A_31 = tpu.memref_slice %arg5[%dma_wait3A_30] : memref<2304xi32, #tpu.memory_space<vmem>> -> memref<256xi32, #tpu.memory_space<vmem>>
    %dma_wait3A_32 = arith.constant 0 : i32
    %dma_wait3A_33 = arith.constant 0 : i32
    %dma_wait3A_34 = tpu.memref_slice %arg2[%dma_wait3A_32, %dma_wait3A_33] : memref<1000000x128xf32, #tpu.memory_space<hbm>> -> memref<1000000x128xf32, #tpu.memory_space<hbm>>
    tpu.wait_indirect_dma semaphore(%arg8 : memref<!tpu.dma_semaphore, #tpu.memory_space<semaphore_mem>>) src(%dma_wait3A_34 : memref<1000000x128xf32, #tpu.memory_space<hbm>>) dst(%dma_wait3A_29 : memref<256x128xf32, #tpu.memory_space<vmem>>)
    %scan3A = arith.constant 0 : i32
    %scan3A_35 = arith.constant 0 : i32
    %scan3A_36 = arith.constant 128 : i32
    %scan3A_37 = arith.addi %scan3A_35, %scan3A_36 : i32
    %scan3A_38 = arith.constant 1 : i32
    scf.for %scan3A_490 = %scan3A_35 to %scan3A_37 step %scan3A_38  : i32 {
      %get3A = arith.constant 0 : i32
      %get3A_491 = arith.index_cast %get3A : i32 to index
      %get3A_492 = arith.index_cast %scan3A_490 : i32 to index
      %get3A_493 = arith.constant 0 : index
      %get3A_494 = tpu.vector_load %arg6[%get3A_491, %get3A_492, %get3A_493] {strides = array<i32>} : memref<2x256x128xf32, #tpu.memory_space<vmem>>, vector<1x1x16xf32>,
      %get3A_495 = vector.shape_cast %get3A_494 : vector<1x1x16xf32> to vector<16xf32>
      %add3A_496 = arith.constant 128 : i32
      %add3A_497 = arith.addi %scan3A_490, %add3A_496 : i32
      %get3A_498 = arith.constant 0 : i32
      %get3A_499 = arith.index_cast %get3A_498 : i32 to index
      %get3A_500 = arith.index_cast %add3A_497 : i32 to index
      %get3A_501 = arith.constant 0 : index
      %get3A_502 = tpu.vector_load %arg6[%get3A_499, %get3A_500, %get3A_501] {strides = array<i32>} : memref<2x256x128xf32, #tpu.memory_space<vmem>>, vector<1x1x16xf32>,
      %get3A_503 = vector.shape_cast %get3A_502 : vector<1x1x16xf32> to vector<16xf32>
      %bitcast_convert_type3A = tpu.bitcast %get3A_495 : vector<16xf32> -> vector<16xi32>
      %add3A_504 = arith.constant 32768 : i32
      %add3A_505 = vector.broadcast %add3A_504 : i32 to vector<16xi32>
      %add3A_506 = arith.addi %bitcast_convert_type3A, %add3A_505 : vector<16xi32>
      %bitcast_convert_type3A_507 = tpu.bitcast %get3A_503 : vector<16xf32> -> vector<16xi32>
      %add3A_508 = arith.constant 32768 : i32
      %add3A_509 = vector.broadcast %add3A_508 : i32 to vector<16xi32>
      %add3A_510 = arith.addi %bitcast_convert_type3A_507, %add3A_509 : vector<16xi32>
      %shift_right_logical3A = arith.constant 16 : i32
      %shift_right_logical3A_511 = vector.broadcast %shift_right_logical3A : i32 to vector<16xi32>
      %shift_right_logical3A_512 = arith.shrui %add3A_506, %shift_right_logical3A_511 : vector<16xi32>
      %and3A = arith.constant -65536 : i32
      %and3A_513 = vector.broadcast %and3A : i32 to vector<16xi32>
      %and3A_514 = arith.andi %add3A_510, %and3A_513 : vector<16xi32>
      %or3A = arith.ori %shift_right_logical3A_512, %and3A_514 : vector<16xi32>
      %swap3A = arith.constant 0 : i32
      %swap3A_515 = arith.index_cast %swap3A : i32 to index
      %swap3A_516 = arith.index_cast %scan3A_490 : i32 to index
      %swap3A_517 = arith.constant 0 : index
      %swap3A_518 = tpu.vector_load %arg7[%swap3A_515, %swap3A_516, %swap3A_517] {strides = array<i32>} : memref<2x128x128xi32, #tpu.memory_space<vmem>>, vector<1x1x16xi32>,
      %swap3A_519 = vector.shape_cast %swap3A_518 : vector<1x1x16xi32> to vector<16xi32>
      %swap3A_520 = vector.shape_cast %or3A : vector<16xi32> to vector<1x1x16xi32>
      tpu.vector_store %arg7[%swap3A_515, %swap3A_516, %swap3A_517], %swap3A_520 {strides = array<i32>} : memref<2x128x128xi32, #tpu.memory_space<vmem>>, vector<1x1x16xi32>,
      %get3A_521 = arith.constant 0 : i32
      %get3A_522 = arith.index_cast %get3A_521 : i32 to index
      %get3A_523 = arith.index_cast %scan3A_490 : i32 to index
      %get3A_524 = arith.constant 16 : index
      %get3A_525 = tpu.vector_load %arg6[%get3A_522, %get3A_523, %get3A_524] {strides = array<i32>} : memref<2x256x128xf32, #tpu.memory_space<vmem>>, vector<1x1x16xf32>,
      %get3A_526 = vector.shape_cast %get3A_525 : vector<1x1x16xf32> to vector<16xf32>
      %add3A_527 = arith.constant 128 : i32
      %add3A_528 = arith.addi %scan3A_490, %add3A_527 : i32
      %get3A_529 = arith.constant 0 : i32
      %get3A_530 = arith.index_cast %get3A_529 : i32 to index
      %get3A_531 = arith.index_cast %add3A_528 : i32 to index
      %get3A_532 = arith.constant 16 : index
      %get3A_533 = tpu.vector_load %arg6[%get3A_530, %get3A_531, %get3A_532] {strides = array<i32>} : memref<2x256x128xf32, #tpu.memory_space<vmem>>, vector<1x1x16xf32>,
      %get3A_534 = vector.shape_cast %get3A_533 : vector<1x1x16xf32> to vector<16xf32>
      %bitcast_convert_type3A_535 = tpu.bitcast %get3A_526 : vector<16xf32> -> vector<16xi32>
      %add3A_536 = arith.constant 32768 : i32
      %add3A_537 = vector.broadcast %add3A_536 : i32 to vector<16xi32>
      %add3A_538 = arith.addi %bitcast_convert_type3A_535, %add3A_537 : vector<16xi32>
      %bitcast_convert_type3A_539 = tpu.bitcast %get3A_534 : vector<16xf32> -> vector<16xi32>
      %add3A_540 = arith.constant 32768 : i32
      %add3A_541 = vector.broadcast %add3A_540 : i32 to vector<16xi32>
      %add3A_542 = arith.addi %bitcast_convert_type3A_539, %add3A_541 : vector<16xi32>
      %shift_right_logical3A_543 = arith.constant 16 : i32
      %shift_right_logical3A_544 = vector.broadcast %shift_right_logical3A_543 : i32 to vector<16xi32>
      %shift_right_logical3A_545 = arith.shrui %add3A_538, %shift_right_logical3A_544 : vector<16xi32>
      %and3A_546 = arith.constant -65536 : i32
      %and3A_547 = vector.broadcast %and3A_546 : i32 to vector<16xi32>
      %and3A_548 = arith.andi %add3A_542, %and3A_547 : vector<16xi32>
      %or3A_549 = arith.ori %shift_right_logical3A_545, %and3A_548 : vector<16xi32>
      %swap3A_550 = arith.constant 0 : i32
      %swap3A_551 = arith.index_cast %swap3A_550 : i32 to index
      %swap3A_552 = arith.index_cast %scan3A_490 : i32 to index
      %swap3A_553 = arith.constant 16 : index
      %swap3A_554 = tpu.vector_load %arg7[%swap3A_551, %swap3A_552, %swap3A_553] {strides = array<i32>} : memref<2x128x128xi32, #tpu.memory_space<vmem>>, vector<1x1x16xi32>,
      %swap3A_555 = vector.shape_cast %swap3A_554 : vector<1x1x16xi32> to vector<16xi32>
      %swap3A_556 = vector.shape_cast %or3A_549 : vector<16xi32> to vector<1x1x16xi32>
      tpu.vector_store %arg7[%swap3A_551, %swap3A_552, %swap3A_553], %swap3A_556 {strides = array<i32>} : memref<2x128x128xi32, #tpu.memory_space<vmem>>, vector<1x1x16xi32>,
      %get3A_557 = arith.constant 0 : i32
      %get3A_558 = arith.index_cast %get3A_557 : i32 to index
      %get3A_559 = arith.index_cast %scan3A_490 : i32 to index
      %get3A_560 = arith.constant 32 : index
      %get3A_561 = tpu.vector_load %arg6[%get3A_558, %get3A_559, %get3A_560] {strides = array<i32>} : memref<2x256x128xf32, #tpu.memory_space<vmem>>, vector<1x1x16xf32>,
      %get3A_562 = vector.shape_cast %get3A_561 : vector<1x1x16xf32> to vector<16xf32>
      %add3A_563 = arith.constant 128 : i32
      %add3A_564 = arith.addi %scan3A_490, %add3A_563 : i32
      %get3A_565 = arith.constant 0 : i32
      %get3A_566 = arith.index_cast %get3A_565 : i32 to index
      %get3A_567 = arith.index_cast %add3A_564 : i32 to index
      %get3A_568 = arith.constant 32 : index
      %get3A_569 = tpu.vector_load %arg6[%get3A_566, %get3A_567, %get3A_568] {strides = array<i32>} : memref<2x256x128xf32, #tpu.memory_space<vmem>>, vector<1x1x16xf32>,
      %get3A_570 = vector.shape_cast %get3A_569 : vector<1x1x16xf32> to vector<16xf32>
      %bitcast_convert_type3A_571 = tpu.bitcast %get3A_562 : vector<16xf32> -> vector<16xi32>
      %add3A_572 = arith.constant 32768 : i32
      %add3A_573 = vector.broadcast %add3A_572 : i32 to vector<16xi32>
      %add3A_574 = arith.addi %bitcast_convert_type3A_571, %add3A_573 : vector<16xi32>
      %bitcast_convert_type3A_575 = tpu.bitcast %get3A_570 : vector<16xf32> -> vector<16xi32>
      %add3A_576 = arith.constant 32768 : i32
      %add3A_577 = vector.broadcast %add3A_576 : i32 to vector<16xi32>
      %add3A_578 = arith.addi %bitcast_convert_type3A_575, %add3A_577 : vector<16xi32>
      %shift_right_logical3A_579 = arith.constant 16 : i32
      %shift_right_logical3A_580 = vector.broadcast %shift_right_logical3A_579 : i32 to vector<16xi32>
      %shift_right_logical3A_581 = arith.shrui %add3A_574, %shift_right_logical3A_580 : vector<16xi32>
      %and3A_582 = arith.constant -65536 : i32
      %and3A_583 = vector.broadcast %and3A_582 : i32 to vector<16xi32>
      %and3A_584 = arith.andi %add3A_578, %and3A_583 : vector<16xi32>
      %or3A_585 = arith.ori %shift_right_logical3A_581, %and3A_584 : vector<16xi32>
      %swap3A_586 = arith.constant 0 : i32
      %swap3A_587 = arith.index_cast %swap3A_586 : i32 to index
      %swap3A_588 = arith.index_cast %scan3A_490 : i32 to index
      %swap3A_589 = arith.constant 32 : index
      %swap3A_590 = tpu.vector_load %arg7[%swap3A_587, %swap3A_588, %swap3A_589] {strides = array<i32>} : memref<2x128x128xi32, #tpu.memory_space<vmem>>, vector<1x1x16xi32>,
      %swap3A_591 = vector.shape_cast %swap3A_590 : vector<1x1x16xi32> to vector<16xi32>
      %swap3A_592 = vector.shape_cast %or3A_585 : vector<16xi32> to vector<1x1x16xi32>
      tpu.vector_store %arg7[%swap3A_587, %swap3A_588, %swap3A_589], %swap3A_592 {strides = array<i32>} : memref<2x128x128xi32, #tpu.memory_space<vmem>>, vector<1x1x16xi32>,
      %get3A_593 = arith.constant 0 : i32
      %get3A_594 = arith.index_cast %get3A_593 : i32 to index
      %get3A_595 = arith.index_cast %scan3A_490 : i32 to index
      %get3A_596 = arith.constant 48 : index
      %get3A_597 = tpu.vector_load %arg6[%get3A_594, %get3A_595, %get3A_596] {strides = array<i32>} : memref<2x256x128xf32, #tpu.memory_space<vmem>>, vector<1x1x16xf32>,
      %get3A_598 = vector.shape_cast %get3A_597 : vector<1x1x16xf32> to vector<16xf32>
      %add3A_599 = arith.constant 128 : i32
      %add3A_600 = arith.addi %scan3A_490, %add3A_599 : i32
      %get3A_601 = arith.constant 0 : i32
      %get3A_602 = arith.index_cast %get3A_601 : i32 to index
      %get3A_603 = arith.index_cast %add3A_600 : i32 to index
      %get3A_604 = arith.constant 48 : index
      %get3A_605 = tpu.vector_load %arg6[%get3A_602, %get3A_603, %get3A_604] {strides = array<i32>} : memref<2x256x128xf32, #tpu.memory_space<vmem>>, vector<1x1x16xf32>,
      %get3A_606 = vector.shape_cast %get3A_605 : vector<1x1x16xf32> to vector<16xf32>
      %bitcast_convert_type3A_607 = tpu.bitcast %get3A_598 : vector<16xf32> -> vector<16xi32>
      %add3A_608 = arith.constant 32768 : i32
      %add3A_609 = vector.broadcast %add3A_608 : i32 to vector<16xi32>
      %add3A_610 = arith.addi %bitcast_convert_type3A_607, %add3A_609 : vector<16xi32>
      %bitcast_convert_type3A_611 = tpu.bitcast %get3A_606 : vector<16xf32> -> vector<16xi32>
      %add3A_612 = arith.constant 32768 : i32
      %add3A_613 = vector.broadcast %add3A_612 : i32 to vector<16xi32>
      %add3A_614 = arith.addi %bitcast_convert_type3A_611, %add3A_613 : vector<16xi32>
      %shift_right_logical3A_615 = arith.constant 16 : i32
      %shift_right_logical3A_616 = vector.broadcast %shift_right_logical3A_615 : i32 to vector<16xi32>
      %shift_right_logical3A_617 = arith.shrui %add3A_610, %shift_right_logical3A_616 : vector<16xi32>
      %and3A_618 = arith.constant -65536 : i32
      %and3A_619 = vector.broadcast %and3A_618 : i32 to vector<16xi32>
      %and3A_620 = arith.andi %add3A_614, %and3A_619 : vector<16xi32>
      %or3A_621 = arith.ori %shift_right_logical3A_617, %and3A_620 : vector<16xi32>
      %swap3A_622 = arith.constant 0 : i32
      %swap3A_623 = arith.index_cast %swap3A_622 : i32 to index
      %swap3A_624 = arith.index_cast %scan3A_490 : i32 to index
      %swap3A_625 = arith.constant 48 : index
      %swap3A_626 = tpu.vector_load %arg7[%swap3A_623, %swap3A_624, %swap3A_625] {strides = array<i32>} : memref<2x128x128xi32, #tpu.memory_space<vmem>>, vector<1x1x16xi32>,
      %swap3A_627 = vector.shape_cast %swap3A_626 : vector<1x1x16xi32> to vector<16xi32>
      %swap3A_628 = vector.shape_cast %or3A_621 : vector<16xi32> to vector<1x1x16xi32>
      tpu.vector_store %arg7[%swap3A_623, %swap3A_624, %swap3A_625], %swap3A_628 {strides = array<i32>} : memref<2x128x128xi32, #tpu.memory_space<vmem>>, vector<1x1x16xi32>,
      %get3A_629 = arith.constant 0 : i32
      %get3A_630 = arith.index_cast %get3A_629 : i32 to index
      %get3A_631 = arith.index_cast %scan3A_490 : i32 to index
      %get3A_632 = arith.constant 64 : index
      %get3A_633 = tpu.vector_load %arg6[%get3A_630, %get3A_631, %get3A_632] {strides = array<i32>} : memref<2x256x128xf32, #tpu.memory_space<vmem>>, vector<1x1x16xf32>,
      %get3A_634 = vector.shape_cast %get3A_633 : vector<1x1x16xf32> to vector<16xf32>
      %add3A_635 = arith.constant 128 : i32
      %add3A_636 = arith.addi %scan3A_490, %add3A_635 : i32
      %get3A_637 = arith.constant 0 : i32
      %get3A_638 = arith.index_cast %get3A_637 : i32 to index
      %get3A_639 = arith.index_cast %add3A_636 : i32 to index
      %get3A_640 = arith.constant 64 : index
      %get3A_641 = tpu.vector_load %arg6[%get3A_638, %get3A_639, %get3A_640] {strides = array<i32>} : memref<2x256x128xf32, #tpu.memory_space<vmem>>, vector<1x1x16xf32>,
      %get3A_642 = vector.shape_cast %get3A_641 : vector<1x1x16xf32> to vector<16xf32>
      %bitcast_convert_type3A_643 = tpu.bitcast %get3A_634 : vector<16xf32> -> vector<16xi32>
      %add3A_644 = arith.constant 32768 : i32
      %add3A_645 = vector.broadcast %add3A_644 : i32 to vector<16xi32>
      %add3A_646 = arith.addi %bitcast_convert_type3A_643, %add3A_645 : vector<16xi32>
      %bitcast_convert_type3A_647 = tpu.bitcast %get3A_642 : vector<16xf32> -> vector<16xi32>
      %add3A_648 = arith.constant 32768 : i32
      %add3A_649 = vector.broadcast %add3A_648 : i32 to vector<16xi32>
      %add3A_650 = arith.addi %bitcast_convert_type3A_647, %add3A_649 : vector<16xi32>
      %shift_right_logical3A_651 = arith.constant 16 : i32
      %shift_right_logical3A_652 = vector.broadcast %shift_right_logical3A_651 : i32 to vector<16xi32>
      %shift_right_logical3A_653 = arith.shrui %add3A_646, %shift_right_logical3A_652 : vector<16xi32>
      %and3A_654 = arith.constant -65536 : i32
      %and3A_655 = vector.broadcast %and3A_654 : i32 to vector<16xi32>
      %and3A_656 = arith.andi %add3A_650, %and3A_655 : vector<16xi32>
      %or3A_657 = arith.ori %shift_right_logical3A_653, %and3A_656 : vector<16xi32>
      %swap3A_658 = arith.constant 0 : i32
      %swap3A_659 = arith.index_cast %swap3A_658 : i32 to index
      %swap3A_660 = arith.index_cast %scan3A_490 : i32 to index
      %swap3A_661 = arith.constant 64 : index
      %swap3A_662 = tpu.vector_load %arg7[%swap3A_659, %swap3A_660, %swap3A_661] {strides = array<i32>} : memref<2x128x128xi32, #tpu.memory_space<vmem>>, vector<1x1x16xi32>,
      %swap3A_663 = vector.shape_cast %swap3A_662 : vector<1x1x16xi32> to vector<16xi32>
      %swap3A_664 = vector.shape_cast %or3A_657 : vector<16xi32> to vector<1x1x16xi32>
      tpu.vector_store %arg7[%swap3A_659, %swap3A_660, %swap3A_661], %swap3A_664 {strides = array<i32>} : memref<2x128x128xi32, #tpu.memory_space<vmem>>, vector<1x1x16xi32>,
      %get3A_665 = arith.constant 0 : i32
      %get3A_666 = arith.index_cast %get3A_665 : i32 to index
      %get3A_667 = arith.index_cast %scan3A_490 : i32 to index
      %get3A_668 = arith.constant 80 : index
      %get3A_669 = tpu.vector_load %arg6[%get3A_666, %get3A_667, %get3A_668] {strides = array<i32>} : memref<2x256x128xf32, #tpu.memory_space<vmem>>, vector<1x1x16xf32>,
      %get3A_670 = vector.shape_cast %get3A_669 : vector<1x1x16xf32> to vector<16xf32>
      %add3A_671 = arith.constant 128 : i32
      %add3A_672 = arith.addi %scan3A_490, %add3A_671 : i32
      %get3A_673 = arith.constant 0 : i32
      %get3A_674 = arith.index_cast %get3A_673 : i32 to index
      %get3A_675 = arith.index_cast %add3A_672 : i32 to index
      %get3A_676 = arith.constant 80 : index
      %get3A_677 = tpu.vector_load %arg6[%get3A_674, %get3A_675, %get3A_676] {strides = array<i32>} : memref<2x256x128xf32, #tpu.memory_space<vmem>>, vector<1x1x16xf32>,
      %get3A_678 = vector.shape_cast %get3A_677 : vector<1x1x16xf32> to vector<16xf32>
      %bitcast_convert_type3A_679 = tpu.bitcast %get3A_670 : vector<16xf32> -> vector<16xi32>
      %add3A_680 = arith.constant 32768 : i32
      %add3A_681 = vector.broadcast %add3A_680 : i32 to vector<16xi32>
      %add3A_682 = arith.addi %bitcast_convert_type3A_679, %add3A_681 : vector<16xi32>
      %bitcast_convert_type3A_683 = tpu.bitcast %get3A_678 : vector<16xf32> -> vector<16xi32>
      %add3A_684 = arith.constant 32768 : i32
      %add3A_685 = vector.broadcast %add3A_684 : i32 to vector<16xi32>
      %add3A_686 = arith.addi %bitcast_convert_type3A_683, %add3A_685 : vector<16xi32>
      %shift_right_logical3A_687 = arith.constant 16 : i32
      %shift_right_logical3A_688 = vector.broadcast %shift_right_logical3A_687 : i32 to vector<16xi32>
      %shift_right_logical3A_689 = arith.shrui %add3A_682, %shift_right_logical3A_688 : vector<16xi32>
      %and3A_690 = arith.constant -65536 : i32
      %and3A_691 = vector.broadcast %and3A_690 : i32 to vector<16xi32>
      %and3A_692 = arith.andi %add3A_686, %and3A_691 : vector<16xi32>
      %or3A_693 = arith.ori %shift_right_logical3A_689, %and3A_692 : vector<16xi32>
      %swap3A_694 = arith.constant 0 : i32
      %swap3A_695 = arith.index_cast %swap3A_694 : i32 to index
      %swap3A_696 = arith.index_cast %scan3A_490 : i32 to index
      %swap3A_697 = arith.constant 80 : index
      %swap3A_698 = tpu.vector_load %arg7[%swap3A_695, %swap3A_696, %swap3A_697] {strides = array<i32>} : memref<2x128x128xi32, #tpu.memory_space<vmem>>, vector<1x1x16xi32>,
      %swap3A_699 = vector.shape_cast %swap3A_698 : vector<1x1x16xi32> to vector<16xi32>
      %swap3A_700 = vector.shape_cast %or3A_693 : vector<16xi32> to vector<1x1x16xi32>
      tpu.vector_store %arg7[%swap3A_695, %swap3A_696, %swap3A_697], %swap3A_700 {strides = array<i32>} : memref<2x128x128xi32, #tpu.memory_space<vmem>>, vector<1x1x16xi32>,
      %get3A_701 = arith.constant 0 : i32
      %get3A_702 = arith.index_cast %get3A_701 : i32 to index
      %get3A_703 = arith.index_cast %scan3A_490 : i32 to index
      %get3A_704 = arith.constant 96 : index
      %get3A_705 = tpu.vector_load %arg6[%get3A_702, %get3A_703, %get3A_704] {strides = array<i32>} : memref<2x256x128xf32, #tpu.memory_space<vmem>>, vector<1x1x16xf32>,
      %get3A_706 = vector.shape_cast %get3A_705 : vector<1x1x16xf32> to vector<16xf32>
      %add3A_707 = arith.constant 128 : i32
      %add3A_708 = arith.addi %scan3A_490, %add3A_707 : i32
      %get3A_709 = arith.constant 0 : i32
      %get3A_710 = arith.index_cast %get3A_709 : i32 to index
      %get3A_711 = arith.index_cast %add3A_708 : i32 to index
      %get3A_712 = arith.constant 96 : index
      %get3A_713 = tpu.vector_load %arg6[%get3A_710, %get3A_711, %get3A_712] {strides = array<i32>} : memref<2x256x128xf32, #tpu.memory_space<vmem>>, vector<1x1x16xf32>,
      %get3A_714 = vector.shape_cast %get3A_713 : vector<1x1x16xf32> to vector<16xf32>
      %bitcast_convert_type3A_715 = tpu.bitcast %get3A_706 : vector<16xf32> -> vector<16xi32>
      %add3A_716 = arith.constant 32768 : i32
      %add3A_717 = vector.broadcast %add3A_716 : i32 to vector<16xi32>
      %add3A_718 = arith.addi %bitcast_convert_type3A_715, %add3A_717 : vector<16xi32>
      %bitcast_convert_type3A_719 = tpu.bitcast %get3A_714 : vector<16xf32> -> vector<16xi32>
      %add3A_720 = arith.constant 32768 : i32
      %add3A_721 = vector.broadcast %add3A_720 : i32 to vector<16xi32>
      %add3A_722 = arith.addi %bitcast_convert_type3A_719, %add3A_721 : vector<16xi32>
      %shift_right_logical3A_723 = arith.constant 16 : i32
      %shift_right_logical3A_724 = vector.broadcast %shift_right_logical3A_723 : i32 to vector<16xi32>
      %shift_right_logical3A_725 = arith.shrui %add3A_718, %shift_right_logical3A_724 : vector<16xi32>
      %and3A_726 = arith.constant -65536 : i32
      %and3A_727 = vector.broadcast %and3A_726 : i32 to vector<16xi32>
      %and3A_728 = arith.andi %add3A_722, %and3A_727 : vector<16xi32>
      %or3A_729 = arith.ori %shift_right_logical3A_725, %and3A_728 : vector<16xi32>
      %swap3A_730 = arith.constant 0 : i32
      %swap3A_731 = arith.index_cast %swap3A_730 : i32 to index
      %swap3A_732 = arith.index_cast %scan3A_490 : i32 to index
      %swap3A_733 = arith.constant 96 : index
      %swap3A_734 = tpu.vector_load %arg7[%swap3A_731, %swap3A_732, %swap3A_733] {strides = array<i32>} : memref<2x128x128xi32, #tpu.memory_space<vmem>>, vector<1x1x16xi32>,
      %swap3A_735 = vector.shape_cast %swap3A_734 : vector<1x1x16xi32> to vector<16xi32>
      %swap3A_736 = vector.shape_cast %or3A_729 : vector<16xi32> to vector<1x1x16xi32>
      tpu.vector_store %arg7[%swap3A_731, %swap3A_732, %swap3A_733], %swap3A_736 {strides = array<i32>} : memref<2x128x128xi32, #tpu.memory_space<vmem>>, vector<1x1x16xi32>,
      %get3A_737 = arith.constant 0 : i32
      %get3A_738 = arith.index_cast %get3A_737 : i32 to index
      %get3A_739 = arith.index_cast %scan3A_490 : i32 to index
      %get3A_740 = arith.constant 112 : index
      %get3A_741 = tpu.vector_load %arg6[%get3A_738, %get3A_739, %get3A_740] {strides = array<i32>} : memref<2x256x128xf32, #tpu.memory_space<vmem>>, vector<1x1x16xf32>,
      %get3A_742 = vector.shape_cast %get3A_741 : vector<1x1x16xf32> to vector<16xf32>
      %add3A_743 = arith.constant 128 : i32
      %add3A_744 = arith.addi %scan3A_490, %add3A_743 : i32
      %get3A_745 = arith.constant 0 : i32
      %get3A_746 = arith.index_cast %get3A_745 : i32 to index
      %get3A_747 = arith.index_cast %add3A_744 : i32 to index
      %get3A_748 = arith.constant 112 : index
      %get3A_749 = tpu.vector_load %arg6[%get3A_746, %get3A_747, %get3A_748] {strides = array<i32>} : memref<2x256x128xf32, #tpu.memory_space<vmem>>, vector<1x1x16xf32>,
      %get3A_750 = vector.shape_cast %get3A_749 : vector<1x1x16xf32> to vector<16xf32>
      %bitcast_convert_type3A_751 = tpu.bitcast %get3A_742 : vector<16xf32> -> vector<16xi32>
      %add3A_752 = arith.constant 32768 : i32
      %add3A_753 = vector.broadcast %add3A_752 : i32 to vector<16xi32>
      %add3A_754 = arith.addi %bitcast_convert_type3A_751, %add3A_753 : vector<16xi32>
      %bitcast_convert_type3A_755 = tpu.bitcast %get3A_750 : vector<16xf32> -> vector<16xi32>
      %add3A_756 = arith.constant 32768 : i32
      %add3A_757 = vector.broadcast %add3A_756 : i32 to vector<16xi32>
      %add3A_758 = arith.addi %bitcast_convert_type3A_755, %add3A_757 : vector<16xi32>
      %shift_right_logical3A_759 = arith.constant 16 : i32
      %shift_right_logical3A_760 = vector.broadcast %shift_right_logical3A_759 : i32 to vector<16xi32>
      %shift_right_logical3A_761 = arith.shrui %add3A_754, %shift_right_logical3A_760 : vector<16xi32>
      %and3A_762 = arith.constant -65536 : i32
      %and3A_763 = vector.broadcast %and3A_762 : i32 to vector<16xi32>
      %and3A_764 = arith.andi %add3A_758, %and3A_763 : vector<16xi32>
      %or3A_765 = arith.ori %shift_right_logical3A_761, %and3A_764 : vector<16xi32>
      %swap3A_766 = arith.constant 0 : i32
      %swap3A_767 = arith.index_cast %swap3A_766 : i32 to index
      %swap3A_768 = arith.index_cast %scan3A_490 : i32 to index
      %swap3A_769 = arith.constant 112 : index
      %swap3A_770 = tpu.vector_load %arg7[%swap3A_767, %swap3A_768, %swap3A_769] {strides = array<i32>} : memref<2x128x128xi32, #tpu.memory_space<vmem>>, vector<1x1x16xi32>,
      %swap3A_771 = vector.shape_cast %swap3A_770 : vector<1x1x16xi32> to vector<16xi32>
      %swap3A_772 = vector.shape_cast %or3A_765 : vector<16xi32> to vector<1x1x16xi32>
      tpu.vector_store %arg7[%swap3A_767, %swap3A_768, %swap3A_769], %swap3A_772 {strides = array<i32>} : memref<2x128x128xi32, #tpu.memory_space<vmem>>, vector<1x1x16xi32>,
    }
    %scan3A_39 = arith.constant 128 : i32
    %add3A_40 = arith.constant 0 : i32
    %add3A_41 = arith.addi %mul3A_4, %add3A_40 : i32
    %dma_start3A_42 = arith.constant 0 : i32
    %dma_start3A_43 = arith.constant 0 : i32
    %dma_start3A_44 = arith.constant 0 : i32
    %dma_start3A_45 = tpu.memref_slice %arg7[%dma_start3A_42, %dma_start3A_43, %dma_start3A_44] : memref<2x128x128xi32, #tpu.memory_space<vmem>> -> memref<1x128x128xi32, #tpu.memory_space<vmem>>
    %dma_start3A_46 = tpu.memref_squeeze %dma_start3A_45 : memref<1x128x128xi32, #tpu.memory_space<vmem>> -> memref<128x128xi32, #tpu.memory_space<vmem>>
    %dma_start3A_47 = arith.constant 0 : i32
    %dma_start3A_48 = tpu.memref_slice %arg4[%add3A_41, %dma_start3A_47] : memref<36864x128xi32, #tpu.memory_space<hbm>> -> memref<128x128xi32, #tpu.memory_space<hbm>>
    %dma_start3A_49 = arith.constant 0 : i32
    %dma_start3A_50 = tpu.memref_slice %arg4[%add3A_41, %dma_start3A_49] : memref<36864x128xi32, #tpu.memory_space<hbm>> -> memref<128x128xi32, #tpu.memory_space<hbm>>
    %dma_start3A_51 = arith.constant 0 : i32
    %dma_start3A_52 = arith.constant 0 : i32
    %dma_start3A_53 = tpu.memref_slice %arg7[%dma_start3A_42, %dma_start3A_51, %dma_start3A_52] : memref<2x128x128xi32, #tpu.memory_space<vmem>> -> memref<1x128x128xi32, #tpu.memory_space<vmem>>
    %dma_start3A_54 = tpu.memref_squeeze %dma_start3A_53 : memref<1x128x128xi32, #tpu.memory_space<vmem>> -> memref<128x128xi32, #tpu.memory_space<vmem>>
    tpu.enqueue_dma source(%dma_start3A_54 : memref<128x128xi32, #tpu.memory_space<vmem>>) target(%dma_start3A_50 : memref<128x128xi32, #tpu.memory_space<hbm>>) target_semaphore(%arg10 : memref<!tpu.dma_semaphore, #tpu.memory_space<semaphore_mem>>)
    %dma_start3A_55 = arith.constant 0 : i32
    %dma_start3A_56 = arith.constant 0 : i32
    %dma_start3A_57 = arith.constant 0 : i32
    %dma_start3A_58 = tpu.memref_slice %arg6[%dma_start3A_55, %dma_start3A_56, %dma_start3A_57] : memref<2x256x128xf32, #tpu.memory_space<vmem>> -> memref<1x256x128xf32, #tpu.memory_space<vmem>>
    %dma_start3A_59 = tpu.memref_squeeze %dma_start3A_58 : memref<1x256x128xf32, #tpu.memory_space<vmem>> -> memref<256x128xf32, #tpu.memory_space<vmem>>
    %dma_start3A_60 = arith.constant 512 : i32
    %dma_start3A_61 = tpu.memref_slice %arg5[%dma_start3A_60] : memref<2304xi32, #tpu.memory_space<vmem>> -> memref<256xi32, #tpu.memory_space<vmem>>
    %dma_start3A_62 = arith.constant 0 : i32
    %dma_start3A_63 = arith.constant 0 : i32
    %dma_start3A_64 = tpu.memref_slice %arg2[%dma_start3A_62, %dma_start3A_63] : memref<1000000x128xf32, #tpu.memory_space<hbm>> -> memref<1000000x128xf32, #tpu.memory_space<hbm>>
    tpu.enqueue_indirect_dma source(%dma_start3A_64 : memref<1000000x128xf32, #tpu.memory_space<hbm>>) target(%dma_start3A_59 : memref<256x128xf32, #tpu.memory_space<vmem>>) offsets(%dma_start3A_61 : memref<256xi32, #tpu.memory_space<vmem>>) semaphore(%arg8 : memref<!tpu.dma_semaphore, #tpu.memory_space<semaphore_mem>>)
    %dma_wait3A_65 = arith.constant 1 : i32
    %dma_wait3A_66 = arith.constant 0 : i32
    %dma_wait3A_67 = arith.constant 0 : i32
    %dma_wait3A_68 = tpu.memref_slice %arg6[%dma_wait3A_65, %dma_wait3A_66, %dma_wait3A_67] : memref<2x256x128xf32, #tpu.memory_space<vmem>> -> memref<1x256x128xf32, #tpu.memory_space<vmem>>
    %dma_wait3A_69 = tpu.memref_squeeze %dma_wait3A_68 : memref<1x256x128xf32, #tpu.memory_space<vmem>> -> memref<256x128xf32, #tpu.memory_space<vmem>>
    %dma_wait3A_70 = arith.constant 256 : i32
    %dma_wait3A_71 = tpu.memref_slice %arg5[%dma_wait3A_70] : memref<2304xi32, #tpu.memory_space<vmem>> -> memref<256xi32, #tpu.memory_space<vmem>>
    %dma_wait3A_72 = arith.constant 0 : i32
    %dma_wait3A_73 = arith.constant 0 : i32
    %dma_wait3A_74 = tpu.memref_slice %arg2[%dma_wait3A_72, %dma_wait3A_73] : memref<1000000x128xf32, #tpu.memory_space<hbm>> -> memref<1000000x128xf32, #tpu.memory_space<hbm>>
    tpu.wait_indirect_dma semaphore(%arg9 : memref<!tpu.dma_semaphore, #tpu.memory_space<semaphore_mem>>) src(%dma_wait3A_74 : memref<1000000x128xf32, #tpu.memory_space<hbm>>) dst(%dma_wait3A_69 : memref<256x128xf32, #tpu.memory_space<vmem>>)
    %scan3A_75 = arith.constant 0 : i32
    %scan3A_76 = arith.constant 0 : i32
    %scan3A_77 = arith.constant 128 : i32
    %scan3A_78 = arith.addi %scan3A_76, %scan3A_77 : i32
    %scan3A_79 = arith.constant 1 : i32
    scf.for %scan3A_490 = %scan3A_76 to %scan3A_78 step %scan3A_79  : i32 {
      %get3A = arith.constant 1 : i32
      %get3A_491 = arith.index_cast %get3A : i32 to index
      %get3A_492 = arith.index_cast %scan3A_490 : i32 to index
      %get3A_493 = arith.constant 0 : index
      %get3A_494 = tpu.vector_load %arg6[%get3A_491, %get3A_492, %get3A_493] {strides = array<i32>} : memref<2x256x128xf32, #tpu.memory_space<vmem>>, vector<1x1x16xf32>,
      %get3A_495 = vector.shape_cast %get3A_494 : vector<1x1x16xf32> to vector<16xf32>
      %add3A_496 = arith.constant 128 : i32
      %add3A_497 = arith.addi %scan3A_490, %add3A_496 : i32
      %get3A_498 = arith.constant 1 : i32
      %get3A_499 = arith.index_cast %get3A_498 : i32 to index
      %get3A_500 = arith.index_cast %add3A_497 : i32 to index
      %get3A_501 = arith.constant 0 : index
      %get3A_502 = tpu.vector_load %arg6[%get3A_499, %get3A_500, %get3A_501] {strides = array<i32>} : memref<2x256x128xf32, #tpu.memory_space<vmem>>, vector<1x1x16xf32>,
      %get3A_503 = vector.shape_cast %get3A_502 : vector<1x1x16xf32> to vector<16xf32>
      %bitcast_convert_type3A = tpu.bitcast %get3A_495 : vector<16xf32> -> vector<16xi32>
      %add3A_504 = arith.constant 32768 : i32
      %add3A_505 = vector.broadcast %add3A_504 : i32 to vector<16xi32>
      %add3A_506 = arith.addi %bitcast_convert_type3A, %add3A_505 : vector<16xi32>
      %bitcast_convert_type3A_507 = tpu.bitcast %get3A_503 : vector<16xf32> -> vector<16xi32>
      %add3A_508 = arith.constant 32768 : i32
      %add3A_509 = vector.broadcast %add3A_508 : i32 to vector<16xi32>
      %add3A_510 = arith.addi %bitcast_convert_type3A_507, %add3A_509 : vector<16xi32>
      %shift_right_logical3A = arith.constant 16 : i32
      %shift_right_logical3A_511 = vector.broadcast %shift_right_logical3A : i32 to vector<16xi32>
      %shift_right_logical3A_512 = arith.shrui %add3A_506, %shift_right_logical3A_511 : vector<16xi32>
      %and3A = arith.constant -65536 : i32
      %and3A_513 = vector.broadcast %and3A : i32 to vector<16xi32>
      %and3A_514 = arith.andi %add3A_510, %and3A_513 : vector<16xi32>
      %or3A = arith.ori %shift_right_logical3A_512, %and3A_514 : vector<16xi32>
      %swap3A = arith.constant 1 : i32
      %swap3A_515 = arith.index_cast %swap3A : i32 to index
      %swap3A_516 = arith.index_cast %scan3A_490 : i32 to index
      %swap3A_517 = arith.constant 0 : index
      %swap3A_518 = tpu.vector_load %arg7[%swap3A_515, %swap3A_516, %swap3A_517] {strides = array<i32>} : memref<2x128x128xi32, #tpu.memory_space<vmem>>, vector<1x1x16xi32>,
      %swap3A_519 = vector.shape_cast %swap3A_518 : vector<1x1x16xi32> to vector<16xi32>
      %swap3A_520 = vector.shape_cast %or3A : vector<16xi32> to vector<1x1x16xi32>
      tpu.vector_store %arg7[%swap3A_515, %swap3A_516, %swap3A_517], %swap3A_520 {strides = array<i32>} : memref<2x128x128xi32, #tpu.memory_space<vmem>>, vector<1x1x16xi32>,
      %get3A_521 = arith.constant 1 : i32
      %get3A_522 = arith.index_cast %get3A_521 : i32 to index
      %get3A_523 = arith.index_cast %scan3A_490 : i32 to index
      %get3A_524 = arith.constant 16 : index
      %get3A_525 = tpu.vector_load %arg6[%get3A_522, %get3A_523, %get3A_524] {strides = array<i32>} : memref<2x256x128xf32, #tpu.memory_space<vmem>>, vector<1x1x16xf32>,
      %get3A_526 = vector.shape_cast %get3A_525 : vector<1x1x16xf32> to vector<16xf32>
      %add3A_527 = arith.constant 128 : i32
      %add3A_528 = arith.addi %scan3A_490, %add3A_527 : i32
      %get3A_529 = arith.constant 1 : i32
      %get3A_530 = arith.index_cast %get3A_529 : i32 to index
      %get3A_531 = arith.index_cast %add3A_528 : i32 to index
      %get3A_532 = arith.constant 16 : index
      %get3A_533 = tpu.vector_load %arg6[%get3A_530, %get3A_531, %get3A_532] {strides = array<i32>} : memref<2x256x128xf32, #tpu.memory_space<vmem>>, vector<1x1x16xf32>,
      %get3A_534 = vector.shape_cast %get3A_533 : vector<1x1x16xf32> to vector<16xf32>
      %bitcast_convert_type3A_535 = tpu.bitcast %get3A_526 : vector<16xf32> -> vector<16xi32>
      %add3A_536 = arith.constant 32768 : i32
      %add3A_537 = vector.broadcast %add3A_536 : i32 to vector<16xi32>
      %add3A_538 = arith.addi %bitcast_convert_type3A_535, %add3A_537 : vector<16xi32>
      %bitcast_convert_type3A_539 = tpu.bitcast %get3A_534 : vector<16xf32> -> vector<16xi32>
      %add3A_540 = arith.constant 32768 : i32
      %add3A_541 = vector.broadcast %add3A_540 : i32 to vector<16xi32>
      %add3A_542 = arith.addi %bitcast_convert_type3A_539, %add3A_541 : vector<16xi32>
      %shift_right_logical3A_543 = arith.constant 16 : i32
      %shift_right_logical3A_544 = vector.broadcast %shift_right_logical3A_543 : i32 to vector<16xi32>
      %shift_right_logical3A_545 = arith.shrui %add3A_538, %shift_right_logical3A_544 : vector<16xi32>
      %and3A_546 = arith.constant -65536 : i32
      %and3A_547 = vector.broadcast %and3A_546 : i32 to vector<16xi32>
      %and3A_548 = arith.andi %add3A_542, %and3A_547 : vector<16xi32>
      %or3A_549 = arith.ori %shift_right_logical3A_545, %and3A_548 : vector<16xi32>
      %swap3A_550 = arith.constant 1 : i32
      %swap3A_551 = arith.index_cast %swap3A_550 : i32 to index
      %swap3A_552 = arith.index_cast %scan3A_490 : i32 to index
      %swap3A_553 = arith.constant 16 : index
      %swap3A_554 = tpu.vector_load %arg7[%swap3A_551, %swap3A_552, %swap3A_553] {strides = array<i32>} : memref<2x128x128xi32, #tpu.memory_space<vmem>>, vector<1x1x16xi32>,
      %swap3A_555 = vector.shape_cast %swap3A_554 : vector<1x1x16xi32> to vector<16xi32>
      %swap3A_556 = vector.shape_cast %or3A_549 : vector<16xi32> to vector<1x1x16xi32>
      tpu.vector_store %arg7[%swap3A_551, %swap3A_552, %swap3A_553], %swap3A_556 {strides = array<i32>} : memref<2x128x128xi32, #tpu.memory_space<vmem>>, vector<1x1x16xi32>,
      %get3A_557 = arith.constant 1 : i32
      %get3A_558 = arith.index_cast %get3A_557 : i32 to index
      %get3A_559 = arith.index_cast %scan3A_490 : i32 to index
      %get3A_560 = arith.constant 32 : index
      %get3A_561 = tpu.vector_load %arg6[%get3A_558, %get3A_559, %get3A_560] {strides = array<i32>} : memref<2x256x128xf32, #tpu.memory_space<vmem>>, vector<1x1x16xf32>,
      %get3A_562 = vector.shape_cast %get3A_561 : vector<1x1x16xf32> to vector<16xf32>
      %add3A_563 = arith.constant 128 : i32
      %add3A_564 = arith.addi %scan3A_490, %add3A_563 : i32
      %get3A_565 = arith.constant 1 : i32
      %get3A_566 = arith.index_cast %get3A_565 : i32 to index
      %get3A_567 = arith.index_cast %add3A_564 : i32 to index
      %get3A_568 = arith.constant 32 : index
      %get3A_569 = tpu.vector_load %arg6[%get3A_566, %get3A_567, %get3A_568] {strides = array<i32>} : memref<2x256x128xf32, #tpu.memory_space<vmem>>, vector<1x1x16xf32>,
      %get3A_570 = vector.shape_cast %get3A_569 : vector<1x1x16xf32> to vector<16xf32>
      %bitcast_convert_type3A_571 = tpu.bitcast %get3A_562 : vector<16xf32> -> vector<16xi32>
      %add3A_572 = arith.constant 32768 : i32
      %add3A_573 = vector.broadcast %add3A_572 : i32 to vector<16xi32>
      %add3A_574 = arith.addi %bitcast_convert_type3A_571, %add3A_573 : vector<16xi32>
      %bitcast_convert_type3A_575 = tpu.bitcast %get3A_570 : vector<16xf32> -> vector<16xi32>
      %add3A_576 = arith.constant 32768 : i32
      %add3A_577 = vector.broadcast %add3A_576 : i32 to vector<16xi32>
      %add3A_578 = arith.addi %bitcast_convert_type3A_575, %add3A_577 : vector<16xi32>
      %shift_right_logical3A_579 = arith.constant 16 : i32
      %shift_right_logical3A_580 = vector.broadcast %shift_right_logical3A_579 : i32 to vector<16xi32>
      %shift_right_logical3A_581 = arith.shrui %add3A_574, %shift_right_logical3A_580 : vector<16xi32>
      %and3A_582 = arith.constant -65536 : i32
      %and3A_583 = vector.broadcast %and3A_582 : i32 to vector<16xi32>
      %and3A_584 = arith.andi %add3A_578, %and3A_583 : vector<16xi32>
      %or3A_585 = arith.ori %shift_right_logical3A_581, %and3A_584 : vector<16xi32>
      %swap3A_586 = arith.constant 1 : i32
      %swap3A_587 = arith.index_cast %swap3A_586 : i32 to index
      %swap3A_588 = arith.index_cast %scan3A_490 : i32 to index
      %swap3A_589 = arith.constant 32 : index
      %swap3A_590 = tpu.vector_load %arg7[%swap3A_587, %swap3A_588, %swap3A_589] {strides = array<i32>} : memref<2x128x128xi32, #tpu.memory_space<vmem>>, vector<1x1x16xi32>,
      %swap3A_591 = vector.shape_cast %swap3A_590 : vector<1x1x16xi32> to vector<16xi32>
      %swap3A_592 = vector.shape_cast %or3A_585 : vector<16xi32> to vector<1x1x16xi32>
      tpu.vector_store %arg7[%swap3A_587, %swap3A_588, %swap3A_589], %swap3A_592 {strides = array<i32>} : memref<2x128x128xi32, #tpu.memory_space<vmem>>, vector<1x1x16xi32>,
      %get3A_593 = arith.constant 1 : i32
      %get3A_594 = arith.index_cast %get3A_593 : i32 to index
      %get3A_595 = arith.index_cast %scan3A_490 : i32 to index
      %get3A_596 = arith.constant 48 : index
      %get3A_597 = tpu.vector_load %arg6[%get3A_594, %get3A_595, %get3A_596] {strides = array<i32>} : memref<2x256x128xf32, #tpu.memory_space<vmem>>, vector<1x1x16xf32>,
      %get3A_598 = vector.shape_cast %get3A_597 : vector<1x1x16xf32> to vector<16xf32>
      %add3A_599 = arith.constant 128 : i32
      %add3A_600 = arith.addi %scan3A_490, %add3A_599 : i32
      %get3A_601 = arith.constant 1 : i32
      %get3A_602 = arith.index_cast %get3A_601 : i32 to index
      %get3A_603 = arith.index_cast %add3A_600 : i32 to index
      %get3A_604 = arith.constant 48 : index
      %get3A_605 = tpu.vector_load %arg6[%get3A_602, %get3A_603, %get3A_604] {strides = array<i32>} : memref<2x256x128xf32, #tpu.memory_space<vmem>>, vector<1x1x16xf32>,
      %get3A_606 = vector.shape_cast %get3A_605 : vector<1x1x16xf32> to vector<16xf32>
      %bitcast_convert_type3A_607 = tpu.bitcast %get3A_598 : vector<16xf32> -> vector<16xi32>
      %add3A_608 = arith.constant 32768 : i32
      %add3A_609 = vector.broadcast %add3A_608 : i32 to vector<16xi32>
      %add3A_610 = arith.addi %bitcast_convert_type3A_607, %add3A_609 : vector<16xi32>
      %bitcast_convert_type3A_611 = tpu.bitcast %get3A_606 : vector<16xf32> -> vector<16xi32>
      %add3A_612 = arith.constant 32768 : i32
      %add3A_613 = vector.broadcast %add3A_612 : i32 to vector<16xi32>
      %add3A_614 = arith.addi %bitcast_convert_type3A_611, %add3A_613 : vector<16xi32>
      %shift_right_logical3A_615 = arith.constant 16 : i32
      %shift_right_logical3A_616 = vector.broadcast %shift_right_logical3A_615 : i32 to vector<16xi32>
      %shift_right_logical3A_617 = arith.shrui %add3A_610, %shift_right_logical3A_616 : vector<16xi32>
      %and3A_618 = arith.constant -65536 : i32
      %and3A_619 = vector.broadcast %and3A_618 : i32 to vector<16xi32>
      %and3A_620 = arith.andi %add3A_614, %and3A_619 : vector<16xi32>
      %or3A_621 = arith.ori %shift_right_logical3A_617, %and3A_620 : vector<16xi32>
      %swap3A_622 = arith.constant 1 : i32
      %swap3A_623 = arith.index_cast %swap3A_622 : i32 to index
      %swap3A_624 = arith.index_cast %scan3A_490 : i32 to index
      %swap3A_625 = arith.constant 48 : index
      %swap3A_626 = tpu.vector_load %arg7[%swap3A_623, %swap3A_624, %swap3A_625] {strides = array<i32>} : memref<2x128x128xi32, #tpu.memory_space<vmem>>, vector<1x1x16xi32>,
      %swap3A_627 = vector.shape_cast %swap3A_626 : vector<1x1x16xi32> to vector<16xi32>
      %swap3A_628 = vector.shape_cast %or3A_621 : vector<16xi32> to vector<1x1x16xi32>
      tpu.vector_store %arg7[%swap3A_623, %swap3A_624, %swap3A_625], %swap3A_628 {strides = array<i32>} : memref<2x128x128xi32, #tpu.memory_space<vmem>>, vector<1x1x16xi32>,
      %get3A_629 = arith.constant 1 : i32
      %get3A_630 = arith.index_cast %get3A_629 : i32 to index
      %get3A_631 = arith.index_cast %scan3A_490 : i32 to index
      %get3A_632 = arith.constant 64 : index
      %get3A_633 = tpu.vector_load %arg6[%get3A_630, %get3A_631, %get3A_632] {strides = array<i32>} : memref<2x256x128xf32, #tpu.memory_space<vmem>>, vector<1x1x16xf32>,
      %get3A_634 = vector.shape_cast %get3A_633 : vector<1x1x16xf32> to vector<16xf32>
      %add3A_635 = arith.constant 128 : i32
      %add3A_636 = arith.addi %scan3A_490, %add3A_635 : i32
      %get3A_637 = arith.constant 1 : i32
      %get3A_638 = arith.index_cast %get3A_637 : i32 to index
      %get3A_639 = arith.index_cast %add3A_636 : i32 to index
      %get3A_640 = arith.constant 64 : index
      %get3A_641 = tpu.vector_load %arg6[%get3A_638, %get3A_639, %get3A_640] {strides = array<i32>} : memref<2x256x128xf32, #tpu.memory_space<vmem>>, vector<1x1x16xf32>,
      %get3A_642 = vector.shape_cast %get3A_641 : vector<1x1x16xf32> to vector<16xf32>
      %bitcast_convert_type3A_643 = tpu.bitcast %get3A_634 : vector<16xf32> -> vector<16xi32>
      %add3A_644 = arith.constant 32768 : i32
      %add3A_645 = vector.broadcast %add3A_644 : i32 to vector<16xi32>
      %add3A_646 = arith.addi %bitcast_convert_type3A_643, %add3A_645 : vector<16xi32>
      %bitcast_convert_type3A_647 = tpu.bitcast %get3A_642 : vector<16xf32> -> vector<16xi32>
      %add3A_648 = arith.constant 32768 : i32
      %add3A_649 = vector.broadcast %add3A_648 : i32 to vector<16xi32>
      %add3A_650 = arith.addi %bitcast_convert_type3A_647, %add3A_649 : vector<16xi32>
      %shift_right_logical3A_651 = arith.constant 16 : i32
      %shift_right_logical3A_652 = vector.broadcast %shift_right_logical3A_651 : i32 to vector<16xi32>
      %shift_right_logical3A_653 = arith.shrui %add3A_646, %shift_right_logical3A_652 : vector<16xi32>
      %and3A_654 = arith.constant -65536 : i32
      %and3A_655 = vector.broadcast %and3A_654 : i32 to vector<16xi32>
      %and3A_656 = arith.andi %add3A_650, %and3A_655 : vector<16xi32>
      %or3A_657 = arith.ori %shift_right_logical3A_653, %and3A_656 : vector<16xi32>
      %swap3A_658 = arith.constant 1 : i32
      %swap3A_659 = arith.index_cast %swap3A_658 : i32 to index
      %swap3A_660 = arith.index_cast %scan3A_490 : i32 to index
      %swap3A_661 = arith.constant 64 : index
      %swap3A_662 = tpu.vector_load %arg7[%swap3A_659, %swap3A_660, %swap3A_661] {strides = array<i32>} : memref<2x128x128xi32, #tpu.memory_space<vmem>>, vector<1x1x16xi32>,
      %swap3A_663 = vector.shape_cast %swap3A_662 : vector<1x1x16xi32> to vector<16xi32>
      %swap3A_664 = vector.shape_cast %or3A_657 : vector<16xi32> to vector<1x1x16xi32>
      tpu.vector_store %arg7[%swap3A_659, %swap3A_660, %swap3A_661], %swap3A_664 {strides = array<i32>} : memref<2x128x128xi32, #tpu.memory_space<vmem>>, vector<1x1x16xi32>,
      %get3A_665 = arith.constant 1 : i32
      %get3A_666 = arith.index_cast %get3A_665 : i32 to index
      %get3A_667 = arith.index_cast %scan3A_490 : i32 to index
      %get3A_668 = arith.constant 80 : index
      %get3A_669 = tpu.vector_load %arg6[%get3A_666, %get3A_667, %get3A_668] {strides = array<i32>} : memref<2x256x128xf32, #tpu.memory_space<vmem>>, vector<1x1x16xf32>,
      %get3A_670 = vector.shape_cast %get3A_669 : vector<1x1x16xf32> to vector<16xf32>
      %add3A_671 = arith.constant 128 : i32
      %add3A_672 = arith.addi %scan3A_490, %add3A_671 : i32
      %get3A_673 = arith.constant 1 : i32
      %get3A_674 = arith.index_cast %get3A_673 : i32 to index
      %get3A_675 = arith.index_cast %add3A_672 : i32 to index
      %get3A_676 = arith.constant 80 : index
      %get3A_677 = tpu.vector_load %arg6[%get3A_674, %get3A_675, %get3A_676] {strides = array<i32>} : memref<2x256x128xf32, #tpu.memory_space<vmem>>, vector<1x1x16xf32>,
      %get3A_678 = vector.shape_cast %get3A_677 : vector<1x1x16xf32> to vector<16xf32>
      %bitcast_convert_type3A_679 = tpu.bitcast %get3A_670 : vector<16xf32> -> vector<16xi32>
      %add3A_680 = arith.constant 32768 : i32
      %add3A_681 = vector.broadcast %add3A_680 : i32 to vector<16xi32>
      %add3A_682 = arith.addi %bitcast_convert_type3A_679, %add3A_681 : vector<16xi32>
      %bitcast_convert_type3A_683 = tpu.bitcast %get3A_678 : vector<16xf32> -> vector<16xi32>
      %add3A_684 = arith.constant 32768 : i32
      %add3A_685 = vector.broadcast %add3A_684 : i32 to vector<16xi32>
      %add3A_686 = arith.addi %bitcast_convert_type3A_683, %add3A_685 : vector<16xi32>
      %shift_right_logical3A_687 = arith.constant 16 : i32
      %shift_right_logical3A_688 = vector.broadcast %shift_right_logical3A_687 : i32 to vector<16xi32>
      %shift_right_logical3A_689 = arith.shrui %add3A_682, %shift_right_logical3A_688 : vector<16xi32>
      %and3A_690 = arith.constant -65536 : i32
      %and3A_691 = vector.broadcast %and3A_690 : i32 to vector<16xi32>
      %and3A_692 = arith.andi %add3A_686, %and3A_691 : vector<16xi32>
      %or3A_693 = arith.ori %shift_right_logical3A_689, %and3A_692 : vector<16xi32>
      %swap3A_694 = arith.constant 1 : i32
      %swap3A_695 = arith.index_cast %swap3A_694 : i32 to index
      %swap3A_696 = arith.index_cast %scan3A_490 : i32 to index
      %swap3A_697 = arith.constant 80 : index
      %swap3A_698 = tpu.vector_load %arg7[%swap3A_695, %swap3A_696, %swap3A_697] {strides = array<i32>} : memref<2x128x128xi32, #tpu.memory_space<vmem>>, vector<1x1x16xi32>,
      %swap3A_699 = vector.shape_cast %swap3A_698 : vector<1x1x16xi32> to vector<16xi32>
      %swap3A_700 = vector.shape_cast %or3A_693 : vector<16xi32> to vector<1x1x16xi32>
      tpu.vector_store %arg7[%swap3A_695, %swap3A_696, %swap3A_697], %swap3A_700 {strides = array<i32>} : memref<2x128x128xi32, #tpu.memory_space<vmem>>, vector<1x1x16xi32>,
      %get3A_701 = arith.constant 1 : i32
      %get3A_702 = arith.index_cast %get3A_701 : i32 to index
      %get3A_703 = arith.index_cast %scan3A_490 : i32 to index
      %get3A_704 = arith.constant 96 : index
      %get3A_705 = tpu.vector_load %arg6[%get3A_702, %get3A_703, %get3A_704] {strides = array<i32>} : memref<2x256x128xf32, #tpu.memory_space<vmem>>, vector<1x1x16xf32>,
      %get3A_706 = vector.shape_cast %get3A_705 : vector<1x1x16xf32> to vector<16xf32>
      %add3A_707 = arith.constant 128 : i32
      %add3A_708 = arith.addi %scan3A_490, %add3A_707 : i32
      %get3A_709 = arith.constant 1 : i32
      %get3A_710 = arith.index_cast %get3A_709 : i32 to index
      %get3A_711 = arith.index_cast %add3A_708 : i32 to index
      %get3A_712 = arith.constant 96 : index
      %get3A_713 = tpu.vector_load %arg6[%get3A_710, %get3A_711, %get3A_712] {strides = array<i32>} : memref<2x256x128xf32, #tpu.memory_space<vmem>>, vector<1x1x16xf32>,
      %get3A_714 = vector.shape_cast %get3A_713 : vector<1x1x16xf32> to vector<16xf32>
      %bitcast_convert_type3A_715 = tpu.bitcast %get3A_706 : vector<16xf32> -> vector<16xi32>
      %add3A_716 = arith.constant 32768 : i32
      %add3A_717 = vector.broadcast %add3A_716 : i32 to vector<16xi32>
      %add3A_718 = arith.addi %bitcast_convert_type3A_715, %add3A_717 : vector<16xi32>
      %bitcast_convert_type3A_719 = tpu.bitcast %get3A_714 : vector<16xf32> -> vector<16xi32>
      %add3A_720 = arith.constant 32768 : i32
      %add3A_721 = vector.broadcast %add3A_720 : i32 to vector<16xi32>
      %add3A_722 = arith.addi %bitcast_convert_type3A_719, %add3A_721 : vector<16xi32>
      %shift_right_logical3A_723 = arith.constant 16 : i32
      %shift_right_logical3A_724 = vector.broadcast %shift_right_logical3A_723 : i32 to vector<16xi32>
      %shift_right_logical3A_725 = arith.shrui %add3A_718, %shift_right_logical3A_724 : vector<16xi32>
      %and3A_726 = arith.constant -65536 : i32
      %and3A_727 = vector.broadcast %and3A_726 : i32 to vector<16xi32>
      %and3A_728 = arith.andi %add3A_722, %and3A_727 : vector<16xi32>
      %or3A_729 = arith.ori %shift_right_logical3A_725, %and3A_728 : vector<16xi32>
      %swap3A_730 = arith.constant 1 : i32
      %swap3A_731 = arith.index_cast %swap3A_730 : i32 to index
      %swap3A_732 = arith.index_cast %scan3A_490 : i32 to index
      %swap3A_733 = arith.constant 96 : index
      %swap3A_734 = tpu.vector_load %arg7[%swap3A_731, %swap3A_732, %swap3A_733] {strides = array<i32>} : memref<2x128x128xi32, #tpu.memory_space<vmem>>, vector<1x1x16xi32>,
      %swap3A_735 = vector.shape_cast %swap3A_734 : vector<1x1x16xi32> to vector<16xi32>
      %swap3A_736 = vector.shape_cast %or3A_729 : vector<16xi32> to vector<1x1x16xi32>
      tpu.vector_store %arg7[%swap3A_731, %swap3A_732, %swap3A_733], %swap3A_736 {strides = array<i32>} : memref<2x128x128xi32, #tpu.memory_space<vmem>>, vector<1x1x16xi32>,
      %get3A_737 = arith.constant 1 : i32
      %get3A_738 = arith.index_cast %get3A_737 : i32 to index
      %get3A_739 = arith.index_cast %scan3A_490 : i32 to index
      %get3A_740 = arith.constant 112 : index
      %get3A_741 = tpu.vector_load %arg6[%get3A_738, %get3A_739, %get3A_740] {strides = array<i32>} : memref<2x256x128xf32, #tpu.memory_space<vmem>>, vector<1x1x16xf32>,
      %get3A_742 = vector.shape_cast %get3A_741 : vector<1x1x16xf32> to vector<16xf32>
      %add3A_743 = arith.constant 128 : i32
      %add3A_744 = arith.addi %scan3A_490, %add3A_743 : i32
      %get3A_745 = arith.constant 1 : i32
      %get3A_746 = arith.index_cast %get3A_745 : i32 to index
      %get3A_747 = arith.index_cast %add3A_744 : i32 to index
      %get3A_748 = arith.constant 112 : index
      %get3A_749 = tpu.vector_load %arg6[%get3A_746, %get3A_747, %get3A_748] {strides = array<i32>} : memref<2x256x128xf32, #tpu.memory_space<vmem>>, vector<1x1x16xf32>,
      %get3A_750 = vector.shape_cast %get3A_749 : vector<1x1x16xf32> to vector<16xf32>
      %bitcast_convert_type3A_751 = tpu.bitcast %get3A_742 : vector<16xf32> -> vector<16xi32>
      %add3A_752 = arith.constant 32768 : i32
      %add3A_753 = vector.broadcast %add3A_752 : i32 to vector<16xi32>
      %add3A_754 = arith.addi %bitcast_convert_type3A_751, %add3A_753 : vector<16xi32>
      %bitcast_convert_type3A_755 = tpu.bitcast %get3A_750 : vector<16xf32> -> vector<16xi32>
      %add3A_756 = arith.constant 32768 : i32
      %add3A_757 = vector.broadcast %add3A_756 : i32 to vector<16xi32>
      %add3A_758 = arith.addi %bitcast_convert_type3A_755, %add3A_757 : vector<16xi32>
      %shift_right_logical3A_759 = arith.constant 16 : i32
      %shift_right_logical3A_760 = vector.broadcast %shift_right_logical3A_759 : i32 to vector<16xi32>
      %shift_right_logical3A_761 = arith.shrui %add3A_754, %shift_right_logical3A_760 : vector<16xi32>
      %and3A_762 = arith.constant -65536 : i32
      %and3A_763 = vector.broadcast %and3A_762 : i32 to vector<16xi32>
      %and3A_764 = arith.andi %add3A_758, %and3A_763 : vector<16xi32>
      %or3A_765 = arith.ori %shift_right_logical3A_761, %and3A_764 : vector<16xi32>
      %swap3A_766 = arith.constant 1 : i32
      %swap3A_767 = arith.index_cast %swap3A_766 : i32 to index
      %swap3A_768 = arith.index_cast %scan3A_490 : i32 to index
      %swap3A_769 = arith.constant 112 : index
      %swap3A_770 = tpu.vector_load %arg7[%swap3A_767, %swap3A_768, %swap3A_769] {strides = array<i32>} : memref<2x128x128xi32, #tpu.memory_space<vmem>>, vector<1x1x16xi32>,
      %swap3A_771 = vector.shape_cast %swap3A_770 : vector<1x1x16xi32> to vector<16xi32>
      %swap3A_772 = vector.shape_cast %or3A_765 : vector<16xi32> to vector<1x1x16xi32>
      tpu.vector_store %arg7[%swap3A_767, %swap3A_768, %swap3A_769], %swap3A_772 {strides = array<i32>} : memref<2x128x128xi32, #tpu.memory_space<vmem>>, vector<1x1x16xi32>,
    }
    %scan3A_80 = arith.constant 128 : i32
    %add3A_81 = arith.constant 128 : i32
    %add3A_82 = arith.addi %mul3A_4, %add3A_81 : i32
    %dma_start3A_83 = arith.constant 1 : i32
    %dma_start3A_84 = arith.constant 0 : i32
    %dma_start3A_85 = arith.constant 0 : i32
    %dma_start3A_86 = tpu.memref_slice %arg7[%dma_start3A_83, %dma_start3A_84, %dma_start3A_85] : memref<2x128x128xi32, #tpu.memory_space<vmem>> -> memref<1x128x128xi32, #tpu.memory_space<vmem>>
    %dma_start3A_87 = tpu.memref_squeeze %dma_start3A_86 : memref<1x128x128xi32, #tpu.memory_space<vmem>> -> memref<128x128xi32, #tpu.memory_space<vmem>>
    %dma_start3A_88 = arith.constant 0 : i32
    %dma_start3A_89 = tpu.memref_slice %arg4[%add3A_82, %dma_start3A_88] : memref<36864x128xi32, #tpu.memory_space<hbm>> -> memref<128x128xi32, #tpu.memory_space<hbm>>
    %dma_start3A_90 = arith.constant 0 : i32
    %dma_start3A_91 = tpu.memref_slice %arg4[%add3A_82, %dma_start3A_90] : memref<36864x128xi32, #tpu.memory_space<hbm>> -> memref<128x128xi32, #tpu.memory_space<hbm>>
    %dma_start3A_92 = arith.constant 0 : i32
    %dma_start3A_93 = arith.constant 0 : i32
    %dma_start3A_94 = tpu.memref_slice %arg7[%dma_start3A_83, %dma_start3A_92, %dma_start3A_93] : memref<2x128x128xi32, #tpu.memory_space<vmem>> -> memref<1x128x128xi32, #tpu.memory_space<vmem>>
    %dma_start3A_95 = tpu.memref_squeeze %dma_start3A_94 : memref<1x128x128xi32, #tpu.memory_space<vmem>> -> memref<128x128xi32, #tpu.memory_space<vmem>>
    tpu.enqueue_dma source(%dma_start3A_95 : memref<128x128xi32, #tpu.memory_space<vmem>>) target(%dma_start3A_91 : memref<128x128xi32, #tpu.memory_space<hbm>>) target_semaphore(%arg11 : memref<!tpu.dma_semaphore, #tpu.memory_space<semaphore_mem>>)
    %dma_start3A_96 = arith.constant 1 : i32
    %dma_start3A_97 = arith.constant 0 : i32
    %dma_start3A_98 = arith.constant 0 : i32
    %dma_start3A_99 = tpu.memref_slice %arg6[%dma_start3A_96, %dma_start3A_97, %dma_start3A_98] : memref<2x256x128xf32, #tpu.memory_space<vmem>> -> memref<1x256x128xf32, #tpu.memory_space<vmem>>
    %dma_start3A_100 = tpu.memref_squeeze %dma_start3A_99 : memref<1x256x128xf32, #tpu.memory_space<vmem>> -> memref<256x128xf32, #tpu.memory_space<vmem>>
    %dma_start3A_101 = arith.constant 768 : i32
    %dma_start3A_102 = tpu.memref_slice %arg5[%dma_start3A_101] : memref<2304xi32, #tpu.memory_space<vmem>> -> memref<256xi32, #tpu.memory_space<vmem>>
    %dma_start3A_103 = arith.constant 0 : i32
    %dma_start3A_104 = arith.constant 0 : i32
    %dma_start3A_105 = tpu.memref_slice %arg2[%dma_start3A_103, %dma_start3A_104] : memref<1000000x128xf32, #tpu.memory_space<hbm>> -> memref<1000000x128xf32, #tpu.memory_space<hbm>>
    tpu.enqueue_indirect_dma source(%dma_start3A_105 : memref<1000000x128xf32, #tpu.memory_space<hbm>>) target(%dma_start3A_100 : memref<256x128xf32, #tpu.memory_space<vmem>>) offsets(%dma_start3A_102 : memref<256xi32, #tpu.memory_space<vmem>>) semaphore(%arg9 : memref<!tpu.dma_semaphore, #tpu.memory_space<semaphore_mem>>)
    %dma_wait3A_106 = arith.constant 0 : i32
    %dma_wait3A_107 = arith.constant 0 : i32
    %dma_wait3A_108 = arith.constant 0 : i32
    %dma_wait3A_109 = tpu.memref_slice %arg6[%dma_wait3A_106, %dma_wait3A_107, %dma_wait3A_108] : memref<2x256x128xf32, #tpu.memory_space<vmem>> -> memref<1x256x128xf32, #tpu.memory_space<vmem>>
    %dma_wait3A_110 = tpu.memref_squeeze %dma_wait3A_109 : memref<1x256x128xf32, #tpu.memory_space<vmem>> -> memref<256x128xf32, #tpu.memory_space<vmem>>
    %dma_wait3A_111 = arith.constant 512 : i32
    %dma_wait3A_112 = tpu.memref_slice %arg5[%dma_wait3A_111] : memref<2304xi32, #tpu.memory_space<vmem>> -> memref<256xi32, #tpu.memory_space<vmem>>
    %dma_wait3A_113 = arith.constant 0 : i32
    %dma_wait3A_114 = arith.constant 0 : i32
    %dma_wait3A_115 = tpu.memref_slice %arg2[%dma_wait3A_113, %dma_wait3A_114] : memref<1000000x128xf32, #tpu.memory_space<hbm>> -> memref<1000000x128xf32, #tpu.memory_space<hbm>>
    tpu.wait_indirect_dma semaphore(%arg8 : memref<!tpu.dma_semaphore, #tpu.memory_space<semaphore_mem>>) src(%dma_wait3A_115 : memref<1000000x128xf32, #tpu.memory_space<hbm>>) dst(%dma_wait3A_110 : memref<256x128xf32, #tpu.memory_space<vmem>>)
    %dma_wait3A_116 = arith.constant 0 : i32
    %dma_wait3A_117 = arith.constant 0 : i32
    %dma_wait3A_118 = arith.constant 0 : i32
    %dma_wait3A_119 = tpu.memref_slice %arg7[%dma_wait3A_116, %dma_wait3A_117, %dma_wait3A_118] : memref<2x128x128xi32, #tpu.memory_space<vmem>> -> memref<1x128x128xi32, #tpu.memory_space<vmem>>
    %dma_wait3A_120 = tpu.memref_squeeze %dma_wait3A_119 : memref<1x128x128xi32, #tpu.memory_space<vmem>> -> memref<128x128xi32, #tpu.memory_space<vmem>>
    %dma_wait3A_121 = arith.constant 0 : i32
    %dma_wait3A_122 = tpu.memref_slice %arg4[%add3A_41, %dma_wait3A_121] : memref<36864x128xi32, #tpu.memory_space<hbm>> -> memref<128x128xi32, #tpu.memory_space<hbm>>
    %dma_wait3A_123 = arith.constant 0 : i32
    %dma_wait3A_124 = tpu.memref_slice %arg4[%add3A_41, %dma_wait3A_123] : memref<36864x128xi32, #tpu.memory_space<hbm>> -> memref<128x128xi32, #tpu.memory_space<hbm>>
    %dma_wait3A_125 = arith.constant 0 : i32
    %dma_wait3A_126 = arith.constant 0 : i32
    %dma_wait3A_127 = tpu.memref_slice %arg7[%dma_wait3A_116, %dma_wait3A_125, %dma_wait3A_126] : memref<2x128x128xi32, #tpu.memory_space<vmem>> -> memref<1x128x128xi32, #tpu.memory_space<vmem>>
    %dma_wait3A_128 = tpu.memref_squeeze %dma_wait3A_127 : memref<1x128x128xi32, #tpu.memory_space<vmem>> -> memref<128x128xi32, #tpu.memory_space<vmem>>
    tpu.wait_dma2 semaphore(%arg10 : memref<!tpu.dma_semaphore, #tpu.memory_space<semaphore_mem>>) src(%dma_wait3A_128 : memref<128x128xi32, #tpu.memory_space<vmem>>) dst(%dma_wait3A_124 : memref<128x128xi32, #tpu.memory_space<hbm>>)
    %scan3A_129 = arith.constant 0 : i32
    %scan3A_130 = arith.constant 0 : i32
    %scan3A_131 = arith.constant 128 : i32
    %scan3A_132 = arith.addi %scan3A_130, %scan3A_131 : i32
    %scan3A_133 = arith.constant 1 : i32
    scf.for %scan3A_490 = %scan3A_130 to %scan3A_132 step %scan3A_133  : i32 {
      %get3A = arith.constant 0 : i32
      %get3A_491 = arith.index_cast %get3A : i32 to index
      %get3A_492 = arith.index_cast %scan3A_490 : i32 to index
      %get3A_493 = arith.constant 0 : index
      %get3A_494 = tpu.vector_load %arg6[%get3A_491, %get3A_492, %get3A_493] {strides = array<i32>} : memref<2x256x128xf32, #tpu.memory_space<vmem>>, vector<1x1x16xf32>,
      %get3A_495 = vector.shape_cast %get3A_494 : vector<1x1x16xf32> to vector<16xf32>
      %add3A_496 = arith.constant 128 : i32
      %add3A_497 = arith.addi %scan3A_490, %add3A_496 : i32
      %get3A_498 = arith.constant 0 : i32
      %get3A_499 = arith.index_cast %get3A_498 : i32 to index
      %get3A_500 = arith.index_cast %add3A_497 : i32 to index
      %get3A_501 = arith.constant 0 : index
      %get3A_502 = tpu.vector_load %arg6[%get3A_499, %get3A_500, %get3A_501] {strides = array<i32>} : memref<2x256x128xf32, #tpu.memory_space<vmem>>, vector<1x1x16xf32>,
      %get3A_503 = vector.shape_cast %get3A_502 : vector<1x1x16xf32> to vector<16xf32>
      %bitcast_convert_type3A = tpu.bitcast %get3A_495 : vector<16xf32> -> vector<16xi32>
      %add3A_504 = arith.constant 32768 : i32
      %add3A_505 = vector.broadcast %add3A_504 : i32 to vector<16xi32>
      %add3A_506 = arith.addi %bitcast_convert_type3A, %add3A_505 : vector<16xi32>
      %bitcast_convert_type3A_507 = tpu.bitcast %get3A_503 : vector<16xf32> -> vector<16xi32>
      %add3A_508 = arith.constant 32768 : i32
      %add3A_509 = vector.broadcast %add3A_508 : i32 to vector<16xi32>
      %add3A_510 = arith.addi %bitcast_convert_type3A_507, %add3A_509 : vector<16xi32>
      %shift_right_logical3A = arith.constant 16 : i32
      %shift_right_logical3A_511 = vector.broadcast %shift_right_logical3A : i32 to vector<16xi32>
      %shift_right_logical3A_512 = arith.shrui %add3A_506, %shift_right_logical3A_511 : vector<16xi32>
      %and3A = arith.constant -65536 : i32
      %and3A_513 = vector.broadcast %and3A : i32 to vector<16xi32>
      %and3A_514 = arith.andi %add3A_510, %and3A_513 : vector<16xi32>
      %or3A = arith.ori %shift_right_logical3A_512, %and3A_514 : vector<16xi32>
      %swap3A = arith.constant 0 : i32
      %swap3A_515 = arith.index_cast %swap3A : i32 to index
      %swap3A_516 = arith.index_cast %scan3A_490 : i32 to index
      %swap3A_517 = arith.constant 0 : index
      %swap3A_518 = tpu.vector_load %arg7[%swap3A_515, %swap3A_516, %swap3A_517] {strides = array<i32>} : memref<2x128x128xi32, #tpu.memory_space<vmem>>, vector<1x1x16xi32>,
      %swap3A_519 = vector.shape_cast %swap3A_518 : vector<1x1x16xi32> to vector<16xi32>
      %swap3A_520 = vector.shape_cast %or3A : vector<16xi32> to vector<1x1x16xi32>
      tpu.vector_store %arg7[%swap3A_515, %swap3A_516, %swap3A_517], %swap3A_520 {strides = array<i32>} : memref<2x128x128xi32, #tpu.memory_space<vmem>>, vector<1x1x16xi32>,
      %get3A_521 = arith.constant 0 : i32
      %get3A_522 = arith.index_cast %get3A_521 : i32 to index
      %get3A_523 = arith.index_cast %scan3A_490 : i32 to index
      %get3A_524 = arith.constant 16 : index
      %get3A_525 = tpu.vector_load %arg6[%get3A_522, %get3A_523, %get3A_524] {strides = array<i32>} : memref<2x256x128xf32, #tpu.memory_space<vmem>>, vector<1x1x16xf32>,
      %get3A_526 = vector.shape_cast %get3A_525 : vector<1x1x16xf32> to vector<16xf32>
      %add3A_527 = arith.constant 128 : i32
      %add3A_528 = arith.addi %scan3A_490, %add3A_527 : i32
      %get3A_529 = arith.constant 0 : i32
      %get3A_530 = arith.index_cast %get3A_529 : i32 to index
      %get3A_531 = arith.index_cast %add3A_528 : i32 to index
      %get3A_532 = arith.constant 16 : index
      %get3A_533 = tpu.vector_load %arg6[%get3A_530, %get3A_531, %get3A_532] {strides = array<i32>} : memref<2x256x128xf32, #tpu.memory_space<vmem>>, vector<1x1x16xf32>,
      %get3A_534 = vector.shape_cast %get3A_533 : vector<1x1x16xf32> to vector<16xf32>
      %bitcast_convert_type3A_535 = tpu.bitcast %get3A_526 : vector<16xf32> -> vector<16xi32>
      %add3A_536 = arith.constant 32768 : i32
      %add3A_537 = vector.broadcast %add3A_536 : i32 to vector<16xi32>
      %add3A_538 = arith.addi %bitcast_convert_type3A_535, %add3A_537 : vector<16xi32>
      %bitcast_convert_type3A_539 = tpu.bitcast %get3A_534 : vector<16xf32> -> vector<16xi32>
      %add3A_540 = arith.constant 32768 : i32
      %add3A_541 = vector.broadcast %add3A_540 : i32 to vector<16xi32>
      %add3A_542 = arith.addi %bitcast_convert_type3A_539, %add3A_541 : vector<16xi32>
      %shift_right_logical3A_543 = arith.constant 16 : i32
      %shift_right_logical3A_544 = vector.broadcast %shift_right_logical3A_543 : i32 to vector<16xi32>
      %shift_right_logical3A_545 = arith.shrui %add3A_538, %shift_right_logical3A_544 : vector<16xi32>
      %and3A_546 = arith.constant -65536 : i32
      %and3A_547 = vector.broadcast %and3A_546 : i32 to vector<16xi32>
      %and3A_548 = arith.andi %add3A_542, %and3A_547 : vector<16xi32>
      %or3A_549 = arith.ori %shift_right_logical3A_545, %and3A_548 : vector<16xi32>
      %swap3A_550 = arith.constant 0 : i32
      %swap3A_551 = arith.index_cast %swap3A_550 : i32 to index
      %swap3A_552 = arith.index_cast %scan3A_490 : i32 to index
      %swap3A_553 = arith.constant 16 : index
      %swap3A_554 = tpu.vector_load %arg7[%swap3A_551, %swap3A_552, %swap3A_553] {strides = array<i32>} : memref<2x128x128xi32, #tpu.memory_space<vmem>>, vector<1x1x16xi32>,
      %swap3A_555 = vector.shape_cast %swap3A_554 : vector<1x1x16xi32> to vector<16xi32>
      %swap3A_556 = vector.shape_cast %or3A_549 : vector<16xi32> to vector<1x1x16xi32>
      tpu.vector_store %arg7[%swap3A_551, %swap3A_552, %swap3A_553], %swap3A_556 {strides = array<i32>} : memref<2x128x128xi32, #tpu.memory_space<vmem>>, vector<1x1x16xi32>,
      %get3A_557 = arith.constant 0 : i32
      %get3A_558 = arith.index_cast %get3A_557 : i32 to index
      %get3A_559 = arith.index_cast %scan3A_490 : i32 to index
      %get3A_560 = arith.constant 32 : index
      %get3A_561 = tpu.vector_load %arg6[%get3A_558, %get3A_559, %get3A_560] {strides = array<i32>} : memref<2x256x128xf32, #tpu.memory_space<vmem>>, vector<1x1x16xf32>,
      %get3A_562 = vector.shape_cast %get3A_561 : vector<1x1x16xf32> to vector<16xf32>
      %add3A_563 = arith.constant 128 : i32
      %add3A_564 = arith.addi %scan3A_490, %add3A_563 : i32
      %get3A_565 = arith.constant 0 : i32
      %get3A_566 = arith.index_cast %get3A_565 : i32 to index
      %get3A_567 = arith.index_cast %add3A_564 : i32 to index
      %get3A_568 = arith.constant 32 : index
      %get3A_569 = tpu.vector_load %arg6[%get3A_566, %get3A_567, %get3A_568] {strides = array<i32>} : memref<2x256x128xf32, #tpu.memory_space<vmem>>, vector<1x1x16xf32>,
      %get3A_570 = vector.shape_cast %get3A_569 : vector<1x1x16xf32> to vector<16xf32>
      %bitcast_convert_type3A_571 = tpu.bitcast %get3A_562 : vector<16xf32> -> vector<16xi32>
      %add3A_572 = arith.constant 32768 : i32
      %add3A_573 = vector.broadcast %add3A_572 : i32 to vector<16xi32>
      %add3A_574 = arith.addi %bitcast_convert_type3A_571, %add3A_573 : vector<16xi32>
      %bitcast_convert_type3A_575 = tpu.bitcast %get3A_570 : vector<16xf32> -> vector<16xi32>
      %add3A_576 = arith.constant 32768 : i32
      %add3A_577 = vector.broadcast %add3A_576 : i32 to vector<16xi32>
      %add3A_578 = arith.addi %bitcast_convert_type3A_575, %add3A_577 : vector<16xi32>
      %shift_right_logical3A_579 = arith.constant 16 : i32
      %shift_right_logical3A_580 = vector.broadcast %shift_right_logical3A_579 : i32 to vector<16xi32>
      %shift_right_logical3A_581 = arith.shrui %add3A_574, %shift_right_logical3A_580 : vector<16xi32>
      %and3A_582 = arith.constant -65536 : i32
      %and3A_583 = vector.broadcast %and3A_582 : i32 to vector<16xi32>
      %and3A_584 = arith.andi %add3A_578, %and3A_583 : vector<16xi32>
      %or3A_585 = arith.ori %shift_right_logical3A_581, %and3A_584 : vector<16xi32>
      %swap3A_586 = arith.constant 0 : i32
      %swap3A_587 = arith.index_cast %swap3A_586 : i32 to index
      %swap3A_588 = arith.index_cast %scan3A_490 : i32 to index
      %swap3A_589 = arith.constant 32 : index
      %swap3A_590 = tpu.vector_load %arg7[%swap3A_587, %swap3A_588, %swap3A_589] {strides = array<i32>} : memref<2x128x128xi32, #tpu.memory_space<vmem>>, vector<1x1x16xi32>,
      %swap3A_591 = vector.shape_cast %swap3A_590 : vector<1x1x16xi32> to vector<16xi32>
      %swap3A_592 = vector.shape_cast %or3A_585 : vector<16xi32> to vector<1x1x16xi32>
      tpu.vector_store %arg7[%swap3A_587, %swap3A_588, %swap3A_589], %swap3A_592 {strides = array<i32>} : memref<2x128x128xi32, #tpu.memory_space<vmem>>, vector<1x1x16xi32>,
      %get3A_593 = arith.constant 0 : i32
      %get3A_594 = arith.index_cast %get3A_593 : i32 to index
      %get3A_595 = arith.index_cast %scan3A_490 : i32 to index
      %get3A_596 = arith.constant 48 : index
      %get3A_597 = tpu.vector_load %arg6[%get3A_594, %get3A_595, %get3A_596] {strides = array<i32>} : memref<2x256x128xf32, #tpu.memory_space<vmem>>, vector<1x1x16xf32>,
      %get3A_598 = vector.shape_cast %get3A_597 : vector<1x1x16xf32> to vector<16xf32>
      %add3A_599 = arith.constant 128 : i32
      %add3A_600 = arith.addi %scan3A_490, %add3A_599 : i32
      %get3A_601 = arith.constant 0 : i32
      %get3A_602 = arith.index_cast %get3A_601 : i32 to index
      %get3A_603 = arith.index_cast %add3A_600 : i32 to index
      %get3A_604 = arith.constant 48 : index
      %get3A_605 = tpu.vector_load %arg6[%get3A_602, %get3A_603, %get3A_604] {strides = array<i32>} : memref<2x256x128xf32, #tpu.memory_space<vmem>>, vector<1x1x16xf32>,
      %get3A_606 = vector.shape_cast %get3A_605 : vector<1x1x16xf32> to vector<16xf32>
      %bitcast_convert_type3A_607 = tpu.bitcast %get3A_598 : vector<16xf32> -> vector<16xi32>
      %add3A_608 = arith.constant 32768 : i32
      %add3A_609 = vector.broadcast %add3A_608 : i32 to vector<16xi32>
      %add3A_610 = arith.addi %bitcast_convert_type3A_607, %add3A_609 : vector<16xi32>
      %bitcast_convert_type3A_611 = tpu.bitcast %get3A_606 : vector<16xf32> -> vector<16xi32>
      %add3A_612 = arith.constant 32768 : i32
      %add3A_613 = vector.broadcast %add3A_612 : i32 to vector<16xi32>
      %add3A_614 = arith.addi %bitcast_convert_type3A_611, %add3A_613 : vector<16xi32>
      %shift_right_logical3A_615 = arith.constant 16 : i32
      %shift_right_logical3A_616 = vector.broadcast %shift_right_logical3A_615 : i32 to vector<16xi32>
      %shift_right_logical3A_617 = arith.shrui %add3A_610, %shift_right_logical3A_616 : vector<16xi32>
      %and3A_618 = arith.constant -65536 : i32
      %and3A_619 = vector.broadcast %and3A_618 : i32 to vector<16xi32>
      %and3A_620 = arith.andi %add3A_614, %and3A_619 : vector<16xi32>
      %or3A_621 = arith.ori %shift_right_logical3A_617, %and3A_620 : vector<16xi32>
      %swap3A_622 = arith.constant 0 : i32
      %swap3A_623 = arith.index_cast %swap3A_622 : i32 to index
      %swap3A_624 = arith.index_cast %scan3A_490 : i32 to index
      %swap3A_625 = arith.constant 48 : index
      %swap3A_626 = tpu.vector_load %arg7[%swap3A_623, %swap3A_624, %swap3A_625] {strides = array<i32>} : memref<2x128x128xi32, #tpu.memory_space<vmem>>, vector<1x1x16xi32>,
      %swap3A_627 = vector.shape_cast %swap3A_626 : vector<1x1x16xi32> to vector<16xi32>
      %swap3A_628 = vector.shape_cast %or3A_621 : vector<16xi32> to vector<1x1x16xi32>
      tpu.vector_store %arg7[%swap3A_623, %swap3A_624, %swap3A_625], %swap3A_628 {strides = array<i32>} : memref<2x128x128xi32, #tpu.memory_space<vmem>>, vector<1x1x16xi32>,
      %get3A_629 = arith.constant 0 : i32
      %get3A_630 = arith.index_cast %get3A_629 : i32 to index
      %get3A_631 = arith.index_cast %scan3A_490 : i32 to index
      %get3A_632 = arith.constant 64 : index
      %get3A_633 = tpu.vector_load %arg6[%get3A_630, %get3A_631, %get3A_632] {strides = array<i32>} : memref<2x256x128xf32, #tpu.memory_space<vmem>>, vector<1x1x16xf32>,
      %get3A_634 = vector.shape_cast %get3A_633 : vector<1x1x16xf32> to vector<16xf32>
      %add3A_635 = arith.constant 128 : i32
      %add3A_636 = arith.addi %scan3A_490, %add3A_635 : i32
      %get3A_637 = arith.constant 0 : i32
      %get3A_638 = arith.index_cast %get3A_637 : i32 to index
      %get3A_639 = arith.index_cast %add3A_636 : i32 to index
      %get3A_640 = arith.constant 64 : index
      %get3A_641 = tpu.vector_load %arg6[%get3A_638, %get3A_639, %get3A_640] {strides = array<i32>} : memref<2x256x128xf32, #tpu.memory_space<vmem>>, vector<1x1x16xf32>,
      %get3A_642 = vector.shape_cast %get3A_641 : vector<1x1x16xf32> to vector<16xf32>
      %bitcast_convert_type3A_643 = tpu.bitcast %get3A_634 : vector<16xf32> -> vector<16xi32>
      %add3A_644 = arith.constant 32768 : i32
      %add3A_645 = vector.broadcast %add3A_644 : i32 to vector<16xi32>
      %add3A_646 = arith.addi %bitcast_convert_type3A_643, %add3A_645 : vector<16xi32>
      %bitcast_convert_type3A_647 = tpu.bitcast %get3A_642 : vector<16xf32> -> vector<16xi32>
      %add3A_648 = arith.constant 32768 : i32
      %add3A_649 = vector.broadcast %add3A_648 : i32 to vector<16xi32>
      %add3A_650 = arith.addi %bitcast_convert_type3A_647, %add3A_649 : vector<16xi32>
      %shift_right_logical3A_651 = arith.constant 16 : i32
      %shift_right_logical3A_652 = vector.broadcast %shift_right_logical3A_651 : i32 to vector<16xi32>
      %shift_right_logical3A_653 = arith.shrui %add3A_646, %shift_right_logical3A_652 : vector<16xi32>
      %and3A_654 = arith.constant -65536 : i32
      %and3A_655 = vector.broadcast %and3A_654 : i32 to vector<16xi32>
      %and3A_656 = arith.andi %add3A_650, %and3A_655 : vector<16xi32>
      %or3A_657 = arith.ori %shift_right_logical3A_653, %and3A_656 : vector<16xi32>
      %swap3A_658 = arith.constant 0 : i32
      %swap3A_659 = arith.index_cast %swap3A_658 : i32 to index
      %swap3A_660 = arith.index_cast %scan3A_490 : i32 to index
      %swap3A_661 = arith.constant 64 : index
      %swap3A_662 = tpu.vector_load %arg7[%swap3A_659, %swap3A_660, %swap3A_661] {strides = array<i32>} : memref<2x128x128xi32, #tpu.memory_space<vmem>>, vector<1x1x16xi32>,
      %swap3A_663 = vector.shape_cast %swap3A_662 : vector<1x1x16xi32> to vector<16xi32>
      %swap3A_664 = vector.shape_cast %or3A_657 : vector<16xi32> to vector<1x1x16xi32>
      tpu.vector_store %arg7[%swap3A_659, %swap3A_660, %swap3A_661], %swap3A_664 {strides = array<i32>} : memref<2x128x128xi32, #tpu.memory_space<vmem>>, vector<1x1x16xi32>,
      %get3A_665 = arith.constant 0 : i32
      %get3A_666 = arith.index_cast %get3A_665 : i32 to index
      %get3A_667 = arith.index_cast %scan3A_490 : i32 to index
      %get3A_668 = arith.constant 80 : index
      %get3A_669 = tpu.vector_load %arg6[%get3A_666, %get3A_667, %get3A_668] {strides = array<i32>} : memref<2x256x128xf32, #tpu.memory_space<vmem>>, vector<1x1x16xf32>,
      %get3A_670 = vector.shape_cast %get3A_669 : vector<1x1x16xf32> to vector<16xf32>
      %add3A_671 = arith.constant 128 : i32
      %add3A_672 = arith.addi %scan3A_490, %add3A_671 : i32
      %get3A_673 = arith.constant 0 : i32
      %get3A_674 = arith.index_cast %get3A_673 : i32 to index
      %get3A_675 = arith.index_cast %add3A_672 : i32 to index
      %get3A_676 = arith.constant 80 : index
      %get3A_677 = tpu.vector_load %arg6[%get3A_674, %get3A_675, %get3A_676] {strides = array<i32>} : memref<2x256x128xf32, #tpu.memory_space<vmem>>, vector<1x1x16xf32>,
      %get3A_678 = vector.shape_cast %get3A_677 : vector<1x1x16xf32> to vector<16xf32>
      %bitcast_convert_type3A_679 = tpu.bitcast %get3A_670 : vector<16xf32> -> vector<16xi32>
      %add3A_680 = arith.constant 32768 : i32
      %add3A_681 = vector.broadcast %add3A_680 : i32 to vector<16xi32>
      %add3A_682 = arith.addi %bitcast_convert_type3A_679, %add3A_681 : vector<16xi32>
      %bitcast_convert_type3A_683 = tpu.bitcast %get3A_678 : vector<16xf32> -> vector<16xi32>
      %add3A_684 = arith.constant 32768 : i32
      %add3A_685 = vector.broadcast %add3A_684 : i32 to vector<16xi32>
      %add3A_686 = arith.addi %bitcast_convert_type3A_683, %add3A_685 : vector<16xi32>
      %shift_right_logical3A_687 = arith.constant 16 : i32
      %shift_right_logical3A_688 = vector.broadcast %shift_right_logical3A_687 : i32 to vector<16xi32>
      %shift_right_logical3A_689 = arith.shrui %add3A_682, %shift_right_logical3A_688 : vector<16xi32>
      %and3A_690 = arith.constant -65536 : i32
      %and3A_691 = vector.broadcast %and3A_690 : i32 to vector<16xi32>
      %and3A_692 = arith.andi %add3A_686, %and3A_691 : vector<16xi32>
      %or3A_693 = arith.ori %shift_right_logical3A_689, %and3A_692 : vector<16xi32>
      %swap3A_694 = arith.constant 0 : i32
      %swap3A_695 = arith.index_cast %swap3A_694 : i32 to index
      %swap3A_696 = arith.index_cast %scan3A_490 : i32 to index
      %swap3A_697 = arith.constant 80 : index
      %swap3A_698 = tpu.vector_load %arg7[%swap3A_695, %swap3A_696, %swap3A_697] {strides = array<i32>} : memref<2x128x128xi32, #tpu.memory_space<vmem>>, vector<1x1x16xi32>,
      %swap3A_699 = vector.shape_cast %swap3A_698 : vector<1x1x16xi32> to vector<16xi32>
      %swap3A_700 = vector.shape_cast %or3A_693 : vector<16xi32> to vector<1x1x16xi32>
      tpu.vector_store %arg7[%swap3A_695, %swap3A_696, %swap3A_697], %swap3A_700 {strides = array<i32>} : memref<2x128x128xi32, #tpu.memory_space<vmem>>, vector<1x1x16xi32>,
      %get3A_701 = arith.constant 0 : i32
      %get3A_702 = arith.index_cast %get3A_701 : i32 to index
      %get3A_703 = arith.index_cast %scan3A_490 : i32 to index
      %get3A_704 = arith.constant 96 : index
      %get3A_705 = tpu.vector_load %arg6[%get3A_702, %get3A_703, %get3A_704] {strides = array<i32>} : memref<2x256x128xf32, #tpu.memory_space<vmem>>, vector<1x1x16xf32>,
      %get3A_706 = vector.shape_cast %get3A_705 : vector<1x1x16xf32> to vector<16xf32>
      %add3A_707 = arith.constant 128 : i32
      %add3A_708 = arith.addi %scan3A_490, %add3A_707 : i32
      %get3A_709 = arith.constant 0 : i32
      %get3A_710 = arith.index_cast %get3A_709 : i32 to index
      %get3A_711 = arith.index_cast %add3A_708 : i32 to index
      %get3A_712 = arith.constant 96 : index
      %get3A_713 = tpu.vector_load %arg6[%get3A_710, %get3A_711, %get3A_712] {strides = array<i32>} : memref<2x256x128xf32, #tpu.memory_space<vmem>>, vector<1x1x16xf32>,
      %get3A_714 = vector.shape_cast %get3A_713 : vector<1x1x16xf32> to vector<16xf32>
      %bitcast_convert_type3A_715 = tpu.bitcast %get3A_706 : vector<16xf32> -> vector<16xi32>
      %add3A_716 = arith.constant 32768 : i32
      %add3A_717 = vector.broadcast %add3A_716 : i32 to vector<16xi32>
      %add3A_718 = arith.addi %bitcast_convert_type3A_715, %add3A_717 : vector<16xi32>
      %bitcast_convert_type3A_719 = tpu.bitcast %get3A_714 : vector<16xf32> -> vector<16xi32>
      %add3A_720 = arith.constant 32768 : i32
      %add3A_721 = vector.broadcast %add3A_720 : i32 to vector<16xi32>
      %add3A_722 = arith.addi %bitcast_convert_type3A_719, %add3A_721 : vector<16xi32>
      %shift_right_logical3A_723 = arith.constant 16 : i32
      %shift_right_logical3A_724 = vector.broadcast %shift_right_logical3A_723 : i32 to vector<16xi32>
      %shift_right_logical3A_725 = arith.shrui %add3A_718, %shift_right_logical3A_724 : vector<16xi32>
      %and3A_726 = arith.constant -65536 : i32
      %and3A_727 = vector.broadcast %and3A_726 : i32 to vector<16xi32>
      %and3A_728 = arith.andi %add3A_722, %and3A_727 : vector<16xi32>
      %or3A_729 = arith.ori %shift_right_logical3A_725, %and3A_728 : vector<16xi32>
      %swap3A_730 = arith.constant 0 : i32
      %swap3A_731 = arith.index_cast %swap3A_730 : i32 to index
      %swap3A_732 = arith.index_cast %scan3A_490 : i32 to index
      %swap3A_733 = arith.constant 96 : index
      %swap3A_734 = tpu.vector_load %arg7[%swap3A_731, %swap3A_732, %swap3A_733] {strides = array<i32>} : memref<2x128x128xi32, #tpu.memory_space<vmem>>, vector<1x1x16xi32>,
      %swap3A_735 = vector.shape_cast %swap3A_734 : vector<1x1x16xi32> to vector<16xi32>
      %swap3A_736 = vector.shape_cast %or3A_729 : vector<16xi32> to vector<1x1x16xi32>
      tpu.vector_store %arg7[%swap3A_731, %swap3A_732, %swap3A_733], %swap3A_736 {strides = array<i32>} : memref<2x128x128xi32, #tpu.memory_space<vmem>>, vector<1x1x16xi32>,
      %get3A_737 = arith.constant 0 : i32
      %get3A_738 = arith.index_cast %get3A_737 : i32 to index
      %get3A_739 = arith.index_cast %scan3A_490 : i32 to index
      %get3A_740 = arith.constant 112 : index
      %get3A_741 = tpu.vector_load %arg6[%get3A_738, %get3A_739, %get3A_740] {strides = array<i32>} : memref<2x256x128xf32, #tpu.memory_space<vmem>>, vector<1x1x16xf32>,
      %get3A_742 = vector.shape_cast %get3A_741 : vector<1x1x16xf32> to vector<16xf32>
      %add3A_743 = arith.constant 128 : i32
      %add3A_744 = arith.addi %scan3A_490, %add3A_743 : i32
      %get3A_745 = arith.constant 0 : i32
      %get3A_746 = arith.index_cast %get3A_745 : i32 to index
      %get3A_747 = arith.index_cast %add3A_744 : i32 to index
      %get3A_748 = arith.constant 112 : index
      %get3A_749 = tpu.vector_load %arg6[%get3A_746, %get3A_747, %get3A_748] {strides = array<i32>} : memref<2x256x128xf32, #tpu.memory_space<vmem>>, vector<1x1x16xf32>,
      %get3A_750 = vector.shape_cast %get3A_749 : vector<1x1x16xf32> to vector<16xf32>
      %bitcast_convert_type3A_751 = tpu.bitcast %get3A_742 : vector<16xf32> -> vector<16xi32>
      %add3A_752 = arith.constant 32768 : i32
      %add3A_753 = vector.broadcast %add3A_752 : i32 to vector<16xi32>
      %add3A_754 = arith.addi %bitcast_convert_type3A_751, %add3A_753 : vector<16xi32>
      %bitcast_convert_type3A_755 = tpu.bitcast %get3A_750 : vector<16xf32> -> vector<16xi32>
      %add3A_756 = arith.constant 32768 : i32
      %add3A_757 = vector.broadcast %add3A_756 : i32 to vector<16xi32>
      %add3A_758 = arith.addi %bitcast_convert_type3A_755, %add3A_757 : vector<16xi32>
      %shift_right_logical3A_759 = arith.constant 16 : i32
      %shift_right_logical3A_760 = vector.broadcast %shift_right_logical3A_759 : i32 to vector<16xi32>
      %shift_right_logical3A_761 = arith.shrui %add3A_754, %shift_right_logical3A_760 : vector<16xi32>
      %and3A_762 = arith.constant -65536 : i32
      %and3A_763 = vector.broadcast %and3A_762 : i32 to vector<16xi32>
      %and3A_764 = arith.andi %add3A_758, %and3A_763 : vector<16xi32>
      %or3A_765 = arith.ori %shift_right_logical3A_761, %and3A_764 : vector<16xi32>
      %swap3A_766 = arith.constant 0 : i32
      %swap3A_767 = arith.index_cast %swap3A_766 : i32 to index
      %swap3A_768 = arith.index_cast %scan3A_490 : i32 to index
      %swap3A_769 = arith.constant 112 : index
      %swap3A_770 = tpu.vector_load %arg7[%swap3A_767, %swap3A_768, %swap3A_769] {strides = array<i32>} : memref<2x128x128xi32, #tpu.memory_space<vmem>>, vector<1x1x16xi32>,
      %swap3A_771 = vector.shape_cast %swap3A_770 : vector<1x1x16xi32> to vector<16xi32>
      %swap3A_772 = vector.shape_cast %or3A_765 : vector<16xi32> to vector<1x1x16xi32>
      tpu.vector_store %arg7[%swap3A_767, %swap3A_768, %swap3A_769], %swap3A_772 {strides = array<i32>} : memref<2x128x128xi32, #tpu.memory_space<vmem>>, vector<1x1x16xi32>,
    }
    %scan3A_134 = arith.constant 128 : i32
    %add3A_135 = arith.constant 256 : i32
    %add3A_136 = arith.addi %mul3A_4, %add3A_135 : i32
    %dma_start3A_137 = arith.constant 0 : i32
    %dma_start3A_138 = arith.constant 0 : i32
    %dma_start3A_139 = arith.constant 0 : i32
    %dma_start3A_140 = tpu.memref_slice %arg7[%dma_start3A_137, %dma_start3A_138, %dma_start3A_139] : memref<2x128x128xi32, #tpu.memory_space<vmem>> -> memref<1x128x128xi32, #tpu.memory_space<vmem>>
    %dma_start3A_141 = tpu.memref_squeeze %dma_start3A_140 : memref<1x128x128xi32, #tpu.memory_space<vmem>> -> memref<128x128xi32, #tpu.memory_space<vmem>>
    %dma_start3A_142 = arith.constant 0 : i32
    %dma_start3A_143 = tpu.memref_slice %arg4[%add3A_136, %dma_start3A_142] : memref<36864x128xi32, #tpu.memory_space<hbm>> -> memref<128x128xi32, #tpu.memory_space<hbm>>
    %dma_start3A_144 = arith.constant 0 : i32
    %dma_start3A_145 = tpu.memref_slice %arg4[%add3A_136, %dma_start3A_144] : memref<36864x128xi32, #tpu.memory_space<hbm>> -> memref<128x128xi32, #tpu.memory_space<hbm>>
    %dma_start3A_146 = arith.constant 0 : i32
    %dma_start3A_147 = arith.constant 0 : i32
    %dma_start3A_148 = tpu.memref_slice %arg7[%dma_start3A_137, %dma_start3A_146, %dma_start3A_147] : memref<2x128x128xi32, #tpu.memory_space<vmem>> -> memref<1x128x128xi32, #tpu.memory_space<vmem>>
    %dma_start3A_149 = tpu.memref_squeeze %dma_start3A_148 : memref<1x128x128xi32, #tpu.memory_space<vmem>> -> memref<128x128xi32, #tpu.memory_space<vmem>>
    tpu.enqueue_dma source(%dma_start3A_149 : memref<128x128xi32, #tpu.memory_space<vmem>>) target(%dma_start3A_145 : memref<128x128xi32, #tpu.memory_space<hbm>>) target_semaphore(%arg10 : memref<!tpu.dma_semaphore, #tpu.memory_space<semaphore_mem>>)
    %dma_start3A_150 = arith.constant 0 : i32
    %dma_start3A_151 = arith.constant 0 : i32
    %dma_start3A_152 = arith.constant 0 : i32
    %dma_start3A_153 = tpu.memref_slice %arg6[%dma_start3A_150, %dma_start3A_151, %dma_start3A_152] : memref<2x256x128xf32, #tpu.memory_space<vmem>> -> memref<1x256x128xf32, #tpu.memory_space<vmem>>
    %dma_start3A_154 = tpu.memref_squeeze %dma_start3A_153 : memref<1x256x128xf32, #tpu.memory_space<vmem>> -> memref<256x128xf32, #tpu.memory_space<vmem>>
    %dma_start3A_155 = arith.constant 1024 : i32
    %dma_start3A_156 = tpu.memref_slice %arg5[%dma_start3A_155] : memref<2304xi32, #tpu.memory_space<vmem>> -> memref<256xi32, #tpu.memory_space<vmem>>
    %dma_start3A_157 = arith.constant 0 : i32
    %dma_start3A_158 = arith.constant 0 : i32
    %dma_start3A_159 = tpu.memref_slice %arg2[%dma_start3A_157, %dma_start3A_158] : memref<1000000x128xf32, #tpu.memory_space<hbm>> -> memref<1000000x128xf32, #tpu.memory_space<hbm>>
    tpu.enqueue_indirect_dma source(%dma_start3A_159 : memref<1000000x128xf32, #tpu.memory_space<hbm>>) target(%dma_start3A_154 : memref<256x128xf32, #tpu.memory_space<vmem>>) offsets(%dma_start3A_156 : memref<256xi32, #tpu.memory_space<vmem>>) semaphore(%arg8 : memref<!tpu.dma_semaphore, #tpu.memory_space<semaphore_mem>>)
    %dma_wait3A_160 = arith.constant 1 : i32
    %dma_wait3A_161 = arith.constant 0 : i32
    %dma_wait3A_162 = arith.constant 0 : i32
    %dma_wait3A_163 = tpu.memref_slice %arg6[%dma_wait3A_160, %dma_wait3A_161, %dma_wait3A_162] : memref<2x256x128xf32, #tpu.memory_space<vmem>> -> memref<1x256x128xf32, #tpu.memory_space<vmem>>
    %dma_wait3A_164 = tpu.memref_squeeze %dma_wait3A_163 : memref<1x256x128xf32, #tpu.memory_space<vmem>> -> memref<256x128xf32, #tpu.memory_space<vmem>>
    %dma_wait3A_165 = arith.constant 768 : i32
    %dma_wait3A_166 = tpu.memref_slice %arg5[%dma_wait3A_165] : memref<2304xi32, #tpu.memory_space<vmem>> -> memref<256xi32, #tpu.memory_space<vmem>>
    %dma_wait3A_167 = arith.constant 0 : i32
    %dma_wait3A_168 = arith.constant 0 : i32
    %dma_wait3A_169 = tpu.memref_slice %arg2[%dma_wait3A_167, %dma_wait3A_168] : memref<1000000x128xf32, #tpu.memory_space<hbm>> -> memref<1000000x128xf32, #tpu.memory_space<hbm>>
    tpu.wait_indirect_dma semaphore(%arg9 : memref<!tpu.dma_semaphore, #tpu.memory_space<semaphore_mem>>) src(%dma_wait3A_169 : memref<1000000x128xf32, #tpu.memory_space<hbm>>) dst(%dma_wait3A_164 : memref<256x128xf32, #tpu.memory_space<vmem>>)
    %dma_wait3A_170 = arith.constant 1 : i32
    %dma_wait3A_171 = arith.constant 0 : i32
    %dma_wait3A_172 = arith.constant 0 : i32
    %dma_wait3A_173 = tpu.memref_slice %arg7[%dma_wait3A_170, %dma_wait3A_171, %dma_wait3A_172] : memref<2x128x128xi32, #tpu.memory_space<vmem>> -> memref<1x128x128xi32, #tpu.memory_space<vmem>>
    %dma_wait3A_174 = tpu.memref_squeeze %dma_wait3A_173 : memref<1x128x128xi32, #tpu.memory_space<vmem>> -> memref<128x128xi32, #tpu.memory_space<vmem>>
    %dma_wait3A_175 = arith.constant 0 : i32
    %dma_wait3A_176 = tpu.memref_slice %arg4[%add3A_82, %dma_wait3A_175] : memref<36864x128xi32, #tpu.memory_space<hbm>> -> memref<128x128xi32, #tpu.memory_space<hbm>>
    %dma_wait3A_177 = arith.constant 0 : i32
    %dma_wait3A_178 = tpu.memref_slice %arg4[%add3A_82, %dma_wait3A_177] : memref<36864x128xi32, #tpu.memory_space<hbm>> -> memref<128x128xi32, #tpu.memory_space<hbm>>
    %dma_wait3A_179 = arith.constant 0 : i32
    %dma_wait3A_180 = arith.constant 0 : i32
    %dma_wait3A_181 = tpu.memref_slice %arg7[%dma_wait3A_170, %dma_wait3A_179, %dma_wait3A_180] : memref<2x128x128xi32, #tpu.memory_space<vmem>> -> memref<1x128x128xi32, #tpu.memory_space<vmem>>
    %dma_wait3A_182 = tpu.memref_squeeze %dma_wait3A_181 : memref<1x128x128xi32, #tpu.memory_space<vmem>> -> memref<128x128xi32, #tpu.memory_space<vmem>>
    tpu.wait_dma2 semaphore(%arg11 : memref<!tpu.dma_semaphore, #tpu.memory_space<semaphore_mem>>) src(%dma_wait3A_182 : memref<128x128xi32, #tpu.memory_space<vmem>>) dst(%dma_wait3A_178 : memref<128x128xi32, #tpu.memory_space<hbm>>)
    %scan3A_183 = arith.constant 0 : i32
    %scan3A_184 = arith.constant 0 : i32
    %scan3A_185 = arith.constant 128 : i32
    %scan3A_186 = arith.addi %scan3A_184, %scan3A_185 : i32
    %scan3A_187 = arith.constant 1 : i32
    scf.for %scan3A_490 = %scan3A_184 to %scan3A_186 step %scan3A_187  : i32 {
      %get3A = arith.constant 1 : i32
      %get3A_491 = arith.index_cast %get3A : i32 to index
      %get3A_492 = arith.index_cast %scan3A_490 : i32 to index
      %get3A_493 = arith.constant 0 : index
      %get3A_494 = tpu.vector_load %arg6[%get3A_491, %get3A_492, %get3A_493] {strides = array<i32>} : memref<2x256x128xf32, #tpu.memory_space<vmem>>, vector<1x1x16xf32>,
      %get3A_495 = vector.shape_cast %get3A_494 : vector<1x1x16xf32> to vector<16xf32>
      %add3A_496 = arith.constant 128 : i32
      %add3A_497 = arith.addi %scan3A_490, %add3A_496 : i32
      %get3A_498 = arith.constant 1 : i32
      %get3A_499 = arith.index_cast %get3A_498 : i32 to index
      %get3A_500 = arith.index_cast %add3A_497 : i32 to index
      %get3A_501 = arith.constant 0 : index
      %get3A_502 = tpu.vector_load %arg6[%get3A_499, %get3A_500, %get3A_501] {strides = array<i32>} : memref<2x256x128xf32, #tpu.memory_space<vmem>>, vector<1x1x16xf32>,
      %get3A_503 = vector.shape_cast %get3A_502 : vector<1x1x16xf32> to vector<16xf32>
      %bitcast_convert_type3A = tpu.bitcast %get3A_495 : vector<16xf32> -> vector<16xi32>
      %add3A_504 = arith.constant 32768 : i32
      %add3A_505 = vector.broadcast %add3A_504 : i32 to vector<16xi32>
      %add3A_506 = arith.addi %bitcast_convert_type3A, %add3A_505 : vector<16xi32>
      %bitcast_convert_type3A_507 = tpu.bitcast %get3A_503 : vector<16xf32> -> vector<16xi32>
      %add3A_508 = arith.constant 32768 : i32
      %add3A_509 = vector.broadcast %add3A_508 : i32 to vector<16xi32>
      %add3A_510 = arith.addi %bitcast_convert_type3A_507, %add3A_509 : vector<16xi32>
      %shift_right_logical3A = arith.constant 16 : i32
      %shift_right_logical3A_511 = vector.broadcast %shift_right_logical3A : i32 to vector<16xi32>
      %shift_right_logical3A_512 = arith.shrui %add3A_506, %shift_right_logical3A_511 : vector<16xi32>
      %and3A = arith.constant -65536 : i32
      %and3A_513 = vector.broadcast %and3A : i32 to vector<16xi32>
      %and3A_514 = arith.andi %add3A_510, %and3A_513 : vector<16xi32>
      %or3A = arith.ori %shift_right_logical3A_512, %and3A_514 : vector<16xi32>
      %swap3A = arith.constant 1 : i32
      %swap3A_515 = arith.index_cast %swap3A : i32 to index
      %swap3A_516 = arith.index_cast %scan3A_490 : i32 to index
      %swap3A_517 = arith.constant 0 : index
      %swap3A_518 = tpu.vector_load %arg7[%swap3A_515, %swap3A_516, %swap3A_517] {strides = array<i32>} : memref<2x128x128xi32, #tpu.memory_space<vmem>>, vector<1x1x16xi32>,
      %swap3A_519 = vector.shape_cast %swap3A_518 : vector<1x1x16xi32> to vector<16xi32>
      %swap3A_520 = vector.shape_cast %or3A : vector<16xi32> to vector<1x1x16xi32>
      tpu.vector_store %arg7[%swap3A_515, %swap3A_516, %swap3A_517], %swap3A_520 {strides = array<i32>} : memref<2x128x128xi32, #tpu.memory_space<vmem>>, vector<1x1x16xi32>,
      %get3A_521 = arith.constant 1 : i32
      %get3A_522 = arith.index_cast %get3A_521 : i32 to index
      %get3A_523 = arith.index_cast %scan3A_490 : i32 to index
      %get3A_524 = arith.constant 16 : index
      %get3A_525 = tpu.vector_load %arg6[%get3A_522, %get3A_523, %get3A_524] {strides = array<i32>} : memref<2x256x128xf32, #tpu.memory_space<vmem>>, vector<1x1x16xf32>,
      %get3A_526 = vector.shape_cast %get3A_525 : vector<1x1x16xf32> to vector<16xf32>
      %add3A_527 = arith.constant 128 : i32
      %add3A_528 = arith.addi %scan3A_490, %add3A_527 : i32
      %get3A_529 = arith.constant 1 : i32
      %get3A_530 = arith.index_cast %get3A_529 : i32 to index
      %get3A_531 = arith.index_cast %add3A_528 : i32 to index
      %get3A_532 = arith.constant 16 : index
      %get3A_533 = tpu.vector_load %arg6[%get3A_530, %get3A_531, %get3A_532] {strides = array<i32>} : memref<2x256x128xf32, #tpu.memory_space<vmem>>, vector<1x1x16xf32>,
      %get3A_534 = vector.shape_cast %get3A_533 : vector<1x1x16xf32> to vector<16xf32>
      %bitcast_convert_type3A_535 = tpu.bitcast %get3A_526 : vector<16xf32> -> vector<16xi32>
      %add3A_536 = arith.constant 32768 : i32
      %add3A_537 = vector.broadcast %add3A_536 : i32 to vector<16xi32>
      %add3A_538 = arith.addi %bitcast_convert_type3A_535, %add3A_537 : vector<16xi32>
      %bitcast_convert_type3A_539 = tpu.bitcast %get3A_534 : vector<16xf32> -> vector<16xi32>
      %add3A_540 = arith.constant 32768 : i32
      %add3A_541 = vector.broadcast %add3A_540 : i32 to vector<16xi32>
      %add3A_542 = arith.addi %bitcast_convert_type3A_539, %add3A_541 : vector<16xi32>
      %shift_right_logical3A_543 = arith.constant 16 : i32
      %shift_right_logical3A_544 = vector.broadcast %shift_right_logical3A_543 : i32 to vector<16xi32>
      %shift_right_logical3A_545 = arith.shrui %add3A_538, %shift_right_logical3A_544 : vector<16xi32>
      %and3A_546 = arith.constant -65536 : i32
      %and3A_547 = vector.broadcast %and3A_546 : i32 to vector<16xi32>
      %and3A_548 = arith.andi %add3A_542, %and3A_547 : vector<16xi32>
      %or3A_549 = arith.ori %shift_right_logical3A_545, %and3A_548 : vector<16xi32>
      %swap3A_550 = arith.constant 1 : i32
      %swap3A_551 = arith.index_cast %swap3A_550 : i32 to index
      %swap3A_552 = arith.index_cast %scan3A_490 : i32 to index
      %swap3A_553 = arith.constant 16 : index
      %swap3A_554 = tpu.vector_load %arg7[%swap3A_551, %swap3A_552, %swap3A_553] {strides = array<i32>} : memref<2x128x128xi32, #tpu.memory_space<vmem>>, vector<1x1x16xi32>,
      %swap3A_555 = vector.shape_cast %swap3A_554 : vector<1x1x16xi32> to vector<16xi32>
      %swap3A_556 = vector.shape_cast %or3A_549 : vector<16xi32> to vector<1x1x16xi32>
      tpu.vector_store %arg7[%swap3A_551, %swap3A_552, %swap3A_553], %swap3A_556 {strides = array<i32>} : memref<2x128x128xi32, #tpu.memory_space<vmem>>, vector<1x1x16xi32>,
      %get3A_557 = arith.constant 1 : i32
      %get3A_558 = arith.index_cast %get3A_557 : i32 to index
      %get3A_559 = arith.index_cast %scan3A_490 : i32 to index
      %get3A_560 = arith.constant 32 : index
      %get3A_561 = tpu.vector_load %arg6[%get3A_558, %get3A_559, %get3A_560] {strides = array<i32>} : memref<2x256x128xf32, #tpu.memory_space<vmem>>, vector<1x1x16xf32>,
      %get3A_562 = vector.shape_cast %get3A_561 : vector<1x1x16xf32> to vector<16xf32>
      %add3A_563 = arith.constant 128 : i32
      %add3A_564 = arith.addi %scan3A_490, %add3A_563 : i32
      %get3A_565 = arith.constant 1 : i32
      %get3A_566 = arith.index_cast %get3A_565 : i32 to index
      %get3A_567 = arith.index_cast %add3A_564 : i32 to index
      %get3A_568 = arith.constant 32 : index
      %get3A_569 = tpu.vector_load %arg6[%get3A_566, %get3A_567, %get3A_568] {strides = array<i32>} : memref<2x256x128xf32, #tpu.memory_space<vmem>>, vector<1x1x16xf32>,
      %get3A_570 = vector.shape_cast %get3A_569 : vector<1x1x16xf32> to vector<16xf32>
      %bitcast_convert_type3A_571 = tpu.bitcast %get3A_562 : vector<16xf32> -> vector<16xi32>
      %add3A_572 = arith.constant 32768 : i32
      %add3A_573 = vector.broadcast %add3A_572 : i32 to vector<16xi32>
      %add3A_574 = arith.addi %bitcast_convert_type3A_571, %add3A_573 : vector<16xi32>
      %bitcast_convert_type3A_575 = tpu.bitcast %get3A_570 : vector<16xf32> -> vector<16xi32>
      %add3A_576 = arith.constant 32768 : i32
      %add3A_577 = vector.broadcast %add3A_576 : i32 to vector<16xi32>
      %add3A_578 = arith.addi %bitcast_convert_type3A_575, %add3A_577 : vector<16xi32>
      %shift_right_logical3A_579 = arith.constant 16 : i32
      %shift_right_logical3A_580 = vector.broadcast %shift_right_logical3A_579 : i32 to vector<16xi32>
      %shift_right_logical3A_581 = arith.shrui %add3A_574, %shift_right_logical3A_580 : vector<16xi32>
      %and3A_582 = arith.constant -65536 : i32
      %and3A_583 = vector.broadcast %and3A_582 : i32 to vector<16xi32>
      %and3A_584 = arith.andi %add3A_578, %and3A_583 : vector<16xi32>
      %or3A_585 = arith.ori %shift_right_logical3A_581, %and3A_584 : vector<16xi32>
      %swap3A_586 = arith.constant 1 : i32
      %swap3A_587 = arith.index_cast %swap3A_586 : i32 to index
      %swap3A_588 = arith.index_cast %scan3A_490 : i32 to index
      %swap3A_589 = arith.constant 32 : index
      %swap3A_590 = tpu.vector_load %arg7[%swap3A_587, %swap3A_588, %swap3A_589] {strides = array<i32>} : memref<2x128x128xi32, #tpu.memory_space<vmem>>, vector<1x1x16xi32>,
      %swap3A_591 = vector.shape_cast %swap3A_590 : vector<1x1x16xi32> to vector<16xi32>
      %swap3A_592 = vector.shape_cast %or3A_585 : vector<16xi32> to vector<1x1x16xi32>
      tpu.vector_store %arg7[%swap3A_587, %swap3A_588, %swap3A_589], %swap3A_592 {strides = array<i32>} : memref<2x128x128xi32, #tpu.memory_space<vmem>>, vector<1x1x16xi32>,
      %get3A_593 = arith.constant 1 : i32
      %get3A_594 = arith.index_cast %get3A_593 : i32 to index
      %get3A_595 = arith.index_cast %scan3A_490 : i32 to index
      %get3A_596 = arith.constant 48 : index
      %get3A_597 = tpu.vector_load %arg6[%get3A_594, %get3A_595, %get3A_596] {strides = array<i32>} : memref<2x256x128xf32, #tpu.memory_space<vmem>>, vector<1x1x16xf32>,
      %get3A_598 = vector.shape_cast %get3A_597 : vector<1x1x16xf32> to vector<16xf32>
      %add3A_599 = arith.constant 128 : i32
      %add3A_600 = arith.addi %scan3A_490, %add3A_599 : i32
      %get3A_601 = arith.constant 1 : i32
      %get3A_602 = arith.index_cast %get3A_601 : i32 to index
      %get3A_603 = arith.index_cast %add3A_600 : i32 to index
      %get3A_604 = arith.constant 48 : index
      %get3A_605 = tpu.vector_load %arg6[%get3A_602, %get3A_603, %get3A_604] {strides = array<i32>} : memref<2x256x128xf32, #tpu.memory_space<vmem>>, vector<1x1x16xf32>,
      %get3A_606 = vector.shape_cast %get3A_605 : vector<1x1x16xf32> to vector<16xf32>
      %bitcast_convert_type3A_607 = tpu.bitcast %get3A_598 : vector<16xf32> -> vector<16xi32>
      %add3A_608 = arith.constant 32768 : i32
      %add3A_609 = vector.broadcast %add3A_608 : i32 to vector<16xi32>
      %add3A_610 = arith.addi %bitcast_convert_type3A_607, %add3A_609 : vector<16xi32>
      %bitcast_convert_type3A_611 = tpu.bitcast %get3A_606 : vector<16xf32> -> vector<16xi32>
      %add3A_612 = arith.constant 32768 : i32
      %add3A_613 = vector.broadcast %add3A_612 : i32 to vector<16xi32>
      %add3A_614 = arith.addi %bitcast_convert_type3A_611, %add3A_613 : vector<16xi32>
      %shift_right_logical3A_615 = arith.constant 16 : i32
      %shift_right_logical3A_616 = vector.broadcast %shift_right_logical3A_615 : i32 to vector<16xi32>
      %shift_right_logical3A_617 = arith.shrui %add3A_610, %shift_right_logical3A_616 : vector<16xi32>
      %and3A_618 = arith.constant -65536 : i32
      %and3A_619 = vector.broadcast %and3A_618 : i32 to vector<16xi32>
      %and3A_620 = arith.andi %add3A_614, %and3A_619 : vector<16xi32>
      %or3A_621 = arith.ori %shift_right_logical3A_617, %and3A_620 : vector<16xi32>
      %swap3A_622 = arith.constant 1 : i32
      %swap3A_623 = arith.index_cast %swap3A_622 : i32 to index
      %swap3A_624 = arith.index_cast %scan3A_490 : i32 to index
      %swap3A_625 = arith.constant 48 : index
      %swap3A_626 = tpu.vector_load %arg7[%swap3A_623, %swap3A_624, %swap3A_625] {strides = array<i32>} : memref<2x128x128xi32, #tpu.memory_space<vmem>>, vector<1x1x16xi32>,
      %swap3A_627 = vector.shape_cast %swap3A_626 : vector<1x1x16xi32> to vector<16xi32>
      %swap3A_628 = vector.shape_cast %or3A_621 : vector<16xi32> to vector<1x1x16xi32>
      tpu.vector_store %arg7[%swap3A_623, %swap3A_624, %swap3A_625], %swap3A_628 {strides = array<i32>} : memref<2x128x128xi32, #tpu.memory_space<vmem>>, vector<1x1x16xi32>,
      %get3A_629 = arith.constant 1 : i32
      %get3A_630 = arith.index_cast %get3A_629 : i32 to index
      %get3A_631 = arith.index_cast %scan3A_490 : i32 to index
      %get3A_632 = arith.constant 64 : index
      %get3A_633 = tpu.vector_load %arg6[%get3A_630, %get3A_631, %get3A_632] {strides = array<i32>} : memref<2x256x128xf32, #tpu.memory_space<vmem>>, vector<1x1x16xf32>,
      %get3A_634 = vector.shape_cast %get3A_633 : vector<1x1x16xf32> to vector<16xf32>
      %add3A_635 = arith.constant 128 : i32
      %add3A_636 = arith.addi %scan3A_490, %add3A_635 : i32
      %get3A_637 = arith.constant 1 : i32
      %get3A_638 = arith.index_cast %get3A_637 : i32 to index
      %get3A_639 = arith.index_cast %add3A_636 : i32 to index
      %get3A_640 = arith.constant 64 : index
      %get3A_641 = tpu.vector_load %arg6[%get3A_638, %get3A_639, %get3A_640] {strides = array<i32>} : memref<2x256x128xf32, #tpu.memory_space<vmem>>, vector<1x1x16xf32>,
      %get3A_642 = vector.shape_cast %get3A_641 : vector<1x1x16xf32> to vector<16xf32>
      %bitcast_convert_type3A_643 = tpu.bitcast %get3A_634 : vector<16xf32> -> vector<16xi32>
      %add3A_644 = arith.constant 32768 : i32
      %add3A_645 = vector.broadcast %add3A_644 : i32 to vector<16xi32>
      %add3A_646 = arith.addi %bitcast_convert_type3A_643, %add3A_645 : vector<16xi32>
      %bitcast_convert_type3A_647 = tpu.bitcast %get3A_642 : vector<16xf32> -> vector<16xi32>
      %add3A_648 = arith.constant 32768 : i32
      %add3A_649 = vector.broadcast %add3A_648 : i32 to vector<16xi32>
      %add3A_650 = arith.addi %bitcast_convert_type3A_647, %add3A_649 : vector<16xi32>
      %shift_right_logical3A_651 = arith.constant 16 : i32
      %shift_right_logical3A_652 = vector.broadcast %shift_right_logical3A_651 : i32 to vector<16xi32>
      %shift_right_logical3A_653 = arith.shrui %add3A_646, %shift_right_logical3A_652 : vector<16xi32>
      %and3A_654 = arith.constant -65536 : i32
      %and3A_655 = vector.broadcast %and3A_654 : i32 to vector<16xi32>
      %and3A_656 = arith.andi %add3A_650, %and3A_655 : vector<16xi32>
      %or3A_657 = arith.ori %shift_right_logical3A_653, %and3A_656 : vector<16xi32>
      %swap3A_658 = arith.constant 1 : i32
      %swap3A_659 = arith.index_cast %swap3A_658 : i32 to index
      %swap3A_660 = arith.index_cast %scan3A_490 : i32 to index
      %swap3A_661 = arith.constant 64 : index
      %swap3A_662 = tpu.vector_load %arg7[%swap3A_659, %swap3A_660, %swap3A_661] {strides = array<i32>} : memref<2x128x128xi32, #tpu.memory_space<vmem>>, vector<1x1x16xi32>,
      %swap3A_663 = vector.shape_cast %swap3A_662 : vector<1x1x16xi32> to vector<16xi32>
      %swap3A_664 = vector.shape_cast %or3A_657 : vector<16xi32> to vector<1x1x16xi32>
      tpu.vector_store %arg7[%swap3A_659, %swap3A_660, %swap3A_661], %swap3A_664 {strides = array<i32>} : memref<2x128x128xi32, #tpu.memory_space<vmem>>, vector<1x1x16xi32>,
      %get3A_665 = arith.constant 1 : i32
      %get3A_666 = arith.index_cast %get3A_665 : i32 to index
      %get3A_667 = arith.index_cast %scan3A_490 : i32 to index
      %get3A_668 = arith.constant 80 : index
      %get3A_669 = tpu.vector_load %arg6[%get3A_666, %get3A_667, %get3A_668] {strides = array<i32>} : memref<2x256x128xf32, #tpu.memory_space<vmem>>, vector<1x1x16xf32>,
      %get3A_670 = vector.shape_cast %get3A_669 : vector<1x1x16xf32> to vector<16xf32>
      %add3A_671 = arith.constant 128 : i32
      %add3A_672 = arith.addi %scan3A_490, %add3A_671 : i32
      %get3A_673 = arith.constant 1 : i32
      %get3A_674 = arith.index_cast %get3A_673 : i32 to index
      %get3A_675 = arith.index_cast %add3A_672 : i32 to index
      %get3A_676 = arith.constant 80 : index
      %get3A_677 = tpu.vector_load %arg6[%get3A_674, %get3A_675, %get3A_676] {strides = array<i32>} : memref<2x256x128xf32, #tpu.memory_space<vmem>>, vector<1x1x16xf32>,
      %get3A_678 = vector.shape_cast %get3A_677 : vector<1x1x16xf32> to vector<16xf32>
      %bitcast_convert_type3A_679 = tpu.bitcast %get3A_670 : vector<16xf32> -> vector<16xi32>
      %add3A_680 = arith.constant 32768 : i32
      %add3A_681 = vector.broadcast %add3A_680 : i32 to vector<16xi32>
      %add3A_682 = arith.addi %bitcast_convert_type3A_679, %add3A_681 : vector<16xi32>
      %bitcast_convert_type3A_683 = tpu.bitcast %get3A_678 : vector<16xf32> -> vector<16xi32>
      %add3A_684 = arith.constant 32768 : i32
      %add3A_685 = vector.broadcast %add3A_684 : i32 to vector<16xi32>
      %add3A_686 = arith.addi %bitcast_convert_type3A_683, %add3A_685 : vector<16xi32>
      %shift_right_logical3A_687 = arith.constant 16 : i32
      %shift_right_logical3A_688 = vector.broadcast %shift_right_logical3A_687 : i32 to vector<16xi32>
      %shift_right_logical3A_689 = arith.shrui %add3A_682, %shift_right_logical3A_688 : vector<16xi32>
      %and3A_690 = arith.constant -65536 : i32
      %and3A_691 = vector.broadcast %and3A_690 : i32 to vector<16xi32>
      %and3A_692 = arith.andi %add3A_686, %and3A_691 : vector<16xi32>
      %or3A_693 = arith.ori %shift_right_logical3A_689, %and3A_692 : vector<16xi32>
      %swap3A_694 = arith.constant 1 : i32
      %swap3A_695 = arith.index_cast %swap3A_694 : i32 to index
      %swap3A_696 = arith.index_cast %scan3A_490 : i32 to index
      %swap3A_697 = arith.constant 80 : index
      %swap3A_698 = tpu.vector_load %arg7[%swap3A_695, %swap3A_696, %swap3A_697] {strides = array<i32>} : memref<2x128x128xi32, #tpu.memory_space<vmem>>, vector<1x1x16xi32>,
      %swap3A_699 = vector.shape_cast %swap3A_698 : vector<1x1x16xi32> to vector<16xi32>
      %swap3A_700 = vector.shape_cast %or3A_693 : vector<16xi32> to vector<1x1x16xi32>
      tpu.vector_store %arg7[%swap3A_695, %swap3A_696, %swap3A_697], %swap3A_700 {strides = array<i32>} : memref<2x128x128xi32, #tpu.memory_space<vmem>>, vector<1x1x16xi32>,
      %get3A_701 = arith.constant 1 : i32
      %get3A_702 = arith.index_cast %get3A_701 : i32 to index
      %get3A_703 = arith.index_cast %scan3A_490 : i32 to index
      %get3A_704 = arith.constant 96 : index
      %get3A_705 = tpu.vector_load %arg6[%get3A_702, %get3A_703, %get3A_704] {strides = array<i32>} : memref<2x256x128xf32, #tpu.memory_space<vmem>>, vector<1x1x16xf32>,
      %get3A_706 = vector.shape_cast %get3A_705 : vector<1x1x16xf32> to vector<16xf32>
      %add3A_707 = arith.constant 128 : i32
      %add3A_708 = arith.addi %scan3A_490, %add3A_707 : i32
      %get3A_709 = arith.constant 1 : i32
      %get3A_710 = arith.index_cast %get3A_709 : i32 to index
      %get3A_711 = arith.index_cast %add3A_708 : i32 to index
      %get3A_712 = arith.constant 96 : index
      %get3A_713 = tpu.vector_load %arg6[%get3A_710, %get3A_711, %get3A_712] {strides = array<i32>} : memref<2x256x128xf32, #tpu.memory_space<vmem>>, vector<1x1x16xf32>,
      %get3A_714 = vector.shape_cast %get3A_713 : vector<1x1x16xf32> to vector<16xf32>
      %bitcast_convert_type3A_715 = tpu.bitcast %get3A_706 : vector<16xf32> -> vector<16xi32>
      %add3A_716 = arith.constant 32768 : i32
      %add3A_717 = vector.broadcast %add3A_716 : i32 to vector<16xi32>
      %add3A_718 = arith.addi %bitcast_convert_type3A_715, %add3A_717 : vector<16xi32>
      %bitcast_convert_type3A_719 = tpu.bitcast %get3A_714 : vector<16xf32> -> vector<16xi32>
      %add3A_720 = arith.constant 32768 : i32
      %add3A_721 = vector.broadcast %add3A_720 : i32 to vector<16xi32>
      %add3A_722 = arith.addi %bitcast_convert_type3A_719, %add3A_721 : vector<16xi32>
      %shift_right_logical3A_723 = arith.constant 16 : i32
      %shift_right_logical3A_724 = vector.broadcast %shift_right_logical3A_723 : i32 to vector<16xi32>
      %shift_right_logical3A_725 = arith.shrui %add3A_718, %shift_right_logical3A_724 : vector<16xi32>
      %and3A_726 = arith.constant -65536 : i32
      %and3A_727 = vector.broadcast %and3A_726 : i32 to vector<16xi32>
      %and3A_728 = arith.andi %add3A_722, %and3A_727 : vector<16xi32>
      %or3A_729 = arith.ori %shift_right_logical3A_725, %and3A_728 : vector<16xi32>
      %swap3A_730 = arith.constant 1 : i32
      %swap3A_731 = arith.index_cast %swap3A_730 : i32 to index
      %swap3A_732 = arith.index_cast %scan3A_490 : i32 to index
      %swap3A_733 = arith.constant 96 : index
      %swap3A_734 = tpu.vector_load %arg7[%swap3A_731, %swap3A_732, %swap3A_733] {strides = array<i32>} : memref<2x128x128xi32, #tpu.memory_space<vmem>>, vector<1x1x16xi32>,
      %swap3A_735 = vector.shape_cast %swap3A_734 : vector<1x1x16xi32> to vector<16xi32>
      %swap3A_736 = vector.shape_cast %or3A_729 : vector<16xi32> to vector<1x1x16xi32>
      tpu.vector_store %arg7[%swap3A_731, %swap3A_732, %swap3A_733], %swap3A_736 {strides = array<i32>} : memref<2x128x128xi32, #tpu.memory_space<vmem>>, vector<1x1x16xi32>,
      %get3A_737 = arith.constant 1 : i32
      %get3A_738 = arith.index_cast %get3A_737 : i32 to index
      %get3A_739 = arith.index_cast %scan3A_490 : i32 to index
      %get3A_740 = arith.constant 112 : index
      %get3A_741 = tpu.vector_load %arg6[%get3A_738, %get3A_739, %get3A_740] {strides = array<i32>} : memref<2x256x128xf32, #tpu.memory_space<vmem>>, vector<1x1x16xf32>,
      %get3A_742 = vector.shape_cast %get3A_741 : vector<1x1x16xf32> to vector<16xf32>
      %add3A_743 = arith.constant 128 : i32
      %add3A_744 = arith.addi %scan3A_490, %add3A_743 : i32
      %get3A_745 = arith.constant 1 : i32
      %get3A_746 = arith.index_cast %get3A_745 : i32 to index
      %get3A_747 = arith.index_cast %add3A_744 : i32 to index
      %get3A_748 = arith.constant 112 : index
      %get3A_749 = tpu.vector_load %arg6[%get3A_746, %get3A_747, %get3A_748] {strides = array<i32>} : memref<2x256x128xf32, #tpu.memory_space<vmem>>, vector<1x1x16xf32>,
      %get3A_750 = vector.shape_cast %get3A_749 : vector<1x1x16xf32> to vector<16xf32>
      %bitcast_convert_type3A_751 = tpu.bitcast %get3A_742 : vector<16xf32> -> vector<16xi32>
      %add3A_752 = arith.constant 32768 : i32
      %add3A_753 = vector.broadcast %add3A_752 : i32 to vector<16xi32>
      %add3A_754 = arith.addi %bitcast_convert_type3A_751, %add3A_753 : vector<16xi32>
      %bitcast_convert_type3A_755 = tpu.bitcast %get3A_750 : vector<16xf32> -> vector<16xi32>
      %add3A_756 = arith.constant 32768 : i32
      %add3A_757 = vector.broadcast %add3A_756 : i32 to vector<16xi32>
      %add3A_758 = arith.addi %bitcast_convert_type3A_755, %add3A_757 : vector<16xi32>
      %shift_right_logical3A_759 = arith.constant 16 : i32
      %shift_right_logical3A_760 = vector.broadcast %shift_right_logical3A_759 : i32 to vector<16xi32>
      %shift_right_logical3A_761 = arith.shrui %add3A_754, %shift_right_logical3A_760 : vector<16xi32>
      %and3A_762 = arith.constant -65536 : i32
      %and3A_763 = vector.broadcast %and3A_762 : i32 to vector<16xi32>
      %and3A_764 = arith.andi %add3A_758, %and3A_763 : vector<16xi32>
      %or3A_765 = arith.ori %shift_right_logical3A_761, %and3A_764 : vector<16xi32>
      %swap3A_766 = arith.constant 1 : i32
      %swap3A_767 = arith.index_cast %swap3A_766 : i32 to index
      %swap3A_768 = arith.index_cast %scan3A_490 : i32 to index
      %swap3A_769 = arith.constant 112 : index
      %swap3A_770 = tpu.vector_load %arg7[%swap3A_767, %swap3A_768, %swap3A_769] {strides = array<i32>} : memref<2x128x128xi32, #tpu.memory_space<vmem>>, vector<1x1x16xi32>,
      %swap3A_771 = vector.shape_cast %swap3A_770 : vector<1x1x16xi32> to vector<16xi32>
      %swap3A_772 = vector.shape_cast %or3A_765 : vector<16xi32> to vector<1x1x16xi32>
      tpu.vector_store %arg7[%swap3A_767, %swap3A_768, %swap3A_769], %swap3A_772 {strides = array<i32>} : memref<2x128x128xi32, #tpu.memory_space<vmem>>, vector<1x1x16xi32>,
    }
    %scan3A_188 = arith.constant 128 : i32
    %add3A_189 = arith.constant 384 : i32
    %add3A_190 = arith.addi %mul3A_4, %add3A_189 : i32
    %dma_start3A_191 = arith.constant 1 : i32
    %dma_start3A_192 = arith.constant 0 : i32
    %dma_start3A_193 = arith.constant 0 : i32
    %dma_start3A_194 = tpu.memref_slice %arg7[%dma_start3A_191, %dma_start3A_192, %dma_start3A_193] : memref<2x128x128xi32, #tpu.memory_space<vmem>> -> memref<1x128x128xi32, #tpu.memory_space<vmem>>
    %dma_start3A_195 = tpu.memref_squeeze %dma_start3A_194 : memref<1x128x128xi32, #tpu.memory_space<vmem>> -> memref<128x128xi32, #tpu.memory_space<vmem>>
    %dma_start3A_196 = arith.constant 0 : i32
    %dma_start3A_197 = tpu.memref_slice %arg4[%add3A_190, %dma_start3A_196] : memref<36864x128xi32, #tpu.memory_space<hbm>> -> memref<128x128xi32, #tpu.memory_space<hbm>>
    %dma_start3A_198 = arith.constant 0 : i32
    %dma_start3A_199 = tpu.memref_slice %arg4[%add3A_190, %dma_start3A_198] : memref<36864x128xi32, #tpu.memory_space<hbm>> -> memref<128x128xi32, #tpu.memory_space<hbm>>
    %dma_start3A_200 = arith.constant 0 : i32
    %dma_start3A_201 = arith.constant 0 : i32
    %dma_start3A_202 = tpu.memref_slice %arg7[%dma_start3A_191, %dma_start3A_200, %dma_start3A_201] : memref<2x128x128xi32, #tpu.memory_space<vmem>> -> memref<1x128x128xi32, #tpu.memory_space<vmem>>
    %dma_start3A_203 = tpu.memref_squeeze %dma_start3A_202 : memref<1x128x128xi32, #tpu.memory_space<vmem>> -> memref<128x128xi32, #tpu.memory_space<vmem>>
    tpu.enqueue_dma source(%dma_start3A_203 : memref<128x128xi32, #tpu.memory_space<vmem>>) target(%dma_start3A_199 : memref<128x128xi32, #tpu.memory_space<hbm>>) target_semaphore(%arg11 : memref<!tpu.dma_semaphore, #tpu.memory_space<semaphore_mem>>)
    %dma_start3A_204 = arith.constant 1 : i32
    %dma_start3A_205 = arith.constant 0 : i32
    %dma_start3A_206 = arith.constant 0 : i32
    %dma_start3A_207 = tpu.memref_slice %arg6[%dma_start3A_204, %dma_start3A_205, %dma_start3A_206] : memref<2x256x128xf32, #tpu.memory_space<vmem>> -> memref<1x256x128xf32, #tpu.memory_space<vmem>>
    %dma_start3A_208 = tpu.memref_squeeze %dma_start3A_207 : memref<1x256x128xf32, #tpu.memory_space<vmem>> -> memref<256x128xf32, #tpu.memory_space<vmem>>
    %dma_start3A_209 = arith.constant 1280 : i32
    %dma_start3A_210 = tpu.memref_slice %arg5[%dma_start3A_209] : memref<2304xi32, #tpu.memory_space<vmem>> -> memref<256xi32, #tpu.memory_space<vmem>>
    %dma_start3A_211 = arith.constant 0 : i32
    %dma_start3A_212 = arith.constant 0 : i32
    %dma_start3A_213 = tpu.memref_slice %arg2[%dma_start3A_211, %dma_start3A_212] : memref<1000000x128xf32, #tpu.memory_space<hbm>> -> memref<1000000x128xf32, #tpu.memory_space<hbm>>
    tpu.enqueue_indirect_dma source(%dma_start3A_213 : memref<1000000x128xf32, #tpu.memory_space<hbm>>) target(%dma_start3A_208 : memref<256x128xf32, #tpu.memory_space<vmem>>) offsets(%dma_start3A_210 : memref<256xi32, #tpu.memory_space<vmem>>) semaphore(%arg9 : memref<!tpu.dma_semaphore, #tpu.memory_space<semaphore_mem>>)
    %dma_wait3A_214 = arith.constant 0 : i32
    %dma_wait3A_215 = arith.constant 0 : i32
    %dma_wait3A_216 = arith.constant 0 : i32
    %dma_wait3A_217 = tpu.memref_slice %arg6[%dma_wait3A_214, %dma_wait3A_215, %dma_wait3A_216] : memref<2x256x128xf32, #tpu.memory_space<vmem>> -> memref<1x256x128xf32, #tpu.memory_space<vmem>>
    %dma_wait3A_218 = tpu.memref_squeeze %dma_wait3A_217 : memref<1x256x128xf32, #tpu.memory_space<vmem>> -> memref<256x128xf32, #tpu.memory_space<vmem>>
    %dma_wait3A_219 = arith.constant 1024 : i32
    %dma_wait3A_220 = tpu.memref_slice %arg5[%dma_wait3A_219] : memref<2304xi32, #tpu.memory_space<vmem>> -> memref<256xi32, #tpu.memory_space<vmem>>
    %dma_wait3A_221 = arith.constant 0 : i32
    %dma_wait3A_222 = arith.constant 0 : i32
    %dma_wait3A_223 = tpu.memref_slice %arg2[%dma_wait3A_221, %dma_wait3A_222] : memref<1000000x128xf32, #tpu.memory_space<hbm>> -> memref<1000000x128xf32, #tpu.memory_space<hbm>>
    tpu.wait_indirect_dma semaphore(%arg8 : memref<!tpu.dma_semaphore, #tpu.memory_space<semaphore_mem>>) src(%dma_wait3A_223 : memref<1000000x128xf32, #tpu.memory_space<hbm>>) dst(%dma_wait3A_218 : memref<256x128xf32, #tpu.memory_space<vmem>>)
    %dma_wait3A_224 = arith.constant 0 : i32
    %dma_wait3A_225 = arith.constant 0 : i32
    %dma_wait3A_226 = arith.constant 0 : i32
    %dma_wait3A_227 = tpu.memref_slice %arg7[%dma_wait3A_224, %dma_wait3A_225, %dma_wait3A_226] : memref<2x128x128xi32, #tpu.memory_space<vmem>> -> memref<1x128x128xi32, #tpu.memory_space<vmem>>
    %dma_wait3A_228 = tpu.memref_squeeze %dma_wait3A_227 : memref<1x128x128xi32, #tpu.memory_space<vmem>> -> memref<128x128xi32, #tpu.memory_space<vmem>>
    %dma_wait3A_229 = arith.constant 0 : i32
    %dma_wait3A_230 = tpu.memref_slice %arg4[%add3A_136, %dma_wait3A_229] : memref<36864x128xi32, #tpu.memory_space<hbm>> -> memref<128x128xi32, #tpu.memory_space<hbm>>
    %dma_wait3A_231 = arith.constant 0 : i32
    %dma_wait3A_232 = tpu.memref_slice %arg4[%add3A_136, %dma_wait3A_231] : memref<36864x128xi32, #tpu.memory_space<hbm>> -> memref<128x128xi32, #tpu.memory_space<hbm>>
    %dma_wait3A_233 = arith.constant 0 : i32
    %dma_wait3A_234 = arith.constant 0 : i32
    %dma_wait3A_235 = tpu.memref_slice %arg7[%dma_wait3A_224, %dma_wait3A_233, %dma_wait3A_234] : memref<2x128x128xi32, #tpu.memory_space<vmem>> -> memref<1x128x128xi32, #tpu.memory_space<vmem>>
    %dma_wait3A_236 = tpu.memref_squeeze %dma_wait3A_235 : memref<1x128x128xi32, #tpu.memory_space<vmem>> -> memref<128x128xi32, #tpu.memory_space<vmem>>
    tpu.wait_dma2 semaphore(%arg10 : memref<!tpu.dma_semaphore, #tpu.memory_space<semaphore_mem>>) src(%dma_wait3A_236 : memref<128x128xi32, #tpu.memory_space<vmem>>) dst(%dma_wait3A_232 : memref<128x128xi32, #tpu.memory_space<hbm>>)
    %scan3A_237 = arith.constant 0 : i32
    %scan3A_238 = arith.constant 0 : i32
    %scan3A_239 = arith.constant 128 : i32
    %scan3A_240 = arith.addi %scan3A_238, %scan3A_239 : i32
    %scan3A_241 = arith.constant 1 : i32
    scf.for %scan3A_490 = %scan3A_238 to %scan3A_240 step %scan3A_241  : i32 {
      %get3A = arith.constant 0 : i32
      %get3A_491 = arith.index_cast %get3A : i32 to index
      %get3A_492 = arith.index_cast %scan3A_490 : i32 to index
      %get3A_493 = arith.constant 0 : index
      %get3A_494 = tpu.vector_load %arg6[%get3A_491, %get3A_492, %get3A_493] {strides = array<i32>} : memref<2x256x128xf32, #tpu.memory_space<vmem>>, vector<1x1x16xf32>,
      %get3A_495 = vector.shape_cast %get3A_494 : vector<1x1x16xf32> to vector<16xf32>
      %add3A_496 = arith.constant 128 : i32
      %add3A_497 = arith.addi %scan3A_490, %add3A_496 : i32
      %get3A_498 = arith.constant 0 : i32
      %get3A_499 = arith.index_cast %get3A_498 : i32 to index
      %get3A_500 = arith.index_cast %add3A_497 : i32 to index
      %get3A_501 = arith.constant 0 : index
      %get3A_502 = tpu.vector_load %arg6[%get3A_499, %get3A_500, %get3A_501] {strides = array<i32>} : memref<2x256x128xf32, #tpu.memory_space<vmem>>, vector<1x1x16xf32>,
      %get3A_503 = vector.shape_cast %get3A_502 : vector<1x1x16xf32> to vector<16xf32>
      %bitcast_convert_type3A = tpu.bitcast %get3A_495 : vector<16xf32> -> vector<16xi32>
      %add3A_504 = arith.constant 32768 : i32
      %add3A_505 = vector.broadcast %add3A_504 : i32 to vector<16xi32>
      %add3A_506 = arith.addi %bitcast_convert_type3A, %add3A_505 : vector<16xi32>
      %bitcast_convert_type3A_507 = tpu.bitcast %get3A_503 : vector<16xf32> -> vector<16xi32>
      %add3A_508 = arith.constant 32768 : i32
      %add3A_509 = vector.broadcast %add3A_508 : i32 to vector<16xi32>
      %add3A_510 = arith.addi %bitcast_convert_type3A_507, %add3A_509 : vector<16xi32>
      %shift_right_logical3A = arith.constant 16 : i32
      %shift_right_logical3A_511 = vector.broadcast %shift_right_logical3A : i32 to vector<16xi32>
      %shift_right_logical3A_512 = arith.shrui %add3A_506, %shift_right_logical3A_511 : vector<16xi32>
      %and3A = arith.constant -65536 : i32
      %and3A_513 = vector.broadcast %and3A : i32 to vector<16xi32>
      %and3A_514 = arith.andi %add3A_510, %and3A_513 : vector<16xi32>
      %or3A = arith.ori %shift_right_logical3A_512, %and3A_514 : vector<16xi32>
      %swap3A = arith.constant 0 : i32
      %swap3A_515 = arith.index_cast %swap3A : i32 to index
      %swap3A_516 = arith.index_cast %scan3A_490 : i32 to index
      %swap3A_517 = arith.constant 0 : index
      %swap3A_518 = tpu.vector_load %arg7[%swap3A_515, %swap3A_516, %swap3A_517] {strides = array<i32>} : memref<2x128x128xi32, #tpu.memory_space<vmem>>, vector<1x1x16xi32>,
      %swap3A_519 = vector.shape_cast %swap3A_518 : vector<1x1x16xi32> to vector<16xi32>
      %swap3A_520 = vector.shape_cast %or3A : vector<16xi32> to vector<1x1x16xi32>
      tpu.vector_store %arg7[%swap3A_515, %swap3A_516, %swap3A_517], %swap3A_520 {strides = array<i32>} : memref<2x128x128xi32, #tpu.memory_space<vmem>>, vector<1x1x16xi32>,
      %get3A_521 = arith.constant 0 : i32
      %get3A_522 = arith.index_cast %get3A_521 : i32 to index
      %get3A_523 = arith.index_cast %scan3A_490 : i32 to index
      %get3A_524 = arith.constant 16 : index
      %get3A_525 = tpu.vector_load %arg6[%get3A_522, %get3A_523, %get3A_524] {strides = array<i32>} : memref<2x256x128xf32, #tpu.memory_space<vmem>>, vector<1x1x16xf32>,
      %get3A_526 = vector.shape_cast %get3A_525 : vector<1x1x16xf32> to vector<16xf32>
      %add3A_527 = arith.constant 128 : i32
      %add3A_528 = arith.addi %scan3A_490, %add3A_527 : i32
      %get3A_529 = arith.constant 0 : i32
      %get3A_530 = arith.index_cast %get3A_529 : i32 to index
      %get3A_531 = arith.index_cast %add3A_528 : i32 to index
      %get3A_532 = arith.constant 16 : index
      %get3A_533 = tpu.vector_load %arg6[%get3A_530, %get3A_531, %get3A_532] {strides = array<i32>} : memref<2x256x128xf32, #tpu.memory_space<vmem>>, vector<1x1x16xf32>,
      %get3A_534 = vector.shape_cast %get3A_533 : vector<1x1x16xf32> to vector<16xf32>
      %bitcast_convert_type3A_535 = tpu.bitcast %get3A_526 : vector<16xf32> -> vector<16xi32>
      %add3A_536 = arith.constant 32768 : i32
      %add3A_537 = vector.broadcast %add3A_536 : i32 to vector<16xi32>
      %add3A_538 = arith.addi %bitcast_convert_type3A_535, %add3A_537 : vector<16xi32>
      %bitcast_convert_type3A_539 = tpu.bitcast %get3A_534 : vector<16xf32> -> vector<16xi32>
      %add3A_540 = arith.constant 32768 : i32
      %add3A_541 = vector.broadcast %add3A_540 : i32 to vector<16xi32>
      %add3A_542 = arith.addi %bitcast_convert_type3A_539, %add3A_541 : vector<16xi32>
      %shift_right_logical3A_543 = arith.constant 16 : i32
      %shift_right_logical3A_544 = vector.broadcast %shift_right_logical3A_543 : i32 to vector<16xi32>
      %shift_right_logical3A_545 = arith.shrui %add3A_538, %shift_right_logical3A_544 : vector<16xi32>
      %and3A_546 = arith.constant -65536 : i32
      %and3A_547 = vector.broadcast %and3A_546 : i32 to vector<16xi32>
      %and3A_548 = arith.andi %add3A_542, %and3A_547 : vector<16xi32>
      %or3A_549 = arith.ori %shift_right_logical3A_545, %and3A_548 : vector<16xi32>
      %swap3A_550 = arith.constant 0 : i32
      %swap3A_551 = arith.index_cast %swap3A_550 : i32 to index
      %swap3A_552 = arith.index_cast %scan3A_490 : i32 to index
      %swap3A_553 = arith.constant 16 : index
      %swap3A_554 = tpu.vector_load %arg7[%swap3A_551, %swap3A_552, %swap3A_553] {strides = array<i32>} : memref<2x128x128xi32, #tpu.memory_space<vmem>>, vector<1x1x16xi32>,
      %swap3A_555 = vector.shape_cast %swap3A_554 : vector<1x1x16xi32> to vector<16xi32>
      %swap3A_556 = vector.shape_cast %or3A_549 : vector<16xi32> to vector<1x1x16xi32>
      tpu.vector_store %arg7[%swap3A_551, %swap3A_552, %swap3A_553], %swap3A_556 {strides = array<i32>} : memref<2x128x128xi32, #tpu.memory_space<vmem>>, vector<1x1x16xi32>,
      %get3A_557 = arith.constant 0 : i32
      %get3A_558 = arith.index_cast %get3A_557 : i32 to index
      %get3A_559 = arith.index_cast %scan3A_490 : i32 to index
      %get3A_560 = arith.constant 32 : index
      %get3A_561 = tpu.vector_load %arg6[%get3A_558, %get3A_559, %get3A_560] {strides = array<i32>} : memref<2x256x128xf32, #tpu.memory_space<vmem>>, vector<1x1x16xf32>,
      %get3A_562 = vector.shape_cast %get3A_561 : vector<1x1x16xf32> to vector<16xf32>
      %add3A_563 = arith.constant 128 : i32
      %add3A_564 = arith.addi %scan3A_490, %add3A_563 : i32
      %get3A_565 = arith.constant 0 : i32
      %get3A_566 = arith.index_cast %get3A_565 : i32 to index
      %get3A_567 = arith.index_cast %add3A_564 : i32 to index
      %get3A_568 = arith.constant 32 : index
      %get3A_569 = tpu.vector_load %arg6[%get3A_566, %get3A_567, %get3A_568] {strides = array<i32>} : memref<2x256x128xf32, #tpu.memory_space<vmem>>, vector<1x1x16xf32>,
      %get3A_570 = vector.shape_cast %get3A_569 : vector<1x1x16xf32> to vector<16xf32>
      %bitcast_convert_type3A_571 = tpu.bitcast %get3A_562 : vector<16xf32> -> vector<16xi32>
      %add3A_572 = arith.constant 32768 : i32
      %add3A_573 = vector.broadcast %add3A_572 : i32 to vector<16xi32>
      %add3A_574 = arith.addi %bitcast_convert_type3A_571, %add3A_573 : vector<16xi32>
      %bitcast_convert_type3A_575 = tpu.bitcast %get3A_570 : vector<16xf32> -> vector<16xi32>
      %add3A_576 = arith.constant 32768 : i32
      %add3A_577 = vector.broadcast %add3A_576 : i32 to vector<16xi32>
      %add3A_578 = arith.addi %bitcast_convert_type3A_575, %add3A_577 : vector<16xi32>
      %shift_right_logical3A_579 = arith.constant 16 : i32
      %shift_right_logical3A_580 = vector.broadcast %shift_right_logical3A_579 : i32 to vector<16xi32>
      %shift_right_logical3A_581 = arith.shrui %add3A_574, %shift_right_logical3A_580 : vector<16xi32>
      %and3A_582 = arith.constant -65536 : i32
      %and3A_583 = vector.broadcast %and3A_582 : i32 to vector<16xi32>
      %and3A_584 = arith.andi %add3A_578, %and3A_583 : vector<16xi32>
      %or3A_585 = arith.ori %shift_right_logical3A_581, %and3A_584 : vector<16xi32>
      %swap3A_586 = arith.constant 0 : i32
      %swap3A_587 = arith.index_cast %swap3A_586 : i32 to index
      %swap3A_588 = arith.index_cast %scan3A_490 : i32 to index
      %swap3A_589 = arith.constant 32 : index
      %swap3A_590 = tpu.vector_load %arg7[%swap3A_587, %swap3A_588, %swap3A_589] {strides = array<i32>} : memref<2x128x128xi32, #tpu.memory_space<vmem>>, vector<1x1x16xi32>,
      %swap3A_591 = vector.shape_cast %swap3A_590 : vector<1x1x16xi32> to vector<16xi32>
      %swap3A_592 = vector.shape_cast %or3A_585 : vector<16xi32> to vector<1x1x16xi32>
      tpu.vector_store %arg7[%swap3A_587, %swap3A_588, %swap3A_589], %swap3A_592 {strides = array<i32>} : memref<2x128x128xi32, #tpu.memory_space<vmem>>, vector<1x1x16xi32>,
      %get3A_593 = arith.constant 0 : i32
      %get3A_594 = arith.index_cast %get3A_593 : i32 to index
      %get3A_595 = arith.index_cast %scan3A_490 : i32 to index
      %get3A_596 = arith.constant 48 : index
      %get3A_597 = tpu.vector_load %arg6[%get3A_594, %get3A_595, %get3A_596] {strides = array<i32>} : memref<2x256x128xf32, #tpu.memory_space<vmem>>, vector<1x1x16xf32>,
      %get3A_598 = vector.shape_cast %get3A_597 : vector<1x1x16xf32> to vector<16xf32>
      %add3A_599 = arith.constant 128 : i32
      %add3A_600 = arith.addi %scan3A_490, %add3A_599 : i32
      %get3A_601 = arith.constant 0 : i32
      %get3A_602 = arith.index_cast %get3A_601 : i32 to index
      %get3A_603 = arith.index_cast %add3A_600 : i32 to index
      %get3A_604 = arith.constant 48 : index
      %get3A_605 = tpu.vector_load %arg6[%get3A_602, %get3A_603, %get3A_604] {strides = array<i32>} : memref<2x256x128xf32, #tpu.memory_space<vmem>>, vector<1x1x16xf32>,
      %get3A_606 = vector.shape_cast %get3A_605 : vector<1x1x16xf32> to vector<16xf32>
      %bitcast_convert_type3A_607 = tpu.bitcast %get3A_598 : vector<16xf32> -> vector<16xi32>
      %add3A_608 = arith.constant 32768 : i32
      %add3A_609 = vector.broadcast %add3A_608 : i32 to vector<16xi32>
      %add3A_610 = arith.addi %bitcast_convert_type3A_607, %add3A_609 : vector<16xi32>
      %bitcast_convert_type3A_611 = tpu.bitcast %get3A_606 : vector<16xf32> -> vector<16xi32>
      %add3A_612 = arith.constant 32768 : i32
      %add3A_613 = vector.broadcast %add3A_612 : i32 to vector<16xi32>
      %add3A_614 = arith.addi %bitcast_convert_type3A_611, %add3A_613 : vector<16xi32>
      %shift_right_logical3A_615 = arith.constant 16 : i32
      %shift_right_logical3A_616 = vector.broadcast %shift_right_logical3A_615 : i32 to vector<16xi32>
      %shift_right_logical3A_617 = arith.shrui %add3A_610, %shift_right_logical3A_616 : vector<16xi32>
      %and3A_618 = arith.constant -65536 : i32
      %and3A_619 = vector.broadcast %and3A_618 : i32 to vector<16xi32>
      %and3A_620 = arith.andi %add3A_614, %and3A_619 : vector<16xi32>
      %or3A_621 = arith.ori %shift_right_logical3A_617, %and3A_620 : vector<16xi32>
      %swap3A_622 = arith.constant 0 : i32
      %swap3A_623 = arith.index_cast %swap3A_622 : i32 to index
      %swap3A_624 = arith.index_cast %scan3A_490 : i32 to index
      %swap3A_625 = arith.constant 48 : index
      %swap3A_626 = tpu.vector_load %arg7[%swap3A_623, %swap3A_624, %swap3A_625] {strides = array<i32>} : memref<2x128x128xi32, #tpu.memory_space<vmem>>, vector<1x1x16xi32>,
      %swap3A_627 = vector.shape_cast %swap3A_626 : vector<1x1x16xi32> to vector<16xi32>
      %swap3A_628 = vector.shape_cast %or3A_621 : vector<16xi32> to vector<1x1x16xi32>
      tpu.vector_store %arg7[%swap3A_623, %swap3A_624, %swap3A_625], %swap3A_628 {strides = array<i32>} : memref<2x128x128xi32, #tpu.memory_space<vmem>>, vector<1x1x16xi32>,
      %get3A_629 = arith.constant 0 : i32
      %get3A_630 = arith.index_cast %get3A_629 : i32 to index
      %get3A_631 = arith.index_cast %scan3A_490 : i32 to index
      %get3A_632 = arith.constant 64 : index
      %get3A_633 = tpu.vector_load %arg6[%get3A_630, %get3A_631, %get3A_632] {strides = array<i32>} : memref<2x256x128xf32, #tpu.memory_space<vmem>>, vector<1x1x16xf32>,
      %get3A_634 = vector.shape_cast %get3A_633 : vector<1x1x16xf32> to vector<16xf32>
      %add3A_635 = arith.constant 128 : i32
      %add3A_636 = arith.addi %scan3A_490, %add3A_635 : i32
      %get3A_637 = arith.constant 0 : i32
      %get3A_638 = arith.index_cast %get3A_637 : i32 to index
      %get3A_639 = arith.index_cast %add3A_636 : i32 to index
      %get3A_640 = arith.constant 64 : index
      %get3A_641 = tpu.vector_load %arg6[%get3A_638, %get3A_639, %get3A_640] {strides = array<i32>} : memref<2x256x128xf32, #tpu.memory_space<vmem>>, vector<1x1x16xf32>,
      %get3A_642 = vector.shape_cast %get3A_641 : vector<1x1x16xf32> to vector<16xf32>
      %bitcast_convert_type3A_643 = tpu.bitcast %get3A_634 : vector<16xf32> -> vector<16xi32>
      %add3A_644 = arith.constant 32768 : i32
      %add3A_645 = vector.broadcast %add3A_644 : i32 to vector<16xi32>
      %add3A_646 = arith.addi %bitcast_convert_type3A_643, %add3A_645 : vector<16xi32>
      %bitcast_convert_type3A_647 = tpu.bitcast %get3A_642 : vector<16xf32> -> vector<16xi32>
      %add3A_648 = arith.constant 32768 : i32
      %add3A_649 = vector.broadcast %add3A_648 : i32 to vector<16xi32>
      %add3A_650 = arith.addi %bitcast_convert_type3A_647, %add3A_649 : vector<16xi32>
      %shift_right_logical3A_651 = arith.constant 16 : i32
      %shift_right_logical3A_652 = vector.broadcast %shift_right_logical3A_651 : i32 to vector<16xi32>
      %shift_right_logical3A_653 = arith.shrui %add3A_646, %shift_right_logical3A_652 : vector<16xi32>
      %and3A_654 = arith.constant -65536 : i32
      %and3A_655 = vector.broadcast %and3A_654 : i32 to vector<16xi32>
      %and3A_656 = arith.andi %add3A_650, %and3A_655 : vector<16xi32>
      %or3A_657 = arith.ori %shift_right_logical3A_653, %and3A_656 : vector<16xi32>
      %swap3A_658 = arith.constant 0 : i32
      %swap3A_659 = arith.index_cast %swap3A_658 : i32 to index
      %swap3A_660 = arith.index_cast %scan3A_490 : i32 to index
      %swap3A_661 = arith.constant 64 : index
      %swap3A_662 = tpu.vector_load %arg7[%swap3A_659, %swap3A_660, %swap3A_661] {strides = array<i32>} : memref<2x128x128xi32, #tpu.memory_space<vmem>>, vector<1x1x16xi32>,
      %swap3A_663 = vector.shape_cast %swap3A_662 : vector<1x1x16xi32> to vector<16xi32>
      %swap3A_664 = vector.shape_cast %or3A_657 : vector<16xi32> to vector<1x1x16xi32>
      tpu.vector_store %arg7[%swap3A_659, %swap3A_660, %swap3A_661], %swap3A_664 {strides = array<i32>} : memref<2x128x128xi32, #tpu.memory_space<vmem>>, vector<1x1x16xi32>,
      %get3A_665 = arith.constant 0 : i32
      %get3A_666 = arith.index_cast %get3A_665 : i32 to index
      %get3A_667 = arith.index_cast %scan3A_490 : i32 to index
      %get3A_668 = arith.constant 80 : index
      %get3A_669 = tpu.vector_load %arg6[%get3A_666, %get3A_667, %get3A_668] {strides = array<i32>} : memref<2x256x128xf32, #tpu.memory_space<vmem>>, vector<1x1x16xf32>,
      %get3A_670 = vector.shape_cast %get3A_669 : vector<1x1x16xf32> to vector<16xf32>
      %add3A_671 = arith.constant 128 : i32
      %add3A_672 = arith.addi %scan3A_490, %add3A_671 : i32
      %get3A_673 = arith.constant 0 : i32
      %get3A_674 = arith.index_cast %get3A_673 : i32 to index
      %get3A_675 = arith.index_cast %add3A_672 : i32 to index
      %get3A_676 = arith.constant 80 : index
      %get3A_677 = tpu.vector_load %arg6[%get3A_674, %get3A_675, %get3A_676] {strides = array<i32>} : memref<2x256x128xf32, #tpu.memory_space<vmem>>, vector<1x1x16xf32>,
      %get3A_678 = vector.shape_cast %get3A_677 : vector<1x1x16xf32> to vector<16xf32>
      %bitcast_convert_type3A_679 = tpu.bitcast %get3A_670 : vector<16xf32> -> vector<16xi32>
      %add3A_680 = arith.constant 32768 : i32
      %add3A_681 = vector.broadcast %add3A_680 : i32 to vector<16xi32>
      %add3A_682 = arith.addi %bitcast_convert_type3A_679, %add3A_681 : vector<16xi32>
      %bitcast_convert_type3A_683 = tpu.bitcast %get3A_678 : vector<16xf32> -> vector<16xi32>
      %add3A_684 = arith.constant 32768 : i32
      %add3A_685 = vector.broadcast %add3A_684 : i32 to vector<16xi32>
      %add3A_686 = arith.addi %bitcast_convert_type3A_683, %add3A_685 : vector<16xi32>
      %shift_right_logical3A_687 = arith.constant 16 : i32
      %shift_right_logical3A_688 = vector.broadcast %shift_right_logical3A_687 : i32 to vector<16xi32>
      %shift_right_logical3A_689 = arith.shrui %add3A_682, %shift_right_logical3A_688 : vector<16xi32>
      %and3A_690 = arith.constant -65536 : i32
      %and3A_691 = vector.broadcast %and3A_690 : i32 to vector<16xi32>
      %and3A_692 = arith.andi %add3A_686, %and3A_691 : vector<16xi32>
      %or3A_693 = arith.ori %shift_right_logical3A_689, %and3A_692 : vector<16xi32>
      %swap3A_694 = arith.constant 0 : i32
      %swap3A_695 = arith.index_cast %swap3A_694 : i32 to index
      %swap3A_696 = arith.index_cast %scan3A_490 : i32 to index
      %swap3A_697 = arith.constant 80 : index
      %swap3A_698 = tpu.vector_load %arg7[%swap3A_695, %swap3A_696, %swap3A_697] {strides = array<i32>} : memref<2x128x128xi32, #tpu.memory_space<vmem>>, vector<1x1x16xi32>,
      %swap3A_699 = vector.shape_cast %swap3A_698 : vector<1x1x16xi32> to vector<16xi32>
      %swap3A_700 = vector.shape_cast %or3A_693 : vector<16xi32> to vector<1x1x16xi32>
      tpu.vector_store %arg7[%swap3A_695, %swap3A_696, %swap3A_697], %swap3A_700 {strides = array<i32>} : memref<2x128x128xi32, #tpu.memory_space<vmem>>, vector<1x1x16xi32>,
      %get3A_701 = arith.constant 0 : i32
      %get3A_702 = arith.index_cast %get3A_701 : i32 to index
      %get3A_703 = arith.index_cast %scan3A_490 : i32 to index
      %get3A_704 = arith.constant 96 : index
      %get3A_705 = tpu.vector_load %arg6[%get3A_702, %get3A_703, %get3A_704] {strides = array<i32>} : memref<2x256x128xf32, #tpu.memory_space<vmem>>, vector<1x1x16xf32>,
      %get3A_706 = vector.shape_cast %get3A_705 : vector<1x1x16xf32> to vector<16xf32>
      %add3A_707 = arith.constant 128 : i32
      %add3A_708 = arith.addi %scan3A_490, %add3A_707 : i32
      %get3A_709 = arith.constant 0 : i32
      %get3A_710 = arith.index_cast %get3A_709 : i32 to index
      %get3A_711 = arith.index_cast %add3A_708 : i32 to index
      %get3A_712 = arith.constant 96 : index
      %get3A_713 = tpu.vector_load %arg6[%get3A_710, %get3A_711, %get3A_712] {strides = array<i32>} : memref<2x256x128xf32, #tpu.memory_space<vmem>>, vector<1x1x16xf32>,
      %get3A_714 = vector.shape_cast %get3A_713 : vector<1x1x16xf32> to vector<16xf32>
      %bitcast_convert_type3A_715 = tpu.bitcast %get3A_706 : vector<16xf32> -> vector<16xi32>
      %add3A_716 = arith.constant 32768 : i32
      %add3A_717 = vector.broadcast %add3A_716 : i32 to vector<16xi32>
      %add3A_718 = arith.addi %bitcast_convert_type3A_715, %add3A_717 : vector<16xi32>
      %bitcast_convert_type3A_719 = tpu.bitcast %get3A_714 : vector<16xf32> -> vector<16xi32>
      %add3A_720 = arith.constant 32768 : i32
      %add3A_721 = vector.broadcast %add3A_720 : i32 to vector<16xi32>
      %add3A_722 = arith.addi %bitcast_convert_type3A_719, %add3A_721 : vector<16xi32>
      %shift_right_logical3A_723 = arith.constant 16 : i32
      %shift_right_logical3A_724 = vector.broadcast %shift_right_logical3A_723 : i32 to vector<16xi32>
      %shift_right_logical3A_725 = arith.shrui %add3A_718, %shift_right_logical3A_724 : vector<16xi32>
      %and3A_726 = arith.constant -65536 : i32
      %and3A_727 = vector.broadcast %and3A_726 : i32 to vector<16xi32>
      %and3A_728 = arith.andi %add3A_722, %and3A_727 : vector<16xi32>
      %or3A_729 = arith.ori %shift_right_logical3A_725, %and3A_728 : vector<16xi32>
      %swap3A_730 = arith.constant 0 : i32
      %swap3A_731 = arith.index_cast %swap3A_730 : i32 to index
      %swap3A_732 = arith.index_cast %scan3A_490 : i32 to index
      %swap3A_733 = arith.constant 96 : index
      %swap3A_734 = tpu.vector_load %arg7[%swap3A_731, %swap3A_732, %swap3A_733] {strides = array<i32>} : memref<2x128x128xi32, #tpu.memory_space<vmem>>, vector<1x1x16xi32>,
      %swap3A_735 = vector.shape_cast %swap3A_734 : vector<1x1x16xi32> to vector<16xi32>
      %swap3A_736 = vector.shape_cast %or3A_729 : vector<16xi32> to vector<1x1x16xi32>
      tpu.vector_store %arg7[%swap3A_731, %swap3A_732, %swap3A_733], %swap3A_736 {strides = array<i32>} : memref<2x128x128xi32, #tpu.memory_space<vmem>>, vector<1x1x16xi32>,
      %get3A_737 = arith.constant 0 : i32
      %get3A_738 = arith.index_cast %get3A_737 : i32 to index
      %get3A_739 = arith.index_cast %scan3A_490 : i32 to index
      %get3A_740 = arith.constant 112 : index
      %get3A_741 = tpu.vector_load %arg6[%get3A_738, %get3A_739, %get3A_740] {strides = array<i32>} : memref<2x256x128xf32, #tpu.memory_space<vmem>>, vector<1x1x16xf32>,
      %get3A_742 = vector.shape_cast %get3A_741 : vector<1x1x16xf32> to vector<16xf32>
      %add3A_743 = arith.constant 128 : i32
      %add3A_744 = arith.addi %scan3A_490, %add3A_743 : i32
      %get3A_745 = arith.constant 0 : i32
      %get3A_746 = arith.index_cast %get3A_745 : i32 to index
      %get3A_747 = arith.index_cast %add3A_744 : i32 to index
      %get3A_748 = arith.constant 112 : index
      %get3A_749 = tpu.vector_load %arg6[%get3A_746, %get3A_747, %get3A_748] {strides = array<i32>} : memref<2x256x128xf32, #tpu.memory_space<vmem>>, vector<1x1x16xf32>,
      %get3A_750 = vector.shape_cast %get3A_749 : vector<1x1x16xf32> to vector<16xf32>
      %bitcast_convert_type3A_751 = tpu.bitcast %get3A_742 : vector<16xf32> -> vector<16xi32>
      %add3A_752 = arith.constant 32768 : i32
      %add3A_753 = vector.broadcast %add3A_752 : i32 to vector<16xi32>
      %add3A_754 = arith.addi %bitcast_convert_type3A_751, %add3A_753 : vector<16xi32>
      %bitcast_convert_type3A_755 = tpu.bitcast %get3A_750 : vector<16xf32> -> vector<16xi32>
      %add3A_756 = arith.constant 32768 : i32
      %add3A_757 = vector.broadcast %add3A_756 : i32 to vector<16xi32>
      %add3A_758 = arith.addi %bitcast_convert_type3A_755, %add3A_757 : vector<16xi32>
      %shift_right_logical3A_759 = arith.constant 16 : i32
      %shift_right_logical3A_760 = vector.broadcast %shift_right_logical3A_759 : i32 to vector<16xi32>
      %shift_right_logical3A_761 = arith.shrui %add3A_754, %shift_right_logical3A_760 : vector<16xi32>
      %and3A_762 = arith.constant -65536 : i32
      %and3A_763 = vector.broadcast %and3A_762 : i32 to vector<16xi32>
      %and3A_764 = arith.andi %add3A_758, %and3A_763 : vector<16xi32>
      %or3A_765 = arith.ori %shift_right_logical3A_761, %and3A_764 : vector<16xi32>
      %swap3A_766 = arith.constant 0 : i32
      %swap3A_767 = arith.index_cast %swap3A_766 : i32 to index
      %swap3A_768 = arith.index_cast %scan3A_490 : i32 to index
      %swap3A_769 = arith.constant 112 : index
      %swap3A_770 = tpu.vector_load %arg7[%swap3A_767, %swap3A_768, %swap3A_769] {strides = array<i32>} : memref<2x128x128xi32, #tpu.memory_space<vmem>>, vector<1x1x16xi32>,
      %swap3A_771 = vector.shape_cast %swap3A_770 : vector<1x1x16xi32> to vector<16xi32>
      %swap3A_772 = vector.shape_cast %or3A_765 : vector<16xi32> to vector<1x1x16xi32>
      tpu.vector_store %arg7[%swap3A_767, %swap3A_768, %swap3A_769], %swap3A_772 {strides = array<i32>} : memref<2x128x128xi32, #tpu.memory_space<vmem>>, vector<1x1x16xi32>,
    }
    %scan3A_242 = arith.constant 128 : i32
    %add3A_243 = arith.constant 512 : i32
    %add3A_244 = arith.addi %mul3A_4, %add3A_243 : i32
    %dma_start3A_245 = arith.constant 0 : i32
    %dma_start3A_246 = arith.constant 0 : i32
    %dma_start3A_247 = arith.constant 0 : i32
    %dma_start3A_248 = tpu.memref_slice %arg7[%dma_start3A_245, %dma_start3A_246, %dma_start3A_247] : memref<2x128x128xi32, #tpu.memory_space<vmem>> -> memref<1x128x128xi32, #tpu.memory_space<vmem>>
    %dma_start3A_249 = tpu.memref_squeeze %dma_start3A_248 : memref<1x128x128xi32, #tpu.memory_space<vmem>> -> memref<128x128xi32, #tpu.memory_space<vmem>>
    %dma_start3A_250 = arith.constant 0 : i32
    %dma_start3A_251 = tpu.memref_slice %arg4[%add3A_244, %dma_start3A_250] : memref<36864x128xi32, #tpu.memory_space<hbm>> -> memref<128x128xi32, #tpu.memory_space<hbm>>
    %dma_start3A_252 = arith.constant 0 : i32
    %dma_start3A_253 = tpu.memref_slice %arg4[%add3A_244, %dma_start3A_252] : memref<36864x128xi32, #tpu.memory_space<hbm>> -> memref<128x128xi32, #tpu.memory_space<hbm>>
    %dma_start3A_254 = arith.constant 0 : i32
    %dma_start3A_255 = arith.constant 0 : i32
    %dma_start3A_256 = tpu.memref_slice %arg7[%dma_start3A_245, %dma_start3A_254, %dma_start3A_255] : memref<2x128x128xi32, #tpu.memory_space<vmem>> -> memref<1x128x128xi32, #tpu.memory_space<vmem>>
    %dma_start3A_257 = tpu.memref_squeeze %dma_start3A_256 : memref<1x128x128xi32, #tpu.memory_space<vmem>> -> memref<128x128xi32, #tpu.memory_space<vmem>>
    tpu.enqueue_dma source(%dma_start3A_257 : memref<128x128xi32, #tpu.memory_space<vmem>>) target(%dma_start3A_253 : memref<128x128xi32, #tpu.memory_space<hbm>>) target_semaphore(%arg10 : memref<!tpu.dma_semaphore, #tpu.memory_space<semaphore_mem>>)
    %dma_start3A_258 = arith.constant 0 : i32
    %dma_start3A_259 = arith.constant 0 : i32
    %dma_start3A_260 = arith.constant 0 : i32
    %dma_start3A_261 = tpu.memref_slice %arg6[%dma_start3A_258, %dma_start3A_259, %dma_start3A_260] : memref<2x256x128xf32, #tpu.memory_space<vmem>> -> memref<1x256x128xf32, #tpu.memory_space<vmem>>
    %dma_start3A_262 = tpu.memref_squeeze %dma_start3A_261 : memref<1x256x128xf32, #tpu.memory_space<vmem>> -> memref<256x128xf32, #tpu.memory_space<vmem>>
    %dma_start3A_263 = arith.constant 1536 : i32
    %dma_start3A_264 = tpu.memref_slice %arg5[%dma_start3A_263] : memref<2304xi32, #tpu.memory_space<vmem>> -> memref<256xi32, #tpu.memory_space<vmem>>
    %dma_start3A_265 = arith.constant 0 : i32
    %dma_start3A_266 = arith.constant 0 : i32
    %dma_start3A_267 = tpu.memref_slice %arg2[%dma_start3A_265, %dma_start3A_266] : memref<1000000x128xf32, #tpu.memory_space<hbm>> -> memref<1000000x128xf32, #tpu.memory_space<hbm>>
    tpu.enqueue_indirect_dma source(%dma_start3A_267 : memref<1000000x128xf32, #tpu.memory_space<hbm>>) target(%dma_start3A_262 : memref<256x128xf32, #tpu.memory_space<vmem>>) offsets(%dma_start3A_264 : memref<256xi32, #tpu.memory_space<vmem>>) semaphore(%arg8 : memref<!tpu.dma_semaphore, #tpu.memory_space<semaphore_mem>>)
    %dma_wait3A_268 = arith.constant 1 : i32
    %dma_wait3A_269 = arith.constant 0 : i32
    %dma_wait3A_270 = arith.constant 0 : i32
    %dma_wait3A_271 = tpu.memref_slice %arg6[%dma_wait3A_268, %dma_wait3A_269, %dma_wait3A_270] : memref<2x256x128xf32, #tpu.memory_space<vmem>> -> memref<1x256x128xf32, #tpu.memory_space<vmem>>
    %dma_wait3A_272 = tpu.memref_squeeze %dma_wait3A_271 : memref<1x256x128xf32, #tpu.memory_space<vmem>> -> memref<256x128xf32, #tpu.memory_space<vmem>>
    %dma_wait3A_273 = arith.constant 1280 : i32
    %dma_wait3A_274 = tpu.memref_slice %arg5[%dma_wait3A_273] : memref<2304xi32, #tpu.memory_space<vmem>> -> memref<256xi32, #tpu.memory_space<vmem>>
    %dma_wait3A_275 = arith.constant 0 : i32
    %dma_wait3A_276 = arith.constant 0 : i32
    %dma_wait3A_277 = tpu.memref_slice %arg2[%dma_wait3A_275, %dma_wait3A_276] : memref<1000000x128xf32, #tpu.memory_space<hbm>> -> memref<1000000x128xf32, #tpu.memory_space<hbm>>
    tpu.wait_indirect_dma semaphore(%arg9 : memref<!tpu.dma_semaphore, #tpu.memory_space<semaphore_mem>>) src(%dma_wait3A_277 : memref<1000000x128xf32, #tpu.memory_space<hbm>>) dst(%dma_wait3A_272 : memref<256x128xf32, #tpu.memory_space<vmem>>)
    %dma_wait3A_278 = arith.constant 1 : i32
    %dma_wait3A_279 = arith.constant 0 : i32
    %dma_wait3A_280 = arith.constant 0 : i32
    %dma_wait3A_281 = tpu.memref_slice %arg7[%dma_wait3A_278, %dma_wait3A_279, %dma_wait3A_280] : memref<2x128x128xi32, #tpu.memory_space<vmem>> -> memref<1x128x128xi32, #tpu.memory_space<vmem>>
    %dma_wait3A_282 = tpu.memref_squeeze %dma_wait3A_281 : memref<1x128x128xi32, #tpu.memory_space<vmem>> -> memref<128x128xi32, #tpu.memory_space<vmem>>
    %dma_wait3A_283 = arith.constant 0 : i32
    %dma_wait3A_284 = tpu.memref_slice %arg4[%add3A_190, %dma_wait3A_283] : memref<36864x128xi32, #tpu.memory_space<hbm>> -> memref<128x128xi32, #tpu.memory_space<hbm>>
    %dma_wait3A_285 = arith.constant 0 : i32
    %dma_wait3A_286 = tpu.memref_slice %arg4[%add3A_190, %dma_wait3A_285] : memref<36864x128xi32, #tpu.memory_space<hbm>> -> memref<128x128xi32, #tpu.memory_space<hbm>>
    %dma_wait3A_287 = arith.constant 0 : i32
    %dma_wait3A_288 = arith.constant 0 : i32
    %dma_wait3A_289 = tpu.memref_slice %arg7[%dma_wait3A_278, %dma_wait3A_287, %dma_wait3A_288] : memref<2x128x128xi32, #tpu.memory_space<vmem>> -> memref<1x128x128xi32, #tpu.memory_space<vmem>>
    %dma_wait3A_290 = tpu.memref_squeeze %dma_wait3A_289 : memref<1x128x128xi32, #tpu.memory_space<vmem>> -> memref<128x128xi32, #tpu.memory_space<vmem>>
    tpu.wait_dma2 semaphore(%arg11 : memref<!tpu.dma_semaphore, #tpu.memory_space<semaphore_mem>>) src(%dma_wait3A_290 : memref<128x128xi32, #tpu.memory_space<vmem>>) dst(%dma_wait3A_286 : memref<128x128xi32, #tpu.memory_space<hbm>>)
    %scan3A_291 = arith.constant 0 : i32
    %scan3A_292 = arith.constant 0 : i32
    %scan3A_293 = arith.constant 128 : i32
    %scan3A_294 = arith.addi %scan3A_292, %scan3A_293 : i32
    %scan3A_295 = arith.constant 1 : i32
    scf.for %scan3A_490 = %scan3A_292 to %scan3A_294 step %scan3A_295  : i32 {
      %get3A = arith.constant 1 : i32
      %get3A_491 = arith.index_cast %get3A : i32 to index
      %get3A_492 = arith.index_cast %scan3A_490 : i32 to index
      %get3A_493 = arith.constant 0 : index
      %get3A_494 = tpu.vector_load %arg6[%get3A_491, %get3A_492, %get3A_493] {strides = array<i32>} : memref<2x256x128xf32, #tpu.memory_space<vmem>>, vector<1x1x16xf32>,
      %get3A_495 = vector.shape_cast %get3A_494 : vector<1x1x16xf32> to vector<16xf32>
      %add3A_496 = arith.constant 128 : i32
      %add3A_497 = arith.addi %scan3A_490, %add3A_496 : i32
      %get3A_498 = arith.constant 1 : i32
      %get3A_499 = arith.index_cast %get3A_498 : i32 to index
      %get3A_500 = arith.index_cast %add3A_497 : i32 to index
      %get3A_501 = arith.constant 0 : index
      %get3A_502 = tpu.vector_load %arg6[%get3A_499, %get3A_500, %get3A_501] {strides = array<i32>} : memref<2x256x128xf32, #tpu.memory_space<vmem>>, vector<1x1x16xf32>,
      %get3A_503 = vector.shape_cast %get3A_502 : vector<1x1x16xf32> to vector<16xf32>
      %bitcast_convert_type3A = tpu.bitcast %get3A_495 : vector<16xf32> -> vector<16xi32>
      %add3A_504 = arith.constant 32768 : i32
      %add3A_505 = vector.broadcast %add3A_504 : i32 to vector<16xi32>
      %add3A_506 = arith.addi %bitcast_convert_type3A, %add3A_505 : vector<16xi32>
      %bitcast_convert_type3A_507 = tpu.bitcast %get3A_503 : vector<16xf32> -> vector<16xi32>
      %add3A_508 = arith.constant 32768 : i32
      %add3A_509 = vector.broadcast %add3A_508 : i32 to vector<16xi32>
      %add3A_510 = arith.addi %bitcast_convert_type3A_507, %add3A_509 : vector<16xi32>
      %shift_right_logical3A = arith.constant 16 : i32
      %shift_right_logical3A_511 = vector.broadcast %shift_right_logical3A : i32 to vector<16xi32>
      %shift_right_logical3A_512 = arith.shrui %add3A_506, %shift_right_logical3A_511 : vector<16xi32>
      %and3A = arith.constant -65536 : i32
      %and3A_513 = vector.broadcast %and3A : i32 to vector<16xi32>
      %and3A_514 = arith.andi %add3A_510, %and3A_513 : vector<16xi32>
      %or3A = arith.ori %shift_right_logical3A_512, %and3A_514 : vector<16xi32>
      %swap3A = arith.constant 1 : i32
      %swap3A_515 = arith.index_cast %swap3A : i32 to index
      %swap3A_516 = arith.index_cast %scan3A_490 : i32 to index
      %swap3A_517 = arith.constant 0 : index
      %swap3A_518 = tpu.vector_load %arg7[%swap3A_515, %swap3A_516, %swap3A_517] {strides = array<i32>} : memref<2x128x128xi32, #tpu.memory_space<vmem>>, vector<1x1x16xi32>,
      %swap3A_519 = vector.shape_cast %swap3A_518 : vector<1x1x16xi32> to vector<16xi32>
      %swap3A_520 = vector.shape_cast %or3A : vector<16xi32> to vector<1x1x16xi32>
      tpu.vector_store %arg7[%swap3A_515, %swap3A_516, %swap3A_517], %swap3A_520 {strides = array<i32>} : memref<2x128x128xi32, #tpu.memory_space<vmem>>, vector<1x1x16xi32>,
      %get3A_521 = arith.constant 1 : i32
      %get3A_522 = arith.index_cast %get3A_521 : i32 to index
      %get3A_523 = arith.index_cast %scan3A_490 : i32 to index
      %get3A_524 = arith.constant 16 : index
      %get3A_525 = tpu.vector_load %arg6[%get3A_522, %get3A_523, %get3A_524] {strides = array<i32>} : memref<2x256x128xf32, #tpu.memory_space<vmem>>, vector<1x1x16xf32>,
      %get3A_526 = vector.shape_cast %get3A_525 : vector<1x1x16xf32> to vector<16xf32>
      %add3A_527 = arith.constant 128 : i32
      %add3A_528 = arith.addi %scan3A_490, %add3A_527 : i32
      %get3A_529 = arith.constant 1 : i32
      %get3A_530 = arith.index_cast %get3A_529 : i32 to index
      %get3A_531 = arith.index_cast %add3A_528 : i32 to index
      %get3A_532 = arith.constant 16 : index
      %get3A_533 = tpu.vector_load %arg6[%get3A_530, %get3A_531, %get3A_532] {strides = array<i32>} : memref<2x256x128xf32, #tpu.memory_space<vmem>>, vector<1x1x16xf32>,
      %get3A_534 = vector.shape_cast %get3A_533 : vector<1x1x16xf32> to vector<16xf32>
      %bitcast_convert_type3A_535 = tpu.bitcast %get3A_526 : vector<16xf32> -> vector<16xi32>
      %add3A_536 = arith.constant 32768 : i32
      %add3A_537 = vector.broadcast %add3A_536 : i32 to vector<16xi32>
      %add3A_538 = arith.addi %bitcast_convert_type3A_535, %add3A_537 : vector<16xi32>
      %bitcast_convert_type3A_539 = tpu.bitcast %get3A_534 : vector<16xf32> -> vector<16xi32>
      %add3A_540 = arith.constant 32768 : i32
      %add3A_541 = vector.broadcast %add3A_540 : i32 to vector<16xi32>
      %add3A_542 = arith.addi %bitcast_convert_type3A_539, %add3A_541 : vector<16xi32>
      %shift_right_logical3A_543 = arith.constant 16 : i32
      %shift_right_logical3A_544 = vector.broadcast %shift_right_logical3A_543 : i32 to vector<16xi32>
      %shift_right_logical3A_545 = arith.shrui %add3A_538, %shift_right_logical3A_544 : vector<16xi32>
      %and3A_546 = arith.constant -65536 : i32
      %and3A_547 = vector.broadcast %and3A_546 : i32 to vector<16xi32>
      %and3A_548 = arith.andi %add3A_542, %and3A_547 : vector<16xi32>
      %or3A_549 = arith.ori %shift_right_logical3A_545, %and3A_548 : vector<16xi32>
      %swap3A_550 = arith.constant 1 : i32
      %swap3A_551 = arith.index_cast %swap3A_550 : i32 to index
      %swap3A_552 = arith.index_cast %scan3A_490 : i32 to index
      %swap3A_553 = arith.constant 16 : index
      %swap3A_554 = tpu.vector_load %arg7[%swap3A_551, %swap3A_552, %swap3A_553] {strides = array<i32>} : memref<2x128x128xi32, #tpu.memory_space<vmem>>, vector<1x1x16xi32>,
      %swap3A_555 = vector.shape_cast %swap3A_554 : vector<1x1x16xi32> to vector<16xi32>
      %swap3A_556 = vector.shape_cast %or3A_549 : vector<16xi32> to vector<1x1x16xi32>
      tpu.vector_store %arg7[%swap3A_551, %swap3A_552, %swap3A_553], %swap3A_556 {strides = array<i32>} : memref<2x128x128xi32, #tpu.memory_space<vmem>>, vector<1x1x16xi32>,
      %get3A_557 = arith.constant 1 : i32
      %get3A_558 = arith.index_cast %get3A_557 : i32 to index
      %get3A_559 = arith.index_cast %scan3A_490 : i32 to index
      %get3A_560 = arith.constant 32 : index
      %get3A_561 = tpu.vector_load %arg6[%get3A_558, %get3A_559, %get3A_560] {strides = array<i32>} : memref<2x256x128xf32, #tpu.memory_space<vmem>>, vector<1x1x16xf32>,
      %get3A_562 = vector.shape_cast %get3A_561 : vector<1x1x16xf32> to vector<16xf32>
      %add3A_563 = arith.constant 128 : i32
      %add3A_564 = arith.addi %scan3A_490, %add3A_563 : i32
      %get3A_565 = arith.constant 1 : i32
      %get3A_566 = arith.index_cast %get3A_565 : i32 to index
      %get3A_567 = arith.index_cast %add3A_564 : i32 to index
      %get3A_568 = arith.constant 32 : index
      %get3A_569 = tpu.vector_load %arg6[%get3A_566, %get3A_567, %get3A_568] {strides = array<i32>} : memref<2x256x128xf32, #tpu.memory_space<vmem>>, vector<1x1x16xf32>,
      %get3A_570 = vector.shape_cast %get3A_569 : vector<1x1x16xf32> to vector<16xf32>
      %bitcast_convert_type3A_571 = tpu.bitcast %get3A_562 : vector<16xf32> -> vector<16xi32>
      %add3A_572 = arith.constant 32768 : i32
      %add3A_573 = vector.broadcast %add3A_572 : i32 to vector<16xi32>
      %add3A_574 = arith.addi %bitcast_convert_type3A_571, %add3A_573 : vector<16xi32>
      %bitcast_convert_type3A_575 = tpu.bitcast %get3A_570 : vector<16xf32> -> vector<16xi32>
      %add3A_576 = arith.constant 32768 : i32
      %add3A_577 = vector.broadcast %add3A_576 : i32 to vector<16xi32>
      %add3A_578 = arith.addi %bitcast_convert_type3A_575, %add3A_577 : vector<16xi32>
      %shift_right_logical3A_579 = arith.constant 16 : i32
      %shift_right_logical3A_580 = vector.broadcast %shift_right_logical3A_579 : i32 to vector<16xi32>
      %shift_right_logical3A_581 = arith.shrui %add3A_574, %shift_right_logical3A_580 : vector<16xi32>
      %and3A_582 = arith.constant -65536 : i32
      %and3A_583 = vector.broadcast %and3A_582 : i32 to vector<16xi32>
      %and3A_584 = arith.andi %add3A_578, %and3A_583 : vector<16xi32>
      %or3A_585 = arith.ori %shift_right_logical3A_581, %and3A_584 : vector<16xi32>
      %swap3A_586 = arith.constant 1 : i32
      %swap3A_587 = arith.index_cast %swap3A_586 : i32 to index
      %swap3A_588 = arith.index_cast %scan3A_490 : i32 to index
      %swap3A_589 = arith.constant 32 : index
      %swap3A_590 = tpu.vector_load %arg7[%swap3A_587, %swap3A_588, %swap3A_589] {strides = array<i32>} : memref<2x128x128xi32, #tpu.memory_space<vmem>>, vector<1x1x16xi32>,
      %swap3A_591 = vector.shape_cast %swap3A_590 : vector<1x1x16xi32> to vector<16xi32>
      %swap3A_592 = vector.shape_cast %or3A_585 : vector<16xi32> to vector<1x1x16xi32>
      tpu.vector_store %arg7[%swap3A_587, %swap3A_588, %swap3A_589], %swap3A_592 {strides = array<i32>} : memref<2x128x128xi32, #tpu.memory_space<vmem>>, vector<1x1x16xi32>,
      %get3A_593 = arith.constant 1 : i32
      %get3A_594 = arith.index_cast %get3A_593 : i32 to index
      %get3A_595 = arith.index_cast %scan3A_490 : i32 to index
      %get3A_596 = arith.constant 48 : index
      %get3A_597 = tpu.vector_load %arg6[%get3A_594, %get3A_595, %get3A_596] {strides = array<i32>} : memref<2x256x128xf32, #tpu.memory_space<vmem>>, vector<1x1x16xf32>,
      %get3A_598 = vector.shape_cast %get3A_597 : vector<1x1x16xf32> to vector<16xf32>
      %add3A_599 = arith.constant 128 : i32
      %add3A_600 = arith.addi %scan3A_490, %add3A_599 : i32
      %get3A_601 = arith.constant 1 : i32
      %get3A_602 = arith.index_cast %get3A_601 : i32 to index
      %get3A_603 = arith.index_cast %add3A_600 : i32 to index
      %get3A_604 = arith.constant 48 : index
      %get3A_605 = tpu.vector_load %arg6[%get3A_602, %get3A_603, %get3A_604] {strides = array<i32>} : memref<2x256x128xf32, #tpu.memory_space<vmem>>, vector<1x1x16xf32>,
      %get3A_606 = vector.shape_cast %get3A_605 : vector<1x1x16xf32> to vector<16xf32>
      %bitcast_convert_type3A_607 = tpu.bitcast %get3A_598 : vector<16xf32> -> vector<16xi32>
      %add3A_608 = arith.constant 32768 : i32
      %add3A_609 = vector.broadcast %add3A_608 : i32 to vector<16xi32>
      %add3A_610 = arith.addi %bitcast_convert_type3A_607, %add3A_609 : vector<16xi32>
      %bitcast_convert_type3A_611 = tpu.bitcast %get3A_606 : vector<16xf32> -> vector<16xi32>
      %add3A_612 = arith.constant 32768 : i32
      %add3A_613 = vector.broadcast %add3A_612 : i32 to vector<16xi32>
      %add3A_614 = arith.addi %bitcast_convert_type3A_611, %add3A_613 : vector<16xi32>
      %shift_right_logical3A_615 = arith.constant 16 : i32
      %shift_right_logical3A_616 = vector.broadcast %shift_right_logical3A_615 : i32 to vector<16xi32>
      %shift_right_logical3A_617 = arith.shrui %add3A_610, %shift_right_logical3A_616 : vector<16xi32>
      %and3A_618 = arith.constant -65536 : i32
      %and3A_619 = vector.broadcast %and3A_618 : i32 to vector<16xi32>
      %and3A_620 = arith.andi %add3A_614, %and3A_619 : vector<16xi32>
      %or3A_621 = arith.ori %shift_right_logical3A_617, %and3A_620 : vector<16xi32>
      %swap3A_622 = arith.constant 1 : i32
      %swap3A_623 = arith.index_cast %swap3A_622 : i32 to index
      %swap3A_624 = arith.index_cast %scan3A_490 : i32 to index
      %swap3A_625 = arith.constant 48 : index
      %swap3A_626 = tpu.vector_load %arg7[%swap3A_623, %swap3A_624, %swap3A_625] {strides = array<i32>} : memref<2x128x128xi32, #tpu.memory_space<vmem>>, vector<1x1x16xi32>,
      %swap3A_627 = vector.shape_cast %swap3A_626 : vector<1x1x16xi32> to vector<16xi32>
      %swap3A_628 = vector.shape_cast %or3A_621 : vector<16xi32> to vector<1x1x16xi32>
      tpu.vector_store %arg7[%swap3A_623, %swap3A_624, %swap3A_625], %swap3A_628 {strides = array<i32>} : memref<2x128x128xi32, #tpu.memory_space<vmem>>, vector<1x1x16xi32>,
      %get3A_629 = arith.constant 1 : i32
      %get3A_630 = arith.index_cast %get3A_629 : i32 to index
      %get3A_631 = arith.index_cast %scan3A_490 : i32 to index
      %get3A_632 = arith.constant 64 : index
      %get3A_633 = tpu.vector_load %arg6[%get3A_630, %get3A_631, %get3A_632] {strides = array<i32>} : memref<2x256x128xf32, #tpu.memory_space<vmem>>, vector<1x1x16xf32>,
      %get3A_634 = vector.shape_cast %get3A_633 : vector<1x1x16xf32> to vector<16xf32>
      %add3A_635 = arith.constant 128 : i32
      %add3A_636 = arith.addi %scan3A_490, %add3A_635 : i32
      %get3A_637 = arith.constant 1 : i32
      %get3A_638 = arith.index_cast %get3A_637 : i32 to index
      %get3A_639 = arith.index_cast %add3A_636 : i32 to index
      %get3A_640 = arith.constant 64 : index
      %get3A_641 = tpu.vector_load %arg6[%get3A_638, %get3A_639, %get3A_640] {strides = array<i32>} : memref<2x256x128xf32, #tpu.memory_space<vmem>>, vector<1x1x16xf32>,
      %get3A_642 = vector.shape_cast %get3A_641 : vector<1x1x16xf32> to vector<16xf32>
      %bitcast_convert_type3A_643 = tpu.bitcast %get3A_634 : vector<16xf32> -> vector<16xi32>
      %add3A_644 = arith.constant 32768 : i32
      %add3A_645 = vector.broadcast %add3A_644 : i32 to vector<16xi32>
      %add3A_646 = arith.addi %bitcast_convert_type3A_643, %add3A_645 : vector<16xi32>
      %bitcast_convert_type3A_647 = tpu.bitcast %get3A_642 : vector<16xf32> -> vector<16xi32>
      %add3A_648 = arith.constant 32768 : i32
      %add3A_649 = vector.broadcast %add3A_648 : i32 to vector<16xi32>
      %add3A_650 = arith.addi %bitcast_convert_type3A_647, %add3A_649 : vector<16xi32>
      %shift_right_logical3A_651 = arith.constant 16 : i32
      %shift_right_logical3A_652 = vector.broadcast %shift_right_logical3A_651 : i32 to vector<16xi32>
      %shift_right_logical3A_653 = arith.shrui %add3A_646, %shift_right_logical3A_652 : vector<16xi32>
      %and3A_654 = arith.constant -65536 : i32
      %and3A_655 = vector.broadcast %and3A_654 : i32 to vector<16xi32>
      %and3A_656 = arith.andi %add3A_650, %and3A_655 : vector<16xi32>
      %or3A_657 = arith.ori %shift_right_logical3A_653, %and3A_656 : vector<16xi32>
      %swap3A_658 = arith.constant 1 : i32
      %swap3A_659 = arith.index_cast %swap3A_658 : i32 to index
      %swap3A_660 = arith.index_cast %scan3A_490 : i32 to index
      %swap3A_661 = arith.constant 64 : index
      %swap3A_662 = tpu.vector_load %arg7[%swap3A_659, %swap3A_660, %swap3A_661] {strides = array<i32>} : memref<2x128x128xi32, #tpu.memory_space<vmem>>, vector<1x1x16xi32>,
      %swap3A_663 = vector.shape_cast %swap3A_662 : vector<1x1x16xi32> to vector<16xi32>
      %swap3A_664 = vector.shape_cast %or3A_657 : vector<16xi32> to vector<1x1x16xi32>
      tpu.vector_store %arg7[%swap3A_659, %swap3A_660, %swap3A_661], %swap3A_664 {strides = array<i32>} : memref<2x128x128xi32, #tpu.memory_space<vmem>>, vector<1x1x16xi32>,
      %get3A_665 = arith.constant 1 : i32
      %get3A_666 = arith.index_cast %get3A_665 : i32 to index
      %get3A_667 = arith.index_cast %scan3A_490 : i32 to index
      %get3A_668 = arith.constant 80 : index
      %get3A_669 = tpu.vector_load %arg6[%get3A_666, %get3A_667, %get3A_668] {strides = array<i32>} : memref<2x256x128xf32, #tpu.memory_space<vmem>>, vector<1x1x16xf32>,
      %get3A_670 = vector.shape_cast %get3A_669 : vector<1x1x16xf32> to vector<16xf32>
      %add3A_671 = arith.constant 128 : i32
      %add3A_672 = arith.addi %scan3A_490, %add3A_671 : i32
      %get3A_673 = arith.constant 1 : i32
      %get3A_674 = arith.index_cast %get3A_673 : i32 to index
      %get3A_675 = arith.index_cast %add3A_672 : i32 to index
      %get3A_676 = arith.constant 80 : index
      %get3A_677 = tpu.vector_load %arg6[%get3A_674, %get3A_675, %get3A_676] {strides = array<i32>} : memref<2x256x128xf32, #tpu.memory_space<vmem>>, vector<1x1x16xf32>,
      %get3A_678 = vector.shape_cast %get3A_677 : vector<1x1x16xf32> to vector<16xf32>
      %bitcast_convert_type3A_679 = tpu.bitcast %get3A_670 : vector<16xf32> -> vector<16xi32>
      %add3A_680 = arith.constant 32768 : i32
      %add3A_681 = vector.broadcast %add3A_680 : i32 to vector<16xi32>
      %add3A_682 = arith.addi %bitcast_convert_type3A_679, %add3A_681 : vector<16xi32>
      %bitcast_convert_type3A_683 = tpu.bitcast %get3A_678 : vector<16xf32> -> vector<16xi32>
      %add3A_684 = arith.constant 32768 : i32
      %add3A_685 = vector.broadcast %add3A_684 : i32 to vector<16xi32>
      %add3A_686 = arith.addi %bitcast_convert_type3A_683, %add3A_685 : vector<16xi32>
      %shift_right_logical3A_687 = arith.constant 16 : i32
      %shift_right_logical3A_688 = vector.broadcast %shift_right_logical3A_687 : i32 to vector<16xi32>
      %shift_right_logical3A_689 = arith.shrui %add3A_682, %shift_right_logical3A_688 : vector<16xi32>
      %and3A_690 = arith.constant -65536 : i32
      %and3A_691 = vector.broadcast %and3A_690 : i32 to vector<16xi32>
      %and3A_692 = arith.andi %add3A_686, %and3A_691 : vector<16xi32>
      %or3A_693 = arith.ori %shift_right_logical3A_689, %and3A_692 : vector<16xi32>
      %swap3A_694 = arith.constant 1 : i32
      %swap3A_695 = arith.index_cast %swap3A_694 : i32 to index
      %swap3A_696 = arith.index_cast %scan3A_490 : i32 to index
      %swap3A_697 = arith.constant 80 : index
      %swap3A_698 = tpu.vector_load %arg7[%swap3A_695, %swap3A_696, %swap3A_697] {strides = array<i32>} : memref<2x128x128xi32, #tpu.memory_space<vmem>>, vector<1x1x16xi32>,
      %swap3A_699 = vector.shape_cast %swap3A_698 : vector<1x1x16xi32> to vector<16xi32>
      %swap3A_700 = vector.shape_cast %or3A_693 : vector<16xi32> to vector<1x1x16xi32>
      tpu.vector_store %arg7[%swap3A_695, %swap3A_696, %swap3A_697], %swap3A_700 {strides = array<i32>} : memref<2x128x128xi32, #tpu.memory_space<vmem>>, vector<1x1x16xi32>,
      %get3A_701 = arith.constant 1 : i32
      %get3A_702 = arith.index_cast %get3A_701 : i32 to index
      %get3A_703 = arith.index_cast %scan3A_490 : i32 to index
      %get3A_704 = arith.constant 96 : index
      %get3A_705 = tpu.vector_load %arg6[%get3A_702, %get3A_703, %get3A_704] {strides = array<i32>} : memref<2x256x128xf32, #tpu.memory_space<vmem>>, vector<1x1x16xf32>,
      %get3A_706 = vector.shape_cast %get3A_705 : vector<1x1x16xf32> to vector<16xf32>
      %add3A_707 = arith.constant 128 : i32
      %add3A_708 = arith.addi %scan3A_490, %add3A_707 : i32
      %get3A_709 = arith.constant 1 : i32
      %get3A_710 = arith.index_cast %get3A_709 : i32 to index
      %get3A_711 = arith.index_cast %add3A_708 : i32 to index
      %get3A_712 = arith.constant 96 : index
      %get3A_713 = tpu.vector_load %arg6[%get3A_710, %get3A_711, %get3A_712] {strides = array<i32>} : memref<2x256x128xf32, #tpu.memory_space<vmem>>, vector<1x1x16xf32>,
      %get3A_714 = vector.shape_cast %get3A_713 : vector<1x1x16xf32> to vector<16xf32>
      %bitcast_convert_type3A_715 = tpu.bitcast %get3A_706 : vector<16xf32> -> vector<16xi32>
      %add3A_716 = arith.constant 32768 : i32
      %add3A_717 = vector.broadcast %add3A_716 : i32 to vector<16xi32>
      %add3A_718 = arith.addi %bitcast_convert_type3A_715, %add3A_717 : vector<16xi32>
      %bitcast_convert_type3A_719 = tpu.bitcast %get3A_714 : vector<16xf32> -> vector<16xi32>
      %add3A_720 = arith.constant 32768 : i32
      %add3A_721 = vector.broadcast %add3A_720 : i32 to vector<16xi32>
      %add3A_722 = arith.addi %bitcast_convert_type3A_719, %add3A_721 : vector<16xi32>
      %shift_right_logical3A_723 = arith.constant 16 : i32
      %shift_right_logical3A_724 = vector.broadcast %shift_right_logical3A_723 : i32 to vector<16xi32>
      %shift_right_logical3A_725 = arith.shrui %add3A_718, %shift_right_logical3A_724 : vector<16xi32>
      %and3A_726 = arith.constant -65536 : i32
      %and3A_727 = vector.broadcast %and3A_726 : i32 to vector<16xi32>
      %and3A_728 = arith.andi %add3A_722, %and3A_727 : vector<16xi32>
      %or3A_729 = arith.ori %shift_right_logical3A_725, %and3A_728 : vector<16xi32>
      %swap3A_730 = arith.constant 1 : i32
      %swap3A_731 = arith.index_cast %swap3A_730 : i32 to index
      %swap3A_732 = arith.index_cast %scan3A_490 : i32 to index
      %swap3A_733 = arith.constant 96 : index
      %swap3A_734 = tpu.vector_load %arg7[%swap3A_731, %swap3A_732, %swap3A_733] {strides = array<i32>} : memref<2x128x128xi32, #tpu.memory_space<vmem>>, vector<1x1x16xi32>,
      %swap3A_735 = vector.shape_cast %swap3A_734 : vector<1x1x16xi32> to vector<16xi32>
      %swap3A_736 = vector.shape_cast %or3A_729 : vector<16xi32> to vector<1x1x16xi32>
      tpu.vector_store %arg7[%swap3A_731, %swap3A_732, %swap3A_733], %swap3A_736 {strides = array<i32>} : memref<2x128x128xi32, #tpu.memory_space<vmem>>, vector<1x1x16xi32>,
      %get3A_737 = arith.constant 1 : i32
      %get3A_738 = arith.index_cast %get3A_737 : i32 to index
      %get3A_739 = arith.index_cast %scan3A_490 : i32 to index
      %get3A_740 = arith.constant 112 : index
      %get3A_741 = tpu.vector_load %arg6[%get3A_738, %get3A_739, %get3A_740] {strides = array<i32>} : memref<2x256x128xf32, #tpu.memory_space<vmem>>, vector<1x1x16xf32>,
      %get3A_742 = vector.shape_cast %get3A_741 : vector<1x1x16xf32> to vector<16xf32>
      %add3A_743 = arith.constant 128 : i32
      %add3A_744 = arith.addi %scan3A_490, %add3A_743 : i32
      %get3A_745 = arith.constant 1 : i32
      %get3A_746 = arith.index_cast %get3A_745 : i32 to index
      %get3A_747 = arith.index_cast %add3A_744 : i32 to index
      %get3A_748 = arith.constant 112 : index
      %get3A_749 = tpu.vector_load %arg6[%get3A_746, %get3A_747, %get3A_748] {strides = array<i32>} : memref<2x256x128xf32, #tpu.memory_space<vmem>>, vector<1x1x16xf32>,
      %get3A_750 = vector.shape_cast %get3A_749 : vector<1x1x16xf32> to vector<16xf32>
      %bitcast_convert_type3A_751 = tpu.bitcast %get3A_742 : vector<16xf32> -> vector<16xi32>
      %add3A_752 = arith.constant 32768 : i32
      %add3A_753 = vector.broadcast %add3A_752 : i32 to vector<16xi32>
      %add3A_754 = arith.addi %bitcast_convert_type3A_751, %add3A_753 : vector<16xi32>
      %bitcast_convert_type3A_755 = tpu.bitcast %get3A_750 : vector<16xf32> -> vector<16xi32>
      %add3A_756 = arith.constant 32768 : i32
      %add3A_757 = vector.broadcast %add3A_756 : i32 to vector<16xi32>
      %add3A_758 = arith.addi %bitcast_convert_type3A_755, %add3A_757 : vector<16xi32>
      %shift_right_logical3A_759 = arith.constant 16 : i32
      %shift_right_logical3A_760 = vector.broadcast %shift_right_logical3A_759 : i32 to vector<16xi32>
      %shift_right_logical3A_761 = arith.shrui %add3A_754, %shift_right_logical3A_760 : vector<16xi32>
      %and3A_762 = arith.constant -65536 : i32
      %and3A_763 = vector.broadcast %and3A_762 : i32 to vector<16xi32>
      %and3A_764 = arith.andi %add3A_758, %and3A_763 : vector<16xi32>
      %or3A_765 = arith.ori %shift_right_logical3A_761, %and3A_764 : vector<16xi32>
      %swap3A_766 = arith.constant 1 : i32
      %swap3A_767 = arith.index_cast %swap3A_766 : i32 to index
      %swap3A_768 = arith.index_cast %scan3A_490 : i32 to index
      %swap3A_769 = arith.constant 112 : index
      %swap3A_770 = tpu.vector_load %arg7[%swap3A_767, %swap3A_768, %swap3A_769] {strides = array<i32>} : memref<2x128x128xi32, #tpu.memory_space<vmem>>, vector<1x1x16xi32>,
      %swap3A_771 = vector.shape_cast %swap3A_770 : vector<1x1x16xi32> to vector<16xi32>
      %swap3A_772 = vector.shape_cast %or3A_765 : vector<16xi32> to vector<1x1x16xi32>
      tpu.vector_store %arg7[%swap3A_767, %swap3A_768, %swap3A_769], %swap3A_772 {strides = array<i32>} : memref<2x128x128xi32, #tpu.memory_space<vmem>>, vector<1x1x16xi32>,
    }
    %scan3A_296 = arith.constant 128 : i32
    %add3A_297 = arith.constant 640 : i32
    %add3A_298 = arith.addi %mul3A_4, %add3A_297 : i32
    %dma_start3A_299 = arith.constant 1 : i32
    %dma_start3A_300 = arith.constant 0 : i32
    %dma_start3A_301 = arith.constant 0 : i32
    %dma_start3A_302 = tpu.memref_slice %arg7[%dma_start3A_299, %dma_start3A_300, %dma_start3A_301] : memref<2x128x128xi32, #tpu.memory_space<vmem>> -> memref<1x128x128xi32, #tpu.memory_space<vmem>>
    %dma_start3A_303 = tpu.memref_squeeze %dma_start3A_302 : memref<1x128x128xi32, #tpu.memory_space<vmem>> -> memref<128x128xi32, #tpu.memory_space<vmem>>
    %dma_start3A_304 = arith.constant 0 : i32
    %dma_start3A_305 = tpu.memref_slice %arg4[%add3A_298, %dma_start3A_304] : memref<36864x128xi32, #tpu.memory_space<hbm>> -> memref<128x128xi32, #tpu.memory_space<hbm>>
    %dma_start3A_306 = arith.constant 0 : i32
    %dma_start3A_307 = tpu.memref_slice %arg4[%add3A_298, %dma_start3A_306] : memref<36864x128xi32, #tpu.memory_space<hbm>> -> memref<128x128xi32, #tpu.memory_space<hbm>>
    %dma_start3A_308 = arith.constant 0 : i32
    %dma_start3A_309 = arith.constant 0 : i32
    %dma_start3A_310 = tpu.memref_slice %arg7[%dma_start3A_299, %dma_start3A_308, %dma_start3A_309] : memref<2x128x128xi32, #tpu.memory_space<vmem>> -> memref<1x128x128xi32, #tpu.memory_space<vmem>>
    %dma_start3A_311 = tpu.memref_squeeze %dma_start3A_310 : memref<1x128x128xi32, #tpu.memory_space<vmem>> -> memref<128x128xi32, #tpu.memory_space<vmem>>
    tpu.enqueue_dma source(%dma_start3A_311 : memref<128x128xi32, #tpu.memory_space<vmem>>) target(%dma_start3A_307 : memref<128x128xi32, #tpu.memory_space<hbm>>) target_semaphore(%arg11 : memref<!tpu.dma_semaphore, #tpu.memory_space<semaphore_mem>>)
    %dma_start3A_312 = arith.constant 1 : i32
    %dma_start3A_313 = arith.constant 0 : i32
    %dma_start3A_314 = arith.constant 0 : i32
    %dma_start3A_315 = tpu.memref_slice %arg6[%dma_start3A_312, %dma_start3A_313, %dma_start3A_314] : memref<2x256x128xf32, #tpu.memory_space<vmem>> -> memref<1x256x128xf32, #tpu.memory_space<vmem>>
    %dma_start3A_316 = tpu.memref_squeeze %dma_start3A_315 : memref<1x256x128xf32, #tpu.memory_space<vmem>> -> memref<256x128xf32, #tpu.memory_space<vmem>>
    %dma_start3A_317 = arith.constant 1792 : i32
    %dma_start3A_318 = tpu.memref_slice %arg5[%dma_start3A_317] : memref<2304xi32, #tpu.memory_space<vmem>> -> memref<256xi32, #tpu.memory_space<vmem>>
    %dma_start3A_319 = arith.constant 0 : i32
    %dma_start3A_320 = arith.constant 0 : i32
    %dma_start3A_321 = tpu.memref_slice %arg2[%dma_start3A_319, %dma_start3A_320] : memref<1000000x128xf32, #tpu.memory_space<hbm>> -> memref<1000000x128xf32, #tpu.memory_space<hbm>>
    tpu.enqueue_indirect_dma source(%dma_start3A_321 : memref<1000000x128xf32, #tpu.memory_space<hbm>>) target(%dma_start3A_316 : memref<256x128xf32, #tpu.memory_space<vmem>>) offsets(%dma_start3A_318 : memref<256xi32, #tpu.memory_space<vmem>>) semaphore(%arg9 : memref<!tpu.dma_semaphore, #tpu.memory_space<semaphore_mem>>)
    %dma_wait3A_322 = arith.constant 0 : i32
    %dma_wait3A_323 = arith.constant 0 : i32
    %dma_wait3A_324 = arith.constant 0 : i32
    %dma_wait3A_325 = tpu.memref_slice %arg6[%dma_wait3A_322, %dma_wait3A_323, %dma_wait3A_324] : memref<2x256x128xf32, #tpu.memory_space<vmem>> -> memref<1x256x128xf32, #tpu.memory_space<vmem>>
    %dma_wait3A_326 = tpu.memref_squeeze %dma_wait3A_325 : memref<1x256x128xf32, #tpu.memory_space<vmem>> -> memref<256x128xf32, #tpu.memory_space<vmem>>
    %dma_wait3A_327 = arith.constant 1536 : i32
    %dma_wait3A_328 = tpu.memref_slice %arg5[%dma_wait3A_327] : memref<2304xi32, #tpu.memory_space<vmem>> -> memref<256xi32, #tpu.memory_space<vmem>>
    %dma_wait3A_329 = arith.constant 0 : i32
    %dma_wait3A_330 = arith.constant 0 : i32
    %dma_wait3A_331 = tpu.memref_slice %arg2[%dma_wait3A_329, %dma_wait3A_330] : memref<1000000x128xf32, #tpu.memory_space<hbm>> -> memref<1000000x128xf32, #tpu.memory_space<hbm>>
    tpu.wait_indirect_dma semaphore(%arg8 : memref<!tpu.dma_semaphore, #tpu.memory_space<semaphore_mem>>) src(%dma_wait3A_331 : memref<1000000x128xf32, #tpu.memory_space<hbm>>) dst(%dma_wait3A_326 : memref<256x128xf32, #tpu.memory_space<vmem>>)
    %dma_wait3A_332 = arith.constant 0 : i32
    %dma_wait3A_333 = arith.constant 0 : i32
    %dma_wait3A_334 = arith.constant 0 : i32
    %dma_wait3A_335 = tpu.memref_slice %arg7[%dma_wait3A_332, %dma_wait3A_333, %dma_wait3A_334] : memref<2x128x128xi32, #tpu.memory_space<vmem>> -> memref<1x128x128xi32, #tpu.memory_space<vmem>>
    %dma_wait3A_336 = tpu.memref_squeeze %dma_wait3A_335 : memref<1x128x128xi32, #tpu.memory_space<vmem>> -> memref<128x128xi32, #tpu.memory_space<vmem>>
    %dma_wait3A_337 = arith.constant 0 : i32
    %dma_wait3A_338 = tpu.memref_slice %arg4[%add3A_244, %dma_wait3A_337] : memref<36864x128xi32, #tpu.memory_space<hbm>> -> memref<128x128xi32, #tpu.memory_space<hbm>>
    %dma_wait3A_339 = arith.constant 0 : i32
    %dma_wait3A_340 = tpu.memref_slice %arg4[%add3A_244, %dma_wait3A_339] : memref<36864x128xi32, #tpu.memory_space<hbm>> -> memref<128x128xi32, #tpu.memory_space<hbm>>
    %dma_wait3A_341 = arith.constant 0 : i32
    %dma_wait3A_342 = arith.constant 0 : i32
    %dma_wait3A_343 = tpu.memref_slice %arg7[%dma_wait3A_332, %dma_wait3A_341, %dma_wait3A_342] : memref<2x128x128xi32, #tpu.memory_space<vmem>> -> memref<1x128x128xi32, #tpu.memory_space<vmem>>
    %dma_wait3A_344 = tpu.memref_squeeze %dma_wait3A_343 : memref<1x128x128xi32, #tpu.memory_space<vmem>> -> memref<128x128xi32, #tpu.memory_space<vmem>>
    tpu.wait_dma2 semaphore(%arg10 : memref<!tpu.dma_semaphore, #tpu.memory_space<semaphore_mem>>) src(%dma_wait3A_344 : memref<128x128xi32, #tpu.memory_space<vmem>>) dst(%dma_wait3A_340 : memref<128x128xi32, #tpu.memory_space<hbm>>)
    %scan3A_345 = arith.constant 0 : i32
    %scan3A_346 = arith.constant 0 : i32
    %scan3A_347 = arith.constant 128 : i32
    %scan3A_348 = arith.addi %scan3A_346, %scan3A_347 : i32
    %scan3A_349 = arith.constant 1 : i32
    scf.for %scan3A_490 = %scan3A_346 to %scan3A_348 step %scan3A_349  : i32 {
      %get3A = arith.constant 0 : i32
      %get3A_491 = arith.index_cast %get3A : i32 to index
      %get3A_492 = arith.index_cast %scan3A_490 : i32 to index
      %get3A_493 = arith.constant 0 : index
      %get3A_494 = tpu.vector_load %arg6[%get3A_491, %get3A_492, %get3A_493] {strides = array<i32>} : memref<2x256x128xf32, #tpu.memory_space<vmem>>, vector<1x1x16xf32>,
      %get3A_495 = vector.shape_cast %get3A_494 : vector<1x1x16xf32> to vector<16xf32>
      %add3A_496 = arith.constant 128 : i32
      %add3A_497 = arith.addi %scan3A_490, %add3A_496 : i32
      %get3A_498 = arith.constant 0 : i32
      %get3A_499 = arith.index_cast %get3A_498 : i32 to index
      %get3A_500 = arith.index_cast %add3A_497 : i32 to index
      %get3A_501 = arith.constant 0 : index
      %get3A_502 = tpu.vector_load %arg6[%get3A_499, %get3A_500, %get3A_501] {strides = array<i32>} : memref<2x256x128xf32, #tpu.memory_space<vmem>>, vector<1x1x16xf32>,
      %get3A_503 = vector.shape_cast %get3A_502 : vector<1x1x16xf32> to vector<16xf32>
      %bitcast_convert_type3A = tpu.bitcast %get3A_495 : vector<16xf32> -> vector<16xi32>
      %add3A_504 = arith.constant 32768 : i32
      %add3A_505 = vector.broadcast %add3A_504 : i32 to vector<16xi32>
      %add3A_506 = arith.addi %bitcast_convert_type3A, %add3A_505 : vector<16xi32>
      %bitcast_convert_type3A_507 = tpu.bitcast %get3A_503 : vector<16xf32> -> vector<16xi32>
      %add3A_508 = arith.constant 32768 : i32
      %add3A_509 = vector.broadcast %add3A_508 : i32 to vector<16xi32>
      %add3A_510 = arith.addi %bitcast_convert_type3A_507, %add3A_509 : vector<16xi32>
      %shift_right_logical3A = arith.constant 16 : i32
      %shift_right_logical3A_511 = vector.broadcast %shift_right_logical3A : i32 to vector<16xi32>
      %shift_right_logical3A_512 = arith.shrui %add3A_506, %shift_right_logical3A_511 : vector<16xi32>
      %and3A = arith.constant -65536 : i32
      %and3A_513 = vector.broadcast %and3A : i32 to vector<16xi32>
      %and3A_514 = arith.andi %add3A_510, %and3A_513 : vector<16xi32>
      %or3A = arith.ori %shift_right_logical3A_512, %and3A_514 : vector<16xi32>
      %swap3A = arith.constant 0 : i32
      %swap3A_515 = arith.index_cast %swap3A : i32 to index
      %swap3A_516 = arith.index_cast %scan3A_490 : i32 to index
      %swap3A_517 = arith.constant 0 : index
      %swap3A_518 = tpu.vector_load %arg7[%swap3A_515, %swap3A_516, %swap3A_517] {strides = array<i32>} : memref<2x128x128xi32, #tpu.memory_space<vmem>>, vector<1x1x16xi32>,
      %swap3A_519 = vector.shape_cast %swap3A_518 : vector<1x1x16xi32> to vector<16xi32>
      %swap3A_520 = vector.shape_cast %or3A : vector<16xi32> to vector<1x1x16xi32>
      tpu.vector_store %arg7[%swap3A_515, %swap3A_516, %swap3A_517], %swap3A_520 {strides = array<i32>} : memref<2x128x128xi32, #tpu.memory_space<vmem>>, vector<1x1x16xi32>,
      %get3A_521 = arith.constant 0 : i32
      %get3A_522 = arith.index_cast %get3A_521 : i32 to index
      %get3A_523 = arith.index_cast %scan3A_490 : i32 to index
      %get3A_524 = arith.constant 16 : index
      %get3A_525 = tpu.vector_load %arg6[%get3A_522, %get3A_523, %get3A_524] {strides = array<i32>} : memref<2x256x128xf32, #tpu.memory_space<vmem>>, vector<1x1x16xf32>,
      %get3A_526 = vector.shape_cast %get3A_525 : vector<1x1x16xf32> to vector<16xf32>
      %add3A_527 = arith.constant 128 : i32
      %add3A_528 = arith.addi %scan3A_490, %add3A_527 : i32
      %get3A_529 = arith.constant 0 : i32
      %get3A_530 = arith.index_cast %get3A_529 : i32 to index
      %get3A_531 = arith.index_cast %add3A_528 : i32 to index
      %get3A_532 = arith.constant 16 : index
      %get3A_533 = tpu.vector_load %arg6[%get3A_530, %get3A_531, %get3A_532] {strides = array<i32>} : memref<2x256x128xf32, #tpu.memory_space<vmem>>, vector<1x1x16xf32>,
      %get3A_534 = vector.shape_cast %get3A_533 : vector<1x1x16xf32> to vector<16xf32>
      %bitcast_convert_type3A_535 = tpu.bitcast %get3A_526 : vector<16xf32> -> vector<16xi32>
      %add3A_536 = arith.constant 32768 : i32
      %add3A_537 = vector.broadcast %add3A_536 : i32 to vector<16xi32>
      %add3A_538 = arith.addi %bitcast_convert_type3A_535, %add3A_537 : vector<16xi32>
      %bitcast_convert_type3A_539 = tpu.bitcast %get3A_534 : vector<16xf32> -> vector<16xi32>
      %add3A_540 = arith.constant 32768 : i32
      %add3A_541 = vector.broadcast %add3A_540 : i32 to vector<16xi32>
      %add3A_542 = arith.addi %bitcast_convert_type3A_539, %add3A_541 : vector<16xi32>
      %shift_right_logical3A_543 = arith.constant 16 : i32
      %shift_right_logical3A_544 = vector.broadcast %shift_right_logical3A_543 : i32 to vector<16xi32>
      %shift_right_logical3A_545 = arith.shrui %add3A_538, %shift_right_logical3A_544 : vector<16xi32>
      %and3A_546 = arith.constant -65536 : i32
      %and3A_547 = vector.broadcast %and3A_546 : i32 to vector<16xi32>
      %and3A_548 = arith.andi %add3A_542, %and3A_547 : vector<16xi32>
      %or3A_549 = arith.ori %shift_right_logical3A_545, %and3A_548 : vector<16xi32>
      %swap3A_550 = arith.constant 0 : i32
      %swap3A_551 = arith.index_cast %swap3A_550 : i32 to index
      %swap3A_552 = arith.index_cast %scan3A_490 : i32 to index
      %swap3A_553 = arith.constant 16 : index
      %swap3A_554 = tpu.vector_load %arg7[%swap3A_551, %swap3A_552, %swap3A_553] {strides = array<i32>} : memref<2x128x128xi32, #tpu.memory_space<vmem>>, vector<1x1x16xi32>,
      %swap3A_555 = vector.shape_cast %swap3A_554 : vector<1x1x16xi32> to vector<16xi32>
      %swap3A_556 = vector.shape_cast %or3A_549 : vector<16xi32> to vector<1x1x16xi32>
      tpu.vector_store %arg7[%swap3A_551, %swap3A_552, %swap3A_553], %swap3A_556 {strides = array<i32>} : memref<2x128x128xi32, #tpu.memory_space<vmem>>, vector<1x1x16xi32>,
      %get3A_557 = arith.constant 0 : i32
      %get3A_558 = arith.index_cast %get3A_557 : i32 to index
      %get3A_559 = arith.index_cast %scan3A_490 : i32 to index
      %get3A_560 = arith.constant 32 : index
      %get3A_561 = tpu.vector_load %arg6[%get3A_558, %get3A_559, %get3A_560] {strides = array<i32>} : memref<2x256x128xf32, #tpu.memory_space<vmem>>, vector<1x1x16xf32>,
      %get3A_562 = vector.shape_cast %get3A_561 : vector<1x1x16xf32> to vector<16xf32>
      %add3A_563 = arith.constant 128 : i32
      %add3A_564 = arith.addi %scan3A_490, %add3A_563 : i32
      %get3A_565 = arith.constant 0 : i32
      %get3A_566 = arith.index_cast %get3A_565 : i32 to index
      %get3A_567 = arith.index_cast %add3A_564 : i32 to index
      %get3A_568 = arith.constant 32 : index
      %get3A_569 = tpu.vector_load %arg6[%get3A_566, %get3A_567, %get3A_568] {strides = array<i32>} : memref<2x256x128xf32, #tpu.memory_space<vmem>>, vector<1x1x16xf32>,
      %get3A_570 = vector.shape_cast %get3A_569 : vector<1x1x16xf32> to vector<16xf32>
      %bitcast_convert_type3A_571 = tpu.bitcast %get3A_562 : vector<16xf32> -> vector<16xi32>
      %add3A_572 = arith.constant 32768 : i32
      %add3A_573 = vector.broadcast %add3A_572 : i32 to vector<16xi32>
      %add3A_574 = arith.addi %bitcast_convert_type3A_571, %add3A_573 : vector<16xi32>
      %bitcast_convert_type3A_575 = tpu.bitcast %get3A_570 : vector<16xf32> -> vector<16xi32>
      %add3A_576 = arith.constant 32768 : i32
      %add3A_577 = vector.broadcast %add3A_576 : i32 to vector<16xi32>
      %add3A_578 = arith.addi %bitcast_convert_type3A_575, %add3A_577 : vector<16xi32>
      %shift_right_logical3A_579 = arith.constant 16 : i32
      %shift_right_logical3A_580 = vector.broadcast %shift_right_logical3A_579 : i32 to vector<16xi32>
      %shift_right_logical3A_581 = arith.shrui %add3A_574, %shift_right_logical3A_580 : vector<16xi32>
      %and3A_582 = arith.constant -65536 : i32
      %and3A_583 = vector.broadcast %and3A_582 : i32 to vector<16xi32>
      %and3A_584 = arith.andi %add3A_578, %and3A_583 : vector<16xi32>
      %or3A_585 = arith.ori %shift_right_logical3A_581, %and3A_584 : vector<16xi32>
      %swap3A_586 = arith.constant 0 : i32
      %swap3A_587 = arith.index_cast %swap3A_586 : i32 to index
      %swap3A_588 = arith.index_cast %scan3A_490 : i32 to index
      %swap3A_589 = arith.constant 32 : index
      %swap3A_590 = tpu.vector_load %arg7[%swap3A_587, %swap3A_588, %swap3A_589] {strides = array<i32>} : memref<2x128x128xi32, #tpu.memory_space<vmem>>, vector<1x1x16xi32>,
      %swap3A_591 = vector.shape_cast %swap3A_590 : vector<1x1x16xi32> to vector<16xi32>
      %swap3A_592 = vector.shape_cast %or3A_585 : vector<16xi32> to vector<1x1x16xi32>
      tpu.vector_store %arg7[%swap3A_587, %swap3A_588, %swap3A_589], %swap3A_592 {strides = array<i32>} : memref<2x128x128xi32, #tpu.memory_space<vmem>>, vector<1x1x16xi32>,
      %get3A_593 = arith.constant 0 : i32
      %get3A_594 = arith.index_cast %get3A_593 : i32 to index
      %get3A_595 = arith.index_cast %scan3A_490 : i32 to index
      %get3A_596 = arith.constant 48 : index
      %get3A_597 = tpu.vector_load %arg6[%get3A_594, %get3A_595, %get3A_596] {strides = array<i32>} : memref<2x256x128xf32, #tpu.memory_space<vmem>>, vector<1x1x16xf32>,
      %get3A_598 = vector.shape_cast %get3A_597 : vector<1x1x16xf32> to vector<16xf32>
      %add3A_599 = arith.constant 128 : i32
      %add3A_600 = arith.addi %scan3A_490, %add3A_599 : i32
      %get3A_601 = arith.constant 0 : i32
      %get3A_602 = arith.index_cast %get3A_601 : i32 to index
      %get3A_603 = arith.index_cast %add3A_600 : i32 to index
      %get3A_604 = arith.constant 48 : index
      %get3A_605 = tpu.vector_load %arg6[%get3A_602, %get3A_603, %get3A_604] {strides = array<i32>} : memref<2x256x128xf32, #tpu.memory_space<vmem>>, vector<1x1x16xf32>,
      %get3A_606 = vector.shape_cast %get3A_605 : vector<1x1x16xf32> to vector<16xf32>
      %bitcast_convert_type3A_607 = tpu.bitcast %get3A_598 : vector<16xf32> -> vector<16xi32>
      %add3A_608 = arith.constant 32768 : i32
      %add3A_609 = vector.broadcast %add3A_608 : i32 to vector<16xi32>
      %add3A_610 = arith.addi %bitcast_convert_type3A_607, %add3A_609 : vector<16xi32>
      %bitcast_convert_type3A_611 = tpu.bitcast %get3A_606 : vector<16xf32> -> vector<16xi32>
      %add3A_612 = arith.constant 32768 : i32
      %add3A_613 = vector.broadcast %add3A_612 : i32 to vector<16xi32>
      %add3A_614 = arith.addi %bitcast_convert_type3A_611, %add3A_613 : vector<16xi32>
      %shift_right_logical3A_615 = arith.constant 16 : i32
      %shift_right_logical3A_616 = vector.broadcast %shift_right_logical3A_615 : i32 to vector<16xi32>
      %shift_right_logical3A_617 = arith.shrui %add3A_610, %shift_right_logical3A_616 : vector<16xi32>
      %and3A_618 = arith.constant -65536 : i32
      %and3A_619 = vector.broadcast %and3A_618 : i32 to vector<16xi32>
      %and3A_620 = arith.andi %add3A_614, %and3A_619 : vector<16xi32>
      %or3A_621 = arith.ori %shift_right_logical3A_617, %and3A_620 : vector<16xi32>
      %swap3A_622 = arith.constant 0 : i32
      %swap3A_623 = arith.index_cast %swap3A_622 : i32 to index
      %swap3A_624 = arith.index_cast %scan3A_490 : i32 to index
      %swap3A_625 = arith.constant 48 : index
      %swap3A_626 = tpu.vector_load %arg7[%swap3A_623, %swap3A_624, %swap3A_625] {strides = array<i32>} : memref<2x128x128xi32, #tpu.memory_space<vmem>>, vector<1x1x16xi32>,
      %swap3A_627 = vector.shape_cast %swap3A_626 : vector<1x1x16xi32> to vector<16xi32>
      %swap3A_628 = vector.shape_cast %or3A_621 : vector<16xi32> to vector<1x1x16xi32>
      tpu.vector_store %arg7[%swap3A_623, %swap3A_624, %swap3A_625], %swap3A_628 {strides = array<i32>} : memref<2x128x128xi32, #tpu.memory_space<vmem>>, vector<1x1x16xi32>,
      %get3A_629 = arith.constant 0 : i32
      %get3A_630 = arith.index_cast %get3A_629 : i32 to index
      %get3A_631 = arith.index_cast %scan3A_490 : i32 to index
      %get3A_632 = arith.constant 64 : index
      %get3A_633 = tpu.vector_load %arg6[%get3A_630, %get3A_631, %get3A_632] {strides = array<i32>} : memref<2x256x128xf32, #tpu.memory_space<vmem>>, vector<1x1x16xf32>,
      %get3A_634 = vector.shape_cast %get3A_633 : vector<1x1x16xf32> to vector<16xf32>
      %add3A_635 = arith.constant 128 : i32
      %add3A_636 = arith.addi %scan3A_490, %add3A_635 : i32
      %get3A_637 = arith.constant 0 : i32
      %get3A_638 = arith.index_cast %get3A_637 : i32 to index
      %get3A_639 = arith.index_cast %add3A_636 : i32 to index
      %get3A_640 = arith.constant 64 : index
      %get3A_641 = tpu.vector_load %arg6[%get3A_638, %get3A_639, %get3A_640] {strides = array<i32>} : memref<2x256x128xf32, #tpu.memory_space<vmem>>, vector<1x1x16xf32>,
      %get3A_642 = vector.shape_cast %get3A_641 : vector<1x1x16xf32> to vector<16xf32>
      %bitcast_convert_type3A_643 = tpu.bitcast %get3A_634 : vector<16xf32> -> vector<16xi32>
      %add3A_644 = arith.constant 32768 : i32
      %add3A_645 = vector.broadcast %add3A_644 : i32 to vector<16xi32>
      %add3A_646 = arith.addi %bitcast_convert_type3A_643, %add3A_645 : vector<16xi32>
      %bitcast_convert_type3A_647 = tpu.bitcast %get3A_642 : vector<16xf32> -> vector<16xi32>
      %add3A_648 = arith.constant 32768 : i32
      %add3A_649 = vector.broadcast %add3A_648 : i32 to vector<16xi32>
      %add3A_650 = arith.addi %bitcast_convert_type3A_647, %add3A_649 : vector<16xi32>
      %shift_right_logical3A_651 = arith.constant 16 : i32
      %shift_right_logical3A_652 = vector.broadcast %shift_right_logical3A_651 : i32 to vector<16xi32>
      %shift_right_logical3A_653 = arith.shrui %add3A_646, %shift_right_logical3A_652 : vector<16xi32>
      %and3A_654 = arith.constant -65536 : i32
      %and3A_655 = vector.broadcast %and3A_654 : i32 to vector<16xi32>
      %and3A_656 = arith.andi %add3A_650, %and3A_655 : vector<16xi32>
      %or3A_657 = arith.ori %shift_right_logical3A_653, %and3A_656 : vector<16xi32>
      %swap3A_658 = arith.constant 0 : i32
      %swap3A_659 = arith.index_cast %swap3A_658 : i32 to index
      %swap3A_660 = arith.index_cast %scan3A_490 : i32 to index
      %swap3A_661 = arith.constant 64 : index
      %swap3A_662 = tpu.vector_load %arg7[%swap3A_659, %swap3A_660, %swap3A_661] {strides = array<i32>} : memref<2x128x128xi32, #tpu.memory_space<vmem>>, vector<1x1x16xi32>,
      %swap3A_663 = vector.shape_cast %swap3A_662 : vector<1x1x16xi32> to vector<16xi32>
      %swap3A_664 = vector.shape_cast %or3A_657 : vector<16xi32> to vector<1x1x16xi32>
      tpu.vector_store %arg7[%swap3A_659, %swap3A_660, %swap3A_661], %swap3A_664 {strides = array<i32>} : memref<2x128x128xi32, #tpu.memory_space<vmem>>, vector<1x1x16xi32>,
      %get3A_665 = arith.constant 0 : i32
      %get3A_666 = arith.index_cast %get3A_665 : i32 to index
      %get3A_667 = arith.index_cast %scan3A_490 : i32 to index
      %get3A_668 = arith.constant 80 : index
      %get3A_669 = tpu.vector_load %arg6[%get3A_666, %get3A_667, %get3A_668] {strides = array<i32>} : memref<2x256x128xf32, #tpu.memory_space<vmem>>, vector<1x1x16xf32>,
      %get3A_670 = vector.shape_cast %get3A_669 : vector<1x1x16xf32> to vector<16xf32>
      %add3A_671 = arith.constant 128 : i32
      %add3A_672 = arith.addi %scan3A_490, %add3A_671 : i32
      %get3A_673 = arith.constant 0 : i32
      %get3A_674 = arith.index_cast %get3A_673 : i32 to index
      %get3A_675 = arith.index_cast %add3A_672 : i32 to index
      %get3A_676 = arith.constant 80 : index
      %get3A_677 = tpu.vector_load %arg6[%get3A_674, %get3A_675, %get3A_676] {strides = array<i32>} : memref<2x256x128xf32, #tpu.memory_space<vmem>>, vector<1x1x16xf32>,
      %get3A_678 = vector.shape_cast %get3A_677 : vector<1x1x16xf32> to vector<16xf32>
      %bitcast_convert_type3A_679 = tpu.bitcast %get3A_670 : vector<16xf32> -> vector<16xi32>
      %add3A_680 = arith.constant 32768 : i32
      %add3A_681 = vector.broadcast %add3A_680 : i32 to vector<16xi32>
      %add3A_682 = arith.addi %bitcast_convert_type3A_679, %add3A_681 : vector<16xi32>
      %bitcast_convert_type3A_683 = tpu.bitcast %get3A_678 : vector<16xf32> -> vector<16xi32>
      %add3A_684 = arith.constant 32768 : i32
      %add3A_685 = vector.broadcast %add3A_684 : i32 to vector<16xi32>
      %add3A_686 = arith.addi %bitcast_convert_type3A_683, %add3A_685 : vector<16xi32>
      %shift_right_logical3A_687 = arith.constant 16 : i32
      %shift_right_logical3A_688 = vector.broadcast %shift_right_logical3A_687 : i32 to vector<16xi32>
      %shift_right_logical3A_689 = arith.shrui %add3A_682, %shift_right_logical3A_688 : vector<16xi32>
      %and3A_690 = arith.constant -65536 : i32
      %and3A_691 = vector.broadcast %and3A_690 : i32 to vector<16xi32>
      %and3A_692 = arith.andi %add3A_686, %and3A_691 : vector<16xi32>
      %or3A_693 = arith.ori %shift_right_logical3A_689, %and3A_692 : vector<16xi32>
      %swap3A_694 = arith.constant 0 : i32
      %swap3A_695 = arith.index_cast %swap3A_694 : i32 to index
      %swap3A_696 = arith.index_cast %scan3A_490 : i32 to index
      %swap3A_697 = arith.constant 80 : index
      %swap3A_698 = tpu.vector_load %arg7[%swap3A_695, %swap3A_696, %swap3A_697] {strides = array<i32>} : memref<2x128x128xi32, #tpu.memory_space<vmem>>, vector<1x1x16xi32>,
      %swap3A_699 = vector.shape_cast %swap3A_698 : vector<1x1x16xi32> to vector<16xi32>
      %swap3A_700 = vector.shape_cast %or3A_693 : vector<16xi32> to vector<1x1x16xi32>
      tpu.vector_store %arg7[%swap3A_695, %swap3A_696, %swap3A_697], %swap3A_700 {strides = array<i32>} : memref<2x128x128xi32, #tpu.memory_space<vmem>>, vector<1x1x16xi32>,
      %get3A_701 = arith.constant 0 : i32
      %get3A_702 = arith.index_cast %get3A_701 : i32 to index
      %get3A_703 = arith.index_cast %scan3A_490 : i32 to index
      %get3A_704 = arith.constant 96 : index
      %get3A_705 = tpu.vector_load %arg6[%get3A_702, %get3A_703, %get3A_704] {strides = array<i32>} : memref<2x256x128xf32, #tpu.memory_space<vmem>>, vector<1x1x16xf32>,
      %get3A_706 = vector.shape_cast %get3A_705 : vector<1x1x16xf32> to vector<16xf32>
      %add3A_707 = arith.constant 128 : i32
      %add3A_708 = arith.addi %scan3A_490, %add3A_707 : i32
      %get3A_709 = arith.constant 0 : i32
      %get3A_710 = arith.index_cast %get3A_709 : i32 to index
      %get3A_711 = arith.index_cast %add3A_708 : i32 to index
      %get3A_712 = arith.constant 96 : index
      %get3A_713 = tpu.vector_load %arg6[%get3A_710, %get3A_711, %get3A_712] {strides = array<i32>} : memref<2x256x128xf32, #tpu.memory_space<vmem>>, vector<1x1x16xf32>,
      %get3A_714 = vector.shape_cast %get3A_713 : vector<1x1x16xf32> to vector<16xf32>
      %bitcast_convert_type3A_715 = tpu.bitcast %get3A_706 : vector<16xf32> -> vector<16xi32>
      %add3A_716 = arith.constant 32768 : i32
      %add3A_717 = vector.broadcast %add3A_716 : i32 to vector<16xi32>
      %add3A_718 = arith.addi %bitcast_convert_type3A_715, %add3A_717 : vector<16xi32>
      %bitcast_convert_type3A_719 = tpu.bitcast %get3A_714 : vector<16xf32> -> vector<16xi32>
      %add3A_720 = arith.constant 32768 : i32
      %add3A_721 = vector.broadcast %add3A_720 : i32 to vector<16xi32>
      %add3A_722 = arith.addi %bitcast_convert_type3A_719, %add3A_721 : vector<16xi32>
      %shift_right_logical3A_723 = arith.constant 16 : i32
      %shift_right_logical3A_724 = vector.broadcast %shift_right_logical3A_723 : i32 to vector<16xi32>
      %shift_right_logical3A_725 = arith.shrui %add3A_718, %shift_right_logical3A_724 : vector<16xi32>
      %and3A_726 = arith.constant -65536 : i32
      %and3A_727 = vector.broadcast %and3A_726 : i32 to vector<16xi32>
      %and3A_728 = arith.andi %add3A_722, %and3A_727 : vector<16xi32>
      %or3A_729 = arith.ori %shift_right_logical3A_725, %and3A_728 : vector<16xi32>
      %swap3A_730 = arith.constant 0 : i32
      %swap3A_731 = arith.index_cast %swap3A_730 : i32 to index
      %swap3A_732 = arith.index_cast %scan3A_490 : i32 to index
      %swap3A_733 = arith.constant 96 : index
      %swap3A_734 = tpu.vector_load %arg7[%swap3A_731, %swap3A_732, %swap3A_733] {strides = array<i32>} : memref<2x128x128xi32, #tpu.memory_space<vmem>>, vector<1x1x16xi32>,
      %swap3A_735 = vector.shape_cast %swap3A_734 : vector<1x1x16xi32> to vector<16xi32>
      %swap3A_736 = vector.shape_cast %or3A_729 : vector<16xi32> to vector<1x1x16xi32>
      tpu.vector_store %arg7[%swap3A_731, %swap3A_732, %swap3A_733], %swap3A_736 {strides = array<i32>} : memref<2x128x128xi32, #tpu.memory_space<vmem>>, vector<1x1x16xi32>,
      %get3A_737 = arith.constant 0 : i32
      %get3A_738 = arith.index_cast %get3A_737 : i32 to index
      %get3A_739 = arith.index_cast %scan3A_490 : i32 to index
      %get3A_740 = arith.constant 112 : index
      %get3A_741 = tpu.vector_load %arg6[%get3A_738, %get3A_739, %get3A_740] {strides = array<i32>} : memref<2x256x128xf32, #tpu.memory_space<vmem>>, vector<1x1x16xf32>,
      %get3A_742 = vector.shape_cast %get3A_741 : vector<1x1x16xf32> to vector<16xf32>
      %add3A_743 = arith.constant 128 : i32
      %add3A_744 = arith.addi %scan3A_490, %add3A_743 : i32
      %get3A_745 = arith.constant 0 : i32
      %get3A_746 = arith.index_cast %get3A_745 : i32 to index
      %get3A_747 = arith.index_cast %add3A_744 : i32 to index
      %get3A_748 = arith.constant 112 : index
      %get3A_749 = tpu.vector_load %arg6[%get3A_746, %get3A_747, %get3A_748] {strides = array<i32>} : memref<2x256x128xf32, #tpu.memory_space<vmem>>, vector<1x1x16xf32>,
      %get3A_750 = vector.shape_cast %get3A_749 : vector<1x1x16xf32> to vector<16xf32>
      %bitcast_convert_type3A_751 = tpu.bitcast %get3A_742 : vector<16xf32> -> vector<16xi32>
      %add3A_752 = arith.constant 32768 : i32
      %add3A_753 = vector.broadcast %add3A_752 : i32 to vector<16xi32>
      %add3A_754 = arith.addi %bitcast_convert_type3A_751, %add3A_753 : vector<16xi32>
      %bitcast_convert_type3A_755 = tpu.bitcast %get3A_750 : vector<16xf32> -> vector<16xi32>
      %add3A_756 = arith.constant 32768 : i32
      %add3A_757 = vector.broadcast %add3A_756 : i32 to vector<16xi32>
      %add3A_758 = arith.addi %bitcast_convert_type3A_755, %add3A_757 : vector<16xi32>
      %shift_right_logical3A_759 = arith.constant 16 : i32
      %shift_right_logical3A_760 = vector.broadcast %shift_right_logical3A_759 : i32 to vector<16xi32>
      %shift_right_logical3A_761 = arith.shrui %add3A_754, %shift_right_logical3A_760 : vector<16xi32>
      %and3A_762 = arith.constant -65536 : i32
      %and3A_763 = vector.broadcast %and3A_762 : i32 to vector<16xi32>
      %and3A_764 = arith.andi %add3A_758, %and3A_763 : vector<16xi32>
      %or3A_765 = arith.ori %shift_right_logical3A_761, %and3A_764 : vector<16xi32>
      %swap3A_766 = arith.constant 0 : i32
      %swap3A_767 = arith.index_cast %swap3A_766 : i32 to index
      %swap3A_768 = arith.index_cast %scan3A_490 : i32 to index
      %swap3A_769 = arith.constant 112 : index
      %swap3A_770 = tpu.vector_load %arg7[%swap3A_767, %swap3A_768, %swap3A_769] {strides = array<i32>} : memref<2x128x128xi32, #tpu.memory_space<vmem>>, vector<1x1x16xi32>,
      %swap3A_771 = vector.shape_cast %swap3A_770 : vector<1x1x16xi32> to vector<16xi32>
      %swap3A_772 = vector.shape_cast %or3A_765 : vector<16xi32> to vector<1x1x16xi32>
      tpu.vector_store %arg7[%swap3A_767, %swap3A_768, %swap3A_769], %swap3A_772 {strides = array<i32>} : memref<2x128x128xi32, #tpu.memory_space<vmem>>, vector<1x1x16xi32>,
    }
    %scan3A_350 = arith.constant 128 : i32
    %add3A_351 = arith.constant 768 : i32
    %add3A_352 = arith.addi %mul3A_4, %add3A_351 : i32
    %dma_start3A_353 = arith.constant 0 : i32
    %dma_start3A_354 = arith.constant 0 : i32
    %dma_start3A_355 = arith.constant 0 : i32
    %dma_start3A_356 = tpu.memref_slice %arg7[%dma_start3A_353, %dma_start3A_354, %dma_start3A_355] : memref<2x128x128xi32, #tpu.memory_space<vmem>> -> memref<1x128x128xi32, #tpu.memory_space<vmem>>
    %dma_start3A_357 = tpu.memref_squeeze %dma_start3A_356 : memref<1x128x128xi32, #tpu.memory_space<vmem>> -> memref<128x128xi32, #tpu.memory_space<vmem>>
    %dma_start3A_358 = arith.constant 0 : i32
    %dma_start3A_359 = tpu.memref_slice %arg4[%add3A_352, %dma_start3A_358] : memref<36864x128xi32, #tpu.memory_space<hbm>> -> memref<128x128xi32, #tpu.memory_space<hbm>>
    %dma_start3A_360 = arith.constant 0 : i32
    %dma_start3A_361 = tpu.memref_slice %arg4[%add3A_352, %dma_start3A_360] : memref<36864x128xi32, #tpu.memory_space<hbm>> -> memref<128x128xi32, #tpu.memory_space<hbm>>
    %dma_start3A_362 = arith.constant 0 : i32
    %dma_start3A_363 = arith.constant 0 : i32
    %dma_start3A_364 = tpu.memref_slice %arg7[%dma_start3A_353, %dma_start3A_362, %dma_start3A_363] : memref<2x128x128xi32, #tpu.memory_space<vmem>> -> memref<1x128x128xi32, #tpu.memory_space<vmem>>
    %dma_start3A_365 = tpu.memref_squeeze %dma_start3A_364 : memref<1x128x128xi32, #tpu.memory_space<vmem>> -> memref<128x128xi32, #tpu.memory_space<vmem>>
    tpu.enqueue_dma source(%dma_start3A_365 : memref<128x128xi32, #tpu.memory_space<vmem>>) target(%dma_start3A_361 : memref<128x128xi32, #tpu.memory_space<hbm>>) target_semaphore(%arg10 : memref<!tpu.dma_semaphore, #tpu.memory_space<semaphore_mem>>)
    %dma_start3A_366 = arith.constant 0 : i32
    %dma_start3A_367 = arith.constant 0 : i32
    %dma_start3A_368 = arith.constant 0 : i32
    %dma_start3A_369 = tpu.memref_slice %arg6[%dma_start3A_366, %dma_start3A_367, %dma_start3A_368] : memref<2x256x128xf32, #tpu.memory_space<vmem>> -> memref<1x256x128xf32, #tpu.memory_space<vmem>>
    %dma_start3A_370 = tpu.memref_squeeze %dma_start3A_369 : memref<1x256x128xf32, #tpu.memory_space<vmem>> -> memref<256x128xf32, #tpu.memory_space<vmem>>
    %dma_start3A_371 = arith.constant 2048 : i32
    %dma_start3A_372 = tpu.memref_slice %arg5[%dma_start3A_371] : memref<2304xi32, #tpu.memory_space<vmem>> -> memref<256xi32, #tpu.memory_space<vmem>>
    %dma_start3A_373 = arith.constant 0 : i32
    %dma_start3A_374 = arith.constant 0 : i32
    %dma_start3A_375 = tpu.memref_slice %arg2[%dma_start3A_373, %dma_start3A_374] : memref<1000000x128xf32, #tpu.memory_space<hbm>> -> memref<1000000x128xf32, #tpu.memory_space<hbm>>
    tpu.enqueue_indirect_dma source(%dma_start3A_375 : memref<1000000x128xf32, #tpu.memory_space<hbm>>) target(%dma_start3A_370 : memref<256x128xf32, #tpu.memory_space<vmem>>) offsets(%dma_start3A_372 : memref<256xi32, #tpu.memory_space<vmem>>) semaphore(%arg8 : memref<!tpu.dma_semaphore, #tpu.memory_space<semaphore_mem>>)
    %dma_wait3A_376 = arith.constant 1 : i32
    %dma_wait3A_377 = arith.constant 0 : i32
    %dma_wait3A_378 = arith.constant 0 : i32
    %dma_wait3A_379 = tpu.memref_slice %arg6[%dma_wait3A_376, %dma_wait3A_377, %dma_wait3A_378] : memref<2x256x128xf32, #tpu.memory_space<vmem>> -> memref<1x256x128xf32, #tpu.memory_space<vmem>>
    %dma_wait3A_380 = tpu.memref_squeeze %dma_wait3A_379 : memref<1x256x128xf32, #tpu.memory_space<vmem>> -> memref<256x128xf32, #tpu.memory_space<vmem>>
    %dma_wait3A_381 = arith.constant 1792 : i32
    %dma_wait3A_382 = tpu.memref_slice %arg5[%dma_wait3A_381] : memref<2304xi32, #tpu.memory_space<vmem>> -> memref<256xi32, #tpu.memory_space<vmem>>
    %dma_wait3A_383 = arith.constant 0 : i32
    %dma_wait3A_384 = arith.constant 0 : i32
    %dma_wait3A_385 = tpu.memref_slice %arg2[%dma_wait3A_383, %dma_wait3A_384] : memref<1000000x128xf32, #tpu.memory_space<hbm>> -> memref<1000000x128xf32, #tpu.memory_space<hbm>>
    tpu.wait_indirect_dma semaphore(%arg9 : memref<!tpu.dma_semaphore, #tpu.memory_space<semaphore_mem>>) src(%dma_wait3A_385 : memref<1000000x128xf32, #tpu.memory_space<hbm>>) dst(%dma_wait3A_380 : memref<256x128xf32, #tpu.memory_space<vmem>>)
    %dma_wait3A_386 = arith.constant 1 : i32
    %dma_wait3A_387 = arith.constant 0 : i32
    %dma_wait3A_388 = arith.constant 0 : i32
    %dma_wait3A_389 = tpu.memref_slice %arg7[%dma_wait3A_386, %dma_wait3A_387, %dma_wait3A_388] : memref<2x128x128xi32, #tpu.memory_space<vmem>> -> memref<1x128x128xi32, #tpu.memory_space<vmem>>
    %dma_wait3A_390 = tpu.memref_squeeze %dma_wait3A_389 : memref<1x128x128xi32, #tpu.memory_space<vmem>> -> memref<128x128xi32, #tpu.memory_space<vmem>>
    %dma_wait3A_391 = arith.constant 0 : i32
    %dma_wait3A_392 = tpu.memref_slice %arg4[%add3A_298, %dma_wait3A_391] : memref<36864x128xi32, #tpu.memory_space<hbm>> -> memref<128x128xi32, #tpu.memory_space<hbm>>
    %dma_wait3A_393 = arith.constant 0 : i32
    %dma_wait3A_394 = tpu.memref_slice %arg4[%add3A_298, %dma_wait3A_393] : memref<36864x128xi32, #tpu.memory_space<hbm>> -> memref<128x128xi32, #tpu.memory_space<hbm>>
    %dma_wait3A_395 = arith.constant 0 : i32
    %dma_wait3A_396 = arith.constant 0 : i32
    %dma_wait3A_397 = tpu.memref_slice %arg7[%dma_wait3A_386, %dma_wait3A_395, %dma_wait3A_396] : memref<2x128x128xi32, #tpu.memory_space<vmem>> -> memref<1x128x128xi32, #tpu.memory_space<vmem>>
    %dma_wait3A_398 = tpu.memref_squeeze %dma_wait3A_397 : memref<1x128x128xi32, #tpu.memory_space<vmem>> -> memref<128x128xi32, #tpu.memory_space<vmem>>
    tpu.wait_dma2 semaphore(%arg11 : memref<!tpu.dma_semaphore, #tpu.memory_space<semaphore_mem>>) src(%dma_wait3A_398 : memref<128x128xi32, #tpu.memory_space<vmem>>) dst(%dma_wait3A_394 : memref<128x128xi32, #tpu.memory_space<hbm>>)
    %scan3A_399 = arith.constant 0 : i32
    %scan3A_400 = arith.constant 0 : i32
    %scan3A_401 = arith.constant 128 : i32
    %scan3A_402 = arith.addi %scan3A_400, %scan3A_401 : i32
    %scan3A_403 = arith.constant 1 : i32
    scf.for %scan3A_490 = %scan3A_400 to %scan3A_402 step %scan3A_403  : i32 {
      %get3A = arith.constant 1 : i32
      %get3A_491 = arith.index_cast %get3A : i32 to index
      %get3A_492 = arith.index_cast %scan3A_490 : i32 to index
      %get3A_493 = arith.constant 0 : index
      %get3A_494 = tpu.vector_load %arg6[%get3A_491, %get3A_492, %get3A_493] {strides = array<i32>} : memref<2x256x128xf32, #tpu.memory_space<vmem>>, vector<1x1x16xf32>,
      %get3A_495 = vector.shape_cast %get3A_494 : vector<1x1x16xf32> to vector<16xf32>
      %add3A_496 = arith.constant 128 : i32
      %add3A_497 = arith.addi %scan3A_490, %add3A_496 : i32
      %get3A_498 = arith.constant 1 : i32
      %get3A_499 = arith.index_cast %get3A_498 : i32 to index
      %get3A_500 = arith.index_cast %add3A_497 : i32 to index
      %get3A_501 = arith.constant 0 : index
      %get3A_502 = tpu.vector_load %arg6[%get3A_499, %get3A_500, %get3A_501] {strides = array<i32>} : memref<2x256x128xf32, #tpu.memory_space<vmem>>, vector<1x1x16xf32>,
      %get3A_503 = vector.shape_cast %get3A_502 : vector<1x1x16xf32> to vector<16xf32>
      %bitcast_convert_type3A = tpu.bitcast %get3A_495 : vector<16xf32> -> vector<16xi32>
      %add3A_504 = arith.constant 32768 : i32
      %add3A_505 = vector.broadcast %add3A_504 : i32 to vector<16xi32>
      %add3A_506 = arith.addi %bitcast_convert_type3A, %add3A_505 : vector<16xi32>
      %bitcast_convert_type3A_507 = tpu.bitcast %get3A_503 : vector<16xf32> -> vector<16xi32>
      %add3A_508 = arith.constant 32768 : i32
      %add3A_509 = vector.broadcast %add3A_508 : i32 to vector<16xi32>
      %add3A_510 = arith.addi %bitcast_convert_type3A_507, %add3A_509 : vector<16xi32>
      %shift_right_logical3A = arith.constant 16 : i32
      %shift_right_logical3A_511 = vector.broadcast %shift_right_logical3A : i32 to vector<16xi32>
      %shift_right_logical3A_512 = arith.shrui %add3A_506, %shift_right_logical3A_511 : vector<16xi32>
      %and3A = arith.constant -65536 : i32
      %and3A_513 = vector.broadcast %and3A : i32 to vector<16xi32>
      %and3A_514 = arith.andi %add3A_510, %and3A_513 : vector<16xi32>
      %or3A = arith.ori %shift_right_logical3A_512, %and3A_514 : vector<16xi32>
      %swap3A = arith.constant 1 : i32
      %swap3A_515 = arith.index_cast %swap3A : i32 to index
      %swap3A_516 = arith.index_cast %scan3A_490 : i32 to index
      %swap3A_517 = arith.constant 0 : index
      %swap3A_518 = tpu.vector_load %arg7[%swap3A_515, %swap3A_516, %swap3A_517] {strides = array<i32>} : memref<2x128x128xi32, #tpu.memory_space<vmem>>, vector<1x1x16xi32>,
      %swap3A_519 = vector.shape_cast %swap3A_518 : vector<1x1x16xi32> to vector<16xi32>
      %swap3A_520 = vector.shape_cast %or3A : vector<16xi32> to vector<1x1x16xi32>
      tpu.vector_store %arg7[%swap3A_515, %swap3A_516, %swap3A_517], %swap3A_520 {strides = array<i32>} : memref<2x128x128xi32, #tpu.memory_space<vmem>>, vector<1x1x16xi32>,
      %get3A_521 = arith.constant 1 : i32
      %get3A_522 = arith.index_cast %get3A_521 : i32 to index
      %get3A_523 = arith.index_cast %scan3A_490 : i32 to index
      %get3A_524 = arith.constant 16 : index
      %get3A_525 = tpu.vector_load %arg6[%get3A_522, %get3A_523, %get3A_524] {strides = array<i32>} : memref<2x256x128xf32, #tpu.memory_space<vmem>>, vector<1x1x16xf32>,
      %get3A_526 = vector.shape_cast %get3A_525 : vector<1x1x16xf32> to vector<16xf32>
      %add3A_527 = arith.constant 128 : i32
      %add3A_528 = arith.addi %scan3A_490, %add3A_527 : i32
      %get3A_529 = arith.constant 1 : i32
      %get3A_530 = arith.index_cast %get3A_529 : i32 to index
      %get3A_531 = arith.index_cast %add3A_528 : i32 to index
      %get3A_532 = arith.constant 16 : index
      %get3A_533 = tpu.vector_load %arg6[%get3A_530, %get3A_531, %get3A_532] {strides = array<i32>} : memref<2x256x128xf32, #tpu.memory_space<vmem>>, vector<1x1x16xf32>,
      %get3A_534 = vector.shape_cast %get3A_533 : vector<1x1x16xf32> to vector<16xf32>
      %bitcast_convert_type3A_535 = tpu.bitcast %get3A_526 : vector<16xf32> -> vector<16xi32>
      %add3A_536 = arith.constant 32768 : i32
      %add3A_537 = vector.broadcast %add3A_536 : i32 to vector<16xi32>
      %add3A_538 = arith.addi %bitcast_convert_type3A_535, %add3A_537 : vector<16xi32>
      %bitcast_convert_type3A_539 = tpu.bitcast %get3A_534 : vector<16xf32> -> vector<16xi32>
      %add3A_540 = arith.constant 32768 : i32
      %add3A_541 = vector.broadcast %add3A_540 : i32 to vector<16xi32>
      %add3A_542 = arith.addi %bitcast_convert_type3A_539, %add3A_541 : vector<16xi32>
      %shift_right_logical3A_543 = arith.constant 16 : i32
      %shift_right_logical3A_544 = vector.broadcast %shift_right_logical3A_543 : i32 to vector<16xi32>
      %shift_right_logical3A_545 = arith.shrui %add3A_538, %shift_right_logical3A_544 : vector<16xi32>
      %and3A_546 = arith.constant -65536 : i32
      %and3A_547 = vector.broadcast %and3A_546 : i32 to vector<16xi32>
      %and3A_548 = arith.andi %add3A_542, %and3A_547 : vector<16xi32>
      %or3A_549 = arith.ori %shift_right_logical3A_545, %and3A_548 : vector<16xi32>
      %swap3A_550 = arith.constant 1 : i32
      %swap3A_551 = arith.index_cast %swap3A_550 : i32 to index
      %swap3A_552 = arith.index_cast %scan3A_490 : i32 to index
      %swap3A_553 = arith.constant 16 : index
      %swap3A_554 = tpu.vector_load %arg7[%swap3A_551, %swap3A_552, %swap3A_553] {strides = array<i32>} : memref<2x128x128xi32, #tpu.memory_space<vmem>>, vector<1x1x16xi32>,
      %swap3A_555 = vector.shape_cast %swap3A_554 : vector<1x1x16xi32> to vector<16xi32>
      %swap3A_556 = vector.shape_cast %or3A_549 : vector<16xi32> to vector<1x1x16xi32>
      tpu.vector_store %arg7[%swap3A_551, %swap3A_552, %swap3A_553], %swap3A_556 {strides = array<i32>} : memref<2x128x128xi32, #tpu.memory_space<vmem>>, vector<1x1x16xi32>,
      %get3A_557 = arith.constant 1 : i32
      %get3A_558 = arith.index_cast %get3A_557 : i32 to index
      %get3A_559 = arith.index_cast %scan3A_490 : i32 to index
      %get3A_560 = arith.constant 32 : index
      %get3A_561 = tpu.vector_load %arg6[%get3A_558, %get3A_559, %get3A_560] {strides = array<i32>} : memref<2x256x128xf32, #tpu.memory_space<vmem>>, vector<1x1x16xf32>,
      %get3A_562 = vector.shape_cast %get3A_561 : vector<1x1x16xf32> to vector<16xf32>
      %add3A_563 = arith.constant 128 : i32
      %add3A_564 = arith.addi %scan3A_490, %add3A_563 : i32
      %get3A_565 = arith.constant 1 : i32
      %get3A_566 = arith.index_cast %get3A_565 : i32 to index
      %get3A_567 = arith.index_cast %add3A_564 : i32 to index
      %get3A_568 = arith.constant 32 : index
      %get3A_569 = tpu.vector_load %arg6[%get3A_566, %get3A_567, %get3A_568] {strides = array<i32>} : memref<2x256x128xf32, #tpu.memory_space<vmem>>, vector<1x1x16xf32>,
      %get3A_570 = vector.shape_cast %get3A_569 : vector<1x1x16xf32> to vector<16xf32>
      %bitcast_convert_type3A_571 = tpu.bitcast %get3A_562 : vector<16xf32> -> vector<16xi32>
      %add3A_572 = arith.constant 32768 : i32
      %add3A_573 = vector.broadcast %add3A_572 : i32 to vector<16xi32>
      %add3A_574 = arith.addi %bitcast_convert_type3A_571, %add3A_573 : vector<16xi32>
      %bitcast_convert_type3A_575 = tpu.bitcast %get3A_570 : vector<16xf32> -> vector<16xi32>
      %add3A_576 = arith.constant 32768 : i32
      %add3A_577 = vector.broadcast %add3A_576 : i32 to vector<16xi32>
      %add3A_578 = arith.addi %bitcast_convert_type3A_575, %add3A_577 : vector<16xi32>
      %shift_right_logical3A_579 = arith.constant 16 : i32
      %shift_right_logical3A_580 = vector.broadcast %shift_right_logical3A_579 : i32 to vector<16xi32>
      %shift_right_logical3A_581 = arith.shrui %add3A_574, %shift_right_logical3A_580 : vector<16xi32>
      %and3A_582 = arith.constant -65536 : i32
      %and3A_583 = vector.broadcast %and3A_582 : i32 to vector<16xi32>
      %and3A_584 = arith.andi %add3A_578, %and3A_583 : vector<16xi32>
      %or3A_585 = arith.ori %shift_right_logical3A_581, %and3A_584 : vector<16xi32>
      %swap3A_586 = arith.constant 1 : i32
      %swap3A_587 = arith.index_cast %swap3A_586 : i32 to index
      %swap3A_588 = arith.index_cast %scan3A_490 : i32 to index
      %swap3A_589 = arith.constant 32 : index
      %swap3A_590 = tpu.vector_load %arg7[%swap3A_587, %swap3A_588, %swap3A_589] {strides = array<i32>} : memref<2x128x128xi32, #tpu.memory_space<vmem>>, vector<1x1x16xi32>,
      %swap3A_591 = vector.shape_cast %swap3A_590 : vector<1x1x16xi32> to vector<16xi32>
      %swap3A_592 = vector.shape_cast %or3A_585 : vector<16xi32> to vector<1x1x16xi32>
      tpu.vector_store %arg7[%swap3A_587, %swap3A_588, %swap3A_589], %swap3A_592 {strides = array<i32>} : memref<2x128x128xi32, #tpu.memory_space<vmem>>, vector<1x1x16xi32>,
      %get3A_593 = arith.constant 1 : i32
      %get3A_594 = arith.index_cast %get3A_593 : i32 to index
      %get3A_595 = arith.index_cast %scan3A_490 : i32 to index
      %get3A_596 = arith.constant 48 : index
      %get3A_597 = tpu.vector_load %arg6[%get3A_594, %get3A_595, %get3A_596] {strides = array<i32>} : memref<2x256x128xf32, #tpu.memory_space<vmem>>, vector<1x1x16xf32>,
      %get3A_598 = vector.shape_cast %get3A_597 : vector<1x1x16xf32> to vector<16xf32>
      %add3A_599 = arith.constant 128 : i32
      %add3A_600 = arith.addi %scan3A_490, %add3A_599 : i32
      %get3A_601 = arith.constant 1 : i32
      %get3A_602 = arith.index_cast %get3A_601 : i32 to index
      %get3A_603 = arith.index_cast %add3A_600 : i32 to index
      %get3A_604 = arith.constant 48 : index
      %get3A_605 = tpu.vector_load %arg6[%get3A_602, %get3A_603, %get3A_604] {strides = array<i32>} : memref<2x256x128xf32, #tpu.memory_space<vmem>>, vector<1x1x16xf32>,
      %get3A_606 = vector.shape_cast %get3A_605 : vector<1x1x16xf32> to vector<16xf32>
      %bitcast_convert_type3A_607 = tpu.bitcast %get3A_598 : vector<16xf32> -> vector<16xi32>
      %add3A_608 = arith.constant 32768 : i32
      %add3A_609 = vector.broadcast %add3A_608 : i32 to vector<16xi32>
      %add3A_610 = arith.addi %bitcast_convert_type3A_607, %add3A_609 : vector<16xi32>
      %bitcast_convert_type3A_611 = tpu.bitcast %get3A_606 : vector<16xf32> -> vector<16xi32>
      %add3A_612 = arith.constant 32768 : i32
      %add3A_613 = vector.broadcast %add3A_612 : i32 to vector<16xi32>
      %add3A_614 = arith.addi %bitcast_convert_type3A_611, %add3A_613 : vector<16xi32>
      %shift_right_logical3A_615 = arith.constant 16 : i32
      %shift_right_logical3A_616 = vector.broadcast %shift_right_logical3A_615 : i32 to vector<16xi32>
      %shift_right_logical3A_617 = arith.shrui %add3A_610, %shift_right_logical3A_616 : vector<16xi32>
      %and3A_618 = arith.constant -65536 : i32
      %and3A_619 = vector.broadcast %and3A_618 : i32 to vector<16xi32>
      %and3A_620 = arith.andi %add3A_614, %and3A_619 : vector<16xi32>
      %or3A_621 = arith.ori %shift_right_logical3A_617, %and3A_620 : vector<16xi32>
      %swap3A_622 = arith.constant 1 : i32
      %swap3A_623 = arith.index_cast %swap3A_622 : i32 to index
      %swap3A_624 = arith.index_cast %scan3A_490 : i32 to index
      %swap3A_625 = arith.constant 48 : index
      %swap3A_626 = tpu.vector_load %arg7[%swap3A_623, %swap3A_624, %swap3A_625] {strides = array<i32>} : memref<2x128x128xi32, #tpu.memory_space<vmem>>, vector<1x1x16xi32>,
      %swap3A_627 = vector.shape_cast %swap3A_626 : vector<1x1x16xi32> to vector<16xi32>
      %swap3A_628 = vector.shape_cast %or3A_621 : vector<16xi32> to vector<1x1x16xi32>
      tpu.vector_store %arg7[%swap3A_623, %swap3A_624, %swap3A_625], %swap3A_628 {strides = array<i32>} : memref<2x128x128xi32, #tpu.memory_space<vmem>>, vector<1x1x16xi32>,
      %get3A_629 = arith.constant 1 : i32
      %get3A_630 = arith.index_cast %get3A_629 : i32 to index
      %get3A_631 = arith.index_cast %scan3A_490 : i32 to index
      %get3A_632 = arith.constant 64 : index
      %get3A_633 = tpu.vector_load %arg6[%get3A_630, %get3A_631, %get3A_632] {strides = array<i32>} : memref<2x256x128xf32, #tpu.memory_space<vmem>>, vector<1x1x16xf32>,
      %get3A_634 = vector.shape_cast %get3A_633 : vector<1x1x16xf32> to vector<16xf32>
      %add3A_635 = arith.constant 128 : i32
      %add3A_636 = arith.addi %scan3A_490, %add3A_635 : i32
      %get3A_637 = arith.constant 1 : i32
      %get3A_638 = arith.index_cast %get3A_637 : i32 to index
      %get3A_639 = arith.index_cast %add3A_636 : i32 to index
      %get3A_640 = arith.constant 64 : index
      %get3A_641 = tpu.vector_load %arg6[%get3A_638, %get3A_639, %get3A_640] {strides = array<i32>} : memref<2x256x128xf32, #tpu.memory_space<vmem>>, vector<1x1x16xf32>,
      %get3A_642 = vector.shape_cast %get3A_641 : vector<1x1x16xf32> to vector<16xf32>
      %bitcast_convert_type3A_643 = tpu.bitcast %get3A_634 : vector<16xf32> -> vector<16xi32>
      %add3A_644 = arith.constant 32768 : i32
      %add3A_645 = vector.broadcast %add3A_644 : i32 to vector<16xi32>
      %add3A_646 = arith.addi %bitcast_convert_type3A_643, %add3A_645 : vector<16xi32>
      %bitcast_convert_type3A_647 = tpu.bitcast %get3A_642 : vector<16xf32> -> vector<16xi32>
      %add3A_648 = arith.constant 32768 : i32
      %add3A_649 = vector.broadcast %add3A_648 : i32 to vector<16xi32>
      %add3A_650 = arith.addi %bitcast_convert_type3A_647, %add3A_649 : vector<16xi32>
      %shift_right_logical3A_651 = arith.constant 16 : i32
      %shift_right_logical3A_652 = vector.broadcast %shift_right_logical3A_651 : i32 to vector<16xi32>
      %shift_right_logical3A_653 = arith.shrui %add3A_646, %shift_right_logical3A_652 : vector<16xi32>
      %and3A_654 = arith.constant -65536 : i32
      %and3A_655 = vector.broadcast %and3A_654 : i32 to vector<16xi32>
      %and3A_656 = arith.andi %add3A_650, %and3A_655 : vector<16xi32>
      %or3A_657 = arith.ori %shift_right_logical3A_653, %and3A_656 : vector<16xi32>
      %swap3A_658 = arith.constant 1 : i32
      %swap3A_659 = arith.index_cast %swap3A_658 : i32 to index
      %swap3A_660 = arith.index_cast %scan3A_490 : i32 to index
      %swap3A_661 = arith.constant 64 : index
      %swap3A_662 = tpu.vector_load %arg7[%swap3A_659, %swap3A_660, %swap3A_661] {strides = array<i32>} : memref<2x128x128xi32, #tpu.memory_space<vmem>>, vector<1x1x16xi32>,
      %swap3A_663 = vector.shape_cast %swap3A_662 : vector<1x1x16xi32> to vector<16xi32>
      %swap3A_664 = vector.shape_cast %or3A_657 : vector<16xi32> to vector<1x1x16xi32>
      tpu.vector_store %arg7[%swap3A_659, %swap3A_660, %swap3A_661], %swap3A_664 {strides = array<i32>} : memref<2x128x128xi32, #tpu.memory_space<vmem>>, vector<1x1x16xi32>,
      %get3A_665 = arith.constant 1 : i32
      %get3A_666 = arith.index_cast %get3A_665 : i32 to index
      %get3A_667 = arith.index_cast %scan3A_490 : i32 to index
      %get3A_668 = arith.constant 80 : index
      %get3A_669 = tpu.vector_load %arg6[%get3A_666, %get3A_667, %get3A_668] {strides = array<i32>} : memref<2x256x128xf32, #tpu.memory_space<vmem>>, vector<1x1x16xf32>,
      %get3A_670 = vector.shape_cast %get3A_669 : vector<1x1x16xf32> to vector<16xf32>
      %add3A_671 = arith.constant 128 : i32
      %add3A_672 = arith.addi %scan3A_490, %add3A_671 : i32
      %get3A_673 = arith.constant 1 : i32
      %get3A_674 = arith.index_cast %get3A_673 : i32 to index
      %get3A_675 = arith.index_cast %add3A_672 : i32 to index
      %get3A_676 = arith.constant 80 : index
      %get3A_677 = tpu.vector_load %arg6[%get3A_674, %get3A_675, %get3A_676] {strides = array<i32>} : memref<2x256x128xf32, #tpu.memory_space<vmem>>, vector<1x1x16xf32>,
      %get3A_678 = vector.shape_cast %get3A_677 : vector<1x1x16xf32> to vector<16xf32>
      %bitcast_convert_type3A_679 = tpu.bitcast %get3A_670 : vector<16xf32> -> vector<16xi32>
      %add3A_680 = arith.constant 32768 : i32
      %add3A_681 = vector.broadcast %add3A_680 : i32 to vector<16xi32>
      %add3A_682 = arith.addi %bitcast_convert_type3A_679, %add3A_681 : vector<16xi32>
      %bitcast_convert_type3A_683 = tpu.bitcast %get3A_678 : vector<16xf32> -> vector<16xi32>
      %add3A_684 = arith.constant 32768 : i32
      %add3A_685 = vector.broadcast %add3A_684 : i32 to vector<16xi32>
      %add3A_686 = arith.addi %bitcast_convert_type3A_683, %add3A_685 : vector<16xi32>
      %shift_right_logical3A_687 = arith.constant 16 : i32
      %shift_right_logical3A_688 = vector.broadcast %shift_right_logical3A_687 : i32 to vector<16xi32>
      %shift_right_logical3A_689 = arith.shrui %add3A_682, %shift_right_logical3A_688 : vector<16xi32>
      %and3A_690 = arith.constant -65536 : i32
      %and3A_691 = vector.broadcast %and3A_690 : i32 to vector<16xi32>
      %and3A_692 = arith.andi %add3A_686, %and3A_691 : vector<16xi32>
      %or3A_693 = arith.ori %shift_right_logical3A_689, %and3A_692 : vector<16xi32>
      %swap3A_694 = arith.constant 1 : i32
      %swap3A_695 = arith.index_cast %swap3A_694 : i32 to index
      %swap3A_696 = arith.index_cast %scan3A_490 : i32 to index
      %swap3A_697 = arith.constant 80 : index
      %swap3A_698 = tpu.vector_load %arg7[%swap3A_695, %swap3A_696, %swap3A_697] {strides = array<i32>} : memref<2x128x128xi32, #tpu.memory_space<vmem>>, vector<1x1x16xi32>,
      %swap3A_699 = vector.shape_cast %swap3A_698 : vector<1x1x16xi32> to vector<16xi32>
      %swap3A_700 = vector.shape_cast %or3A_693 : vector<16xi32> to vector<1x1x16xi32>
      tpu.vector_store %arg7[%swap3A_695, %swap3A_696, %swap3A_697], %swap3A_700 {strides = array<i32>} : memref<2x128x128xi32, #tpu.memory_space<vmem>>, vector<1x1x16xi32>,
      %get3A_701 = arith.constant 1 : i32
      %get3A_702 = arith.index_cast %get3A_701 : i32 to index
      %get3A_703 = arith.index_cast %scan3A_490 : i32 to index
      %get3A_704 = arith.constant 96 : index
      %get3A_705 = tpu.vector_load %arg6[%get3A_702, %get3A_703, %get3A_704] {strides = array<i32>} : memref<2x256x128xf32, #tpu.memory_space<vmem>>, vector<1x1x16xf32>,
      %get3A_706 = vector.shape_cast %get3A_705 : vector<1x1x16xf32> to vector<16xf32>
      %add3A_707 = arith.constant 128 : i32
      %add3A_708 = arith.addi %scan3A_490, %add3A_707 : i32
      %get3A_709 = arith.constant 1 : i32
      %get3A_710 = arith.index_cast %get3A_709 : i32 to index
      %get3A_711 = arith.index_cast %add3A_708 : i32 to index
      %get3A_712 = arith.constant 96 : index
      %get3A_713 = tpu.vector_load %arg6[%get3A_710, %get3A_711, %get3A_712] {strides = array<i32>} : memref<2x256x128xf32, #tpu.memory_space<vmem>>, vector<1x1x16xf32>,
      %get3A_714 = vector.shape_cast %get3A_713 : vector<1x1x16xf32> to vector<16xf32>
      %bitcast_convert_type3A_715 = tpu.bitcast %get3A_706 : vector<16xf32> -> vector<16xi32>
      %add3A_716 = arith.constant 32768 : i32
      %add3A_717 = vector.broadcast %add3A_716 : i32 to vector<16xi32>
      %add3A_718 = arith.addi %bitcast_convert_type3A_715, %add3A_717 : vector<16xi32>
      %bitcast_convert_type3A_719 = tpu.bitcast %get3A_714 : vector<16xf32> -> vector<16xi32>
      %add3A_720 = arith.constant 32768 : i32
      %add3A_721 = vector.broadcast %add3A_720 : i32 to vector<16xi32>
      %add3A_722 = arith.addi %bitcast_convert_type3A_719, %add3A_721 : vector<16xi32>
      %shift_right_logical3A_723 = arith.constant 16 : i32
      %shift_right_logical3A_724 = vector.broadcast %shift_right_logical3A_723 : i32 to vector<16xi32>
      %shift_right_logical3A_725 = arith.shrui %add3A_718, %shift_right_logical3A_724 : vector<16xi32>
      %and3A_726 = arith.constant -65536 : i32
      %and3A_727 = vector.broadcast %and3A_726 : i32 to vector<16xi32>
      %and3A_728 = arith.andi %add3A_722, %and3A_727 : vector<16xi32>
      %or3A_729 = arith.ori %shift_right_logical3A_725, %and3A_728 : vector<16xi32>
      %swap3A_730 = arith.constant 1 : i32
      %swap3A_731 = arith.index_cast %swap3A_730 : i32 to index
      %swap3A_732 = arith.index_cast %scan3A_490 : i32 to index
      %swap3A_733 = arith.constant 96 : index
      %swap3A_734 = tpu.vector_load %arg7[%swap3A_731, %swap3A_732, %swap3A_733] {strides = array<i32>} : memref<2x128x128xi32, #tpu.memory_space<vmem>>, vector<1x1x16xi32>,
      %swap3A_735 = vector.shape_cast %swap3A_734 : vector<1x1x16xi32> to vector<16xi32>
      %swap3A_736 = vector.shape_cast %or3A_729 : vector<16xi32> to vector<1x1x16xi32>
      tpu.vector_store %arg7[%swap3A_731, %swap3A_732, %swap3A_733], %swap3A_736 {strides = array<i32>} : memref<2x128x128xi32, #tpu.memory_space<vmem>>, vector<1x1x16xi32>,
      %get3A_737 = arith.constant 1 : i32
      %get3A_738 = arith.index_cast %get3A_737 : i32 to index
      %get3A_739 = arith.index_cast %scan3A_490 : i32 to index
      %get3A_740 = arith.constant 112 : index
      %get3A_741 = tpu.vector_load %arg6[%get3A_738, %get3A_739, %get3A_740] {strides = array<i32>} : memref<2x256x128xf32, #tpu.memory_space<vmem>>, vector<1x1x16xf32>,
      %get3A_742 = vector.shape_cast %get3A_741 : vector<1x1x16xf32> to vector<16xf32>
      %add3A_743 = arith.constant 128 : i32
      %add3A_744 = arith.addi %scan3A_490, %add3A_743 : i32
      %get3A_745 = arith.constant 1 : i32
      %get3A_746 = arith.index_cast %get3A_745 : i32 to index
      %get3A_747 = arith.index_cast %add3A_744 : i32 to index
      %get3A_748 = arith.constant 112 : index
      %get3A_749 = tpu.vector_load %arg6[%get3A_746, %get3A_747, %get3A_748] {strides = array<i32>} : memref<2x256x128xf32, #tpu.memory_space<vmem>>, vector<1x1x16xf32>,
      %get3A_750 = vector.shape_cast %get3A_749 : vector<1x1x16xf32> to vector<16xf32>
      %bitcast_convert_type3A_751 = tpu.bitcast %get3A_742 : vector<16xf32> -> vector<16xi32>
      %add3A_752 = arith.constant 32768 : i32
      %add3A_753 = vector.broadcast %add3A_752 : i32 to vector<16xi32>
      %add3A_754 = arith.addi %bitcast_convert_type3A_751, %add3A_753 : vector<16xi32>
      %bitcast_convert_type3A_755 = tpu.bitcast %get3A_750 : vector<16xf32> -> vector<16xi32>
      %add3A_756 = arith.constant 32768 : i32
      %add3A_757 = vector.broadcast %add3A_756 : i32 to vector<16xi32>
      %add3A_758 = arith.addi %bitcast_convert_type3A_755, %add3A_757 : vector<16xi32>
      %shift_right_logical3A_759 = arith.constant 16 : i32
      %shift_right_logical3A_760 = vector.broadcast %shift_right_logical3A_759 : i32 to vector<16xi32>
      %shift_right_logical3A_761 = arith.shrui %add3A_754, %shift_right_logical3A_760 : vector<16xi32>
      %and3A_762 = arith.constant -65536 : i32
      %and3A_763 = vector.broadcast %and3A_762 : i32 to vector<16xi32>
      %and3A_764 = arith.andi %add3A_758, %and3A_763 : vector<16xi32>
      %or3A_765 = arith.ori %shift_right_logical3A_761, %and3A_764 : vector<16xi32>
      %swap3A_766 = arith.constant 1 : i32
      %swap3A_767 = arith.index_cast %swap3A_766 : i32 to index
      %swap3A_768 = arith.index_cast %scan3A_490 : i32 to index
      %swap3A_769 = arith.constant 112 : index
      %swap3A_770 = tpu.vector_load %arg7[%swap3A_767, %swap3A_768, %swap3A_769] {strides = array<i32>} : memref<2x128x128xi32, #tpu.memory_space<vmem>>, vector<1x1x16xi32>,
      %swap3A_771 = vector.shape_cast %swap3A_770 : vector<1x1x16xi32> to vector<16xi32>
      %swap3A_772 = vector.shape_cast %or3A_765 : vector<16xi32> to vector<1x1x16xi32>
      tpu.vector_store %arg7[%swap3A_767, %swap3A_768, %swap3A_769], %swap3A_772 {strides = array<i32>} : memref<2x128x128xi32, #tpu.memory_space<vmem>>, vector<1x1x16xi32>,
    }
    %scan3A_404 = arith.constant 128 : i32
    %add3A_405 = arith.constant 896 : i32
    %add3A_406 = arith.addi %mul3A_4, %add3A_405 : i32
    %dma_start3A_407 = arith.constant 1 : i32
    %dma_start3A_408 = arith.constant 0 : i32
    %dma_start3A_409 = arith.constant 0 : i32
    %dma_start3A_410 = tpu.memref_slice %arg7[%dma_start3A_407, %dma_start3A_408, %dma_start3A_409] : memref<2x128x128xi32, #tpu.memory_space<vmem>> -> memref<1x128x128xi32, #tpu.memory_space<vmem>>
    %dma_start3A_411 = tpu.memref_squeeze %dma_start3A_410 : memref<1x128x128xi32, #tpu.memory_space<vmem>> -> memref<128x128xi32, #tpu.memory_space<vmem>>
    %dma_start3A_412 = arith.constant 0 : i32
    %dma_start3A_413 = tpu.memref_slice %arg4[%add3A_406, %dma_start3A_412] : memref<36864x128xi32, #tpu.memory_space<hbm>> -> memref<128x128xi32, #tpu.memory_space<hbm>>
    %dma_start3A_414 = arith.constant 0 : i32
    %dma_start3A_415 = tpu.memref_slice %arg4[%add3A_406, %dma_start3A_414] : memref<36864x128xi32, #tpu.memory_space<hbm>> -> memref<128x128xi32, #tpu.memory_space<hbm>>
    %dma_start3A_416 = arith.constant 0 : i32
    %dma_start3A_417 = arith.constant 0 : i32
    %dma_start3A_418 = tpu.memref_slice %arg7[%dma_start3A_407, %dma_start3A_416, %dma_start3A_417] : memref<2x128x128xi32, #tpu.memory_space<vmem>> -> memref<1x128x128xi32, #tpu.memory_space<vmem>>
    %dma_start3A_419 = tpu.memref_squeeze %dma_start3A_418 : memref<1x128x128xi32, #tpu.memory_space<vmem>> -> memref<128x128xi32, #tpu.memory_space<vmem>>
    tpu.enqueue_dma source(%dma_start3A_419 : memref<128x128xi32, #tpu.memory_space<vmem>>) target(%dma_start3A_415 : memref<128x128xi32, #tpu.memory_space<hbm>>) target_semaphore(%arg11 : memref<!tpu.dma_semaphore, #tpu.memory_space<semaphore_mem>>)
    %dma_wait3A_420 = arith.constant 0 : i32
    %dma_wait3A_421 = arith.constant 0 : i32
    %dma_wait3A_422 = arith.constant 0 : i32
    %dma_wait3A_423 = tpu.memref_slice %arg6[%dma_wait3A_420, %dma_wait3A_421, %dma_wait3A_422] : memref<2x256x128xf32, #tpu.memory_space<vmem>> -> memref<1x256x128xf32, #tpu.memory_space<vmem>>
    %dma_wait3A_424 = tpu.memref_squeeze %dma_wait3A_423 : memref<1x256x128xf32, #tpu.memory_space<vmem>> -> memref<256x128xf32, #tpu.memory_space<vmem>>
    %dma_wait3A_425 = arith.constant 2048 : i32
    %dma_wait3A_426 = tpu.memref_slice %arg5[%dma_wait3A_425] : memref<2304xi32, #tpu.memory_space<vmem>> -> memref<256xi32, #tpu.memory_space<vmem>>
    %dma_wait3A_427 = arith.constant 0 : i32
    %dma_wait3A_428 = arith.constant 0 : i32
    %dma_wait3A_429 = tpu.memref_slice %arg2[%dma_wait3A_427, %dma_wait3A_428] : memref<1000000x128xf32, #tpu.memory_space<hbm>> -> memref<1000000x128xf32, #tpu.memory_space<hbm>>
    tpu.wait_indirect_dma semaphore(%arg8 : memref<!tpu.dma_semaphore, #tpu.memory_space<semaphore_mem>>) src(%dma_wait3A_429 : memref<1000000x128xf32, #tpu.memory_space<hbm>>) dst(%dma_wait3A_424 : memref<256x128xf32, #tpu.memory_space<vmem>>)
    %dma_wait3A_430 = arith.constant 0 : i32
    %dma_wait3A_431 = arith.constant 0 : i32
    %dma_wait3A_432 = arith.constant 0 : i32
    %dma_wait3A_433 = tpu.memref_slice %arg7[%dma_wait3A_430, %dma_wait3A_431, %dma_wait3A_432] : memref<2x128x128xi32, #tpu.memory_space<vmem>> -> memref<1x128x128xi32, #tpu.memory_space<vmem>>
    %dma_wait3A_434 = tpu.memref_squeeze %dma_wait3A_433 : memref<1x128x128xi32, #tpu.memory_space<vmem>> -> memref<128x128xi32, #tpu.memory_space<vmem>>
    %dma_wait3A_435 = arith.constant 0 : i32
    %dma_wait3A_436 = tpu.memref_slice %arg4[%add3A_352, %dma_wait3A_435] : memref<36864x128xi32, #tpu.memory_space<hbm>> -> memref<128x128xi32, #tpu.memory_space<hbm>>
    %dma_wait3A_437 = arith.constant 0 : i32
    %dma_wait3A_438 = tpu.memref_slice %arg4[%add3A_352, %dma_wait3A_437] : memref<36864x128xi32, #tpu.memory_space<hbm>> -> memref<128x128xi32, #tpu.memory_space<hbm>>
    %dma_wait3A_439 = arith.constant 0 : i32
    %dma_wait3A_440 = arith.constant 0 : i32
    %dma_wait3A_441 = tpu.memref_slice %arg7[%dma_wait3A_430, %dma_wait3A_439, %dma_wait3A_440] : memref<2x128x128xi32, #tpu.memory_space<vmem>> -> memref<1x128x128xi32, #tpu.memory_space<vmem>>
    %dma_wait3A_442 = tpu.memref_squeeze %dma_wait3A_441 : memref<1x128x128xi32, #tpu.memory_space<vmem>> -> memref<128x128xi32, #tpu.memory_space<vmem>>
    tpu.wait_dma2 semaphore(%arg10 : memref<!tpu.dma_semaphore, #tpu.memory_space<semaphore_mem>>) src(%dma_wait3A_442 : memref<128x128xi32, #tpu.memory_space<vmem>>) dst(%dma_wait3A_438 : memref<128x128xi32, #tpu.memory_space<hbm>>)
    %scan3A_443 = arith.constant 0 : i32
    %scan3A_444 = arith.constant 0 : i32
    %scan3A_445 = arith.constant 128 : i32
    %scan3A_446 = arith.addi %scan3A_444, %scan3A_445 : i32
    %scan3A_447 = arith.constant 1 : i32
    scf.for %scan3A_490 = %scan3A_444 to %scan3A_446 step %scan3A_447  : i32 {
      %get3A = arith.constant 0 : i32
      %get3A_491 = arith.index_cast %get3A : i32 to index
      %get3A_492 = arith.index_cast %scan3A_490 : i32 to index
      %get3A_493 = arith.constant 0 : index
      %get3A_494 = tpu.vector_load %arg6[%get3A_491, %get3A_492, %get3A_493] {strides = array<i32>} : memref<2x256x128xf32, #tpu.memory_space<vmem>>, vector<1x1x16xf32>,
      %get3A_495 = vector.shape_cast %get3A_494 : vector<1x1x16xf32> to vector<16xf32>
      %add3A_496 = arith.constant 128 : i32
      %add3A_497 = arith.addi %scan3A_490, %add3A_496 : i32
      %get3A_498 = arith.constant 0 : i32
      %get3A_499 = arith.index_cast %get3A_498 : i32 to index
      %get3A_500 = arith.index_cast %add3A_497 : i32 to index
      %get3A_501 = arith.constant 0 : index
      %get3A_502 = tpu.vector_load %arg6[%get3A_499, %get3A_500, %get3A_501] {strides = array<i32>} : memref<2x256x128xf32, #tpu.memory_space<vmem>>, vector<1x1x16xf32>,
      %get3A_503 = vector.shape_cast %get3A_502 : vector<1x1x16xf32> to vector<16xf32>
      %bitcast_convert_type3A = tpu.bitcast %get3A_495 : vector<16xf32> -> vector<16xi32>
      %add3A_504 = arith.constant 32768 : i32
      %add3A_505 = vector.broadcast %add3A_504 : i32 to vector<16xi32>
      %add3A_506 = arith.addi %bitcast_convert_type3A, %add3A_505 : vector<16xi32>
      %bitcast_convert_type3A_507 = tpu.bitcast %get3A_503 : vector<16xf32> -> vector<16xi32>
      %add3A_508 = arith.constant 32768 : i32
      %add3A_509 = vector.broadcast %add3A_508 : i32 to vector<16xi32>
      %add3A_510 = arith.addi %bitcast_convert_type3A_507, %add3A_509 : vector<16xi32>
      %shift_right_logical3A = arith.constant 16 : i32
      %shift_right_logical3A_511 = vector.broadcast %shift_right_logical3A : i32 to vector<16xi32>
      %shift_right_logical3A_512 = arith.shrui %add3A_506, %shift_right_logical3A_511 : vector<16xi32>
      %and3A = arith.constant -65536 : i32
      %and3A_513 = vector.broadcast %and3A : i32 to vector<16xi32>
      %and3A_514 = arith.andi %add3A_510, %and3A_513 : vector<16xi32>
      %or3A = arith.ori %shift_right_logical3A_512, %and3A_514 : vector<16xi32>
      %swap3A = arith.constant 0 : i32
      %swap3A_515 = arith.index_cast %swap3A : i32 to index
      %swap3A_516 = arith.index_cast %scan3A_490 : i32 to index
      %swap3A_517 = arith.constant 0 : index
      %swap3A_518 = tpu.vector_load %arg7[%swap3A_515, %swap3A_516, %swap3A_517] {strides = array<i32>} : memref<2x128x128xi32, #tpu.memory_space<vmem>>, vector<1x1x16xi32>,
      %swap3A_519 = vector.shape_cast %swap3A_518 : vector<1x1x16xi32> to vector<16xi32>
      %swap3A_520 = vector.shape_cast %or3A : vector<16xi32> to vector<1x1x16xi32>
      tpu.vector_store %arg7[%swap3A_515, %swap3A_516, %swap3A_517], %swap3A_520 {strides = array<i32>} : memref<2x128x128xi32, #tpu.memory_space<vmem>>, vector<1x1x16xi32>,
      %get3A_521 = arith.constant 0 : i32
      %get3A_522 = arith.index_cast %get3A_521 : i32 to index
      %get3A_523 = arith.index_cast %scan3A_490 : i32 to index
      %get3A_524 = arith.constant 16 : index
      %get3A_525 = tpu.vector_load %arg6[%get3A_522, %get3A_523, %get3A_524] {strides = array<i32>} : memref<2x256x128xf32, #tpu.memory_space<vmem>>, vector<1x1x16xf32>,
      %get3A_526 = vector.shape_cast %get3A_525 : vector<1x1x16xf32> to vector<16xf32>
      %add3A_527 = arith.constant 128 : i32
      %add3A_528 = arith.addi %scan3A_490, %add3A_527 : i32
      %get3A_529 = arith.constant 0 : i32
      %get3A_530 = arith.index_cast %get3A_529 : i32 to index
      %get3A_531 = arith.index_cast %add3A_528 : i32 to index
      %get3A_532 = arith.constant 16 : index
      %get3A_533 = tpu.vector_load %arg6[%get3A_530, %get3A_531, %get3A_532] {strides = array<i32>} : memref<2x256x128xf32, #tpu.memory_space<vmem>>, vector<1x1x16xf32>,
      %get3A_534 = vector.shape_cast %get3A_533 : vector<1x1x16xf32> to vector<16xf32>
      %bitcast_convert_type3A_535 = tpu.bitcast %get3A_526 : vector<16xf32> -> vector<16xi32>
      %add3A_536 = arith.constant 32768 : i32
      %add3A_537 = vector.broadcast %add3A_536 : i32 to vector<16xi32>
      %add3A_538 = arith.addi %bitcast_convert_type3A_535, %add3A_537 : vector<16xi32>
      %bitcast_convert_type3A_539 = tpu.bitcast %get3A_534 : vector<16xf32> -> vector<16xi32>
      %add3A_540 = arith.constant 32768 : i32
      %add3A_541 = vector.broadcast %add3A_540 : i32 to vector<16xi32>
      %add3A_542 = arith.addi %bitcast_convert_type3A_539, %add3A_541 : vector<16xi32>
      %shift_right_logical3A_543 = arith.constant 16 : i32
      %shift_right_logical3A_544 = vector.broadcast %shift_right_logical3A_543 : i32 to vector<16xi32>
      %shift_right_logical3A_545 = arith.shrui %add3A_538, %shift_right_logical3A_544 : vector<16xi32>
      %and3A_546 = arith.constant -65536 : i32
      %and3A_547 = vector.broadcast %and3A_546 : i32 to vector<16xi32>
      %and3A_548 = arith.andi %add3A_542, %and3A_547 : vector<16xi32>
      %or3A_549 = arith.ori %shift_right_logical3A_545, %and3A_548 : vector<16xi32>
      %swap3A_550 = arith.constant 0 : i32
      %swap3A_551 = arith.index_cast %swap3A_550 : i32 to index
      %swap3A_552 = arith.index_cast %scan3A_490 : i32 to index
      %swap3A_553 = arith.constant 16 : index
      %swap3A_554 = tpu.vector_load %arg7[%swap3A_551, %swap3A_552, %swap3A_553] {strides = array<i32>} : memref<2x128x128xi32, #tpu.memory_space<vmem>>, vector<1x1x16xi32>,
      %swap3A_555 = vector.shape_cast %swap3A_554 : vector<1x1x16xi32> to vector<16xi32>
      %swap3A_556 = vector.shape_cast %or3A_549 : vector<16xi32> to vector<1x1x16xi32>
      tpu.vector_store %arg7[%swap3A_551, %swap3A_552, %swap3A_553], %swap3A_556 {strides = array<i32>} : memref<2x128x128xi32, #tpu.memory_space<vmem>>, vector<1x1x16xi32>,
      %get3A_557 = arith.constant 0 : i32
      %get3A_558 = arith.index_cast %get3A_557 : i32 to index
      %get3A_559 = arith.index_cast %scan3A_490 : i32 to index
      %get3A_560 = arith.constant 32 : index
      %get3A_561 = tpu.vector_load %arg6[%get3A_558, %get3A_559, %get3A_560] {strides = array<i32>} : memref<2x256x128xf32, #tpu.memory_space<vmem>>, vector<1x1x16xf32>,
      %get3A_562 = vector.shape_cast %get3A_561 : vector<1x1x16xf32> to vector<16xf32>
      %add3A_563 = arith.constant 128 : i32
      %add3A_564 = arith.addi %scan3A_490, %add3A_563 : i32
      %get3A_565 = arith.constant 0 : i32
      %get3A_566 = arith.index_cast %get3A_565 : i32 to index
      %get3A_567 = arith.index_cast %add3A_564 : i32 to index
      %get3A_568 = arith.constant 32 : index
      %get3A_569 = tpu.vector_load %arg6[%get3A_566, %get3A_567, %get3A_568] {strides = array<i32>} : memref<2x256x128xf32, #tpu.memory_space<vmem>>, vector<1x1x16xf32>,
      %get3A_570 = vector.shape_cast %get3A_569 : vector<1x1x16xf32> to vector<16xf32>
      %bitcast_convert_type3A_571 = tpu.bitcast %get3A_562 : vector<16xf32> -> vector<16xi32>
      %add3A_572 = arith.constant 32768 : i32
      %add3A_573 = vector.broadcast %add3A_572 : i32 to vector<16xi32>
      %add3A_574 = arith.addi %bitcast_convert_type3A_571, %add3A_573 : vector<16xi32>
      %bitcast_convert_type3A_575 = tpu.bitcast %get3A_570 : vector<16xf32> -> vector<16xi32>
      %add3A_576 = arith.constant 32768 : i32
      %add3A_577 = vector.broadcast %add3A_576 : i32 to vector<16xi32>
      %add3A_578 = arith.addi %bitcast_convert_type3A_575, %add3A_577 : vector<16xi32>
      %shift_right_logical3A_579 = arith.constant 16 : i32
      %shift_right_logical3A_580 = vector.broadcast %shift_right_logical3A_579 : i32 to vector<16xi32>
      %shift_right_logical3A_581 = arith.shrui %add3A_574, %shift_right_logical3A_580 : vector<16xi32>
      %and3A_582 = arith.constant -65536 : i32
      %and3A_583 = vector.broadcast %and3A_582 : i32 to vector<16xi32>
      %and3A_584 = arith.andi %add3A_578, %and3A_583 : vector<16xi32>
      %or3A_585 = arith.ori %shift_right_logical3A_581, %and3A_584 : vector<16xi32>
      %swap3A_586 = arith.constant 0 : i32
      %swap3A_587 = arith.index_cast %swap3A_586 : i32 to index
      %swap3A_588 = arith.index_cast %scan3A_490 : i32 to index
      %swap3A_589 = arith.constant 32 : index
      %swap3A_590 = tpu.vector_load %arg7[%swap3A_587, %swap3A_588, %swap3A_589] {strides = array<i32>} : memref<2x128x128xi32, #tpu.memory_space<vmem>>, vector<1x1x16xi32>,
      %swap3A_591 = vector.shape_cast %swap3A_590 : vector<1x1x16xi32> to vector<16xi32>
      %swap3A_592 = vector.shape_cast %or3A_585 : vector<16xi32> to vector<1x1x16xi32>
      tpu.vector_store %arg7[%swap3A_587, %swap3A_588, %swap3A_589], %swap3A_592 {strides = array<i32>} : memref<2x128x128xi32, #tpu.memory_space<vmem>>, vector<1x1x16xi32>,
      %get3A_593 = arith.constant 0 : i32
      %get3A_594 = arith.index_cast %get3A_593 : i32 to index
      %get3A_595 = arith.index_cast %scan3A_490 : i32 to index
      %get3A_596 = arith.constant 48 : index
      %get3A_597 = tpu.vector_load %arg6[%get3A_594, %get3A_595, %get3A_596] {strides = array<i32>} : memref<2x256x128xf32, #tpu.memory_space<vmem>>, vector<1x1x16xf32>,
      %get3A_598 = vector.shape_cast %get3A_597 : vector<1x1x16xf32> to vector<16xf32>
      %add3A_599 = arith.constant 128 : i32
      %add3A_600 = arith.addi %scan3A_490, %add3A_599 : i32
      %get3A_601 = arith.constant 0 : i32
      %get3A_602 = arith.index_cast %get3A_601 : i32 to index
      %get3A_603 = arith.index_cast %add3A_600 : i32 to index
      %get3A_604 = arith.constant 48 : index
      %get3A_605 = tpu.vector_load %arg6[%get3A_602, %get3A_603, %get3A_604] {strides = array<i32>} : memref<2x256x128xf32, #tpu.memory_space<vmem>>, vector<1x1x16xf32>,
      %get3A_606 = vector.shape_cast %get3A_605 : vector<1x1x16xf32> to vector<16xf32>
      %bitcast_convert_type3A_607 = tpu.bitcast %get3A_598 : vector<16xf32> -> vector<16xi32>
      %add3A_608 = arith.constant 32768 : i32
      %add3A_609 = vector.broadcast %add3A_608 : i32 to vector<16xi32>
      %add3A_610 = arith.addi %bitcast_convert_type3A_607, %add3A_609 : vector<16xi32>
      %bitcast_convert_type3A_611 = tpu.bitcast %get3A_606 : vector<16xf32> -> vector<16xi32>
      %add3A_612 = arith.constant 32768 : i32
      %add3A_613 = vector.broadcast %add3A_612 : i32 to vector<16xi32>
      %add3A_614 = arith.addi %bitcast_convert_type3A_611, %add3A_613 : vector<16xi32>
      %shift_right_logical3A_615 = arith.constant 16 : i32
      %shift_right_logical3A_616 = vector.broadcast %shift_right_logical3A_615 : i32 to vector<16xi32>
      %shift_right_logical3A_617 = arith.shrui %add3A_610, %shift_right_logical3A_616 : vector<16xi32>
      %and3A_618 = arith.constant -65536 : i32
      %and3A_619 = vector.broadcast %and3A_618 : i32 to vector<16xi32>
      %and3A_620 = arith.andi %add3A_614, %and3A_619 : vector<16xi32>
      %or3A_621 = arith.ori %shift_right_logical3A_617, %and3A_620 : vector<16xi32>
      %swap3A_622 = arith.constant 0 : i32
      %swap3A_623 = arith.index_cast %swap3A_622 : i32 to index
      %swap3A_624 = arith.index_cast %scan3A_490 : i32 to index
      %swap3A_625 = arith.constant 48 : index
      %swap3A_626 = tpu.vector_load %arg7[%swap3A_623, %swap3A_624, %swap3A_625] {strides = array<i32>} : memref<2x128x128xi32, #tpu.memory_space<vmem>>, vector<1x1x16xi32>,
      %swap3A_627 = vector.shape_cast %swap3A_626 : vector<1x1x16xi32> to vector<16xi32>
      %swap3A_628 = vector.shape_cast %or3A_621 : vector<16xi32> to vector<1x1x16xi32>
      tpu.vector_store %arg7[%swap3A_623, %swap3A_624, %swap3A_625], %swap3A_628 {strides = array<i32>} : memref<2x128x128xi32, #tpu.memory_space<vmem>>, vector<1x1x16xi32>,
      %get3A_629 = arith.constant 0 : i32
      %get3A_630 = arith.index_cast %get3A_629 : i32 to index
      %get3A_631 = arith.index_cast %scan3A_490 : i32 to index
      %get3A_632 = arith.constant 64 : index
      %get3A_633 = tpu.vector_load %arg6[%get3A_630, %get3A_631, %get3A_632] {strides = array<i32>} : memref<2x256x128xf32, #tpu.memory_space<vmem>>, vector<1x1x16xf32>,
      %get3A_634 = vector.shape_cast %get3A_633 : vector<1x1x16xf32> to vector<16xf32>
      %add3A_635 = arith.constant 128 : i32
      %add3A_636 = arith.addi %scan3A_490, %add3A_635 : i32
      %get3A_637 = arith.constant 0 : i32
      %get3A_638 = arith.index_cast %get3A_637 : i32 to index
      %get3A_639 = arith.index_cast %add3A_636 : i32 to index
      %get3A_640 = arith.constant 64 : index
      %get3A_641 = tpu.vector_load %arg6[%get3A_638, %get3A_639, %get3A_640] {strides = array<i32>} : memref<2x256x128xf32, #tpu.memory_space<vmem>>, vector<1x1x16xf32>,
      %get3A_642 = vector.shape_cast %get3A_641 : vector<1x1x16xf32> to vector<16xf32>
      %bitcast_convert_type3A_643 = tpu.bitcast %get3A_634 : vector<16xf32> -> vector<16xi32>
      %add3A_644 = arith.constant 32768 : i32
      %add3A_645 = vector.broadcast %add3A_644 : i32 to vector<16xi32>
      %add3A_646 = arith.addi %bitcast_convert_type3A_643, %add3A_645 : vector<16xi32>
      %bitcast_convert_type3A_647 = tpu.bitcast %get3A_642 : vector<16xf32> -> vector<16xi32>
      %add3A_648 = arith.constant 32768 : i32
      %add3A_649 = vector.broadcast %add3A_648 : i32 to vector<16xi32>
      %add3A_650 = arith.addi %bitcast_convert_type3A_647, %add3A_649 : vector<16xi32>
      %shift_right_logical3A_651 = arith.constant 16 : i32
      %shift_right_logical3A_652 = vector.broadcast %shift_right_logical3A_651 : i32 to vector<16xi32>
      %shift_right_logical3A_653 = arith.shrui %add3A_646, %shift_right_logical3A_652 : vector<16xi32>
      %and3A_654 = arith.constant -65536 : i32
      %and3A_655 = vector.broadcast %and3A_654 : i32 to vector<16xi32>
      %and3A_656 = arith.andi %add3A_650, %and3A_655 : vector<16xi32>
      %or3A_657 = arith.ori %shift_right_logical3A_653, %and3A_656 : vector<16xi32>
      %swap3A_658 = arith.constant 0 : i32
      %swap3A_659 = arith.index_cast %swap3A_658 : i32 to index
      %swap3A_660 = arith.index_cast %scan3A_490 : i32 to index
      %swap3A_661 = arith.constant 64 : index
      %swap3A_662 = tpu.vector_load %arg7[%swap3A_659, %swap3A_660, %swap3A_661] {strides = array<i32>} : memref<2x128x128xi32, #tpu.memory_space<vmem>>, vector<1x1x16xi32>,
      %swap3A_663 = vector.shape_cast %swap3A_662 : vector<1x1x16xi32> to vector<16xi32>
      %swap3A_664 = vector.shape_cast %or3A_657 : vector<16xi32> to vector<1x1x16xi32>
      tpu.vector_store %arg7[%swap3A_659, %swap3A_660, %swap3A_661], %swap3A_664 {strides = array<i32>} : memref<2x128x128xi32, #tpu.memory_space<vmem>>, vector<1x1x16xi32>,
      %get3A_665 = arith.constant 0 : i32
      %get3A_666 = arith.index_cast %get3A_665 : i32 to index
      %get3A_667 = arith.index_cast %scan3A_490 : i32 to index
      %get3A_668 = arith.constant 80 : index
      %get3A_669 = tpu.vector_load %arg6[%get3A_666, %get3A_667, %get3A_668] {strides = array<i32>} : memref<2x256x128xf32, #tpu.memory_space<vmem>>, vector<1x1x16xf32>,
      %get3A_670 = vector.shape_cast %get3A_669 : vector<1x1x16xf32> to vector<16xf32>
      %add3A_671 = arith.constant 128 : i32
      %add3A_672 = arith.addi %scan3A_490, %add3A_671 : i32
      %get3A_673 = arith.constant 0 : i32
      %get3A_674 = arith.index_cast %get3A_673 : i32 to index
      %get3A_675 = arith.index_cast %add3A_672 : i32 to index
      %get3A_676 = arith.constant 80 : index
      %get3A_677 = tpu.vector_load %arg6[%get3A_674, %get3A_675, %get3A_676] {strides = array<i32>} : memref<2x256x128xf32, #tpu.memory_space<vmem>>, vector<1x1x16xf32>,
      %get3A_678 = vector.shape_cast %get3A_677 : vector<1x1x16xf32> to vector<16xf32>
      %bitcast_convert_type3A_679 = tpu.bitcast %get3A_670 : vector<16xf32> -> vector<16xi32>
      %add3A_680 = arith.constant 32768 : i32
      %add3A_681 = vector.broadcast %add3A_680 : i32 to vector<16xi32>
      %add3A_682 = arith.addi %bitcast_convert_type3A_679, %add3A_681 : vector<16xi32>
      %bitcast_convert_type3A_683 = tpu.bitcast %get3A_678 : vector<16xf32> -> vector<16xi32>
      %add3A_684 = arith.constant 32768 : i32
      %add3A_685 = vector.broadcast %add3A_684 : i32 to vector<16xi32>
      %add3A_686 = arith.addi %bitcast_convert_type3A_683, %add3A_685 : vector<16xi32>
      %shift_right_logical3A_687 = arith.constant 16 : i32
      %shift_right_logical3A_688 = vector.broadcast %shift_right_logical3A_687 : i32 to vector<16xi32>
      %shift_right_logical3A_689 = arith.shrui %add3A_682, %shift_right_logical3A_688 : vector<16xi32>
      %and3A_690 = arith.constant -65536 : i32
      %and3A_691 = vector.broadcast %and3A_690 : i32 to vector<16xi32>
      %and3A_692 = arith.andi %add3A_686, %and3A_691 : vector<16xi32>
      %or3A_693 = arith.ori %shift_right_logical3A_689, %and3A_692 : vector<16xi32>
      %swap3A_694 = arith.constant 0 : i32
      %swap3A_695 = arith.index_cast %swap3A_694 : i32 to index
      %swap3A_696 = arith.index_cast %scan3A_490 : i32 to index
      %swap3A_697 = arith.constant 80 : index
      %swap3A_698 = tpu.vector_load %arg7[%swap3A_695, %swap3A_696, %swap3A_697] {strides = array<i32>} : memref<2x128x128xi32, #tpu.memory_space<vmem>>, vector<1x1x16xi32>,
      %swap3A_699 = vector.shape_cast %swap3A_698 : vector<1x1x16xi32> to vector<16xi32>
      %swap3A_700 = vector.shape_cast %or3A_693 : vector<16xi32> to vector<1x1x16xi32>
      tpu.vector_store %arg7[%swap3A_695, %swap3A_696, %swap3A_697], %swap3A_700 {strides = array<i32>} : memref<2x128x128xi32, #tpu.memory_space<vmem>>, vector<1x1x16xi32>,
      %get3A_701 = arith.constant 0 : i32
      %get3A_702 = arith.index_cast %get3A_701 : i32 to index
      %get3A_703 = arith.index_cast %scan3A_490 : i32 to index
      %get3A_704 = arith.constant 96 : index
      %get3A_705 = tpu.vector_load %arg6[%get3A_702, %get3A_703, %get3A_704] {strides = array<i32>} : memref<2x256x128xf32, #tpu.memory_space<vmem>>, vector<1x1x16xf32>,
      %get3A_706 = vector.shape_cast %get3A_705 : vector<1x1x16xf32> to vector<16xf32>
      %add3A_707 = arith.constant 128 : i32
      %add3A_708 = arith.addi %scan3A_490, %add3A_707 : i32
      %get3A_709 = arith.constant 0 : i32
      %get3A_710 = arith.index_cast %get3A_709 : i32 to index
      %get3A_711 = arith.index_cast %add3A_708 : i32 to index
      %get3A_712 = arith.constant 96 : index
      %get3A_713 = tpu.vector_load %arg6[%get3A_710, %get3A_711, %get3A_712] {strides = array<i32>} : memref<2x256x128xf32, #tpu.memory_space<vmem>>, vector<1x1x16xf32>,
      %get3A_714 = vector.shape_cast %get3A_713 : vector<1x1x16xf32> to vector<16xf32>
      %bitcast_convert_type3A_715 = tpu.bitcast %get3A_706 : vector<16xf32> -> vector<16xi32>
      %add3A_716 = arith.constant 32768 : i32
      %add3A_717 = vector.broadcast %add3A_716 : i32 to vector<16xi32>
      %add3A_718 = arith.addi %bitcast_convert_type3A_715, %add3A_717 : vector<16xi32>
      %bitcast_convert_type3A_719 = tpu.bitcast %get3A_714 : vector<16xf32> -> vector<16xi32>
      %add3A_720 = arith.constant 32768 : i32
      %add3A_721 = vector.broadcast %add3A_720 : i32 to vector<16xi32>
      %add3A_722 = arith.addi %bitcast_convert_type3A_719, %add3A_721 : vector<16xi32>
      %shift_right_logical3A_723 = arith.constant 16 : i32
      %shift_right_logical3A_724 = vector.broadcast %shift_right_logical3A_723 : i32 to vector<16xi32>
      %shift_right_logical3A_725 = arith.shrui %add3A_718, %shift_right_logical3A_724 : vector<16xi32>
      %and3A_726 = arith.constant -65536 : i32
      %and3A_727 = vector.broadcast %and3A_726 : i32 to vector<16xi32>
      %and3A_728 = arith.andi %add3A_722, %and3A_727 : vector<16xi32>
      %or3A_729 = arith.ori %shift_right_logical3A_725, %and3A_728 : vector<16xi32>
      %swap3A_730 = arith.constant 0 : i32
      %swap3A_731 = arith.index_cast %swap3A_730 : i32 to index
      %swap3A_732 = arith.index_cast %scan3A_490 : i32 to index
      %swap3A_733 = arith.constant 96 : index
      %swap3A_734 = tpu.vector_load %arg7[%swap3A_731, %swap3A_732, %swap3A_733] {strides = array<i32>} : memref<2x128x128xi32, #tpu.memory_space<vmem>>, vector<1x1x16xi32>,
      %swap3A_735 = vector.shape_cast %swap3A_734 : vector<1x1x16xi32> to vector<16xi32>
      %swap3A_736 = vector.shape_cast %or3A_729 : vector<16xi32> to vector<1x1x16xi32>
      tpu.vector_store %arg7[%swap3A_731, %swap3A_732, %swap3A_733], %swap3A_736 {strides = array<i32>} : memref<2x128x128xi32, #tpu.memory_space<vmem>>, vector<1x1x16xi32>,
      %get3A_737 = arith.constant 0 : i32
      %get3A_738 = arith.index_cast %get3A_737 : i32 to index
      %get3A_739 = arith.index_cast %scan3A_490 : i32 to index
      %get3A_740 = arith.constant 112 : index
      %get3A_741 = tpu.vector_load %arg6[%get3A_738, %get3A_739, %get3A_740] {strides = array<i32>} : memref<2x256x128xf32, #tpu.memory_space<vmem>>, vector<1x1x16xf32>,
      %get3A_742 = vector.shape_cast %get3A_741 : vector<1x1x16xf32> to vector<16xf32>
      %add3A_743 = arith.constant 128 : i32
      %add3A_744 = arith.addi %scan3A_490, %add3A_743 : i32
      %get3A_745 = arith.constant 0 : i32
      %get3A_746 = arith.index_cast %get3A_745 : i32 to index
      %get3A_747 = arith.index_cast %add3A_744 : i32 to index
      %get3A_748 = arith.constant 112 : index
      %get3A_749 = tpu.vector_load %arg6[%get3A_746, %get3A_747, %get3A_748] {strides = array<i32>} : memref<2x256x128xf32, #tpu.memory_space<vmem>>, vector<1x1x16xf32>,
      %get3A_750 = vector.shape_cast %get3A_749 : vector<1x1x16xf32> to vector<16xf32>
      %bitcast_convert_type3A_751 = tpu.bitcast %get3A_742 : vector<16xf32> -> vector<16xi32>
      %add3A_752 = arith.constant 32768 : i32
      %add3A_753 = vector.broadcast %add3A_752 : i32 to vector<16xi32>
      %add3A_754 = arith.addi %bitcast_convert_type3A_751, %add3A_753 : vector<16xi32>
      %bitcast_convert_type3A_755 = tpu.bitcast %get3A_750 : vector<16xf32> -> vector<16xi32>
      %add3A_756 = arith.constant 32768 : i32
      %add3A_757 = vector.broadcast %add3A_756 : i32 to vector<16xi32>
      %add3A_758 = arith.addi %bitcast_convert_type3A_755, %add3A_757 : vector<16xi32>
      %shift_right_logical3A_759 = arith.constant 16 : i32
      %shift_right_logical3A_760 = vector.broadcast %shift_right_logical3A_759 : i32 to vector<16xi32>
      %shift_right_logical3A_761 = arith.shrui %add3A_754, %shift_right_logical3A_760 : vector<16xi32>
      %and3A_762 = arith.constant -65536 : i32
      %and3A_763 = vector.broadcast %and3A_762 : i32 to vector<16xi32>
      %and3A_764 = arith.andi %add3A_758, %and3A_763 : vector<16xi32>
      %or3A_765 = arith.ori %shift_right_logical3A_761, %and3A_764 : vector<16xi32>
      %swap3A_766 = arith.constant 0 : i32
      %swap3A_767 = arith.index_cast %swap3A_766 : i32 to index
      %swap3A_768 = arith.index_cast %scan3A_490 : i32 to index
      %swap3A_769 = arith.constant 112 : index
      %swap3A_770 = tpu.vector_load %arg7[%swap3A_767, %swap3A_768, %swap3A_769] {strides = array<i32>} : memref<2x128x128xi32, #tpu.memory_space<vmem>>, vector<1x1x16xi32>,
      %swap3A_771 = vector.shape_cast %swap3A_770 : vector<1x1x16xi32> to vector<16xi32>
      %swap3A_772 = vector.shape_cast %or3A_765 : vector<16xi32> to vector<1x1x16xi32>
      tpu.vector_store %arg7[%swap3A_767, %swap3A_768, %swap3A_769], %swap3A_772 {strides = array<i32>} : memref<2x128x128xi32, #tpu.memory_space<vmem>>, vector<1x1x16xi32>,
    }
    %scan3A_448 = arith.constant 128 : i32
    %add3A_449 = arith.constant 1024 : i32
    %add3A_450 = arith.addi %mul3A_4, %add3A_449 : i32
    %dma_start3A_451 = arith.constant 0 : i32
    %dma_start3A_452 = arith.constant 0 : i32
    %dma_start3A_453 = arith.constant 0 : i32
    %dma_start3A_454 = tpu.memref_slice %arg7[%dma_start3A_451, %dma_start3A_452, %dma_start3A_453] : memref<2x128x128xi32, #tpu.memory_space<vmem>> -> memref<1x128x128xi32, #tpu.memory_space<vmem>>
    %dma_start3A_455 = tpu.memref_squeeze %dma_start3A_454 : memref<1x128x128xi32, #tpu.memory_space<vmem>> -> memref<128x128xi32, #tpu.memory_space<vmem>>
    %dma_start3A_456 = arith.constant 0 : i32
    %dma_start3A_457 = tpu.memref_slice %arg4[%add3A_450, %dma_start3A_456] : memref<36864x128xi32, #tpu.memory_space<hbm>> -> memref<128x128xi32, #tpu.memory_space<hbm>>
    %dma_start3A_458 = arith.constant 0 : i32
    %dma_start3A_459 = tpu.memref_slice %arg4[%add3A_450, %dma_start3A_458] : memref<36864x128xi32, #tpu.memory_space<hbm>> -> memref<128x128xi32, #tpu.memory_space<hbm>>
    %dma_start3A_460 = arith.constant 0 : i32
    %dma_start3A_461 = arith.constant 0 : i32
    %dma_start3A_462 = tpu.memref_slice %arg7[%dma_start3A_451, %dma_start3A_460, %dma_start3A_461] : memref<2x128x128xi32, #tpu.memory_space<vmem>> -> memref<1x128x128xi32, #tpu.memory_space<vmem>>
    %dma_start3A_463 = tpu.memref_squeeze %dma_start3A_462 : memref<1x128x128xi32, #tpu.memory_space<vmem>> -> memref<128x128xi32, #tpu.memory_space<vmem>>
    tpu.enqueue_dma source(%dma_start3A_463 : memref<128x128xi32, #tpu.memory_space<vmem>>) target(%dma_start3A_459 : memref<128x128xi32, #tpu.memory_space<hbm>>) target_semaphore(%arg10 : memref<!tpu.dma_semaphore, #tpu.memory_space<semaphore_mem>>)
    %dma_wait3A_464 = arith.constant 1 : i32
    %dma_wait3A_465 = arith.constant 0 : i32
    %dma_wait3A_466 = arith.constant 0 : i32
    %dma_wait3A_467 = tpu.memref_slice %arg7[%dma_wait3A_464, %dma_wait3A_465, %dma_wait3A_466] : memref<2x128x128xi32, #tpu.memory_space<vmem>> -> memref<1x128x128xi32, #tpu.memory_space<vmem>>
    %dma_wait3A_468 = tpu.memref_squeeze %dma_wait3A_467 : memref<1x128x128xi32, #tpu.memory_space<vmem>> -> memref<128x128xi32, #tpu.memory_space<vmem>>
    %dma_wait3A_469 = arith.constant 0 : i32
    %dma_wait3A_470 = tpu.memref_slice %arg4[%add3A_406, %dma_wait3A_469] : memref<36864x128xi32, #tpu.memory_space<hbm>> -> memref<128x128xi32, #tpu.memory_space<hbm>>
    %dma_wait3A_471 = arith.constant 0 : i32
    %dma_wait3A_472 = tpu.memref_slice %arg4[%add3A_406, %dma_wait3A_471] : memref<36864x128xi32, #tpu.memory_space<hbm>> -> memref<128x128xi32, #tpu.memory_space<hbm>>
    %dma_wait3A_473 = arith.constant 0 : i32
    %dma_wait3A_474 = arith.constant 0 : i32
    %dma_wait3A_475 = tpu.memref_slice %arg7[%dma_wait3A_464, %dma_wait3A_473, %dma_wait3A_474] : memref<2x128x128xi32, #tpu.memory_space<vmem>> -> memref<1x128x128xi32, #tpu.memory_space<vmem>>
    %dma_wait3A_476 = tpu.memref_squeeze %dma_wait3A_475 : memref<1x128x128xi32, #tpu.memory_space<vmem>> -> memref<128x128xi32, #tpu.memory_space<vmem>>
    tpu.wait_dma2 semaphore(%arg11 : memref<!tpu.dma_semaphore, #tpu.memory_space<semaphore_mem>>) src(%dma_wait3A_476 : memref<128x128xi32, #tpu.memory_space<vmem>>) dst(%dma_wait3A_472 : memref<128x128xi32, #tpu.memory_space<hbm>>)
    %dma_wait3A_477 = arith.constant 0 : i32
    %dma_wait3A_478 = arith.constant 0 : i32
    %dma_wait3A_479 = arith.constant 0 : i32
    %dma_wait3A_480 = tpu.memref_slice %arg7[%dma_wait3A_477, %dma_wait3A_478, %dma_wait3A_479] : memref<2x128x128xi32, #tpu.memory_space<vmem>> -> memref<1x128x128xi32, #tpu.memory_space<vmem>>
    %dma_wait3A_481 = tpu.memref_squeeze %dma_wait3A_480 : memref<1x128x128xi32, #tpu.memory_space<vmem>> -> memref<128x128xi32, #tpu.memory_space<vmem>>
    %dma_wait3A_482 = arith.constant 0 : i32
    %dma_wait3A_483 = tpu.memref_slice %arg4[%add3A_450, %dma_wait3A_482] : memref<36864x128xi32, #tpu.memory_space<hbm>> -> memref<128x128xi32, #tpu.memory_space<hbm>>
    %dma_wait3A_484 = arith.constant 0 : i32
    %dma_wait3A_485 = tpu.memref_slice %arg4[%add3A_450, %dma_wait3A_484] : memref<36864x128xi32, #tpu.memory_space<hbm>> -> memref<128x128xi32, #tpu.memory_space<hbm>>
    %dma_wait3A_486 = arith.constant 0 : i32
    %dma_wait3A_487 = arith.constant 0 : i32
    %dma_wait3A_488 = tpu.memref_slice %arg7[%dma_wait3A_477, %dma_wait3A_486, %dma_wait3A_487] : memref<2x128x128xi32, #tpu.memory_space<vmem>> -> memref<1x128x128xi32, #tpu.memory_space<vmem>>
    %dma_wait3A_489 = tpu.memref_squeeze %dma_wait3A_488 : memref<1x128x128xi32, #tpu.memory_space<vmem>> -> memref<128x128xi32, #tpu.memory_space<vmem>>
    tpu.wait_dma2 semaphore(%arg10 : memref<!tpu.dma_semaphore, #tpu.memory_space<semaphore_mem>>) src(%dma_wait3A_489 : memref<128x128xi32, #tpu.memory_space<vmem>>) dst(%dma_wait3A_485 : memref<128x128xi32, #tpu.memory_space<hbm>>)
    return
  }
}

#map = affine_map<(d0, d1) -> (0, 0)>
#map1 = affine_map<(d0, d1) -> (0)>
module attributes {stable_mosaic.version = 14 : i64} {
  func.func @k(%arg0: i32, %arg1: i32, %arg2: memref<1000000x128xf32, #tpu.memory_space<hbm>>, %arg3: memref<98304xi32, #tpu.memory_space<hbm>>, %arg4: memref<12288x128xi32, #tpu.memory_space<hbm>>, %arg5: memref<768xi32, #tpu.memory_space<vmem>>, %arg6: memref<2x256x128xf32, #tpu.memory_space<vmem>>, %arg7: memref<2x128x128xi32, #tpu.memory_space<vmem>>, %arg8: memref<!tpu.dma_semaphore, #tpu.memory_space<semaphore_mem>>, %arg9: memref<!tpu.dma_semaphore, #tpu.memory_space<semaphore_mem>>, %arg10: memref<!tpu.dma_semaphore, #tpu.memory_space<semaphore_mem>>, %arg11: memref<!tpu.dma_semaphore, #tpu.memory_space<semaphore_mem>>) attributes {dimension_semantics = [#tpu.dimension_semantics<core_parallel>, #tpu.dimension_semantics<subcore_parallel>], iteration_bounds = array<i64: 2, 16>, scalar_prefetch = 0 : i64, scratch_operands = 7 : i64, tpu.core_type = #tpu.core_type<sc_vector_subcore>, window_params = [{transform_indices = #map}, {transform_indices = #map1}, {transform_indices = #map}]} {
    %mul3A = arith.constant 2 : i32
    %mul3A_0 = arith.muli %arg1, %mul3A : i32
    %add3A = arith.addi %mul3A_0, %arg0 : i32
    %mul3A_1 = arith.constant 768 : i32
    %mul3A_2 = arith.muli %add3A, %mul3A_1 : i32
    %mul3A_3 = arith.constant 384 : i32
    %mul3A_4 = arith.muli %add3A, %mul3A_3 : i32
    %add3A_5 = arith.constant 73728 : i32
    %add3A_6 = arith.addi %add3A_5, %mul3A_2 : i32
    "tpu.region"() ({
      %run_scoped3A = tpu.sem_alloc : memref<!tpu.dma_semaphore, #tpu.memory_space<semaphore_mem>>
      %dma_start3A_166 = tpu.memref_slice %arg3[%add3A_6] : memref<98304xi32, #tpu.memory_space<hbm>> -> memref<768xi32, #tpu.memory_space<hbm>>
      %dma_start3A_167 = tpu.memref_slice %arg3[%add3A_6] : memref<98304xi32, #tpu.memory_space<hbm>> -> memref<768xi32, #tpu.memory_space<hbm>>
      tpu.enqueue_dma source(%dma_start3A_167 : memref<768xi32, #tpu.memory_space<hbm>>) target(%arg5 : memref<768xi32, #tpu.memory_space<vmem>>) target_semaphore(%run_scoped3A : memref<!tpu.dma_semaphore, #tpu.memory_space<semaphore_mem>>)
      %dma_wait3A_168 = tpu.memref_slice %arg3[%add3A_6] : memref<98304xi32, #tpu.memory_space<hbm>> -> memref<768xi32, #tpu.memory_space<hbm>>
      %dma_wait3A_169 = tpu.memref_slice %arg3[%add3A_6] : memref<98304xi32, #tpu.memory_space<hbm>> -> memref<768xi32, #tpu.memory_space<hbm>>
      tpu.wait_dma2 semaphore(%run_scoped3A : memref<!tpu.dma_semaphore, #tpu.memory_space<semaphore_mem>>) src(%dma_wait3A_169 : memref<768xi32, #tpu.memory_space<hbm>>) dst(%arg5 : memref<768xi32, #tpu.memory_space<vmem>>)
      tpu.yield
    }) : () -> ()
    %dma_start3A = arith.constant 0 : i32
    %dma_start3A_7 = arith.constant 0 : i32
    %dma_start3A_8 = arith.constant 0 : i32
    %dma_start3A_9 = tpu.memref_slice %arg6[%dma_start3A, %dma_start3A_7, %dma_start3A_8] : memref<2x256x128xf32, #tpu.memory_space<vmem>> -> memref<1x256x128xf32, #tpu.memory_space<vmem>>
    %dma_start3A_10 = tpu.memref_squeeze %dma_start3A_9 : memref<1x256x128xf32, #tpu.memory_space<vmem>> -> memref<256x128xf32, #tpu.memory_space<vmem>>
    %dma_start3A_11 = arith.constant 0 : i32
    %dma_start3A_12 = tpu.memref_slice %arg5[%dma_start3A_11] : memref<768xi32, #tpu.memory_space<vmem>> -> memref<256xi32, #tpu.memory_space<vmem>>
    %dma_start3A_13 = arith.constant 0 : i32
    %dma_start3A_14 = arith.constant 0 : i32
    %dma_start3A_15 = tpu.memref_slice %arg2[%dma_start3A_13, %dma_start3A_14] : memref<1000000x128xf32, #tpu.memory_space<hbm>> -> memref<1000000x128xf32, #tpu.memory_space<hbm>>
    tpu.enqueue_indirect_dma source(%dma_start3A_15 : memref<1000000x128xf32, #tpu.memory_space<hbm>>) target(%dma_start3A_10 : memref<256x128xf32, #tpu.memory_space<vmem>>) offsets(%dma_start3A_12 : memref<256xi32, #tpu.memory_space<vmem>>) semaphore(%arg8 : memref<!tpu.dma_semaphore, #tpu.memory_space<semaphore_mem>>)
    %dma_start3A_16 = arith.constant 1 : i32
    %dma_start3A_17 = arith.constant 0 : i32
    %dma_start3A_18 = arith.constant 0 : i32
    %dma_start3A_19 = tpu.memref_slice %arg6[%dma_start3A_16, %dma_start3A_17, %dma_start3A_18] : memref<2x256x128xf32, #tpu.memory_space<vmem>> -> memref<1x256x128xf32, #tpu.memory_space<vmem>>
    %dma_start3A_20 = tpu.memref_squeeze %dma_start3A_19 : memref<1x256x128xf32, #tpu.memory_space<vmem>> -> memref<256x128xf32, #tpu.memory_space<vmem>>
    %dma_start3A_21 = arith.constant 256 : i32
    %dma_start3A_22 = tpu.memref_slice %arg5[%dma_start3A_21] : memref<768xi32, #tpu.memory_space<vmem>> -> memref<256xi32, #tpu.memory_space<vmem>>
    %dma_start3A_23 = arith.constant 0 : i32
    %dma_start3A_24 = arith.constant 0 : i32
    %dma_start3A_25 = tpu.memref_slice %arg2[%dma_start3A_23, %dma_start3A_24] : memref<1000000x128xf32, #tpu.memory_space<hbm>> -> memref<1000000x128xf32, #tpu.memory_space<hbm>>
    tpu.enqueue_indirect_dma source(%dma_start3A_25 : memref<1000000x128xf32, #tpu.memory_space<hbm>>) target(%dma_start3A_20 : memref<256x128xf32, #tpu.memory_space<vmem>>) offsets(%dma_start3A_22 : memref<256xi32, #tpu.memory_space<vmem>>) semaphore(%arg9 : memref<!tpu.dma_semaphore, #tpu.memory_space<semaphore_mem>>)
    %dma_wait3A = arith.constant 0 : i32
    %dma_wait3A_26 = arith.constant 0 : i32
    %dma_wait3A_27 = arith.constant 0 : i32
    %dma_wait3A_28 = tpu.memref_slice %arg6[%dma_wait3A, %dma_wait3A_26, %dma_wait3A_27] : memref<2x256x128xf32, #tpu.memory_space<vmem>> -> memref<1x256x128xf32, #tpu.memory_space<vmem>>
    %dma_wait3A_29 = tpu.memref_squeeze %dma_wait3A_28 : memref<1x256x128xf32, #tpu.memory_space<vmem>> -> memref<256x128xf32, #tpu.memory_space<vmem>>
    %dma_wait3A_30 = arith.constant 0 : i32
    %dma_wait3A_31 = tpu.memref_slice %arg5[%dma_wait3A_30] : memref<768xi32, #tpu.memory_space<vmem>> -> memref<256xi32, #tpu.memory_space<vmem>>
    %dma_wait3A_32 = arith.constant 0 : i32
    %dma_wait3A_33 = arith.constant 0 : i32
    %dma_wait3A_34 = tpu.memref_slice %arg2[%dma_wait3A_32, %dma_wait3A_33] : memref<1000000x128xf32, #tpu.memory_space<hbm>> -> memref<1000000x128xf32, #tpu.memory_space<hbm>>
    tpu.wait_indirect_dma semaphore(%arg8 : memref<!tpu.dma_semaphore, #tpu.memory_space<semaphore_mem>>) src(%dma_wait3A_34 : memref<1000000x128xf32, #tpu.memory_space<hbm>>) dst(%dma_wait3A_29 : memref<256x128xf32, #tpu.memory_space<vmem>>)
    %scan3A = arith.constant 0 : i32
    %scan3A_35 = arith.constant 0 : i32
    %scan3A_36 = arith.constant 128 : i32
    %scan3A_37 = arith.addi %scan3A_35, %scan3A_36 : i32
    %scan3A_38 = arith.constant 1 : i32
    scf.for %scan3A_166 = %scan3A_35 to %scan3A_37 step %scan3A_38  : i32 {
      %get3A = arith.constant 0 : i32
      %get3A_167 = arith.index_cast %get3A : i32 to index
      %get3A_168 = arith.index_cast %scan3A_166 : i32 to index
      %get3A_169 = arith.constant 0 : index
      %get3A_170 = tpu.vector_load %arg6[%get3A_167, %get3A_168, %get3A_169] {strides = array<i32>} : memref<2x256x128xf32, #tpu.memory_space<vmem>>, vector<1x1x16xf32>,
      %get3A_171 = vector.shape_cast %get3A_170 : vector<1x1x16xf32> to vector<16xf32>
      %add3A_172 = arith.constant 128 : i32
      %add3A_173 = arith.addi %scan3A_166, %add3A_172 : i32
      %get3A_174 = arith.constant 0 : i32
      %get3A_175 = arith.index_cast %get3A_174 : i32 to index
      %get3A_176 = arith.index_cast %add3A_173 : i32 to index
      %get3A_177 = arith.constant 0 : index
      %get3A_178 = tpu.vector_load %arg6[%get3A_175, %get3A_176, %get3A_177] {strides = array<i32>} : memref<2x256x128xf32, #tpu.memory_space<vmem>>, vector<1x1x16xf32>,
      %get3A_179 = vector.shape_cast %get3A_178 : vector<1x1x16xf32> to vector<16xf32>
      %bitcast_convert_type3A = tpu.bitcast %get3A_171 : vector<16xf32> -> vector<16xi32>
      %add3A_180 = arith.constant 32768 : i32
      %add3A_181 = vector.broadcast %add3A_180 : i32 to vector<16xi32>
      %add3A_182 = arith.addi %bitcast_convert_type3A, %add3A_181 : vector<16xi32>
      %bitcast_convert_type3A_183 = tpu.bitcast %get3A_179 : vector<16xf32> -> vector<16xi32>
      %add3A_184 = arith.constant 32768 : i32
      %add3A_185 = vector.broadcast %add3A_184 : i32 to vector<16xi32>
      %add3A_186 = arith.addi %bitcast_convert_type3A_183, %add3A_185 : vector<16xi32>
      %shift_right_logical3A = arith.constant 16 : i32
      %shift_right_logical3A_187 = vector.broadcast %shift_right_logical3A : i32 to vector<16xi32>
      %shift_right_logical3A_188 = arith.shrui %add3A_182, %shift_right_logical3A_187 : vector<16xi32>
      %and3A = arith.constant -65536 : i32
      %and3A_189 = vector.broadcast %and3A : i32 to vector<16xi32>
      %and3A_190 = arith.andi %add3A_186, %and3A_189 : vector<16xi32>
      %or3A = arith.ori %shift_right_logical3A_188, %and3A_190 : vector<16xi32>
      %swap3A = arith.constant 0 : i32
      %swap3A_191 = arith.index_cast %swap3A : i32 to index
      %swap3A_192 = arith.index_cast %scan3A_166 : i32 to index
      %swap3A_193 = arith.constant 0 : index
      %swap3A_194 = tpu.vector_load %arg7[%swap3A_191, %swap3A_192, %swap3A_193] {strides = array<i32>} : memref<2x128x128xi32, #tpu.memory_space<vmem>>, vector<1x1x16xi32>,
      %swap3A_195 = vector.shape_cast %swap3A_194 : vector<1x1x16xi32> to vector<16xi32>
      %swap3A_196 = vector.shape_cast %or3A : vector<16xi32> to vector<1x1x16xi32>
      tpu.vector_store %arg7[%swap3A_191, %swap3A_192, %swap3A_193], %swap3A_196 {strides = array<i32>} : memref<2x128x128xi32, #tpu.memory_space<vmem>>, vector<1x1x16xi32>,
      %get3A_197 = arith.constant 0 : i32
      %get3A_198 = arith.index_cast %get3A_197 : i32 to index
      %get3A_199 = arith.index_cast %scan3A_166 : i32 to index
      %get3A_200 = arith.constant 16 : index
      %get3A_201 = tpu.vector_load %arg6[%get3A_198, %get3A_199, %get3A_200] {strides = array<i32>} : memref<2x256x128xf32, #tpu.memory_space<vmem>>, vector<1x1x16xf32>,
      %get3A_202 = vector.shape_cast %get3A_201 : vector<1x1x16xf32> to vector<16xf32>
      %add3A_203 = arith.constant 128 : i32
      %add3A_204 = arith.addi %scan3A_166, %add3A_203 : i32
      %get3A_205 = arith.constant 0 : i32
      %get3A_206 = arith.index_cast %get3A_205 : i32 to index
      %get3A_207 = arith.index_cast %add3A_204 : i32 to index
      %get3A_208 = arith.constant 16 : index
      %get3A_209 = tpu.vector_load %arg6[%get3A_206, %get3A_207, %get3A_208] {strides = array<i32>} : memref<2x256x128xf32, #tpu.memory_space<vmem>>, vector<1x1x16xf32>,
      %get3A_210 = vector.shape_cast %get3A_209 : vector<1x1x16xf32> to vector<16xf32>
      %bitcast_convert_type3A_211 = tpu.bitcast %get3A_202 : vector<16xf32> -> vector<16xi32>
      %add3A_212 = arith.constant 32768 : i32
      %add3A_213 = vector.broadcast %add3A_212 : i32 to vector<16xi32>
      %add3A_214 = arith.addi %bitcast_convert_type3A_211, %add3A_213 : vector<16xi32>
      %bitcast_convert_type3A_215 = tpu.bitcast %get3A_210 : vector<16xf32> -> vector<16xi32>
      %add3A_216 = arith.constant 32768 : i32
      %add3A_217 = vector.broadcast %add3A_216 : i32 to vector<16xi32>
      %add3A_218 = arith.addi %bitcast_convert_type3A_215, %add3A_217 : vector<16xi32>
      %shift_right_logical3A_219 = arith.constant 16 : i32
      %shift_right_logical3A_220 = vector.broadcast %shift_right_logical3A_219 : i32 to vector<16xi32>
      %shift_right_logical3A_221 = arith.shrui %add3A_214, %shift_right_logical3A_220 : vector<16xi32>
      %and3A_222 = arith.constant -65536 : i32
      %and3A_223 = vector.broadcast %and3A_222 : i32 to vector<16xi32>
      %and3A_224 = arith.andi %add3A_218, %and3A_223 : vector<16xi32>
      %or3A_225 = arith.ori %shift_right_logical3A_221, %and3A_224 : vector<16xi32>
      %swap3A_226 = arith.constant 0 : i32
      %swap3A_227 = arith.index_cast %swap3A_226 : i32 to index
      %swap3A_228 = arith.index_cast %scan3A_166 : i32 to index
      %swap3A_229 = arith.constant 16 : index
      %swap3A_230 = tpu.vector_load %arg7[%swap3A_227, %swap3A_228, %swap3A_229] {strides = array<i32>} : memref<2x128x128xi32, #tpu.memory_space<vmem>>, vector<1x1x16xi32>,
      %swap3A_231 = vector.shape_cast %swap3A_230 : vector<1x1x16xi32> to vector<16xi32>
      %swap3A_232 = vector.shape_cast %or3A_225 : vector<16xi32> to vector<1x1x16xi32>
      tpu.vector_store %arg7[%swap3A_227, %swap3A_228, %swap3A_229], %swap3A_232 {strides = array<i32>} : memref<2x128x128xi32, #tpu.memory_space<vmem>>, vector<1x1x16xi32>,
      %get3A_233 = arith.constant 0 : i32
      %get3A_234 = arith.index_cast %get3A_233 : i32 to index
      %get3A_235 = arith.index_cast %scan3A_166 : i32 to index
      %get3A_236 = arith.constant 32 : index
      %get3A_237 = tpu.vector_load %arg6[%get3A_234, %get3A_235, %get3A_236] {strides = array<i32>} : memref<2x256x128xf32, #tpu.memory_space<vmem>>, vector<1x1x16xf32>,
      %get3A_238 = vector.shape_cast %get3A_237 : vector<1x1x16xf32> to vector<16xf32>
      %add3A_239 = arith.constant 128 : i32
      %add3A_240 = arith.addi %scan3A_166, %add3A_239 : i32
      %get3A_241 = arith.constant 0 : i32
      %get3A_242 = arith.index_cast %get3A_241 : i32 to index
      %get3A_243 = arith.index_cast %add3A_240 : i32 to index
      %get3A_244 = arith.constant 32 : index
      %get3A_245 = tpu.vector_load %arg6[%get3A_242, %get3A_243, %get3A_244] {strides = array<i32>} : memref<2x256x128xf32, #tpu.memory_space<vmem>>, vector<1x1x16xf32>,
      %get3A_246 = vector.shape_cast %get3A_245 : vector<1x1x16xf32> to vector<16xf32>
      %bitcast_convert_type3A_247 = tpu.bitcast %get3A_238 : vector<16xf32> -> vector<16xi32>
      %add3A_248 = arith.constant 32768 : i32
      %add3A_249 = vector.broadcast %add3A_248 : i32 to vector<16xi32>
      %add3A_250 = arith.addi %bitcast_convert_type3A_247, %add3A_249 : vector<16xi32>
      %bitcast_convert_type3A_251 = tpu.bitcast %get3A_246 : vector<16xf32> -> vector<16xi32>
      %add3A_252 = arith.constant 32768 : i32
      %add3A_253 = vector.broadcast %add3A_252 : i32 to vector<16xi32>
      %add3A_254 = arith.addi %bitcast_convert_type3A_251, %add3A_253 : vector<16xi32>
      %shift_right_logical3A_255 = arith.constant 16 : i32
      %shift_right_logical3A_256 = vector.broadcast %shift_right_logical3A_255 : i32 to vector<16xi32>
      %shift_right_logical3A_257 = arith.shrui %add3A_250, %shift_right_logical3A_256 : vector<16xi32>
      %and3A_258 = arith.constant -65536 : i32
      %and3A_259 = vector.broadcast %and3A_258 : i32 to vector<16xi32>
      %and3A_260 = arith.andi %add3A_254, %and3A_259 : vector<16xi32>
      %or3A_261 = arith.ori %shift_right_logical3A_257, %and3A_260 : vector<16xi32>
      %swap3A_262 = arith.constant 0 : i32
      %swap3A_263 = arith.index_cast %swap3A_262 : i32 to index
      %swap3A_264 = arith.index_cast %scan3A_166 : i32 to index
      %swap3A_265 = arith.constant 32 : index
      %swap3A_266 = tpu.vector_load %arg7[%swap3A_263, %swap3A_264, %swap3A_265] {strides = array<i32>} : memref<2x128x128xi32, #tpu.memory_space<vmem>>, vector<1x1x16xi32>,
      %swap3A_267 = vector.shape_cast %swap3A_266 : vector<1x1x16xi32> to vector<16xi32>
      %swap3A_268 = vector.shape_cast %or3A_261 : vector<16xi32> to vector<1x1x16xi32>
      tpu.vector_store %arg7[%swap3A_263, %swap3A_264, %swap3A_265], %swap3A_268 {strides = array<i32>} : memref<2x128x128xi32, #tpu.memory_space<vmem>>, vector<1x1x16xi32>,
      %get3A_269 = arith.constant 0 : i32
      %get3A_270 = arith.index_cast %get3A_269 : i32 to index
      %get3A_271 = arith.index_cast %scan3A_166 : i32 to index
      %get3A_272 = arith.constant 48 : index
      %get3A_273 = tpu.vector_load %arg6[%get3A_270, %get3A_271, %get3A_272] {strides = array<i32>} : memref<2x256x128xf32, #tpu.memory_space<vmem>>, vector<1x1x16xf32>,
      %get3A_274 = vector.shape_cast %get3A_273 : vector<1x1x16xf32> to vector<16xf32>
      %add3A_275 = arith.constant 128 : i32
      %add3A_276 = arith.addi %scan3A_166, %add3A_275 : i32
      %get3A_277 = arith.constant 0 : i32
      %get3A_278 = arith.index_cast %get3A_277 : i32 to index
      %get3A_279 = arith.index_cast %add3A_276 : i32 to index
      %get3A_280 = arith.constant 48 : index
      %get3A_281 = tpu.vector_load %arg6[%get3A_278, %get3A_279, %get3A_280] {strides = array<i32>} : memref<2x256x128xf32, #tpu.memory_space<vmem>>, vector<1x1x16xf32>,
      %get3A_282 = vector.shape_cast %get3A_281 : vector<1x1x16xf32> to vector<16xf32>
      %bitcast_convert_type3A_283 = tpu.bitcast %get3A_274 : vector<16xf32> -> vector<16xi32>
      %add3A_284 = arith.constant 32768 : i32
      %add3A_285 = vector.broadcast %add3A_284 : i32 to vector<16xi32>
      %add3A_286 = arith.addi %bitcast_convert_type3A_283, %add3A_285 : vector<16xi32>
      %bitcast_convert_type3A_287 = tpu.bitcast %get3A_282 : vector<16xf32> -> vector<16xi32>
      %add3A_288 = arith.constant 32768 : i32
      %add3A_289 = vector.broadcast %add3A_288 : i32 to vector<16xi32>
      %add3A_290 = arith.addi %bitcast_convert_type3A_287, %add3A_289 : vector<16xi32>
      %shift_right_logical3A_291 = arith.constant 16 : i32
      %shift_right_logical3A_292 = vector.broadcast %shift_right_logical3A_291 : i32 to vector<16xi32>
      %shift_right_logical3A_293 = arith.shrui %add3A_286, %shift_right_logical3A_292 : vector<16xi32>
      %and3A_294 = arith.constant -65536 : i32
      %and3A_295 = vector.broadcast %and3A_294 : i32 to vector<16xi32>
      %and3A_296 = arith.andi %add3A_290, %and3A_295 : vector<16xi32>
      %or3A_297 = arith.ori %shift_right_logical3A_293, %and3A_296 : vector<16xi32>
      %swap3A_298 = arith.constant 0 : i32
      %swap3A_299 = arith.index_cast %swap3A_298 : i32 to index
      %swap3A_300 = arith.index_cast %scan3A_166 : i32 to index
      %swap3A_301 = arith.constant 48 : index
      %swap3A_302 = tpu.vector_load %arg7[%swap3A_299, %swap3A_300, %swap3A_301] {strides = array<i32>} : memref<2x128x128xi32, #tpu.memory_space<vmem>>, vector<1x1x16xi32>,
      %swap3A_303 = vector.shape_cast %swap3A_302 : vector<1x1x16xi32> to vector<16xi32>
      %swap3A_304 = vector.shape_cast %or3A_297 : vector<16xi32> to vector<1x1x16xi32>
      tpu.vector_store %arg7[%swap3A_299, %swap3A_300, %swap3A_301], %swap3A_304 {strides = array<i32>} : memref<2x128x128xi32, #tpu.memory_space<vmem>>, vector<1x1x16xi32>,
      %get3A_305 = arith.constant 0 : i32
      %get3A_306 = arith.index_cast %get3A_305 : i32 to index
      %get3A_307 = arith.index_cast %scan3A_166 : i32 to index
      %get3A_308 = arith.constant 64 : index
      %get3A_309 = tpu.vector_load %arg6[%get3A_306, %get3A_307, %get3A_308] {strides = array<i32>} : memref<2x256x128xf32, #tpu.memory_space<vmem>>, vector<1x1x16xf32>,
      %get3A_310 = vector.shape_cast %get3A_309 : vector<1x1x16xf32> to vector<16xf32>
      %add3A_311 = arith.constant 128 : i32
      %add3A_312 = arith.addi %scan3A_166, %add3A_311 : i32
      %get3A_313 = arith.constant 0 : i32
      %get3A_314 = arith.index_cast %get3A_313 : i32 to index
      %get3A_315 = arith.index_cast %add3A_312 : i32 to index
      %get3A_316 = arith.constant 64 : index
      %get3A_317 = tpu.vector_load %arg6[%get3A_314, %get3A_315, %get3A_316] {strides = array<i32>} : memref<2x256x128xf32, #tpu.memory_space<vmem>>, vector<1x1x16xf32>,
      %get3A_318 = vector.shape_cast %get3A_317 : vector<1x1x16xf32> to vector<16xf32>
      %bitcast_convert_type3A_319 = tpu.bitcast %get3A_310 : vector<16xf32> -> vector<16xi32>
      %add3A_320 = arith.constant 32768 : i32
      %add3A_321 = vector.broadcast %add3A_320 : i32 to vector<16xi32>
      %add3A_322 = arith.addi %bitcast_convert_type3A_319, %add3A_321 : vector<16xi32>
      %bitcast_convert_type3A_323 = tpu.bitcast %get3A_318 : vector<16xf32> -> vector<16xi32>
      %add3A_324 = arith.constant 32768 : i32
      %add3A_325 = vector.broadcast %add3A_324 : i32 to vector<16xi32>
      %add3A_326 = arith.addi %bitcast_convert_type3A_323, %add3A_325 : vector<16xi32>
      %shift_right_logical3A_327 = arith.constant 16 : i32
      %shift_right_logical3A_328 = vector.broadcast %shift_right_logical3A_327 : i32 to vector<16xi32>
      %shift_right_logical3A_329 = arith.shrui %add3A_322, %shift_right_logical3A_328 : vector<16xi32>
      %and3A_330 = arith.constant -65536 : i32
      %and3A_331 = vector.broadcast %and3A_330 : i32 to vector<16xi32>
      %and3A_332 = arith.andi %add3A_326, %and3A_331 : vector<16xi32>
      %or3A_333 = arith.ori %shift_right_logical3A_329, %and3A_332 : vector<16xi32>
      %swap3A_334 = arith.constant 0 : i32
      %swap3A_335 = arith.index_cast %swap3A_334 : i32 to index
      %swap3A_336 = arith.index_cast %scan3A_166 : i32 to index
      %swap3A_337 = arith.constant 64 : index
      %swap3A_338 = tpu.vector_load %arg7[%swap3A_335, %swap3A_336, %swap3A_337] {strides = array<i32>} : memref<2x128x128xi32, #tpu.memory_space<vmem>>, vector<1x1x16xi32>,
      %swap3A_339 = vector.shape_cast %swap3A_338 : vector<1x1x16xi32> to vector<16xi32>
      %swap3A_340 = vector.shape_cast %or3A_333 : vector<16xi32> to vector<1x1x16xi32>
      tpu.vector_store %arg7[%swap3A_335, %swap3A_336, %swap3A_337], %swap3A_340 {strides = array<i32>} : memref<2x128x128xi32, #tpu.memory_space<vmem>>, vector<1x1x16xi32>,
      %get3A_341 = arith.constant 0 : i32
      %get3A_342 = arith.index_cast %get3A_341 : i32 to index
      %get3A_343 = arith.index_cast %scan3A_166 : i32 to index
      %get3A_344 = arith.constant 80 : index
      %get3A_345 = tpu.vector_load %arg6[%get3A_342, %get3A_343, %get3A_344] {strides = array<i32>} : memref<2x256x128xf32, #tpu.memory_space<vmem>>, vector<1x1x16xf32>,
      %get3A_346 = vector.shape_cast %get3A_345 : vector<1x1x16xf32> to vector<16xf32>
      %add3A_347 = arith.constant 128 : i32
      %add3A_348 = arith.addi %scan3A_166, %add3A_347 : i32
      %get3A_349 = arith.constant 0 : i32
      %get3A_350 = arith.index_cast %get3A_349 : i32 to index
      %get3A_351 = arith.index_cast %add3A_348 : i32 to index
      %get3A_352 = arith.constant 80 : index
      %get3A_353 = tpu.vector_load %arg6[%get3A_350, %get3A_351, %get3A_352] {strides = array<i32>} : memref<2x256x128xf32, #tpu.memory_space<vmem>>, vector<1x1x16xf32>,
      %get3A_354 = vector.shape_cast %get3A_353 : vector<1x1x16xf32> to vector<16xf32>
      %bitcast_convert_type3A_355 = tpu.bitcast %get3A_346 : vector<16xf32> -> vector<16xi32>
      %add3A_356 = arith.constant 32768 : i32
      %add3A_357 = vector.broadcast %add3A_356 : i32 to vector<16xi32>
      %add3A_358 = arith.addi %bitcast_convert_type3A_355, %add3A_357 : vector<16xi32>
      %bitcast_convert_type3A_359 = tpu.bitcast %get3A_354 : vector<16xf32> -> vector<16xi32>
      %add3A_360 = arith.constant 32768 : i32
      %add3A_361 = vector.broadcast %add3A_360 : i32 to vector<16xi32>
      %add3A_362 = arith.addi %bitcast_convert_type3A_359, %add3A_361 : vector<16xi32>
      %shift_right_logical3A_363 = arith.constant 16 : i32
      %shift_right_logical3A_364 = vector.broadcast %shift_right_logical3A_363 : i32 to vector<16xi32>
      %shift_right_logical3A_365 = arith.shrui %add3A_358, %shift_right_logical3A_364 : vector<16xi32>
      %and3A_366 = arith.constant -65536 : i32
      %and3A_367 = vector.broadcast %and3A_366 : i32 to vector<16xi32>
      %and3A_368 = arith.andi %add3A_362, %and3A_367 : vector<16xi32>
      %or3A_369 = arith.ori %shift_right_logical3A_365, %and3A_368 : vector<16xi32>
      %swap3A_370 = arith.constant 0 : i32
      %swap3A_371 = arith.index_cast %swap3A_370 : i32 to index
      %swap3A_372 = arith.index_cast %scan3A_166 : i32 to index
      %swap3A_373 = arith.constant 80 : index
      %swap3A_374 = tpu.vector_load %arg7[%swap3A_371, %swap3A_372, %swap3A_373] {strides = array<i32>} : memref<2x128x128xi32, #tpu.memory_space<vmem>>, vector<1x1x16xi32>,
      %swap3A_375 = vector.shape_cast %swap3A_374 : vector<1x1x16xi32> to vector<16xi32>
      %swap3A_376 = vector.shape_cast %or3A_369 : vector<16xi32> to vector<1x1x16xi32>
      tpu.vector_store %arg7[%swap3A_371, %swap3A_372, %swap3A_373], %swap3A_376 {strides = array<i32>} : memref<2x128x128xi32, #tpu.memory_space<vmem>>, vector<1x1x16xi32>,
      %get3A_377 = arith.constant 0 : i32
      %get3A_378 = arith.index_cast %get3A_377 : i32 to index
      %get3A_379 = arith.index_cast %scan3A_166 : i32 to index
      %get3A_380 = arith.constant 96 : index
      %get3A_381 = tpu.vector_load %arg6[%get3A_378, %get3A_379, %get3A_380] {strides = array<i32>} : memref<2x256x128xf32, #tpu.memory_space<vmem>>, vector<1x1x16xf32>,
      %get3A_382 = vector.shape_cast %get3A_381 : vector<1x1x16xf32> to vector<16xf32>
      %add3A_383 = arith.constant 128 : i32
      %add3A_384 = arith.addi %scan3A_166, %add3A_383 : i32
      %get3A_385 = arith.constant 0 : i32
      %get3A_386 = arith.index_cast %get3A_385 : i32 to index
      %get3A_387 = arith.index_cast %add3A_384 : i32 to index
      %get3A_388 = arith.constant 96 : index
      %get3A_389 = tpu.vector_load %arg6[%get3A_386, %get3A_387, %get3A_388] {strides = array<i32>} : memref<2x256x128xf32, #tpu.memory_space<vmem>>, vector<1x1x16xf32>,
      %get3A_390 = vector.shape_cast %get3A_389 : vector<1x1x16xf32> to vector<16xf32>
      %bitcast_convert_type3A_391 = tpu.bitcast %get3A_382 : vector<16xf32> -> vector<16xi32>
      %add3A_392 = arith.constant 32768 : i32
      %add3A_393 = vector.broadcast %add3A_392 : i32 to vector<16xi32>
      %add3A_394 = arith.addi %bitcast_convert_type3A_391, %add3A_393 : vector<16xi32>
      %bitcast_convert_type3A_395 = tpu.bitcast %get3A_390 : vector<16xf32> -> vector<16xi32>
      %add3A_396 = arith.constant 32768 : i32
      %add3A_397 = vector.broadcast %add3A_396 : i32 to vector<16xi32>
      %add3A_398 = arith.addi %bitcast_convert_type3A_395, %add3A_397 : vector<16xi32>
      %shift_right_logical3A_399 = arith.constant 16 : i32
      %shift_right_logical3A_400 = vector.broadcast %shift_right_logical3A_399 : i32 to vector<16xi32>
      %shift_right_logical3A_401 = arith.shrui %add3A_394, %shift_right_logical3A_400 : vector<16xi32>
      %and3A_402 = arith.constant -65536 : i32
      %and3A_403 = vector.broadcast %and3A_402 : i32 to vector<16xi32>
      %and3A_404 = arith.andi %add3A_398, %and3A_403 : vector<16xi32>
      %or3A_405 = arith.ori %shift_right_logical3A_401, %and3A_404 : vector<16xi32>
      %swap3A_406 = arith.constant 0 : i32
      %swap3A_407 = arith.index_cast %swap3A_406 : i32 to index
      %swap3A_408 = arith.index_cast %scan3A_166 : i32 to index
      %swap3A_409 = arith.constant 96 : index
      %swap3A_410 = tpu.vector_load %arg7[%swap3A_407, %swap3A_408, %swap3A_409] {strides = array<i32>} : memref<2x128x128xi32, #tpu.memory_space<vmem>>, vector<1x1x16xi32>,
      %swap3A_411 = vector.shape_cast %swap3A_410 : vector<1x1x16xi32> to vector<16xi32>
      %swap3A_412 = vector.shape_cast %or3A_405 : vector<16xi32> to vector<1x1x16xi32>
      tpu.vector_store %arg7[%swap3A_407, %swap3A_408, %swap3A_409], %swap3A_412 {strides = array<i32>} : memref<2x128x128xi32, #tpu.memory_space<vmem>>, vector<1x1x16xi32>,
      %get3A_413 = arith.constant 0 : i32
      %get3A_414 = arith.index_cast %get3A_413 : i32 to index
      %get3A_415 = arith.index_cast %scan3A_166 : i32 to index
      %get3A_416 = arith.constant 112 : index
      %get3A_417 = tpu.vector_load %arg6[%get3A_414, %get3A_415, %get3A_416] {strides = array<i32>} : memref<2x256x128xf32, #tpu.memory_space<vmem>>, vector<1x1x16xf32>,
      %get3A_418 = vector.shape_cast %get3A_417 : vector<1x1x16xf32> to vector<16xf32>
      %add3A_419 = arith.constant 128 : i32
      %add3A_420 = arith.addi %scan3A_166, %add3A_419 : i32
      %get3A_421 = arith.constant 0 : i32
      %get3A_422 = arith.index_cast %get3A_421 : i32 to index
      %get3A_423 = arith.index_cast %add3A_420 : i32 to index
      %get3A_424 = arith.constant 112 : index
      %get3A_425 = tpu.vector_load %arg6[%get3A_422, %get3A_423, %get3A_424] {strides = array<i32>} : memref<2x256x128xf32, #tpu.memory_space<vmem>>, vector<1x1x16xf32>,
      %get3A_426 = vector.shape_cast %get3A_425 : vector<1x1x16xf32> to vector<16xf32>
      %bitcast_convert_type3A_427 = tpu.bitcast %get3A_418 : vector<16xf32> -> vector<16xi32>
      %add3A_428 = arith.constant 32768 : i32
      %add3A_429 = vector.broadcast %add3A_428 : i32 to vector<16xi32>
      %add3A_430 = arith.addi %bitcast_convert_type3A_427, %add3A_429 : vector<16xi32>
      %bitcast_convert_type3A_431 = tpu.bitcast %get3A_426 : vector<16xf32> -> vector<16xi32>
      %add3A_432 = arith.constant 32768 : i32
      %add3A_433 = vector.broadcast %add3A_432 : i32 to vector<16xi32>
      %add3A_434 = arith.addi %bitcast_convert_type3A_431, %add3A_433 : vector<16xi32>
      %shift_right_logical3A_435 = arith.constant 16 : i32
      %shift_right_logical3A_436 = vector.broadcast %shift_right_logical3A_435 : i32 to vector<16xi32>
      %shift_right_logical3A_437 = arith.shrui %add3A_430, %shift_right_logical3A_436 : vector<16xi32>
      %and3A_438 = arith.constant -65536 : i32
      %and3A_439 = vector.broadcast %and3A_438 : i32 to vector<16xi32>
      %and3A_440 = arith.andi %add3A_434, %and3A_439 : vector<16xi32>
      %or3A_441 = arith.ori %shift_right_logical3A_437, %and3A_440 : vector<16xi32>
      %swap3A_442 = arith.constant 0 : i32
      %swap3A_443 = arith.index_cast %swap3A_442 : i32 to index
      %swap3A_444 = arith.index_cast %scan3A_166 : i32 to index
      %swap3A_445 = arith.constant 112 : index
      %swap3A_446 = tpu.vector_load %arg7[%swap3A_443, %swap3A_444, %swap3A_445] {strides = array<i32>} : memref<2x128x128xi32, #tpu.memory_space<vmem>>, vector<1x1x16xi32>,
      %swap3A_447 = vector.shape_cast %swap3A_446 : vector<1x1x16xi32> to vector<16xi32>
      %swap3A_448 = vector.shape_cast %or3A_441 : vector<16xi32> to vector<1x1x16xi32>
      tpu.vector_store %arg7[%swap3A_443, %swap3A_444, %swap3A_445], %swap3A_448 {strides = array<i32>} : memref<2x128x128xi32, #tpu.memory_space<vmem>>, vector<1x1x16xi32>,
    }
    %scan3A_39 = arith.constant 128 : i32
    %add3A_40 = arith.constant 0 : i32
    %add3A_41 = arith.addi %mul3A_4, %add3A_40 : i32
    %dma_start3A_42 = arith.constant 0 : i32
    %dma_start3A_43 = arith.constant 0 : i32
    %dma_start3A_44 = arith.constant 0 : i32
    %dma_start3A_45 = tpu.memref_slice %arg7[%dma_start3A_42, %dma_start3A_43, %dma_start3A_44] : memref<2x128x128xi32, #tpu.memory_space<vmem>> -> memref<1x128x128xi32, #tpu.memory_space<vmem>>
    %dma_start3A_46 = tpu.memref_squeeze %dma_start3A_45 : memref<1x128x128xi32, #tpu.memory_space<vmem>> -> memref<128x128xi32, #tpu.memory_space<vmem>>
    %dma_start3A_47 = arith.constant 0 : i32
    %dma_start3A_48 = tpu.memref_slice %arg4[%add3A_41, %dma_start3A_47] : memref<12288x128xi32, #tpu.memory_space<hbm>> -> memref<128x128xi32, #tpu.memory_space<hbm>>
    %dma_start3A_49 = arith.constant 0 : i32
    %dma_start3A_50 = tpu.memref_slice %arg4[%add3A_41, %dma_start3A_49] : memref<12288x128xi32, #tpu.memory_space<hbm>> -> memref<128x128xi32, #tpu.memory_space<hbm>>
    %dma_start3A_51 = arith.constant 0 : i32
    %dma_start3A_52 = arith.constant 0 : i32
    %dma_start3A_53 = tpu.memref_slice %arg7[%dma_start3A_42, %dma_start3A_51, %dma_start3A_52] : memref<2x128x128xi32, #tpu.memory_space<vmem>> -> memref<1x128x128xi32, #tpu.memory_space<vmem>>
    %dma_start3A_54 = tpu.memref_squeeze %dma_start3A_53 : memref<1x128x128xi32, #tpu.memory_space<vmem>> -> memref<128x128xi32, #tpu.memory_space<vmem>>
    tpu.enqueue_dma source(%dma_start3A_54 : memref<128x128xi32, #tpu.memory_space<vmem>>) target(%dma_start3A_50 : memref<128x128xi32, #tpu.memory_space<hbm>>) target_semaphore(%arg10 : memref<!tpu.dma_semaphore, #tpu.memory_space<semaphore_mem>>)
    %dma_start3A_55 = arith.constant 0 : i32
    %dma_start3A_56 = arith.constant 0 : i32
    %dma_start3A_57 = arith.constant 0 : i32
    %dma_start3A_58 = tpu.memref_slice %arg6[%dma_start3A_55, %dma_start3A_56, %dma_start3A_57] : memref<2x256x128xf32, #tpu.memory_space<vmem>> -> memref<1x256x128xf32, #tpu.memory_space<vmem>>
    %dma_start3A_59 = tpu.memref_squeeze %dma_start3A_58 : memref<1x256x128xf32, #tpu.memory_space<vmem>> -> memref<256x128xf32, #tpu.memory_space<vmem>>
    %dma_start3A_60 = arith.constant 512 : i32
    %dma_start3A_61 = tpu.memref_slice %arg5[%dma_start3A_60] : memref<768xi32, #tpu.memory_space<vmem>> -> memref<256xi32, #tpu.memory_space<vmem>>
    %dma_start3A_62 = arith.constant 0 : i32
    %dma_start3A_63 = arith.constant 0 : i32
    %dma_start3A_64 = tpu.memref_slice %arg2[%dma_start3A_62, %dma_start3A_63] : memref<1000000x128xf32, #tpu.memory_space<hbm>> -> memref<1000000x128xf32, #tpu.memory_space<hbm>>
    tpu.enqueue_indirect_dma source(%dma_start3A_64 : memref<1000000x128xf32, #tpu.memory_space<hbm>>) target(%dma_start3A_59 : memref<256x128xf32, #tpu.memory_space<vmem>>) offsets(%dma_start3A_61 : memref<256xi32, #tpu.memory_space<vmem>>) semaphore(%arg8 : memref<!tpu.dma_semaphore, #tpu.memory_space<semaphore_mem>>)
    %dma_wait3A_65 = arith.constant 1 : i32
    %dma_wait3A_66 = arith.constant 0 : i32
    %dma_wait3A_67 = arith.constant 0 : i32
    %dma_wait3A_68 = tpu.memref_slice %arg6[%dma_wait3A_65, %dma_wait3A_66, %dma_wait3A_67] : memref<2x256x128xf32, #tpu.memory_space<vmem>> -> memref<1x256x128xf32, #tpu.memory_space<vmem>>
    %dma_wait3A_69 = tpu.memref_squeeze %dma_wait3A_68 : memref<1x256x128xf32, #tpu.memory_space<vmem>> -> memref<256x128xf32, #tpu.memory_space<vmem>>
    %dma_wait3A_70 = arith.constant 256 : i32
    %dma_wait3A_71 = tpu.memref_slice %arg5[%dma_wait3A_70] : memref<768xi32, #tpu.memory_space<vmem>> -> memref<256xi32, #tpu.memory_space<vmem>>
    %dma_wait3A_72 = arith.constant 0 : i32
    %dma_wait3A_73 = arith.constant 0 : i32
    %dma_wait3A_74 = tpu.memref_slice %arg2[%dma_wait3A_72, %dma_wait3A_73] : memref<1000000x128xf32, #tpu.memory_space<hbm>> -> memref<1000000x128xf32, #tpu.memory_space<hbm>>
    tpu.wait_indirect_dma semaphore(%arg9 : memref<!tpu.dma_semaphore, #tpu.memory_space<semaphore_mem>>) src(%dma_wait3A_74 : memref<1000000x128xf32, #tpu.memory_space<hbm>>) dst(%dma_wait3A_69 : memref<256x128xf32, #tpu.memory_space<vmem>>)
    %scan3A_75 = arith.constant 0 : i32
    %scan3A_76 = arith.constant 0 : i32
    %scan3A_77 = arith.constant 128 : i32
    %scan3A_78 = arith.addi %scan3A_76, %scan3A_77 : i32
    %scan3A_79 = arith.constant 1 : i32
    scf.for %scan3A_166 = %scan3A_76 to %scan3A_78 step %scan3A_79  : i32 {
      %get3A = arith.constant 1 : i32
      %get3A_167 = arith.index_cast %get3A : i32 to index
      %get3A_168 = arith.index_cast %scan3A_166 : i32 to index
      %get3A_169 = arith.constant 0 : index
      %get3A_170 = tpu.vector_load %arg6[%get3A_167, %get3A_168, %get3A_169] {strides = array<i32>} : memref<2x256x128xf32, #tpu.memory_space<vmem>>, vector<1x1x16xf32>,
      %get3A_171 = vector.shape_cast %get3A_170 : vector<1x1x16xf32> to vector<16xf32>
      %add3A_172 = arith.constant 128 : i32
      %add3A_173 = arith.addi %scan3A_166, %add3A_172 : i32
      %get3A_174 = arith.constant 1 : i32
      %get3A_175 = arith.index_cast %get3A_174 : i32 to index
      %get3A_176 = arith.index_cast %add3A_173 : i32 to index
      %get3A_177 = arith.constant 0 : index
      %get3A_178 = tpu.vector_load %arg6[%get3A_175, %get3A_176, %get3A_177] {strides = array<i32>} : memref<2x256x128xf32, #tpu.memory_space<vmem>>, vector<1x1x16xf32>,
      %get3A_179 = vector.shape_cast %get3A_178 : vector<1x1x16xf32> to vector<16xf32>
      %bitcast_convert_type3A = tpu.bitcast %get3A_171 : vector<16xf32> -> vector<16xi32>
      %add3A_180 = arith.constant 32768 : i32
      %add3A_181 = vector.broadcast %add3A_180 : i32 to vector<16xi32>
      %add3A_182 = arith.addi %bitcast_convert_type3A, %add3A_181 : vector<16xi32>
      %bitcast_convert_type3A_183 = tpu.bitcast %get3A_179 : vector<16xf32> -> vector<16xi32>
      %add3A_184 = arith.constant 32768 : i32
      %add3A_185 = vector.broadcast %add3A_184 : i32 to vector<16xi32>
      %add3A_186 = arith.addi %bitcast_convert_type3A_183, %add3A_185 : vector<16xi32>
      %shift_right_logical3A = arith.constant 16 : i32
      %shift_right_logical3A_187 = vector.broadcast %shift_right_logical3A : i32 to vector<16xi32>
      %shift_right_logical3A_188 = arith.shrui %add3A_182, %shift_right_logical3A_187 : vector<16xi32>
      %and3A = arith.constant -65536 : i32
      %and3A_189 = vector.broadcast %and3A : i32 to vector<16xi32>
      %and3A_190 = arith.andi %add3A_186, %and3A_189 : vector<16xi32>
      %or3A = arith.ori %shift_right_logical3A_188, %and3A_190 : vector<16xi32>
      %swap3A = arith.constant 1 : i32
      %swap3A_191 = arith.index_cast %swap3A : i32 to index
      %swap3A_192 = arith.index_cast %scan3A_166 : i32 to index
      %swap3A_193 = arith.constant 0 : index
      %swap3A_194 = tpu.vector_load %arg7[%swap3A_191, %swap3A_192, %swap3A_193] {strides = array<i32>} : memref<2x128x128xi32, #tpu.memory_space<vmem>>, vector<1x1x16xi32>,
      %swap3A_195 = vector.shape_cast %swap3A_194 : vector<1x1x16xi32> to vector<16xi32>
      %swap3A_196 = vector.shape_cast %or3A : vector<16xi32> to vector<1x1x16xi32>
      tpu.vector_store %arg7[%swap3A_191, %swap3A_192, %swap3A_193], %swap3A_196 {strides = array<i32>} : memref<2x128x128xi32, #tpu.memory_space<vmem>>, vector<1x1x16xi32>,
      %get3A_197 = arith.constant 1 : i32
      %get3A_198 = arith.index_cast %get3A_197 : i32 to index
      %get3A_199 = arith.index_cast %scan3A_166 : i32 to index
      %get3A_200 = arith.constant 16 : index
      %get3A_201 = tpu.vector_load %arg6[%get3A_198, %get3A_199, %get3A_200] {strides = array<i32>} : memref<2x256x128xf32, #tpu.memory_space<vmem>>, vector<1x1x16xf32>,
      %get3A_202 = vector.shape_cast %get3A_201 : vector<1x1x16xf32> to vector<16xf32>
      %add3A_203 = arith.constant 128 : i32
      %add3A_204 = arith.addi %scan3A_166, %add3A_203 : i32
      %get3A_205 = arith.constant 1 : i32
      %get3A_206 = arith.index_cast %get3A_205 : i32 to index
      %get3A_207 = arith.index_cast %add3A_204 : i32 to index
      %get3A_208 = arith.constant 16 : index
      %get3A_209 = tpu.vector_load %arg6[%get3A_206, %get3A_207, %get3A_208] {strides = array<i32>} : memref<2x256x128xf32, #tpu.memory_space<vmem>>, vector<1x1x16xf32>,
      %get3A_210 = vector.shape_cast %get3A_209 : vector<1x1x16xf32> to vector<16xf32>
      %bitcast_convert_type3A_211 = tpu.bitcast %get3A_202 : vector<16xf32> -> vector<16xi32>
      %add3A_212 = arith.constant 32768 : i32
      %add3A_213 = vector.broadcast %add3A_212 : i32 to vector<16xi32>
      %add3A_214 = arith.addi %bitcast_convert_type3A_211, %add3A_213 : vector<16xi32>
      %bitcast_convert_type3A_215 = tpu.bitcast %get3A_210 : vector<16xf32> -> vector<16xi32>
      %add3A_216 = arith.constant 32768 : i32
      %add3A_217 = vector.broadcast %add3A_216 : i32 to vector<16xi32>
      %add3A_218 = arith.addi %bitcast_convert_type3A_215, %add3A_217 : vector<16xi32>
      %shift_right_logical3A_219 = arith.constant 16 : i32
      %shift_right_logical3A_220 = vector.broadcast %shift_right_logical3A_219 : i32 to vector<16xi32>
      %shift_right_logical3A_221 = arith.shrui %add3A_214, %shift_right_logical3A_220 : vector<16xi32>
      %and3A_222 = arith.constant -65536 : i32
      %and3A_223 = vector.broadcast %and3A_222 : i32 to vector<16xi32>
      %and3A_224 = arith.andi %add3A_218, %and3A_223 : vector<16xi32>
      %or3A_225 = arith.ori %shift_right_logical3A_221, %and3A_224 : vector<16xi32>
      %swap3A_226 = arith.constant 1 : i32
      %swap3A_227 = arith.index_cast %swap3A_226 : i32 to index
      %swap3A_228 = arith.index_cast %scan3A_166 : i32 to index
      %swap3A_229 = arith.constant 16 : index
      %swap3A_230 = tpu.vector_load %arg7[%swap3A_227, %swap3A_228, %swap3A_229] {strides = array<i32>} : memref<2x128x128xi32, #tpu.memory_space<vmem>>, vector<1x1x16xi32>,
      %swap3A_231 = vector.shape_cast %swap3A_230 : vector<1x1x16xi32> to vector<16xi32>
      %swap3A_232 = vector.shape_cast %or3A_225 : vector<16xi32> to vector<1x1x16xi32>
      tpu.vector_store %arg7[%swap3A_227, %swap3A_228, %swap3A_229], %swap3A_232 {strides = array<i32>} : memref<2x128x128xi32, #tpu.memory_space<vmem>>, vector<1x1x16xi32>,
      %get3A_233 = arith.constant 1 : i32
      %get3A_234 = arith.index_cast %get3A_233 : i32 to index
      %get3A_235 = arith.index_cast %scan3A_166 : i32 to index
      %get3A_236 = arith.constant 32 : index
      %get3A_237 = tpu.vector_load %arg6[%get3A_234, %get3A_235, %get3A_236] {strides = array<i32>} : memref<2x256x128xf32, #tpu.memory_space<vmem>>, vector<1x1x16xf32>,
      %get3A_238 = vector.shape_cast %get3A_237 : vector<1x1x16xf32> to vector<16xf32>
      %add3A_239 = arith.constant 128 : i32
      %add3A_240 = arith.addi %scan3A_166, %add3A_239 : i32
      %get3A_241 = arith.constant 1 : i32
      %get3A_242 = arith.index_cast %get3A_241 : i32 to index
      %get3A_243 = arith.index_cast %add3A_240 : i32 to index
      %get3A_244 = arith.constant 32 : index
      %get3A_245 = tpu.vector_load %arg6[%get3A_242, %get3A_243, %get3A_244] {strides = array<i32>} : memref<2x256x128xf32, #tpu.memory_space<vmem>>, vector<1x1x16xf32>,
      %get3A_246 = vector.shape_cast %get3A_245 : vector<1x1x16xf32> to vector<16xf32>
      %bitcast_convert_type3A_247 = tpu.bitcast %get3A_238 : vector<16xf32> -> vector<16xi32>
      %add3A_248 = arith.constant 32768 : i32
      %add3A_249 = vector.broadcast %add3A_248 : i32 to vector<16xi32>
      %add3A_250 = arith.addi %bitcast_convert_type3A_247, %add3A_249 : vector<16xi32>
      %bitcast_convert_type3A_251 = tpu.bitcast %get3A_246 : vector<16xf32> -> vector<16xi32>
      %add3A_252 = arith.constant 32768 : i32
      %add3A_253 = vector.broadcast %add3A_252 : i32 to vector<16xi32>
      %add3A_254 = arith.addi %bitcast_convert_type3A_251, %add3A_253 : vector<16xi32>
      %shift_right_logical3A_255 = arith.constant 16 : i32
      %shift_right_logical3A_256 = vector.broadcast %shift_right_logical3A_255 : i32 to vector<16xi32>
      %shift_right_logical3A_257 = arith.shrui %add3A_250, %shift_right_logical3A_256 : vector<16xi32>
      %and3A_258 = arith.constant -65536 : i32
      %and3A_259 = vector.broadcast %and3A_258 : i32 to vector<16xi32>
      %and3A_260 = arith.andi %add3A_254, %and3A_259 : vector<16xi32>
      %or3A_261 = arith.ori %shift_right_logical3A_257, %and3A_260 : vector<16xi32>
      %swap3A_262 = arith.constant 1 : i32
      %swap3A_263 = arith.index_cast %swap3A_262 : i32 to index
      %swap3A_264 = arith.index_cast %scan3A_166 : i32 to index
      %swap3A_265 = arith.constant 32 : index
      %swap3A_266 = tpu.vector_load %arg7[%swap3A_263, %swap3A_264, %swap3A_265] {strides = array<i32>} : memref<2x128x128xi32, #tpu.memory_space<vmem>>, vector<1x1x16xi32>,
      %swap3A_267 = vector.shape_cast %swap3A_266 : vector<1x1x16xi32> to vector<16xi32>
      %swap3A_268 = vector.shape_cast %or3A_261 : vector<16xi32> to vector<1x1x16xi32>
      tpu.vector_store %arg7[%swap3A_263, %swap3A_264, %swap3A_265], %swap3A_268 {strides = array<i32>} : memref<2x128x128xi32, #tpu.memory_space<vmem>>, vector<1x1x16xi32>,
      %get3A_269 = arith.constant 1 : i32
      %get3A_270 = arith.index_cast %get3A_269 : i32 to index
      %get3A_271 = arith.index_cast %scan3A_166 : i32 to index
      %get3A_272 = arith.constant 48 : index
      %get3A_273 = tpu.vector_load %arg6[%get3A_270, %get3A_271, %get3A_272] {strides = array<i32>} : memref<2x256x128xf32, #tpu.memory_space<vmem>>, vector<1x1x16xf32>,
      %get3A_274 = vector.shape_cast %get3A_273 : vector<1x1x16xf32> to vector<16xf32>
      %add3A_275 = arith.constant 128 : i32
      %add3A_276 = arith.addi %scan3A_166, %add3A_275 : i32
      %get3A_277 = arith.constant 1 : i32
      %get3A_278 = arith.index_cast %get3A_277 : i32 to index
      %get3A_279 = arith.index_cast %add3A_276 : i32 to index
      %get3A_280 = arith.constant 48 : index
      %get3A_281 = tpu.vector_load %arg6[%get3A_278, %get3A_279, %get3A_280] {strides = array<i32>} : memref<2x256x128xf32, #tpu.memory_space<vmem>>, vector<1x1x16xf32>,
      %get3A_282 = vector.shape_cast %get3A_281 : vector<1x1x16xf32> to vector<16xf32>
      %bitcast_convert_type3A_283 = tpu.bitcast %get3A_274 : vector<16xf32> -> vector<16xi32>
      %add3A_284 = arith.constant 32768 : i32
      %add3A_285 = vector.broadcast %add3A_284 : i32 to vector<16xi32>
      %add3A_286 = arith.addi %bitcast_convert_type3A_283, %add3A_285 : vector<16xi32>
      %bitcast_convert_type3A_287 = tpu.bitcast %get3A_282 : vector<16xf32> -> vector<16xi32>
      %add3A_288 = arith.constant 32768 : i32
      %add3A_289 = vector.broadcast %add3A_288 : i32 to vector<16xi32>
      %add3A_290 = arith.addi %bitcast_convert_type3A_287, %add3A_289 : vector<16xi32>
      %shift_right_logical3A_291 = arith.constant 16 : i32
      %shift_right_logical3A_292 = vector.broadcast %shift_right_logical3A_291 : i32 to vector<16xi32>
      %shift_right_logical3A_293 = arith.shrui %add3A_286, %shift_right_logical3A_292 : vector<16xi32>
      %and3A_294 = arith.constant -65536 : i32
      %and3A_295 = vector.broadcast %and3A_294 : i32 to vector<16xi32>
      %and3A_296 = arith.andi %add3A_290, %and3A_295 : vector<16xi32>
      %or3A_297 = arith.ori %shift_right_logical3A_293, %and3A_296 : vector<16xi32>
      %swap3A_298 = arith.constant 1 : i32
      %swap3A_299 = arith.index_cast %swap3A_298 : i32 to index
      %swap3A_300 = arith.index_cast %scan3A_166 : i32 to index
      %swap3A_301 = arith.constant 48 : index
      %swap3A_302 = tpu.vector_load %arg7[%swap3A_299, %swap3A_300, %swap3A_301] {strides = array<i32>} : memref<2x128x128xi32, #tpu.memory_space<vmem>>, vector<1x1x16xi32>,
      %swap3A_303 = vector.shape_cast %swap3A_302 : vector<1x1x16xi32> to vector<16xi32>
      %swap3A_304 = vector.shape_cast %or3A_297 : vector<16xi32> to vector<1x1x16xi32>
      tpu.vector_store %arg7[%swap3A_299, %swap3A_300, %swap3A_301], %swap3A_304 {strides = array<i32>} : memref<2x128x128xi32, #tpu.memory_space<vmem>>, vector<1x1x16xi32>,
      %get3A_305 = arith.constant 1 : i32
      %get3A_306 = arith.index_cast %get3A_305 : i32 to index
      %get3A_307 = arith.index_cast %scan3A_166 : i32 to index
      %get3A_308 = arith.constant 64 : index
      %get3A_309 = tpu.vector_load %arg6[%get3A_306, %get3A_307, %get3A_308] {strides = array<i32>} : memref<2x256x128xf32, #tpu.memory_space<vmem>>, vector<1x1x16xf32>,
      %get3A_310 = vector.shape_cast %get3A_309 : vector<1x1x16xf32> to vector<16xf32>
      %add3A_311 = arith.constant 128 : i32
      %add3A_312 = arith.addi %scan3A_166, %add3A_311 : i32
      %get3A_313 = arith.constant 1 : i32
      %get3A_314 = arith.index_cast %get3A_313 : i32 to index
      %get3A_315 = arith.index_cast %add3A_312 : i32 to index
      %get3A_316 = arith.constant 64 : index
      %get3A_317 = tpu.vector_load %arg6[%get3A_314, %get3A_315, %get3A_316] {strides = array<i32>} : memref<2x256x128xf32, #tpu.memory_space<vmem>>, vector<1x1x16xf32>,
      %get3A_318 = vector.shape_cast %get3A_317 : vector<1x1x16xf32> to vector<16xf32>
      %bitcast_convert_type3A_319 = tpu.bitcast %get3A_310 : vector<16xf32> -> vector<16xi32>
      %add3A_320 = arith.constant 32768 : i32
      %add3A_321 = vector.broadcast %add3A_320 : i32 to vector<16xi32>
      %add3A_322 = arith.addi %bitcast_convert_type3A_319, %add3A_321 : vector<16xi32>
      %bitcast_convert_type3A_323 = tpu.bitcast %get3A_318 : vector<16xf32> -> vector<16xi32>
      %add3A_324 = arith.constant 32768 : i32
      %add3A_325 = vector.broadcast %add3A_324 : i32 to vector<16xi32>
      %add3A_326 = arith.addi %bitcast_convert_type3A_323, %add3A_325 : vector<16xi32>
      %shift_right_logical3A_327 = arith.constant 16 : i32
      %shift_right_logical3A_328 = vector.broadcast %shift_right_logical3A_327 : i32 to vector<16xi32>
      %shift_right_logical3A_329 = arith.shrui %add3A_322, %shift_right_logical3A_328 : vector<16xi32>
      %and3A_330 = arith.constant -65536 : i32
      %and3A_331 = vector.broadcast %and3A_330 : i32 to vector<16xi32>
      %and3A_332 = arith.andi %add3A_326, %and3A_331 : vector<16xi32>
      %or3A_333 = arith.ori %shift_right_logical3A_329, %and3A_332 : vector<16xi32>
      %swap3A_334 = arith.constant 1 : i32
      %swap3A_335 = arith.index_cast %swap3A_334 : i32 to index
      %swap3A_336 = arith.index_cast %scan3A_166 : i32 to index
      %swap3A_337 = arith.constant 64 : index
      %swap3A_338 = tpu.vector_load %arg7[%swap3A_335, %swap3A_336, %swap3A_337] {strides = array<i32>} : memref<2x128x128xi32, #tpu.memory_space<vmem>>, vector<1x1x16xi32>,
      %swap3A_339 = vector.shape_cast %swap3A_338 : vector<1x1x16xi32> to vector<16xi32>
      %swap3A_340 = vector.shape_cast %or3A_333 : vector<16xi32> to vector<1x1x16xi32>
      tpu.vector_store %arg7[%swap3A_335, %swap3A_336, %swap3A_337], %swap3A_340 {strides = array<i32>} : memref<2x128x128xi32, #tpu.memory_space<vmem>>, vector<1x1x16xi32>,
      %get3A_341 = arith.constant 1 : i32
      %get3A_342 = arith.index_cast %get3A_341 : i32 to index
      %get3A_343 = arith.index_cast %scan3A_166 : i32 to index
      %get3A_344 = arith.constant 80 : index
      %get3A_345 = tpu.vector_load %arg6[%get3A_342, %get3A_343, %get3A_344] {strides = array<i32>} : memref<2x256x128xf32, #tpu.memory_space<vmem>>, vector<1x1x16xf32>,
      %get3A_346 = vector.shape_cast %get3A_345 : vector<1x1x16xf32> to vector<16xf32>
      %add3A_347 = arith.constant 128 : i32
      %add3A_348 = arith.addi %scan3A_166, %add3A_347 : i32
      %get3A_349 = arith.constant 1 : i32
      %get3A_350 = arith.index_cast %get3A_349 : i32 to index
      %get3A_351 = arith.index_cast %add3A_348 : i32 to index
      %get3A_352 = arith.constant 80 : index
      %get3A_353 = tpu.vector_load %arg6[%get3A_350, %get3A_351, %get3A_352] {strides = array<i32>} : memref<2x256x128xf32, #tpu.memory_space<vmem>>, vector<1x1x16xf32>,
      %get3A_354 = vector.shape_cast %get3A_353 : vector<1x1x16xf32> to vector<16xf32>
      %bitcast_convert_type3A_355 = tpu.bitcast %get3A_346 : vector<16xf32> -> vector<16xi32>
      %add3A_356 = arith.constant 32768 : i32
      %add3A_357 = vector.broadcast %add3A_356 : i32 to vector<16xi32>
      %add3A_358 = arith.addi %bitcast_convert_type3A_355, %add3A_357 : vector<16xi32>
      %bitcast_convert_type3A_359 = tpu.bitcast %get3A_354 : vector<16xf32> -> vector<16xi32>
      %add3A_360 = arith.constant 32768 : i32
      %add3A_361 = vector.broadcast %add3A_360 : i32 to vector<16xi32>
      %add3A_362 = arith.addi %bitcast_convert_type3A_359, %add3A_361 : vector<16xi32>
      %shift_right_logical3A_363 = arith.constant 16 : i32
      %shift_right_logical3A_364 = vector.broadcast %shift_right_logical3A_363 : i32 to vector<16xi32>
      %shift_right_logical3A_365 = arith.shrui %add3A_358, %shift_right_logical3A_364 : vector<16xi32>
      %and3A_366 = arith.constant -65536 : i32
      %and3A_367 = vector.broadcast %and3A_366 : i32 to vector<16xi32>
      %and3A_368 = arith.andi %add3A_362, %and3A_367 : vector<16xi32>
      %or3A_369 = arith.ori %shift_right_logical3A_365, %and3A_368 : vector<16xi32>
      %swap3A_370 = arith.constant 1 : i32
      %swap3A_371 = arith.index_cast %swap3A_370 : i32 to index
      %swap3A_372 = arith.index_cast %scan3A_166 : i32 to index
      %swap3A_373 = arith.constant 80 : index
      %swap3A_374 = tpu.vector_load %arg7[%swap3A_371, %swap3A_372, %swap3A_373] {strides = array<i32>} : memref<2x128x128xi32, #tpu.memory_space<vmem>>, vector<1x1x16xi32>,
      %swap3A_375 = vector.shape_cast %swap3A_374 : vector<1x1x16xi32> to vector<16xi32>
      %swap3A_376 = vector.shape_cast %or3A_369 : vector<16xi32> to vector<1x1x16xi32>
      tpu.vector_store %arg7[%swap3A_371, %swap3A_372, %swap3A_373], %swap3A_376 {strides = array<i32>} : memref<2x128x128xi32, #tpu.memory_space<vmem>>, vector<1x1x16xi32>,
      %get3A_377 = arith.constant 1 : i32
      %get3A_378 = arith.index_cast %get3A_377 : i32 to index
      %get3A_379 = arith.index_cast %scan3A_166 : i32 to index
      %get3A_380 = arith.constant 96 : index
      %get3A_381 = tpu.vector_load %arg6[%get3A_378, %get3A_379, %get3A_380] {strides = array<i32>} : memref<2x256x128xf32, #tpu.memory_space<vmem>>, vector<1x1x16xf32>,
      %get3A_382 = vector.shape_cast %get3A_381 : vector<1x1x16xf32> to vector<16xf32>
      %add3A_383 = arith.constant 128 : i32
      %add3A_384 = arith.addi %scan3A_166, %add3A_383 : i32
      %get3A_385 = arith.constant 1 : i32
      %get3A_386 = arith.index_cast %get3A_385 : i32 to index
      %get3A_387 = arith.index_cast %add3A_384 : i32 to index
      %get3A_388 = arith.constant 96 : index
      %get3A_389 = tpu.vector_load %arg6[%get3A_386, %get3A_387, %get3A_388] {strides = array<i32>} : memref<2x256x128xf32, #tpu.memory_space<vmem>>, vector<1x1x16xf32>,
      %get3A_390 = vector.shape_cast %get3A_389 : vector<1x1x16xf32> to vector<16xf32>
      %bitcast_convert_type3A_391 = tpu.bitcast %get3A_382 : vector<16xf32> -> vector<16xi32>
      %add3A_392 = arith.constant 32768 : i32
      %add3A_393 = vector.broadcast %add3A_392 : i32 to vector<16xi32>
      %add3A_394 = arith.addi %bitcast_convert_type3A_391, %add3A_393 : vector<16xi32>
      %bitcast_convert_type3A_395 = tpu.bitcast %get3A_390 : vector<16xf32> -> vector<16xi32>
      %add3A_396 = arith.constant 32768 : i32
      %add3A_397 = vector.broadcast %add3A_396 : i32 to vector<16xi32>
      %add3A_398 = arith.addi %bitcast_convert_type3A_395, %add3A_397 : vector<16xi32>
      %shift_right_logical3A_399 = arith.constant 16 : i32
      %shift_right_logical3A_400 = vector.broadcast %shift_right_logical3A_399 : i32 to vector<16xi32>
      %shift_right_logical3A_401 = arith.shrui %add3A_394, %shift_right_logical3A_400 : vector<16xi32>
      %and3A_402 = arith.constant -65536 : i32
      %and3A_403 = vector.broadcast %and3A_402 : i32 to vector<16xi32>
      %and3A_404 = arith.andi %add3A_398, %and3A_403 : vector<16xi32>
      %or3A_405 = arith.ori %shift_right_logical3A_401, %and3A_404 : vector<16xi32>
      %swap3A_406 = arith.constant 1 : i32
      %swap3A_407 = arith.index_cast %swap3A_406 : i32 to index
      %swap3A_408 = arith.index_cast %scan3A_166 : i32 to index
      %swap3A_409 = arith.constant 96 : index
      %swap3A_410 = tpu.vector_load %arg7[%swap3A_407, %swap3A_408, %swap3A_409] {strides = array<i32>} : memref<2x128x128xi32, #tpu.memory_space<vmem>>, vector<1x1x16xi32>,
      %swap3A_411 = vector.shape_cast %swap3A_410 : vector<1x1x16xi32> to vector<16xi32>
      %swap3A_412 = vector.shape_cast %or3A_405 : vector<16xi32> to vector<1x1x16xi32>
      tpu.vector_store %arg7[%swap3A_407, %swap3A_408, %swap3A_409], %swap3A_412 {strides = array<i32>} : memref<2x128x128xi32, #tpu.memory_space<vmem>>, vector<1x1x16xi32>,
      %get3A_413 = arith.constant 1 : i32
      %get3A_414 = arith.index_cast %get3A_413 : i32 to index
      %get3A_415 = arith.index_cast %scan3A_166 : i32 to index
      %get3A_416 = arith.constant 112 : index
      %get3A_417 = tpu.vector_load %arg6[%get3A_414, %get3A_415, %get3A_416] {strides = array<i32>} : memref<2x256x128xf32, #tpu.memory_space<vmem>>, vector<1x1x16xf32>,
      %get3A_418 = vector.shape_cast %get3A_417 : vector<1x1x16xf32> to vector<16xf32>
      %add3A_419 = arith.constant 128 : i32
      %add3A_420 = arith.addi %scan3A_166, %add3A_419 : i32
      %get3A_421 = arith.constant 1 : i32
      %get3A_422 = arith.index_cast %get3A_421 : i32 to index
      %get3A_423 = arith.index_cast %add3A_420 : i32 to index
      %get3A_424 = arith.constant 112 : index
      %get3A_425 = tpu.vector_load %arg6[%get3A_422, %get3A_423, %get3A_424] {strides = array<i32>} : memref<2x256x128xf32, #tpu.memory_space<vmem>>, vector<1x1x16xf32>,
      %get3A_426 = vector.shape_cast %get3A_425 : vector<1x1x16xf32> to vector<16xf32>
      %bitcast_convert_type3A_427 = tpu.bitcast %get3A_418 : vector<16xf32> -> vector<16xi32>
      %add3A_428 = arith.constant 32768 : i32
      %add3A_429 = vector.broadcast %add3A_428 : i32 to vector<16xi32>
      %add3A_430 = arith.addi %bitcast_convert_type3A_427, %add3A_429 : vector<16xi32>
      %bitcast_convert_type3A_431 = tpu.bitcast %get3A_426 : vector<16xf32> -> vector<16xi32>
      %add3A_432 = arith.constant 32768 : i32
      %add3A_433 = vector.broadcast %add3A_432 : i32 to vector<16xi32>
      %add3A_434 = arith.addi %bitcast_convert_type3A_431, %add3A_433 : vector<16xi32>
      %shift_right_logical3A_435 = arith.constant 16 : i32
      %shift_right_logical3A_436 = vector.broadcast %shift_right_logical3A_435 : i32 to vector<16xi32>
      %shift_right_logical3A_437 = arith.shrui %add3A_430, %shift_right_logical3A_436 : vector<16xi32>
      %and3A_438 = arith.constant -65536 : i32
      %and3A_439 = vector.broadcast %and3A_438 : i32 to vector<16xi32>
      %and3A_440 = arith.andi %add3A_434, %and3A_439 : vector<16xi32>
      %or3A_441 = arith.ori %shift_right_logical3A_437, %and3A_440 : vector<16xi32>
      %swap3A_442 = arith.constant 1 : i32
      %swap3A_443 = arith.index_cast %swap3A_442 : i32 to index
      %swap3A_444 = arith.index_cast %scan3A_166 : i32 to index
      %swap3A_445 = arith.constant 112 : index
      %swap3A_446 = tpu.vector_load %arg7[%swap3A_443, %swap3A_444, %swap3A_445] {strides = array<i32>} : memref<2x128x128xi32, #tpu.memory_space<vmem>>, vector<1x1x16xi32>,
      %swap3A_447 = vector.shape_cast %swap3A_446 : vector<1x1x16xi32> to vector<16xi32>
      %swap3A_448 = vector.shape_cast %or3A_441 : vector<16xi32> to vector<1x1x16xi32>
      tpu.vector_store %arg7[%swap3A_443, %swap3A_444, %swap3A_445], %swap3A_448 {strides = array<i32>} : memref<2x128x128xi32, #tpu.memory_space<vmem>>, vector<1x1x16xi32>,
    }
    %scan3A_80 = arith.constant 128 : i32
    %add3A_81 = arith.constant 128 : i32
    %add3A_82 = arith.addi %mul3A_4, %add3A_81 : i32
    %dma_start3A_83 = arith.constant 1 : i32
    %dma_start3A_84 = arith.constant 0 : i32
    %dma_start3A_85 = arith.constant 0 : i32
    %dma_start3A_86 = tpu.memref_slice %arg7[%dma_start3A_83, %dma_start3A_84, %dma_start3A_85] : memref<2x128x128xi32, #tpu.memory_space<vmem>> -> memref<1x128x128xi32, #tpu.memory_space<vmem>>
    %dma_start3A_87 = tpu.memref_squeeze %dma_start3A_86 : memref<1x128x128xi32, #tpu.memory_space<vmem>> -> memref<128x128xi32, #tpu.memory_space<vmem>>
    %dma_start3A_88 = arith.constant 0 : i32
    %dma_start3A_89 = tpu.memref_slice %arg4[%add3A_82, %dma_start3A_88] : memref<12288x128xi32, #tpu.memory_space<hbm>> -> memref<128x128xi32, #tpu.memory_space<hbm>>
    %dma_start3A_90 = arith.constant 0 : i32
    %dma_start3A_91 = tpu.memref_slice %arg4[%add3A_82, %dma_start3A_90] : memref<12288x128xi32, #tpu.memory_space<hbm>> -> memref<128x128xi32, #tpu.memory_space<hbm>>
    %dma_start3A_92 = arith.constant 0 : i32
    %dma_start3A_93 = arith.constant 0 : i32
    %dma_start3A_94 = tpu.memref_slice %arg7[%dma_start3A_83, %dma_start3A_92, %dma_start3A_93] : memref<2x128x128xi32, #tpu.memory_space<vmem>> -> memref<1x128x128xi32, #tpu.memory_space<vmem>>
    %dma_start3A_95 = tpu.memref_squeeze %dma_start3A_94 : memref<1x128x128xi32, #tpu.memory_space<vmem>> -> memref<128x128xi32, #tpu.memory_space<vmem>>
    tpu.enqueue_dma source(%dma_start3A_95 : memref<128x128xi32, #tpu.memory_space<vmem>>) target(%dma_start3A_91 : memref<128x128xi32, #tpu.memory_space<hbm>>) target_semaphore(%arg11 : memref<!tpu.dma_semaphore, #tpu.memory_space<semaphore_mem>>)
    %dma_wait3A_96 = arith.constant 0 : i32
    %dma_wait3A_97 = arith.constant 0 : i32
    %dma_wait3A_98 = arith.constant 0 : i32
    %dma_wait3A_99 = tpu.memref_slice %arg6[%dma_wait3A_96, %dma_wait3A_97, %dma_wait3A_98] : memref<2x256x128xf32, #tpu.memory_space<vmem>> -> memref<1x256x128xf32, #tpu.memory_space<vmem>>
    %dma_wait3A_100 = tpu.memref_squeeze %dma_wait3A_99 : memref<1x256x128xf32, #tpu.memory_space<vmem>> -> memref<256x128xf32, #tpu.memory_space<vmem>>
    %dma_wait3A_101 = arith.constant 512 : i32
    %dma_wait3A_102 = tpu.memref_slice %arg5[%dma_wait3A_101] : memref<768xi32, #tpu.memory_space<vmem>> -> memref<256xi32, #tpu.memory_space<vmem>>
    %dma_wait3A_103 = arith.constant 0 : i32
    %dma_wait3A_104 = arith.constant 0 : i32
    %dma_wait3A_105 = tpu.memref_slice %arg2[%dma_wait3A_103, %dma_wait3A_104] : memref<1000000x128xf32, #tpu.memory_space<hbm>> -> memref<1000000x128xf32, #tpu.memory_space<hbm>>
    tpu.wait_indirect_dma semaphore(%arg8 : memref<!tpu.dma_semaphore, #tpu.memory_space<semaphore_mem>>) src(%dma_wait3A_105 : memref<1000000x128xf32, #tpu.memory_space<hbm>>) dst(%dma_wait3A_100 : memref<256x128xf32, #tpu.memory_space<vmem>>)
    %dma_wait3A_106 = arith.constant 0 : i32
    %dma_wait3A_107 = arith.constant 0 : i32
    %dma_wait3A_108 = arith.constant 0 : i32
    %dma_wait3A_109 = tpu.memref_slice %arg7[%dma_wait3A_106, %dma_wait3A_107, %dma_wait3A_108] : memref<2x128x128xi32, #tpu.memory_space<vmem>> -> memref<1x128x128xi32, #tpu.memory_space<vmem>>
    %dma_wait3A_110 = tpu.memref_squeeze %dma_wait3A_109 : memref<1x128x128xi32, #tpu.memory_space<vmem>> -> memref<128x128xi32, #tpu.memory_space<vmem>>
    %dma_wait3A_111 = arith.constant 0 : i32
    %dma_wait3A_112 = tpu.memref_slice %arg4[%add3A_41, %dma_wait3A_111] : memref<12288x128xi32, #tpu.memory_space<hbm>> -> memref<128x128xi32, #tpu.memory_space<hbm>>
    %dma_wait3A_113 = arith.constant 0 : i32
    %dma_wait3A_114 = tpu.memref_slice %arg4[%add3A_41, %dma_wait3A_113] : memref<12288x128xi32, #tpu.memory_space<hbm>> -> memref<128x128xi32, #tpu.memory_space<hbm>>
    %dma_wait3A_115 = arith.constant 0 : i32
    %dma_wait3A_116 = arith.constant 0 : i32
    %dma_wait3A_117 = tpu.memref_slice %arg7[%dma_wait3A_106, %dma_wait3A_115, %dma_wait3A_116] : memref<2x128x128xi32, #tpu.memory_space<vmem>> -> memref<1x128x128xi32, #tpu.memory_space<vmem>>
    %dma_wait3A_118 = tpu.memref_squeeze %dma_wait3A_117 : memref<1x128x128xi32, #tpu.memory_space<vmem>> -> memref<128x128xi32, #tpu.memory_space<vmem>>
    tpu.wait_dma2 semaphore(%arg10 : memref<!tpu.dma_semaphore, #tpu.memory_space<semaphore_mem>>) src(%dma_wait3A_118 : memref<128x128xi32, #tpu.memory_space<vmem>>) dst(%dma_wait3A_114 : memref<128x128xi32, #tpu.memory_space<hbm>>)
    %scan3A_119 = arith.constant 0 : i32
    %scan3A_120 = arith.constant 0 : i32
    %scan3A_121 = arith.constant 128 : i32
    %scan3A_122 = arith.addi %scan3A_120, %scan3A_121 : i32
    %scan3A_123 = arith.constant 1 : i32
    scf.for %scan3A_166 = %scan3A_120 to %scan3A_122 step %scan3A_123  : i32 {
      %get3A = arith.constant 0 : i32
      %get3A_167 = arith.index_cast %get3A : i32 to index
      %get3A_168 = arith.index_cast %scan3A_166 : i32 to index
      %get3A_169 = arith.constant 0 : index
      %get3A_170 = tpu.vector_load %arg6[%get3A_167, %get3A_168, %get3A_169] {strides = array<i32>} : memref<2x256x128xf32, #tpu.memory_space<vmem>>, vector<1x1x16xf32>,
      %get3A_171 = vector.shape_cast %get3A_170 : vector<1x1x16xf32> to vector<16xf32>
      %add3A_172 = arith.constant 128 : i32
      %add3A_173 = arith.addi %scan3A_166, %add3A_172 : i32
      %get3A_174 = arith.constant 0 : i32
      %get3A_175 = arith.index_cast %get3A_174 : i32 to index
      %get3A_176 = arith.index_cast %add3A_173 : i32 to index
      %get3A_177 = arith.constant 0 : index
      %get3A_178 = tpu.vector_load %arg6[%get3A_175, %get3A_176, %get3A_177] {strides = array<i32>} : memref<2x256x128xf32, #tpu.memory_space<vmem>>, vector<1x1x16xf32>,
      %get3A_179 = vector.shape_cast %get3A_178 : vector<1x1x16xf32> to vector<16xf32>
      %bitcast_convert_type3A = tpu.bitcast %get3A_171 : vector<16xf32> -> vector<16xi32>
      %add3A_180 = arith.constant 32768 : i32
      %add3A_181 = vector.broadcast %add3A_180 : i32 to vector<16xi32>
      %add3A_182 = arith.addi %bitcast_convert_type3A, %add3A_181 : vector<16xi32>
      %bitcast_convert_type3A_183 = tpu.bitcast %get3A_179 : vector<16xf32> -> vector<16xi32>
      %add3A_184 = arith.constant 32768 : i32
      %add3A_185 = vector.broadcast %add3A_184 : i32 to vector<16xi32>
      %add3A_186 = arith.addi %bitcast_convert_type3A_183, %add3A_185 : vector<16xi32>
      %shift_right_logical3A = arith.constant 16 : i32
      %shift_right_logical3A_187 = vector.broadcast %shift_right_logical3A : i32 to vector<16xi32>
      %shift_right_logical3A_188 = arith.shrui %add3A_182, %shift_right_logical3A_187 : vector<16xi32>
      %and3A = arith.constant -65536 : i32
      %and3A_189 = vector.broadcast %and3A : i32 to vector<16xi32>
      %and3A_190 = arith.andi %add3A_186, %and3A_189 : vector<16xi32>
      %or3A = arith.ori %shift_right_logical3A_188, %and3A_190 : vector<16xi32>
      %swap3A = arith.constant 0 : i32
      %swap3A_191 = arith.index_cast %swap3A : i32 to index
      %swap3A_192 = arith.index_cast %scan3A_166 : i32 to index
      %swap3A_193 = arith.constant 0 : index
      %swap3A_194 = tpu.vector_load %arg7[%swap3A_191, %swap3A_192, %swap3A_193] {strides = array<i32>} : memref<2x128x128xi32, #tpu.memory_space<vmem>>, vector<1x1x16xi32>,
      %swap3A_195 = vector.shape_cast %swap3A_194 : vector<1x1x16xi32> to vector<16xi32>
      %swap3A_196 = vector.shape_cast %or3A : vector<16xi32> to vector<1x1x16xi32>
      tpu.vector_store %arg7[%swap3A_191, %swap3A_192, %swap3A_193], %swap3A_196 {strides = array<i32>} : memref<2x128x128xi32, #tpu.memory_space<vmem>>, vector<1x1x16xi32>,
      %get3A_197 = arith.constant 0 : i32
      %get3A_198 = arith.index_cast %get3A_197 : i32 to index
      %get3A_199 = arith.index_cast %scan3A_166 : i32 to index
      %get3A_200 = arith.constant 16 : index
      %get3A_201 = tpu.vector_load %arg6[%get3A_198, %get3A_199, %get3A_200] {strides = array<i32>} : memref<2x256x128xf32, #tpu.memory_space<vmem>>, vector<1x1x16xf32>,
      %get3A_202 = vector.shape_cast %get3A_201 : vector<1x1x16xf32> to vector<16xf32>
      %add3A_203 = arith.constant 128 : i32
      %add3A_204 = arith.addi %scan3A_166, %add3A_203 : i32
      %get3A_205 = arith.constant 0 : i32
      %get3A_206 = arith.index_cast %get3A_205 : i32 to index
      %get3A_207 = arith.index_cast %add3A_204 : i32 to index
      %get3A_208 = arith.constant 16 : index
      %get3A_209 = tpu.vector_load %arg6[%get3A_206, %get3A_207, %get3A_208] {strides = array<i32>} : memref<2x256x128xf32, #tpu.memory_space<vmem>>, vector<1x1x16xf32>,
      %get3A_210 = vector.shape_cast %get3A_209 : vector<1x1x16xf32> to vector<16xf32>
      %bitcast_convert_type3A_211 = tpu.bitcast %get3A_202 : vector<16xf32> -> vector<16xi32>
      %add3A_212 = arith.constant 32768 : i32
      %add3A_213 = vector.broadcast %add3A_212 : i32 to vector<16xi32>
      %add3A_214 = arith.addi %bitcast_convert_type3A_211, %add3A_213 : vector<16xi32>
      %bitcast_convert_type3A_215 = tpu.bitcast %get3A_210 : vector<16xf32> -> vector<16xi32>
      %add3A_216 = arith.constant 32768 : i32
      %add3A_217 = vector.broadcast %add3A_216 : i32 to vector<16xi32>
      %add3A_218 = arith.addi %bitcast_convert_type3A_215, %add3A_217 : vector<16xi32>
      %shift_right_logical3A_219 = arith.constant 16 : i32
      %shift_right_logical3A_220 = vector.broadcast %shift_right_logical3A_219 : i32 to vector<16xi32>
      %shift_right_logical3A_221 = arith.shrui %add3A_214, %shift_right_logical3A_220 : vector<16xi32>
      %and3A_222 = arith.constant -65536 : i32
      %and3A_223 = vector.broadcast %and3A_222 : i32 to vector<16xi32>
      %and3A_224 = arith.andi %add3A_218, %and3A_223 : vector<16xi32>
      %or3A_225 = arith.ori %shift_right_logical3A_221, %and3A_224 : vector<16xi32>
      %swap3A_226 = arith.constant 0 : i32
      %swap3A_227 = arith.index_cast %swap3A_226 : i32 to index
      %swap3A_228 = arith.index_cast %scan3A_166 : i32 to index
      %swap3A_229 = arith.constant 16 : index
      %swap3A_230 = tpu.vector_load %arg7[%swap3A_227, %swap3A_228, %swap3A_229] {strides = array<i32>} : memref<2x128x128xi32, #tpu.memory_space<vmem>>, vector<1x1x16xi32>,
      %swap3A_231 = vector.shape_cast %swap3A_230 : vector<1x1x16xi32> to vector<16xi32>
      %swap3A_232 = vector.shape_cast %or3A_225 : vector<16xi32> to vector<1x1x16xi32>
      tpu.vector_store %arg7[%swap3A_227, %swap3A_228, %swap3A_229], %swap3A_232 {strides = array<i32>} : memref<2x128x128xi32, #tpu.memory_space<vmem>>, vector<1x1x16xi32>,
      %get3A_233 = arith.constant 0 : i32
      %get3A_234 = arith.index_cast %get3A_233 : i32 to index
      %get3A_235 = arith.index_cast %scan3A_166 : i32 to index
      %get3A_236 = arith.constant 32 : index
      %get3A_237 = tpu.vector_load %arg6[%get3A_234, %get3A_235, %get3A_236] {strides = array<i32>} : memref<2x256x128xf32, #tpu.memory_space<vmem>>, vector<1x1x16xf32>,
      %get3A_238 = vector.shape_cast %get3A_237 : vector<1x1x16xf32> to vector<16xf32>
      %add3A_239 = arith.constant 128 : i32
      %add3A_240 = arith.addi %scan3A_166, %add3A_239 : i32
      %get3A_241 = arith.constant 0 : i32
      %get3A_242 = arith.index_cast %get3A_241 : i32 to index
      %get3A_243 = arith.index_cast %add3A_240 : i32 to index
      %get3A_244 = arith.constant 32 : index
      %get3A_245 = tpu.vector_load %arg6[%get3A_242, %get3A_243, %get3A_244] {strides = array<i32>} : memref<2x256x128xf32, #tpu.memory_space<vmem>>, vector<1x1x16xf32>,
      %get3A_246 = vector.shape_cast %get3A_245 : vector<1x1x16xf32> to vector<16xf32>
      %bitcast_convert_type3A_247 = tpu.bitcast %get3A_238 : vector<16xf32> -> vector<16xi32>
      %add3A_248 = arith.constant 32768 : i32
      %add3A_249 = vector.broadcast %add3A_248 : i32 to vector<16xi32>
      %add3A_250 = arith.addi %bitcast_convert_type3A_247, %add3A_249 : vector<16xi32>
      %bitcast_convert_type3A_251 = tpu.bitcast %get3A_246 : vector<16xf32> -> vector<16xi32>
      %add3A_252 = arith.constant 32768 : i32
      %add3A_253 = vector.broadcast %add3A_252 : i32 to vector<16xi32>
      %add3A_254 = arith.addi %bitcast_convert_type3A_251, %add3A_253 : vector<16xi32>
      %shift_right_logical3A_255 = arith.constant 16 : i32
      %shift_right_logical3A_256 = vector.broadcast %shift_right_logical3A_255 : i32 to vector<16xi32>
      %shift_right_logical3A_257 = arith.shrui %add3A_250, %shift_right_logical3A_256 : vector<16xi32>
      %and3A_258 = arith.constant -65536 : i32
      %and3A_259 = vector.broadcast %and3A_258 : i32 to vector<16xi32>
      %and3A_260 = arith.andi %add3A_254, %and3A_259 : vector<16xi32>
      %or3A_261 = arith.ori %shift_right_logical3A_257, %and3A_260 : vector<16xi32>
      %swap3A_262 = arith.constant 0 : i32
      %swap3A_263 = arith.index_cast %swap3A_262 : i32 to index
      %swap3A_264 = arith.index_cast %scan3A_166 : i32 to index
      %swap3A_265 = arith.constant 32 : index
      %swap3A_266 = tpu.vector_load %arg7[%swap3A_263, %swap3A_264, %swap3A_265] {strides = array<i32>} : memref<2x128x128xi32, #tpu.memory_space<vmem>>, vector<1x1x16xi32>,
      %swap3A_267 = vector.shape_cast %swap3A_266 : vector<1x1x16xi32> to vector<16xi32>
      %swap3A_268 = vector.shape_cast %or3A_261 : vector<16xi32> to vector<1x1x16xi32>
      tpu.vector_store %arg7[%swap3A_263, %swap3A_264, %swap3A_265], %swap3A_268 {strides = array<i32>} : memref<2x128x128xi32, #tpu.memory_space<vmem>>, vector<1x1x16xi32>,
      %get3A_269 = arith.constant 0 : i32
      %get3A_270 = arith.index_cast %get3A_269 : i32 to index
      %get3A_271 = arith.index_cast %scan3A_166 : i32 to index
      %get3A_272 = arith.constant 48 : index
      %get3A_273 = tpu.vector_load %arg6[%get3A_270, %get3A_271, %get3A_272] {strides = array<i32>} : memref<2x256x128xf32, #tpu.memory_space<vmem>>, vector<1x1x16xf32>,
      %get3A_274 = vector.shape_cast %get3A_273 : vector<1x1x16xf32> to vector<16xf32>
      %add3A_275 = arith.constant 128 : i32
      %add3A_276 = arith.addi %scan3A_166, %add3A_275 : i32
      %get3A_277 = arith.constant 0 : i32
      %get3A_278 = arith.index_cast %get3A_277 : i32 to index
      %get3A_279 = arith.index_cast %add3A_276 : i32 to index
      %get3A_280 = arith.constant 48 : index
      %get3A_281 = tpu.vector_load %arg6[%get3A_278, %get3A_279, %get3A_280] {strides = array<i32>} : memref<2x256x128xf32, #tpu.memory_space<vmem>>, vector<1x1x16xf32>,
      %get3A_282 = vector.shape_cast %get3A_281 : vector<1x1x16xf32> to vector<16xf32>
      %bitcast_convert_type3A_283 = tpu.bitcast %get3A_274 : vector<16xf32> -> vector<16xi32>
      %add3A_284 = arith.constant 32768 : i32
      %add3A_285 = vector.broadcast %add3A_284 : i32 to vector<16xi32>
      %add3A_286 = arith.addi %bitcast_convert_type3A_283, %add3A_285 : vector<16xi32>
      %bitcast_convert_type3A_287 = tpu.bitcast %get3A_282 : vector<16xf32> -> vector<16xi32>
      %add3A_288 = arith.constant 32768 : i32
      %add3A_289 = vector.broadcast %add3A_288 : i32 to vector<16xi32>
      %add3A_290 = arith.addi %bitcast_convert_type3A_287, %add3A_289 : vector<16xi32>
      %shift_right_logical3A_291 = arith.constant 16 : i32
      %shift_right_logical3A_292 = vector.broadcast %shift_right_logical3A_291 : i32 to vector<16xi32>
      %shift_right_logical3A_293 = arith.shrui %add3A_286, %shift_right_logical3A_292 : vector<16xi32>
      %and3A_294 = arith.constant -65536 : i32
      %and3A_295 = vector.broadcast %and3A_294 : i32 to vector<16xi32>
      %and3A_296 = arith.andi %add3A_290, %and3A_295 : vector<16xi32>
      %or3A_297 = arith.ori %shift_right_logical3A_293, %and3A_296 : vector<16xi32>
      %swap3A_298 = arith.constant 0 : i32
      %swap3A_299 = arith.index_cast %swap3A_298 : i32 to index
      %swap3A_300 = arith.index_cast %scan3A_166 : i32 to index
      %swap3A_301 = arith.constant 48 : index
      %swap3A_302 = tpu.vector_load %arg7[%swap3A_299, %swap3A_300, %swap3A_301] {strides = array<i32>} : memref<2x128x128xi32, #tpu.memory_space<vmem>>, vector<1x1x16xi32>,
      %swap3A_303 = vector.shape_cast %swap3A_302 : vector<1x1x16xi32> to vector<16xi32>
      %swap3A_304 = vector.shape_cast %or3A_297 : vector<16xi32> to vector<1x1x16xi32>
      tpu.vector_store %arg7[%swap3A_299, %swap3A_300, %swap3A_301], %swap3A_304 {strides = array<i32>} : memref<2x128x128xi32, #tpu.memory_space<vmem>>, vector<1x1x16xi32>,
      %get3A_305 = arith.constant 0 : i32
      %get3A_306 = arith.index_cast %get3A_305 : i32 to index
      %get3A_307 = arith.index_cast %scan3A_166 : i32 to index
      %get3A_308 = arith.constant 64 : index
      %get3A_309 = tpu.vector_load %arg6[%get3A_306, %get3A_307, %get3A_308] {strides = array<i32>} : memref<2x256x128xf32, #tpu.memory_space<vmem>>, vector<1x1x16xf32>,
      %get3A_310 = vector.shape_cast %get3A_309 : vector<1x1x16xf32> to vector<16xf32>
      %add3A_311 = arith.constant 128 : i32
      %add3A_312 = arith.addi %scan3A_166, %add3A_311 : i32
      %get3A_313 = arith.constant 0 : i32
      %get3A_314 = arith.index_cast %get3A_313 : i32 to index
      %get3A_315 = arith.index_cast %add3A_312 : i32 to index
      %get3A_316 = arith.constant 64 : index
      %get3A_317 = tpu.vector_load %arg6[%get3A_314, %get3A_315, %get3A_316] {strides = array<i32>} : memref<2x256x128xf32, #tpu.memory_space<vmem>>, vector<1x1x16xf32>,
      %get3A_318 = vector.shape_cast %get3A_317 : vector<1x1x16xf32> to vector<16xf32>
      %bitcast_convert_type3A_319 = tpu.bitcast %get3A_310 : vector<16xf32> -> vector<16xi32>
      %add3A_320 = arith.constant 32768 : i32
      %add3A_321 = vector.broadcast %add3A_320 : i32 to vector<16xi32>
      %add3A_322 = arith.addi %bitcast_convert_type3A_319, %add3A_321 : vector<16xi32>
      %bitcast_convert_type3A_323 = tpu.bitcast %get3A_318 : vector<16xf32> -> vector<16xi32>
      %add3A_324 = arith.constant 32768 : i32
      %add3A_325 = vector.broadcast %add3A_324 : i32 to vector<16xi32>
      %add3A_326 = arith.addi %bitcast_convert_type3A_323, %add3A_325 : vector<16xi32>
      %shift_right_logical3A_327 = arith.constant 16 : i32
      %shift_right_logical3A_328 = vector.broadcast %shift_right_logical3A_327 : i32 to vector<16xi32>
      %shift_right_logical3A_329 = arith.shrui %add3A_322, %shift_right_logical3A_328 : vector<16xi32>
      %and3A_330 = arith.constant -65536 : i32
      %and3A_331 = vector.broadcast %and3A_330 : i32 to vector<16xi32>
      %and3A_332 = arith.andi %add3A_326, %and3A_331 : vector<16xi32>
      %or3A_333 = arith.ori %shift_right_logical3A_329, %and3A_332 : vector<16xi32>
      %swap3A_334 = arith.constant 0 : i32
      %swap3A_335 = arith.index_cast %swap3A_334 : i32 to index
      %swap3A_336 = arith.index_cast %scan3A_166 : i32 to index
      %swap3A_337 = arith.constant 64 : index
      %swap3A_338 = tpu.vector_load %arg7[%swap3A_335, %swap3A_336, %swap3A_337] {strides = array<i32>} : memref<2x128x128xi32, #tpu.memory_space<vmem>>, vector<1x1x16xi32>,
      %swap3A_339 = vector.shape_cast %swap3A_338 : vector<1x1x16xi32> to vector<16xi32>
      %swap3A_340 = vector.shape_cast %or3A_333 : vector<16xi32> to vector<1x1x16xi32>
      tpu.vector_store %arg7[%swap3A_335, %swap3A_336, %swap3A_337], %swap3A_340 {strides = array<i32>} : memref<2x128x128xi32, #tpu.memory_space<vmem>>, vector<1x1x16xi32>,
      %get3A_341 = arith.constant 0 : i32
      %get3A_342 = arith.index_cast %get3A_341 : i32 to index
      %get3A_343 = arith.index_cast %scan3A_166 : i32 to index
      %get3A_344 = arith.constant 80 : index
      %get3A_345 = tpu.vector_load %arg6[%get3A_342, %get3A_343, %get3A_344] {strides = array<i32>} : memref<2x256x128xf32, #tpu.memory_space<vmem>>, vector<1x1x16xf32>,
      %get3A_346 = vector.shape_cast %get3A_345 : vector<1x1x16xf32> to vector<16xf32>
      %add3A_347 = arith.constant 128 : i32
      %add3A_348 = arith.addi %scan3A_166, %add3A_347 : i32
      %get3A_349 = arith.constant 0 : i32
      %get3A_350 = arith.index_cast %get3A_349 : i32 to index
      %get3A_351 = arith.index_cast %add3A_348 : i32 to index
      %get3A_352 = arith.constant 80 : index
      %get3A_353 = tpu.vector_load %arg6[%get3A_350, %get3A_351, %get3A_352] {strides = array<i32>} : memref<2x256x128xf32, #tpu.memory_space<vmem>>, vector<1x1x16xf32>,
      %get3A_354 = vector.shape_cast %get3A_353 : vector<1x1x16xf32> to vector<16xf32>
      %bitcast_convert_type3A_355 = tpu.bitcast %get3A_346 : vector<16xf32> -> vector<16xi32>
      %add3A_356 = arith.constant 32768 : i32
      %add3A_357 = vector.broadcast %add3A_356 : i32 to vector<16xi32>
      %add3A_358 = arith.addi %bitcast_convert_type3A_355, %add3A_357 : vector<16xi32>
      %bitcast_convert_type3A_359 = tpu.bitcast %get3A_354 : vector<16xf32> -> vector<16xi32>
      %add3A_360 = arith.constant 32768 : i32
      %add3A_361 = vector.broadcast %add3A_360 : i32 to vector<16xi32>
      %add3A_362 = arith.addi %bitcast_convert_type3A_359, %add3A_361 : vector<16xi32>
      %shift_right_logical3A_363 = arith.constant 16 : i32
      %shift_right_logical3A_364 = vector.broadcast %shift_right_logical3A_363 : i32 to vector<16xi32>
      %shift_right_logical3A_365 = arith.shrui %add3A_358, %shift_right_logical3A_364 : vector<16xi32>
      %and3A_366 = arith.constant -65536 : i32
      %and3A_367 = vector.broadcast %and3A_366 : i32 to vector<16xi32>
      %and3A_368 = arith.andi %add3A_362, %and3A_367 : vector<16xi32>
      %or3A_369 = arith.ori %shift_right_logical3A_365, %and3A_368 : vector<16xi32>
      %swap3A_370 = arith.constant 0 : i32
      %swap3A_371 = arith.index_cast %swap3A_370 : i32 to index
      %swap3A_372 = arith.index_cast %scan3A_166 : i32 to index
      %swap3A_373 = arith.constant 80 : index
      %swap3A_374 = tpu.vector_load %arg7[%swap3A_371, %swap3A_372, %swap3A_373] {strides = array<i32>} : memref<2x128x128xi32, #tpu.memory_space<vmem>>, vector<1x1x16xi32>,
      %swap3A_375 = vector.shape_cast %swap3A_374 : vector<1x1x16xi32> to vector<16xi32>
      %swap3A_376 = vector.shape_cast %or3A_369 : vector<16xi32> to vector<1x1x16xi32>
      tpu.vector_store %arg7[%swap3A_371, %swap3A_372, %swap3A_373], %swap3A_376 {strides = array<i32>} : memref<2x128x128xi32, #tpu.memory_space<vmem>>, vector<1x1x16xi32>,
      %get3A_377 = arith.constant 0 : i32
      %get3A_378 = arith.index_cast %get3A_377 : i32 to index
      %get3A_379 = arith.index_cast %scan3A_166 : i32 to index
      %get3A_380 = arith.constant 96 : index
      %get3A_381 = tpu.vector_load %arg6[%get3A_378, %get3A_379, %get3A_380] {strides = array<i32>} : memref<2x256x128xf32, #tpu.memory_space<vmem>>, vector<1x1x16xf32>,
      %get3A_382 = vector.shape_cast %get3A_381 : vector<1x1x16xf32> to vector<16xf32>
      %add3A_383 = arith.constant 128 : i32
      %add3A_384 = arith.addi %scan3A_166, %add3A_383 : i32
      %get3A_385 = arith.constant 0 : i32
      %get3A_386 = arith.index_cast %get3A_385 : i32 to index
      %get3A_387 = arith.index_cast %add3A_384 : i32 to index
      %get3A_388 = arith.constant 96 : index
      %get3A_389 = tpu.vector_load %arg6[%get3A_386, %get3A_387, %get3A_388] {strides = array<i32>} : memref<2x256x128xf32, #tpu.memory_space<vmem>>, vector<1x1x16xf32>,
      %get3A_390 = vector.shape_cast %get3A_389 : vector<1x1x16xf32> to vector<16xf32>
      %bitcast_convert_type3A_391 = tpu.bitcast %get3A_382 : vector<16xf32> -> vector<16xi32>
      %add3A_392 = arith.constant 32768 : i32
      %add3A_393 = vector.broadcast %add3A_392 : i32 to vector<16xi32>
      %add3A_394 = arith.addi %bitcast_convert_type3A_391, %add3A_393 : vector<16xi32>
      %bitcast_convert_type3A_395 = tpu.bitcast %get3A_390 : vector<16xf32> -> vector<16xi32>
      %add3A_396 = arith.constant 32768 : i32
      %add3A_397 = vector.broadcast %add3A_396 : i32 to vector<16xi32>
      %add3A_398 = arith.addi %bitcast_convert_type3A_395, %add3A_397 : vector<16xi32>
      %shift_right_logical3A_399 = arith.constant 16 : i32
      %shift_right_logical3A_400 = vector.broadcast %shift_right_logical3A_399 : i32 to vector<16xi32>
      %shift_right_logical3A_401 = arith.shrui %add3A_394, %shift_right_logical3A_400 : vector<16xi32>
      %and3A_402 = arith.constant -65536 : i32
      %and3A_403 = vector.broadcast %and3A_402 : i32 to vector<16xi32>
      %and3A_404 = arith.andi %add3A_398, %and3A_403 : vector<16xi32>
      %or3A_405 = arith.ori %shift_right_logical3A_401, %and3A_404 : vector<16xi32>
      %swap3A_406 = arith.constant 0 : i32
      %swap3A_407 = arith.index_cast %swap3A_406 : i32 to index
      %swap3A_408 = arith.index_cast %scan3A_166 : i32 to index
      %swap3A_409 = arith.constant 96 : index
      %swap3A_410 = tpu.vector_load %arg7[%swap3A_407, %swap3A_408, %swap3A_409] {strides = array<i32>} : memref<2x128x128xi32, #tpu.memory_space<vmem>>, vector<1x1x16xi32>,
      %swap3A_411 = vector.shape_cast %swap3A_410 : vector<1x1x16xi32> to vector<16xi32>
      %swap3A_412 = vector.shape_cast %or3A_405 : vector<16xi32> to vector<1x1x16xi32>
      tpu.vector_store %arg7[%swap3A_407, %swap3A_408, %swap3A_409], %swap3A_412 {strides = array<i32>} : memref<2x128x128xi32, #tpu.memory_space<vmem>>, vector<1x1x16xi32>,
      %get3A_413 = arith.constant 0 : i32
      %get3A_414 = arith.index_cast %get3A_413 : i32 to index
      %get3A_415 = arith.index_cast %scan3A_166 : i32 to index
      %get3A_416 = arith.constant 112 : index
      %get3A_417 = tpu.vector_load %arg6[%get3A_414, %get3A_415, %get3A_416] {strides = array<i32>} : memref<2x256x128xf32, #tpu.memory_space<vmem>>, vector<1x1x16xf32>,
      %get3A_418 = vector.shape_cast %get3A_417 : vector<1x1x16xf32> to vector<16xf32>
      %add3A_419 = arith.constant 128 : i32
      %add3A_420 = arith.addi %scan3A_166, %add3A_419 : i32
      %get3A_421 = arith.constant 0 : i32
      %get3A_422 = arith.index_cast %get3A_421 : i32 to index
      %get3A_423 = arith.index_cast %add3A_420 : i32 to index
      %get3A_424 = arith.constant 112 : index
      %get3A_425 = tpu.vector_load %arg6[%get3A_422, %get3A_423, %get3A_424] {strides = array<i32>} : memref<2x256x128xf32, #tpu.memory_space<vmem>>, vector<1x1x16xf32>,
      %get3A_426 = vector.shape_cast %get3A_425 : vector<1x1x16xf32> to vector<16xf32>
      %bitcast_convert_type3A_427 = tpu.bitcast %get3A_418 : vector<16xf32> -> vector<16xi32>
      %add3A_428 = arith.constant 32768 : i32
      %add3A_429 = vector.broadcast %add3A_428 : i32 to vector<16xi32>
      %add3A_430 = arith.addi %bitcast_convert_type3A_427, %add3A_429 : vector<16xi32>
      %bitcast_convert_type3A_431 = tpu.bitcast %get3A_426 : vector<16xf32> -> vector<16xi32>
      %add3A_432 = arith.constant 32768 : i32
      %add3A_433 = vector.broadcast %add3A_432 : i32 to vector<16xi32>
      %add3A_434 = arith.addi %bitcast_convert_type3A_431, %add3A_433 : vector<16xi32>
      %shift_right_logical3A_435 = arith.constant 16 : i32
      %shift_right_logical3A_436 = vector.broadcast %shift_right_logical3A_435 : i32 to vector<16xi32>
      %shift_right_logical3A_437 = arith.shrui %add3A_430, %shift_right_logical3A_436 : vector<16xi32>
      %and3A_438 = arith.constant -65536 : i32
      %and3A_439 = vector.broadcast %and3A_438 : i32 to vector<16xi32>
      %and3A_440 = arith.andi %add3A_434, %and3A_439 : vector<16xi32>
      %or3A_441 = arith.ori %shift_right_logical3A_437, %and3A_440 : vector<16xi32>
      %swap3A_442 = arith.constant 0 : i32
      %swap3A_443 = arith.index_cast %swap3A_442 : i32 to index
      %swap3A_444 = arith.index_cast %scan3A_166 : i32 to index
      %swap3A_445 = arith.constant 112 : index
      %swap3A_446 = tpu.vector_load %arg7[%swap3A_443, %swap3A_444, %swap3A_445] {strides = array<i32>} : memref<2x128x128xi32, #tpu.memory_space<vmem>>, vector<1x1x16xi32>,
      %swap3A_447 = vector.shape_cast %swap3A_446 : vector<1x1x16xi32> to vector<16xi32>
      %swap3A_448 = vector.shape_cast %or3A_441 : vector<16xi32> to vector<1x1x16xi32>
      tpu.vector_store %arg7[%swap3A_443, %swap3A_444, %swap3A_445], %swap3A_448 {strides = array<i32>} : memref<2x128x128xi32, #tpu.memory_space<vmem>>, vector<1x1x16xi32>,
    }
    %scan3A_124 = arith.constant 128 : i32
    %add3A_125 = arith.constant 256 : i32
    %add3A_126 = arith.addi %mul3A_4, %add3A_125 : i32
    %dma_start3A_127 = arith.constant 0 : i32
    %dma_start3A_128 = arith.constant 0 : i32
    %dma_start3A_129 = arith.constant 0 : i32
    %dma_start3A_130 = tpu.memref_slice %arg7[%dma_start3A_127, %dma_start3A_128, %dma_start3A_129] : memref<2x128x128xi32, #tpu.memory_space<vmem>> -> memref<1x128x128xi32, #tpu.memory_space<vmem>>
    %dma_start3A_131 = tpu.memref_squeeze %dma_start3A_130 : memref<1x128x128xi32, #tpu.memory_space<vmem>> -> memref<128x128xi32, #tpu.memory_space<vmem>>
    %dma_start3A_132 = arith.constant 0 : i32
    %dma_start3A_133 = tpu.memref_slice %arg4[%add3A_126, %dma_start3A_132] : memref<12288x128xi32, #tpu.memory_space<hbm>> -> memref<128x128xi32, #tpu.memory_space<hbm>>
    %dma_start3A_134 = arith.constant 0 : i32
    %dma_start3A_135 = tpu.memref_slice %arg4[%add3A_126, %dma_start3A_134] : memref<12288x128xi32, #tpu.memory_space<hbm>> -> memref<128x128xi32, #tpu.memory_space<hbm>>
    %dma_start3A_136 = arith.constant 0 : i32
    %dma_start3A_137 = arith.constant 0 : i32
    %dma_start3A_138 = tpu.memref_slice %arg7[%dma_start3A_127, %dma_start3A_136, %dma_start3A_137] : memref<2x128x128xi32, #tpu.memory_space<vmem>> -> memref<1x128x128xi32, #tpu.memory_space<vmem>>
    %dma_start3A_139 = tpu.memref_squeeze %dma_start3A_138 : memref<1x128x128xi32, #tpu.memory_space<vmem>> -> memref<128x128xi32, #tpu.memory_space<vmem>>
    tpu.enqueue_dma source(%dma_start3A_139 : memref<128x128xi32, #tpu.memory_space<vmem>>) target(%dma_start3A_135 : memref<128x128xi32, #tpu.memory_space<hbm>>) target_semaphore(%arg10 : memref<!tpu.dma_semaphore, #tpu.memory_space<semaphore_mem>>)
    %dma_wait3A_140 = arith.constant 1 : i32
    %dma_wait3A_141 = arith.constant 0 : i32
    %dma_wait3A_142 = arith.constant 0 : i32
    %dma_wait3A_143 = tpu.memref_slice %arg7[%dma_wait3A_140, %dma_wait3A_141, %dma_wait3A_142] : memref<2x128x128xi32, #tpu.memory_space<vmem>> -> memref<1x128x128xi32, #tpu.memory_space<vmem>>
    %dma_wait3A_144 = tpu.memref_squeeze %dma_wait3A_143 : memref<1x128x128xi32, #tpu.memory_space<vmem>> -> memref<128x128xi32, #tpu.memory_space<vmem>>
    %dma_wait3A_145 = arith.constant 0 : i32
    %dma_wait3A_146 = tpu.memref_slice %arg4[%add3A_82, %dma_wait3A_145] : memref<12288x128xi32, #tpu.memory_space<hbm>> -> memref<128x128xi32, #tpu.memory_space<hbm>>
    %dma_wait3A_147 = arith.constant 0 : i32
    %dma_wait3A_148 = tpu.memref_slice %arg4[%add3A_82, %dma_wait3A_147] : memref<12288x128xi32, #tpu.memory_space<hbm>> -> memref<128x128xi32, #tpu.memory_space<hbm>>
    %dma_wait3A_149 = arith.constant 0 : i32
    %dma_wait3A_150 = arith.constant 0 : i32
    %dma_wait3A_151 = tpu.memref_slice %arg7[%dma_wait3A_140, %dma_wait3A_149, %dma_wait3A_150] : memref<2x128x128xi32, #tpu.memory_space<vmem>> -> memref<1x128x128xi32, #tpu.memory_space<vmem>>
    %dma_wait3A_152 = tpu.memref_squeeze %dma_wait3A_151 : memref<1x128x128xi32, #tpu.memory_space<vmem>> -> memref<128x128xi32, #tpu.memory_space<vmem>>
    tpu.wait_dma2 semaphore(%arg11 : memref<!tpu.dma_semaphore, #tpu.memory_space<semaphore_mem>>) src(%dma_wait3A_152 : memref<128x128xi32, #tpu.memory_space<vmem>>) dst(%dma_wait3A_148 : memref<128x128xi32, #tpu.memory_space<hbm>>)
    %dma_wait3A_153 = arith.constant 0 : i32
    %dma_wait3A_154 = arith.constant 0 : i32
    %dma_wait3A_155 = arith.constant 0 : i32
    %dma_wait3A_156 = tpu.memref_slice %arg7[%dma_wait3A_153, %dma_wait3A_154, %dma_wait3A_155] : memref<2x128x128xi32, #tpu.memory_space<vmem>> -> memref<1x128x128xi32, #tpu.memory_space<vmem>>
    %dma_wait3A_157 = tpu.memref_squeeze %dma_wait3A_156 : memref<1x128x128xi32, #tpu.memory_space<vmem>> -> memref<128x128xi32, #tpu.memory_space<vmem>>
    %dma_wait3A_158 = arith.constant 0 : i32
    %dma_wait3A_159 = tpu.memref_slice %arg4[%add3A_126, %dma_wait3A_158] : memref<12288x128xi32, #tpu.memory_space<hbm>> -> memref<128x128xi32, #tpu.memory_space<hbm>>
    %dma_wait3A_160 = arith.constant 0 : i32
    %dma_wait3A_161 = tpu.memref_slice %arg4[%add3A_126, %dma_wait3A_160] : memref<12288x128xi32, #tpu.memory_space<hbm>> -> memref<128x128xi32, #tpu.memory_space<hbm>>
    %dma_wait3A_162 = arith.constant 0 : i32
    %dma_wait3A_163 = arith.constant 0 : i32
    %dma_wait3A_164 = tpu.memref_slice %arg7[%dma_wait3A_153, %dma_wait3A_162, %dma_wait3A_163] : memref<2x128x128xi32, #tpu.memory_space<vmem>> -> memref<1x128x128xi32, #tpu.memory_space<vmem>>
    %dma_wait3A_165 = tpu.memref_squeeze %dma_wait3A_164 : memref<1x128x128xi32, #tpu.memory_space<vmem>> -> memref<128x128xi32, #tpu.memory_space<vmem>>
    tpu.wait_dma2 semaphore(%arg10 : memref<!tpu.dma_semaphore, #tpu.memory_space<semaphore_mem>>) src(%dma_wait3A_165 : memref<128x128xi32, #tpu.memory_space<vmem>>) dst(%dma_wait3A_161 : memref<128x128xi32, #tpu.memory_space<hbm>>)
    return
  }
}

module attributes {stable_mosaic.version = 14 : i64} {
  func.func @_mlp_body(%arg0: i32, %arg1: memref<6x1024x128xi32, #tpu.memory_space<vmem>>, %arg2: memref<6x128x128xf32, #tpu.memory_space<vmem>>, %arg3: memref<1x128xf32, #tpu.memory_space<vmem>>, %arg4: memref<128x91xf32, #tpu.memory_space<vmem>>, %arg5: memref<1x91xf32, #tpu.memory_space<vmem>>, %arg6: memref<2048x91xf32, #tpu.memory_space<vmem>>) attributes {dimension_semantics = [#tpu.dimension_semantics<arbitrary>], iteration_bounds = array<i64: 6>, scalar_prefetch = 0 : i64, scratch_operands = 0 : i64, tpu.core_type = #tpu.core_type<tc>, window_params = [{transform_indices = @transform_0, window_bounds = array<i64: 6, 1024, 128>}, {pipeline_mode = #tpu.pipeline_mode<synchronous>, transform_indices = @transform_1, window_bounds = array<i64: 6, 128, 128>}, {pipeline_mode = #tpu.pipeline_mode<synchronous>, transform_indices = @transform_2, window_bounds = array<i64: 1, 128>}, {pipeline_mode = #tpu.pipeline_mode<synchronous>, transform_indices = @transform_3, window_bounds = array<i64: 128, 91>}, {pipeline_mode = #tpu.pipeline_mode<synchronous>, transform_indices = @transform_4, window_bounds = array<i64: 1, 91>}, {transform_indices = @transform_5, window_bounds = array<i64: 2048, 91>}]} {
    %get3A = arith.constant 0 : index
    %get3A_0 = arith.constant 0 : index
    %get3A_1 = arith.constant 0 : index
    %get3A_2 = vector.load %arg1[%get3A, %get3A_0, %get3A_1] : memref<6x1024x128xi32, #tpu.memory_space<vmem>>, vector<1x1024x128xi32>
    %get3A_3 = vector.shape_cast %get3A_2 : vector<1x1024x128xi32> to vector<1024x128xi32>
    %shift_left3A = arith.constant 16 : i32
    %shift_left3A_4 = vector.broadcast %shift_left3A : i32 to vector<1024x128xi32>
    %shift_left3A_5 = arith.shli %get3A_3, %shift_left3A_4 : vector<1024x128xi32>
    %bitcast_convert_type3A = tpu.bitcast %shift_left3A_5 : vector<1024x128xi32> -> vector<1024x128xf32>
    %and3A = arith.constant -65536 : i32
    %and3A_6 = vector.broadcast %and3A : i32 to vector<1024x128xi32>
    %and3A_7 = arith.andi %get3A_3, %and3A_6 : vector<1024x128xi32>
    %bitcast_convert_type3A_8 = tpu.bitcast %and3A_7 : vector<1024x128xi32> -> vector<1024x128xf32>
    %reshape3A = vector.shape_cast %bitcast_convert_type3A : vector<1024x128xf32> to vector<8x128x128xf32>
    %reshape3A_9 = vector.shape_cast %bitcast_convert_type3A_8 : vector<1024x128xf32> to vector<8x128x128xf32>
    %concatenate3A = tpu.concatenate %reshape3A, %reshape3A_9 in 1 : vector<8x128x128xf32>, vector<8x128x128xf32> -> vector<8x256x128xf32>
    %reshape3A_10 = vector.shape_cast %concatenate3A : vector<8x256x128xf32> to vector<2048x128xf32>
    %get3A_11 = arith.constant 0 : index
    %get3A_12 = arith.constant 0 : index
    %get3A_13 = arith.constant 0 : index
    %get3A_14 = vector.load %arg2[%get3A_11, %get3A_12, %get3A_13] : memref<6x128x128xf32, #tpu.memory_space<vmem>>, vector<1x128x128xf32>
    %get3A_15 = vector.shape_cast %get3A_14 : vector<1x128x128xf32> to vector<128x128xf32>
    %dot_general3A = arith.constant dense<0.000000e+00> : vector<2048x128xf32>
    %dot_general3A_16 = tpu.matmul %reshape3A_10, %get3A_15, %dot_general3A {dimension_numbers = #tpu.dot_dimension_numbers<[1], [0], [0], [1], [0, 0, 1, 1], [], []>, transpose_lhs_hint = false} : vector<2048x128xf32>, vector<128x128xf32>, vector<2048x128xf32> -> vector<2048x128xf32>
    %get3A_17 = arith.constant 1 : index
    %get3A_18 = arith.constant 0 : index
    %get3A_19 = arith.constant 0 : index
    %get3A_20 = vector.load %arg1[%get3A_17, %get3A_18, %get3A_19] : memref<6x1024x128xi32, #tpu.memory_space<vmem>>, vector<1x1024x128xi32>
    %get3A_21 = vector.shape_cast %get3A_20 : vector<1x1024x128xi32> to vector<1024x128xi32>
    %shift_left3A_22 = arith.constant 16 : i32
    %shift_left3A_23 = vector.broadcast %shift_left3A_22 : i32 to vector<1024x128xi32>
    %shift_left3A_24 = arith.shli %get3A_21, %shift_left3A_23 : vector<1024x128xi32>
    %bitcast_convert_type3A_25 = tpu.bitcast %shift_left3A_24 : vector<1024x128xi32> -> vector<1024x128xf32>
    %and3A_26 = arith.constant -65536 : i32
    %and3A_27 = vector.broadcast %and3A_26 : i32 to vector<1024x128xi32>
    %and3A_28 = arith.andi %get3A_21, %and3A_27 : vector<1024x128xi32>
    %bitcast_convert_type3A_29 = tpu.bitcast %and3A_28 : vector<1024x128xi32> -> vector<1024x128xf32>
    %reshape3A_30 = vector.shape_cast %bitcast_convert_type3A_25 : vector<1024x128xf32> to vector<8x128x128xf32>
    %reshape3A_31 = vector.shape_cast %bitcast_convert_type3A_29 : vector<1024x128xf32> to vector<8x128x128xf32>
    %concatenate3A_32 = tpu.concatenate %reshape3A_30, %reshape3A_31 in 1 : vector<8x128x128xf32>, vector<8x128x128xf32> -> vector<8x256x128xf32>
    %reshape3A_33 = vector.shape_cast %concatenate3A_32 : vector<8x256x128xf32> to vector<2048x128xf32>
    %get3A_34 = arith.constant 1 : index
    %get3A_35 = arith.constant 0 : index
    %get3A_36 = arith.constant 0 : index
    %get3A_37 = vector.load %arg2[%get3A_34, %get3A_35, %get3A_36] : memref<6x128x128xf32, #tpu.memory_space<vmem>>, vector<1x128x128xf32>
    %get3A_38 = vector.shape_cast %get3A_37 : vector<1x128x128xf32> to vector<128x128xf32>
    %dot_general3A_39 = arith.constant dense<0.000000e+00> : vector<2048x128xf32>
    %dot_general3A_40 = tpu.matmul %reshape3A_33, %get3A_38, %dot_general3A_39 {dimension_numbers = #tpu.dot_dimension_numbers<[1], [0], [0], [1], [0, 0, 1, 1], [], []>, transpose_lhs_hint = false} : vector<2048x128xf32>, vector<128x128xf32>, vector<2048x128xf32> -> vector<2048x128xf32>
    %add3A = arith.addf %dot_general3A_16, %dot_general3A_40 : vector<2048x128xf32>
    %get3A_41 = arith.constant 2 : index
    %get3A_42 = arith.constant 0 : index
    %get3A_43 = arith.constant 0 : index
    %get3A_44 = vector.load %arg1[%get3A_41, %get3A_42, %get3A_43] : memref<6x1024x128xi32, #tpu.memory_space<vmem>>, vector<1x1024x128xi32>
    %get3A_45 = vector.shape_cast %get3A_44 : vector<1x1024x128xi32> to vector<1024x128xi32>
    %shift_left3A_46 = arith.constant 16 : i32
    %shift_left3A_47 = vector.broadcast %shift_left3A_46 : i32 to vector<1024x128xi32>
    %shift_left3A_48 = arith.shli %get3A_45, %shift_left3A_47 : vector<1024x128xi32>
    %bitcast_convert_type3A_49 = tpu.bitcast %shift_left3A_48 : vector<1024x128xi32> -> vector<1024x128xf32>
    %and3A_50 = arith.constant -65536 : i32
    %and3A_51 = vector.broadcast %and3A_50 : i32 to vector<1024x128xi32>
    %and3A_52 = arith.andi %get3A_45, %and3A_51 : vector<1024x128xi32>
    %bitcast_convert_type3A_53 = tpu.bitcast %and3A_52 : vector<1024x128xi32> -> vector<1024x128xf32>
    %reshape3A_54 = vector.shape_cast %bitcast_convert_type3A_49 : vector<1024x128xf32> to vector<8x128x128xf32>
    %reshape3A_55 = vector.shape_cast %bitcast_convert_type3A_53 : vector<1024x128xf32> to vector<8x128x128xf32>
    %concatenate3A_56 = tpu.concatenate %reshape3A_54, %reshape3A_55 in 1 : vector<8x128x128xf32>, vector<8x128x128xf32> -> vector<8x256x128xf32>
    %reshape3A_57 = vector.shape_cast %concatenate3A_56 : vector<8x256x128xf32> to vector<2048x128xf32>
    %get3A_58 = arith.constant 2 : index
    %get3A_59 = arith.constant 0 : index
    %get3A_60 = arith.constant 0 : index
    %get3A_61 = vector.load %arg2[%get3A_58, %get3A_59, %get3A_60] : memref<6x128x128xf32, #tpu.memory_space<vmem>>, vector<1x128x128xf32>
    %get3A_62 = vector.shape_cast %get3A_61 : vector<1x128x128xf32> to vector<128x128xf32>
    %dot_general3A_63 = arith.constant dense<0.000000e+00> : vector<2048x128xf32>
    %dot_general3A_64 = tpu.matmul %reshape3A_57, %get3A_62, %dot_general3A_63 {dimension_numbers = #tpu.dot_dimension_numbers<[1], [0], [0], [1], [0, 0, 1, 1], [], []>, transpose_lhs_hint = false} : vector<2048x128xf32>, vector<128x128xf32>, vector<2048x128xf32> -> vector<2048x128xf32>
    %add3A_65 = arith.addf %add3A, %dot_general3A_64 : vector<2048x128xf32>
    %get3A_66 = arith.constant 3 : index
    %get3A_67 = arith.constant 0 : index
    %get3A_68 = arith.constant 0 : index
    %get3A_69 = vector.load %arg1[%get3A_66, %get3A_67, %get3A_68] : memref<6x1024x128xi32, #tpu.memory_space<vmem>>, vector<1x1024x128xi32>
    %get3A_70 = vector.shape_cast %get3A_69 : vector<1x1024x128xi32> to vector<1024x128xi32>
    %shift_left3A_71 = arith.constant 16 : i32
    %shift_left3A_72 = vector.broadcast %shift_left3A_71 : i32 to vector<1024x128xi32>
    %shift_left3A_73 = arith.shli %get3A_70, %shift_left3A_72 : vector<1024x128xi32>
    %bitcast_convert_type3A_74 = tpu.bitcast %shift_left3A_73 : vector<1024x128xi32> -> vector<1024x128xf32>
    %and3A_75 = arith.constant -65536 : i32
    %and3A_76 = vector.broadcast %and3A_75 : i32 to vector<1024x128xi32>
    %and3A_77 = arith.andi %get3A_70, %and3A_76 : vector<1024x128xi32>
    %bitcast_convert_type3A_78 = tpu.bitcast %and3A_77 : vector<1024x128xi32> -> vector<1024x128xf32>
    %reshape3A_79 = vector.shape_cast %bitcast_convert_type3A_74 : vector<1024x128xf32> to vector<8x128x128xf32>
    %reshape3A_80 = vector.shape_cast %bitcast_convert_type3A_78 : vector<1024x128xf32> to vector<8x128x128xf32>
    %concatenate3A_81 = tpu.concatenate %reshape3A_79, %reshape3A_80 in 1 : vector<8x128x128xf32>, vector<8x128x128xf32> -> vector<8x256x128xf32>
    %reshape3A_82 = vector.shape_cast %concatenate3A_81 : vector<8x256x128xf32> to vector<2048x128xf32>
    %get3A_83 = arith.constant 3 : index
    %get3A_84 = arith.constant 0 : index
    %get3A_85 = arith.constant 0 : index
    %get3A_86 = vector.load %arg2[%get3A_83, %get3A_84, %get3A_85] : memref<6x128x128xf32, #tpu.memory_space<vmem>>, vector<1x128x128xf32>
    %get3A_87 = vector.shape_cast %get3A_86 : vector<1x128x128xf32> to vector<128x128xf32>
    %dot_general3A_88 = arith.constant dense<0.000000e+00> : vector<2048x128xf32>
    %dot_general3A_89 = tpu.matmul %reshape3A_82, %get3A_87, %dot_general3A_88 {dimension_numbers = #tpu.dot_dimension_numbers<[1], [0], [0], [1], [0, 0, 1, 1], [], []>, transpose_lhs_hint = false} : vector<2048x128xf32>, vector<128x128xf32>, vector<2048x128xf32> -> vector<2048x128xf32>
    %add3A_90 = arith.addf %add3A_65, %dot_general3A_89 : vector<2048x128xf32>
    %get3A_91 = arith.constant 4 : index
    %get3A_92 = arith.constant 0 : index
    %get3A_93 = arith.constant 0 : index
    %get3A_94 = vector.load %arg1[%get3A_91, %get3A_92, %get3A_93] : memref<6x1024x128xi32, #tpu.memory_space<vmem>>, vector<1x1024x128xi32>
    %get3A_95 = vector.shape_cast %get3A_94 : vector<1x1024x128xi32> to vector<1024x128xi32>
    %shift_left3A_96 = arith.constant 16 : i32
    %shift_left3A_97 = vector.broadcast %shift_left3A_96 : i32 to vector<1024x128xi32>
    %shift_left3A_98 = arith.shli %get3A_95, %shift_left3A_97 : vector<1024x128xi32>
    %bitcast_convert_type3A_99 = tpu.bitcast %shift_left3A_98 : vector<1024x128xi32> -> vector<1024x128xf32>
    %and3A_100 = arith.constant -65536 : i32
    %and3A_101 = vector.broadcast %and3A_100 : i32 to vector<1024x128xi32>
    %and3A_102 = arith.andi %get3A_95, %and3A_101 : vector<1024x128xi32>
    %bitcast_convert_type3A_103 = tpu.bitcast %and3A_102 : vector<1024x128xi32> -> vector<1024x128xf32>
    %reshape3A_104 = vector.shape_cast %bitcast_convert_type3A_99 : vector<1024x128xf32> to vector<8x128x128xf32>
    %reshape3A_105 = vector.shape_cast %bitcast_convert_type3A_103 : vector<1024x128xf32> to vector<8x128x128xf32>
    %concatenate3A_106 = tpu.concatenate %reshape3A_104, %reshape3A_105 in 1 : vector<8x128x128xf32>, vector<8x128x128xf32> -> vector<8x256x128xf32>
    %reshape3A_107 = vector.shape_cast %concatenate3A_106 : vector<8x256x128xf32> to vector<2048x128xf32>
    %get3A_108 = arith.constant 4 : index
    %get3A_109 = arith.constant 0 : index
    %get3A_110 = arith.constant 0 : index
    %get3A_111 = vector.load %arg2[%get3A_108, %get3A_109, %get3A_110] : memref<6x128x128xf32, #tpu.memory_space<vmem>>, vector<1x128x128xf32>
    %get3A_112 = vector.shape_cast %get3A_111 : vector<1x128x128xf32> to vector<128x128xf32>
    %dot_general3A_113 = arith.constant dense<0.000000e+00> : vector<2048x128xf32>
    %dot_general3A_114 = tpu.matmul %reshape3A_107, %get3A_112, %dot_general3A_113 {dimension_numbers = #tpu.dot_dimension_numbers<[1], [0], [0], [1], [0, 0, 1, 1], [], []>, transpose_lhs_hint = false} : vector<2048x128xf32>, vector<128x128xf32>, vector<2048x128xf32> -> vector<2048x128xf32>
    %add3A_115 = arith.addf %add3A_90, %dot_general3A_114 : vector<2048x128xf32>
    %get3A_116 = arith.constant 5 : index
    %get3A_117 = arith.constant 0 : index
    %get3A_118 = arith.constant 0 : index
    %get3A_119 = vector.load %arg1[%get3A_116, %get3A_117, %get3A_118] : memref<6x1024x128xi32, #tpu.memory_space<vmem>>, vector<1x1024x128xi32>
    %get3A_120 = vector.shape_cast %get3A_119 : vector<1x1024x128xi32> to vector<1024x128xi32>
    %shift_left3A_121 = arith.constant 16 : i32
    %shift_left3A_122 = vector.broadcast %shift_left3A_121 : i32 to vector<1024x128xi32>
    %shift_left3A_123 = arith.shli %get3A_120, %shift_left3A_122 : vector<1024x128xi32>
    %bitcast_convert_type3A_124 = tpu.bitcast %shift_left3A_123 : vector<1024x128xi32> -> vector<1024x128xf32>
    %and3A_125 = arith.constant -65536 : i32
    %and3A_126 = vector.broadcast %and3A_125 : i32 to vector<1024x128xi32>
    %and3A_127 = arith.andi %get3A_120, %and3A_126 : vector<1024x128xi32>
    %bitcast_convert_type3A_128 = tpu.bitcast %and3A_127 : vector<1024x128xi32> -> vector<1024x128xf32>
    %reshape3A_129 = vector.shape_cast %bitcast_convert_type3A_124 : vector<1024x128xf32> to vector<8x128x128xf32>
    %reshape3A_130 = vector.shape_cast %bitcast_convert_type3A_128 : vector<1024x128xf32> to vector<8x128x128xf32>
    %concatenate3A_131 = tpu.concatenate %reshape3A_129, %reshape3A_130 in 1 : vector<8x128x128xf32>, vector<8x128x128xf32> -> vector<8x256x128xf32>
    %reshape3A_132 = vector.shape_cast %concatenate3A_131 : vector<8x256x128xf32> to vector<2048x128xf32>
    %get3A_133 = arith.constant 5 : index
    %get3A_134 = arith.constant 0 : index
    %get3A_135 = arith.constant 0 : index
    %get3A_136 = vector.load %arg2[%get3A_133, %get3A_134, %get3A_135] : memref<6x128x128xf32, #tpu.memory_space<vmem>>, vector<1x128x128xf32>
    %get3A_137 = vector.shape_cast %get3A_136 : vector<1x128x128xf32> to vector<128x128xf32>
    %dot_general3A_138 = arith.constant dense<0.000000e+00> : vector<2048x128xf32>
    %dot_general3A_139 = tpu.matmul %reshape3A_132, %get3A_137, %dot_general3A_138 {dimension_numbers = #tpu.dot_dimension_numbers<[1], [0], [0], [1], [0, 0, 1, 1], [], []>, transpose_lhs_hint = false} : vector<2048x128xf32>, vector<128x128xf32>, vector<2048x128xf32> -> vector<2048x128xf32>
    %add3A_140 = arith.addf %add3A_115, %dot_general3A_139 : vector<2048x128xf32>
    %get3A_141 = arith.constant 0 : index
    %get3A_142 = arith.constant 0 : index
    %get3A_143 = vector.load %arg3[%get3A_141, %get3A_142] : memref<1x128xf32, #tpu.memory_space<vmem>>, vector<1x128xf32>
    %add3A_144 = vector.broadcast %get3A_143 : vector<1x128xf32> to vector<2048x128xf32>
    %add3A_145 = arith.addf %add3A_140, %add3A_144 : vector<2048x128xf32>
    %max3A = arith.constant 0.000000e+00 : f32
    %max3A_146 = vector.broadcast %max3A : f32 to vector<2048x128xf32>
    %max3A_147 = arith.maximumf %add3A_145, %max3A_146 : vector<2048x128xf32>
    %get3A_148 = arith.constant 0 : index
    %get3A_149 = arith.constant 0 : index
    %get3A_150 = vector.load %arg4[%get3A_148, %get3A_149] : memref<128x91xf32, #tpu.memory_space<vmem>>, vector<128x91xf32>
    %dot_general3A_151 = arith.constant dense<0.000000e+00> : vector<2048x91xf32>
    %dot_general3A_152 = tpu.matmul %max3A_147, %get3A_150, %dot_general3A_151 {dimension_numbers = #tpu.dot_dimension_numbers<[1], [0], [0], [1], [0, 0, 1, 1], [], []>, transpose_lhs_hint = false} : vector<2048x128xf32>, vector<128x91xf32>, vector<2048x91xf32> -> vector<2048x91xf32>
    %get3A_153 = arith.constant 0 : index
    %get3A_154 = arith.constant 0 : index
    %get3A_155 = vector.load %arg5[%get3A_153, %get3A_154] : memref<1x91xf32, #tpu.memory_space<vmem>>, vector<1x91xf32>
    %add3A_156 = vector.broadcast %get3A_155 : vector<1x91xf32> to vector<2048x91xf32>
    %add3A_157 = arith.addf %dot_general3A_152, %add3A_156 : vector<2048x91xf32>
    %swap3A = arith.constant 0 : index
    %swap3A_158 = arith.constant 0 : index
    %swap3A_159 = vector.load %arg6[%swap3A, %swap3A_158] : memref<2048x91xf32, #tpu.memory_space<vmem>>, vector<2048x91xf32>
    tpu.vector_store %arg6[%swap3A, %swap3A_158], %add3A_157 {strides = array<i32>} : memref<2048x91xf32, #tpu.memory_space<vmem>>, vector<2048x91xf32>,
    return
  }
  func.func @transform_0(%arg0: i32) -> (i32, i32, i32) {
    %c0_i32 = arith.constant 0 : i32
    %c0_i32_0 = arith.constant 0 : i32
    %c0_i32_1 = arith.constant 0 : i32
    return %c0_i32, %arg0, %c0_i32_0 : i32, i32, i32
  }
  func.func @transform_1(%arg0: i32) -> (i32, i32, i32) {
    %c0_i32 = arith.constant 0 : i32
    %c0_i32_0 = arith.constant 0 : i32
    %c0_i32_1 = arith.constant 0 : i32
    %c0_i32_2 = arith.constant 0 : i32
    return %c0_i32, %c0_i32_0, %c0_i32_1 : i32, i32, i32
  }
  func.func @transform_2(%arg0: i32) -> (i32, i32) {
    %c0_i32 = arith.constant 0 : i32
    %c0_i32_0 = arith.constant 0 : i32
    %c0_i32_1 = arith.constant 0 : i32
    return %c0_i32, %c0_i32_0 : i32, i32
  }
  func.func @transform_3(%arg0: i32) -> (i32, i32) {
    %c0_i32 = arith.constant 0 : i32
    %c0_i32_0 = arith.constant 0 : i32
    %c0_i32_1 = arith.constant 0 : i32
    return %c0_i32, %c0_i32_0 : i32, i32
  }
  func.func @transform_4(%arg0: i32) -> (i32, i32) {
    %c0_i32 = arith.constant 0 : i32
    %c0_i32_0 = arith.constant 0 : i32
    %c0_i32_1 = arith.constant 0 : i32
    return %c0_i32, %c0_i32_0 : i32, i32
  }
  func.func @transform_5(%arg0: i32) -> (i32, i32) {
    %add3A = arith.constant 0 : i32
    %add3A_0 = arith.addi %add3A, %arg0 : i32
    %c0_i32 = arith.constant 0 : i32
    %c0_i32_1 = arith.constant 0 : i32
    return %add3A_0, %c0_i32 : i32, i32
  }
}

module attributes {stable_mosaic.version = 14 : i64} {
  func.func @_mlp_body_acc(%arg0: i32, %arg1: memref<16384x91xf32, #tpu.memory_space<any>>, %arg2: memref<6x1024x128xi32, #tpu.memory_space<vmem>>, %arg3: memref<6x128x128xf32, #tpu.memory_space<vmem>>, %arg4: memref<1x128xf32, #tpu.memory_space<vmem>>, %arg5: memref<128x91xf32, #tpu.memory_space<vmem>>, %arg6: memref<1x91xf32, #tpu.memory_space<vmem>>, %arg7: memref<2048x91xf32, #tpu.memory_space<vmem>>) attributes {dimension_semantics = [#tpu.dimension_semantics<arbitrary>], iteration_bounds = array<i64: 2>, scalar_prefetch = 0 : i64, scratch_operands = 0 : i64, tpu.core_type = #tpu.core_type<tc>, window_params = [{}, {transform_indices = @transform_1, window_bounds = array<i64: 6, 1024, 128>}, {pipeline_mode = #tpu.pipeline_mode<synchronous>, transform_indices = @transform_2, window_bounds = array<i64: 6, 128, 128>}, {pipeline_mode = #tpu.pipeline_mode<synchronous>, transform_indices = @transform_3, window_bounds = array<i64: 1, 128>}, {pipeline_mode = #tpu.pipeline_mode<synchronous>, transform_indices = @transform_4, window_bounds = array<i64: 128, 91>}, {pipeline_mode = #tpu.pipeline_mode<synchronous>, transform_indices = @transform_5, window_bounds = array<i64: 1, 91>}, {transform_indices = @transform_6, window_bounds = array<i64: 2048, 91>}]} {
    %get3A = arith.constant 0 : index
    %get3A_0 = arith.constant 0 : index
    %get3A_1 = arith.constant 0 : index
    %get3A_2 = vector.load %arg2[%get3A, %get3A_0, %get3A_1] : memref<6x1024x128xi32, #tpu.memory_space<vmem>>, vector<1x1024x128xi32>
    %get3A_3 = vector.shape_cast %get3A_2 : vector<1x1024x128xi32> to vector<1024x128xi32>
    %shift_left3A = arith.constant 16 : i32
    %shift_left3A_4 = vector.broadcast %shift_left3A : i32 to vector<1024x128xi32>
    %shift_left3A_5 = arith.shli %get3A_3, %shift_left3A_4 : vector<1024x128xi32>
    %bitcast_convert_type3A = tpu.bitcast %shift_left3A_5 : vector<1024x128xi32> -> vector<1024x128xf32>
    %and3A = arith.constant -65536 : i32
    %and3A_6 = vector.broadcast %and3A : i32 to vector<1024x128xi32>
    %and3A_7 = arith.andi %get3A_3, %and3A_6 : vector<1024x128xi32>
    %bitcast_convert_type3A_8 = tpu.bitcast %and3A_7 : vector<1024x128xi32> -> vector<1024x128xf32>
    %reshape3A = vector.shape_cast %bitcast_convert_type3A : vector<1024x128xf32> to vector<8x128x128xf32>
    %reshape3A_9 = vector.shape_cast %bitcast_convert_type3A_8 : vector<1024x128xf32> to vector<8x128x128xf32>
    %concatenate3A = tpu.concatenate %reshape3A, %reshape3A_9 in 1 : vector<8x128x128xf32>, vector<8x128x128xf32> -> vector<8x256x128xf32>
    %reshape3A_10 = vector.shape_cast %concatenate3A : vector<8x256x128xf32> to vector<2048x128xf32>
    %get3A_11 = arith.constant 0 : index
    %get3A_12 = arith.constant 0 : index
    %get3A_13 = arith.constant 0 : index
    %get3A_14 = vector.load %arg3[%get3A_11, %get3A_12, %get3A_13] : memref<6x128x128xf32, #tpu.memory_space<vmem>>, vector<1x128x128xf32>
    %get3A_15 = vector.shape_cast %get3A_14 : vector<1x128x128xf32> to vector<128x128xf32>
    %dot_general3A = arith.constant dense<0.000000e+00> : vector<2048x128xf32>
    %dot_general3A_16 = tpu.matmul %reshape3A_10, %get3A_15, %dot_general3A {dimension_numbers = #tpu.dot_dimension_numbers<[1], [0], [0], [1], [0, 0, 1, 1], [], []>, transpose_lhs_hint = false} : vector<2048x128xf32>, vector<128x128xf32>, vector<2048x128xf32> -> vector<2048x128xf32>
    %get3A_17 = arith.constant 1 : index
    %get3A_18 = arith.constant 0 : index
    %get3A_19 = arith.constant 0 : index
    %get3A_20 = vector.load %arg2[%get3A_17, %get3A_18, %get3A_19] : memref<6x1024x128xi32, #tpu.memory_space<vmem>>, vector<1x1024x128xi32>
    %get3A_21 = vector.shape_cast %get3A_20 : vector<1x1024x128xi32> to vector<1024x128xi32>
    %shift_left3A_22 = arith.constant 16 : i32
    %shift_left3A_23 = vector.broadcast %shift_left3A_22 : i32 to vector<1024x128xi32>
    %shift_left3A_24 = arith.shli %get3A_21, %shift_left3A_23 : vector<1024x128xi32>
    %bitcast_convert_type3A_25 = tpu.bitcast %shift_left3A_24 : vector<1024x128xi32> -> vector<1024x128xf32>
    %and3A_26 = arith.constant -65536 : i32
    %and3A_27 = vector.broadcast %and3A_26 : i32 to vector<1024x128xi32>
    %and3A_28 = arith.andi %get3A_21, %and3A_27 : vector<1024x128xi32>
    %bitcast_convert_type3A_29 = tpu.bitcast %and3A_28 : vector<1024x128xi32> -> vector<1024x128xf32>
    %reshape3A_30 = vector.shape_cast %bitcast_convert_type3A_25 : vector<1024x128xf32> to vector<8x128x128xf32>
    %reshape3A_31 = vector.shape_cast %bitcast_convert_type3A_29 : vector<1024x128xf32> to vector<8x128x128xf32>
    %concatenate3A_32 = tpu.concatenate %reshape3A_30, %reshape3A_31 in 1 : vector<8x128x128xf32>, vector<8x128x128xf32> -> vector<8x256x128xf32>
    %reshape3A_33 = vector.shape_cast %concatenate3A_32 : vector<8x256x128xf32> to vector<2048x128xf32>
    %get3A_34 = arith.constant 1 : index
    %get3A_35 = arith.constant 0 : index
    %get3A_36 = arith.constant 0 : index
    %get3A_37 = vector.load %arg3[%get3A_34, %get3A_35, %get3A_36] : memref<6x128x128xf32, #tpu.memory_space<vmem>>, vector<1x128x128xf32>
    %get3A_38 = vector.shape_cast %get3A_37 : vector<1x128x128xf32> to vector<128x128xf32>
    %dot_general3A_39 = arith.constant dense<0.000000e+00> : vector<2048x128xf32>
    %dot_general3A_40 = tpu.matmul %reshape3A_33, %get3A_38, %dot_general3A_39 {dimension_numbers = #tpu.dot_dimension_numbers<[1], [0], [0], [1], [0, 0, 1, 1], [], []>, transpose_lhs_hint = false} : vector<2048x128xf32>, vector<128x128xf32>, vector<2048x128xf32> -> vector<2048x128xf32>
    %add3A = arith.addf %dot_general3A_16, %dot_general3A_40 : vector<2048x128xf32>
    %get3A_41 = arith.constant 2 : index
    %get3A_42 = arith.constant 0 : index
    %get3A_43 = arith.constant 0 : index
    %get3A_44 = vector.load %arg2[%get3A_41, %get3A_42, %get3A_43] : memref<6x1024x128xi32, #tpu.memory_space<vmem>>, vector<1x1024x128xi32>
    %get3A_45 = vector.shape_cast %get3A_44 : vector<1x1024x128xi32> to vector<1024x128xi32>
    %shift_left3A_46 = arith.constant 16 : i32
    %shift_left3A_47 = vector.broadcast %shift_left3A_46 : i32 to vector<1024x128xi32>
    %shift_left3A_48 = arith.shli %get3A_45, %shift_left3A_47 : vector<1024x128xi32>
    %bitcast_convert_type3A_49 = tpu.bitcast %shift_left3A_48 : vector<1024x128xi32> -> vector<1024x128xf32>
    %and3A_50 = arith.constant -65536 : i32
    %and3A_51 = vector.broadcast %and3A_50 : i32 to vector<1024x128xi32>
    %and3A_52 = arith.andi %get3A_45, %and3A_51 : vector<1024x128xi32>
    %bitcast_convert_type3A_53 = tpu.bitcast %and3A_52 : vector<1024x128xi32> -> vector<1024x128xf32>
    %reshape3A_54 = vector.shape_cast %bitcast_convert_type3A_49 : vector<1024x128xf32> to vector<8x128x128xf32>
    %reshape3A_55 = vector.shape_cast %bitcast_convert_type3A_53 : vector<1024x128xf32> to vector<8x128x128xf32>
    %concatenate3A_56 = tpu.concatenate %reshape3A_54, %reshape3A_55 in 1 : vector<8x128x128xf32>, vector<8x128x128xf32> -> vector<8x256x128xf32>
    %reshape3A_57 = vector.shape_cast %concatenate3A_56 : vector<8x256x128xf32> to vector<2048x128xf32>
    %get3A_58 = arith.constant 2 : index
    %get3A_59 = arith.constant 0 : index
    %get3A_60 = arith.constant 0 : index
    %get3A_61 = vector.load %arg3[%get3A_58, %get3A_59, %get3A_60] : memref<6x128x128xf32, #tpu.memory_space<vmem>>, vector<1x128x128xf32>
    %get3A_62 = vector.shape_cast %get3A_61 : vector<1x128x128xf32> to vector<128x128xf32>
    %dot_general3A_63 = arith.constant dense<0.000000e+00> : vector<2048x128xf32>
    %dot_general3A_64 = tpu.matmul %reshape3A_57, %get3A_62, %dot_general3A_63 {dimension_numbers = #tpu.dot_dimension_numbers<[1], [0], [0], [1], [0, 0, 1, 1], [], []>, transpose_lhs_hint = false} : vector<2048x128xf32>, vector<128x128xf32>, vector<2048x128xf32> -> vector<2048x128xf32>
    %add3A_65 = arith.addf %add3A, %dot_general3A_64 : vector<2048x128xf32>
    %get3A_66 = arith.constant 3 : index
    %get3A_67 = arith.constant 0 : index
    %get3A_68 = arith.constant 0 : index
    %get3A_69 = vector.load %arg2[%get3A_66, %get3A_67, %get3A_68] : memref<6x1024x128xi32, #tpu.memory_space<vmem>>, vector<1x1024x128xi32>
    %get3A_70 = vector.shape_cast %get3A_69 : vector<1x1024x128xi32> to vector<1024x128xi32>
    %shift_left3A_71 = arith.constant 16 : i32
    %shift_left3A_72 = vector.broadcast %shift_left3A_71 : i32 to vector<1024x128xi32>
    %shift_left3A_73 = arith.shli %get3A_70, %shift_left3A_72 : vector<1024x128xi32>
    %bitcast_convert_type3A_74 = tpu.bitcast %shift_left3A_73 : vector<1024x128xi32> -> vector<1024x128xf32>
    %and3A_75 = arith.constant -65536 : i32
    %and3A_76 = vector.broadcast %and3A_75 : i32 to vector<1024x128xi32>
    %and3A_77 = arith.andi %get3A_70, %and3A_76 : vector<1024x128xi32>
    %bitcast_convert_type3A_78 = tpu.bitcast %and3A_77 : vector<1024x128xi32> -> vector<1024x128xf32>
    %reshape3A_79 = vector.shape_cast %bitcast_convert_type3A_74 : vector<1024x128xf32> to vector<8x128x128xf32>
    %reshape3A_80 = vector.shape_cast %bitcast_convert_type3A_78 : vector<1024x128xf32> to vector<8x128x128xf32>
    %concatenate3A_81 = tpu.concatenate %reshape3A_79, %reshape3A_80 in 1 : vector<8x128x128xf32>, vector<8x128x128xf32> -> vector<8x256x128xf32>
    %reshape3A_82 = vector.shape_cast %concatenate3A_81 : vector<8x256x128xf32> to vector<2048x128xf32>
    %get3A_83 = arith.constant 3 : index
    %get3A_84 = arith.constant 0 : index
    %get3A_85 = arith.constant 0 : index
    %get3A_86 = vector.load %arg3[%get3A_83, %get3A_84, %get3A_85] : memref<6x128x128xf32, #tpu.memory_space<vmem>>, vector<1x128x128xf32>
    %get3A_87 = vector.shape_cast %get3A_86 : vector<1x128x128xf32> to vector<128x128xf32>
    %dot_general3A_88 = arith.constant dense<0.000000e+00> : vector<2048x128xf32>
    %dot_general3A_89 = tpu.matmul %reshape3A_82, %get3A_87, %dot_general3A_88 {dimension_numbers = #tpu.dot_dimension_numbers<[1], [0], [0], [1], [0, 0, 1, 1], [], []>, transpose_lhs_hint = false} : vector<2048x128xf32>, vector<128x128xf32>, vector<2048x128xf32> -> vector<2048x128xf32>
    %add3A_90 = arith.addf %add3A_65, %dot_general3A_89 : vector<2048x128xf32>
    %get3A_91 = arith.constant 4 : index
    %get3A_92 = arith.constant 0 : index
    %get3A_93 = arith.constant 0 : index
    %get3A_94 = vector.load %arg2[%get3A_91, %get3A_92, %get3A_93] : memref<6x1024x128xi32, #tpu.memory_space<vmem>>, vector<1x1024x128xi32>
    %get3A_95 = vector.shape_cast %get3A_94 : vector<1x1024x128xi32> to vector<1024x128xi32>
    %shift_left3A_96 = arith.constant 16 : i32
    %shift_left3A_97 = vector.broadcast %shift_left3A_96 : i32 to vector<1024x128xi32>
    %shift_left3A_98 = arith.shli %get3A_95, %shift_left3A_97 : vector<1024x128xi32>
    %bitcast_convert_type3A_99 = tpu.bitcast %shift_left3A_98 : vector<1024x128xi32> -> vector<1024x128xf32>
    %and3A_100 = arith.constant -65536 : i32
    %and3A_101 = vector.broadcast %and3A_100 : i32 to vector<1024x128xi32>
    %and3A_102 = arith.andi %get3A_95, %and3A_101 : vector<1024x128xi32>
    %bitcast_convert_type3A_103 = tpu.bitcast %and3A_102 : vector<1024x128xi32> -> vector<1024x128xf32>
    %reshape3A_104 = vector.shape_cast %bitcast_convert_type3A_99 : vector<1024x128xf32> to vector<8x128x128xf32>
    %reshape3A_105 = vector.shape_cast %bitcast_convert_type3A_103 : vector<1024x128xf32> to vector<8x128x128xf32>
    %concatenate3A_106 = tpu.concatenate %reshape3A_104, %reshape3A_105 in 1 : vector<8x128x128xf32>, vector<8x128x128xf32> -> vector<8x256x128xf32>
    %reshape3A_107 = vector.shape_cast %concatenate3A_106 : vector<8x256x128xf32> to vector<2048x128xf32>
    %get3A_108 = arith.constant 4 : index
    %get3A_109 = arith.constant 0 : index
    %get3A_110 = arith.constant 0 : index
    %get3A_111 = vector.load %arg3[%get3A_108, %get3A_109, %get3A_110] : memref<6x128x128xf32, #tpu.memory_space<vmem>>, vector<1x128x128xf32>
    %get3A_112 = vector.shape_cast %get3A_111 : vector<1x128x128xf32> to vector<128x128xf32>
    %dot_general3A_113 = arith.constant dense<0.000000e+00> : vector<2048x128xf32>
    %dot_general3A_114 = tpu.matmul %reshape3A_107, %get3A_112, %dot_general3A_113 {dimension_numbers = #tpu.dot_dimension_numbers<[1], [0], [0], [1], [0, 0, 1, 1], [], []>, transpose_lhs_hint = false} : vector<2048x128xf32>, vector<128x128xf32>, vector<2048x128xf32> -> vector<2048x128xf32>
    %add3A_115 = arith.addf %add3A_90, %dot_general3A_114 : vector<2048x128xf32>
    %get3A_116 = arith.constant 5 : index
    %get3A_117 = arith.constant 0 : index
    %get3A_118 = arith.constant 0 : index
    %get3A_119 = vector.load %arg2[%get3A_116, %get3A_117, %get3A_118] : memref<6x1024x128xi32, #tpu.memory_space<vmem>>, vector<1x1024x128xi32>
    %get3A_120 = vector.shape_cast %get3A_119 : vector<1x1024x128xi32> to vector<1024x128xi32>
    %shift_left3A_121 = arith.constant 16 : i32
    %shift_left3A_122 = vector.broadcast %shift_left3A_121 : i32 to vector<1024x128xi32>
    %shift_left3A_123 = arith.shli %get3A_120, %shift_left3A_122 : vector<1024x128xi32>
    %bitcast_convert_type3A_124 = tpu.bitcast %shift_left3A_123 : vector<1024x128xi32> -> vector<1024x128xf32>
    %and3A_125 = arith.constant -65536 : i32
    %and3A_126 = vector.broadcast %and3A_125 : i32 to vector<1024x128xi32>
    %and3A_127 = arith.andi %get3A_120, %and3A_126 : vector<1024x128xi32>
    %bitcast_convert_type3A_128 = tpu.bitcast %and3A_127 : vector<1024x128xi32> -> vector<1024x128xf32>
    %reshape3A_129 = vector.shape_cast %bitcast_convert_type3A_124 : vector<1024x128xf32> to vector<8x128x128xf32>
    %reshape3A_130 = vector.shape_cast %bitcast_convert_type3A_128 : vector<1024x128xf32> to vector<8x128x128xf32>
    %concatenate3A_131 = tpu.concatenate %reshape3A_129, %reshape3A_130 in 1 : vector<8x128x128xf32>, vector<8x128x128xf32> -> vector<8x256x128xf32>
    %reshape3A_132 = vector.shape_cast %concatenate3A_131 : vector<8x256x128xf32> to vector<2048x128xf32>
    %get3A_133 = arith.constant 5 : index
    %get3A_134 = arith.constant 0 : index
    %get3A_135 = arith.constant 0 : index
    %get3A_136 = vector.load %arg3[%get3A_133, %get3A_134, %get3A_135] : memref<6x128x128xf32, #tpu.memory_space<vmem>>, vector<1x128x128xf32>
    %get3A_137 = vector.shape_cast %get3A_136 : vector<1x128x128xf32> to vector<128x128xf32>
    %dot_general3A_138 = arith.constant dense<0.000000e+00> : vector<2048x128xf32>
    %dot_general3A_139 = tpu.matmul %reshape3A_132, %get3A_137, %dot_general3A_138 {dimension_numbers = #tpu.dot_dimension_numbers<[1], [0], [0], [1], [0, 0, 1, 1], [], []>, transpose_lhs_hint = false} : vector<2048x128xf32>, vector<128x128xf32>, vector<2048x128xf32> -> vector<2048x128xf32>
    %add3A_140 = arith.addf %add3A_115, %dot_general3A_139 : vector<2048x128xf32>
    %get3A_141 = arith.constant 0 : index
    %get3A_142 = arith.constant 0 : index
    %get3A_143 = vector.load %arg4[%get3A_141, %get3A_142] : memref<1x128xf32, #tpu.memory_space<vmem>>, vector<1x128xf32>
    %add3A_144 = vector.broadcast %get3A_143 : vector<1x128xf32> to vector<2048x128xf32>
    %add3A_145 = arith.addf %add3A_140, %add3A_144 : vector<2048x128xf32>
    %max3A = arith.constant 0.000000e+00 : f32
    %max3A_146 = vector.broadcast %max3A : f32 to vector<2048x128xf32>
    %max3A_147 = arith.maximumf %add3A_145, %max3A_146 : vector<2048x128xf32>
    %get3A_148 = arith.constant 0 : index
    %get3A_149 = arith.constant 0 : index
    %get3A_150 = vector.load %arg5[%get3A_148, %get3A_149] : memref<128x91xf32, #tpu.memory_space<vmem>>, vector<128x91xf32>
    %dot_general3A_151 = arith.constant dense<0.000000e+00> : vector<2048x91xf32>
    %dot_general3A_152 = tpu.matmul %max3A_147, %get3A_150, %dot_general3A_151 {dimension_numbers = #tpu.dot_dimension_numbers<[1], [0], [0], [1], [0, 0, 1, 1], [], []>, transpose_lhs_hint = false} : vector<2048x128xf32>, vector<128x91xf32>, vector<2048x91xf32> -> vector<2048x91xf32>
    %get3A_153 = arith.constant 0 : index
    %get3A_154 = arith.constant 0 : index
    %get3A_155 = vector.load %arg6[%get3A_153, %get3A_154] : memref<1x91xf32, #tpu.memory_space<vmem>>, vector<1x91xf32>
    %add3A_156 = vector.broadcast %get3A_155 : vector<1x91xf32> to vector<2048x91xf32>
    %add3A_157 = arith.addf %dot_general3A_152, %add3A_156 : vector<2048x91xf32>
    %swap3A = arith.constant 0 : index
    %swap3A_158 = arith.constant 0 : index
    %swap3A_159 = vector.load %arg7[%swap3A, %swap3A_158] : memref<2048x91xf32, #tpu.memory_space<vmem>>, vector<2048x91xf32>
    tpu.vector_store %arg7[%swap3A, %swap3A_158], %add3A_157 {strides = array<i32>} : memref<2048x91xf32, #tpu.memory_space<vmem>>, vector<2048x91xf32>,
    return
  }
  func.func @transform_1(%arg0: i32) -> (i32, i32, i32) {
    %c0_i32 = arith.constant 0 : i32
    %c0_i32_0 = arith.constant 0 : i32
    %c0_i32_1 = arith.constant 0 : i32
    return %c0_i32, %arg0, %c0_i32_0 : i32, i32, i32
  }
  func.func @transform_2(%arg0: i32) -> (i32, i32, i32) {
    %c0_i32 = arith.constant 0 : i32
    %c0_i32_0 = arith.constant 0 : i32
    %c0_i32_1 = arith.constant 0 : i32
    %c0_i32_2 = arith.constant 0 : i32
    return %c0_i32, %c0_i32_0, %c0_i32_1 : i32, i32, i32
  }
  func.func @transform_3(%arg0: i32) -> (i32, i32) {
    %c0_i32 = arith.constant 0 : i32
    %c0_i32_0 = arith.constant 0 : i32
    %c0_i32_1 = arith.constant 0 : i32
    return %c0_i32, %c0_i32_0 : i32, i32
  }
  func.func @transform_4(%arg0: i32) -> (i32, i32) {
    %c0_i32 = arith.constant 0 : i32
    %c0_i32_0 = arith.constant 0 : i32
    %c0_i32_1 = arith.constant 0 : i32
    return %c0_i32, %c0_i32_0 : i32, i32
  }
  func.func @transform_5(%arg0: i32) -> (i32, i32) {
    %c0_i32 = arith.constant 0 : i32
    %c0_i32_0 = arith.constant 0 : i32
    %c0_i32_1 = arith.constant 0 : i32
    return %c0_i32, %c0_i32_0 : i32, i32
  }
  func.func @transform_6(%arg0: i32) -> (i32, i32) {
    %add3A = arith.constant 6 : i32
    %add3A_0 = arith.addi %add3A, %arg0 : i32
    %c0_i32 = arith.constant 0 : i32
    %c0_i32_1 = arith.constant 0 : i32
    return %add3A_0, %c0_i32 : i32, i32
  }
}

</mosaic_0001>

<sc_bundles>
// kernel: kernel.6.cloned.1.call-start
scs
__scs_entry_jumppad:
0x0: {  	(pc) =	sbr.rel $0x88, $3  }
0x1: {  	(tag) =	ssettag $0x0;
	lr =	simm.s32 $0x1  }
0x2: {  	[smem:$0x3F9B] =	sst lr;
	_ =	strace $0xD0000000  }
0x3: {  	_ = 	snop  }
0x4: {  	_ = 	snop  }
0x5: {  	_ = 	snop  }
0x6: {  	_ = 	snop  }
0x7: {  	_ = 	snop  }
__scs_overlays_trampoline_lowered:
0x8: {  	[smem:$0x3FAA] =	sst s0  }
0x9: {  	[smem:$0x3FAB] =	sst s1  }
0xa: {  	[smem:$0x3FAC] =	sst s2  }
0xb: {  	[smem:$0x3FAD] =	sst s3  }
0xc: {  	[smem:$0x3FAE] =	sst s4  }
0xd: {  	[smem:$0x3FAF] =	sst s5  }
0xe: {  	[smem:$0x3FB0] =	sst s6  }
0xf: {  	[smem:$0x3FB1] =	sst s7  }
0x10: {  	[smem:$0x3FB2] =	sst s8  }
0x11: {  	[smem:$0x3FB3] =	sst s9;
	s0 =	simm.s32 @!p0 $0x0  }
0x12: {  	s1 =	sld [smem:$0x3F99];
	s0 =	simm.s32 @p0 $0x1  }
0x13: {  	[smem:$0x3FB4] =	sst s0;
	s0 =	simm.s32 @!p1 $0x0  }
0x14: {  	s2 =	sld [smem:$0x3F98];
	s0 =	simm.s32 @p1 $0x1  }
0x15: {  	[smem:$0x3FB5] =	sst s0;
	s0 =	simm.s32 @!p2 $0x0  }
0x16: {  	s3 =	sld [smem:$0x3FDB];
	s0 =	simm.s32 @p2 $0x1  }
0x17: {  	s4 =	simm.s32 $0x1BF5;
	[smem:$0x3FB7] =	sst s0  }
0x18: {  	s0 =	sld [smem:$0x3F9A];
	_ =	swait.ge [sflag:s4], $0x0  }
0x19: {  	s7 =	sld [smem:$0x3F9B]  }
0x1a: {  	s8 =	sadd.s32 $0xFFFFE003, lr  }
0x1b: {  	s9 =	sadd.s32 $0xFFFFFEF7, lr;
	s5 =	simm.s32 $0xFFFFFFFF;
	p2 =	slt.u32 s8, $0xFFFFF086  }
0x1c: {  	p1 =	slt.u32 s9, $0xF7A;
	s5 =	simm.s32 @!p2 $0x0  }
0x1d: {  	s5 =	simm.s32 @p1 $0x1;
	p0 =	seq.s32 s7, s2  }
0x1e: {  	s7 =	smul.u32 @!p0 $0xF7A, s2;
	p2 =	seq.s32 @!p0 s5, $0x0  }
0x1f: {  	s9 =	smul.u32 $0xF7A, s1;
	s8 =	simm.s32 @!p0 $0x1BF5;
	p2 =	por !p2, p0  }
0x20: {  	[sflag:s8] =	ssyncset.s32 @!p0 $0xFFFFF086;
	s6 =	sadd.s32 @!p0 s3, s7;
	s7 =	simm.s32 @!p0 $0x108  }
0x21: {  	s3 =	sadd.s32 s3, s9;
	s6 =	sadd.s32 @!p0 $0x88, s6;
	s7 =	simm.s32 @p2 $0x1082  }
0x22: {  	[simem:s7], [sflag:s8] =	dma.local @!p0 [hbm:s6], $0xF7A  }
0x23: {  	s9 =	sor.u32 $0xD0000000, s2;
	s6 =	simm.s32 $0x108;
	_ =	swait.ge @!p0 [sflag:s8], $0x0  }
0x24: {  	s3 =	sadd.s32 $0x88, s3;
	s6 =	simm.s32 @!p1 $0x1082;
	[sflag:s4] =	ssyncset.s32 $0xFFFFF086  }
0x25: {  	[simem:s6], [sflag:s4] =	dma.local [hbm:s3], $0xF7A  }
0x26: {  	[smem:$0x3F9B] =	sst s1;
	(tag) =	ssettag s2;
	_ =	strace s9  }
0x27: {  	s1 =	sld [smem:$0x3FAB]  }
0x28: {  	s2 =	sld [smem:$0x3FAC]  }
0x29: {  	s4 =	sld [smem:$0x3FAE]  }
0x2a: {  	p0 =	seq.s32 s5, $0x0;
	s5 =	sld [smem:$0x3FAF]  }
0x2b: {  	s6 =	sld [smem:$0x3FB0]  }
0x2c: {  	s7 =	sld [smem:$0x3FB1]  }
0x2d: {  	s3 =	simm.s32 $0x108;
	s8 =	sld [smem:$0x3FB2]  }
0x2e: {  	s3 =	simm.s32 @!p0 $0x1082;
	s9 =	sld [smem:$0x3FB3]  }
0x2f: {  	lr =	sadd.s32 s0, s3;
	s0 =	sld [smem:$0x3FAA]  }
0x30: {  	s3 =	sld [smem:$0x3FAD]  }
0x31: {  	[smem:$0x3FB6] =	sst s10  }
0x32: {  	s10 =	sld [smem:$0x3FB4];
	_ =	sdelay $0x3  }
0x33: {  	p0 =	seq.s32 s10, $0x1;
	s10 =	sld [smem:$0x3FB6];
	_ =	sdelay $0x3  }
0x34: {  	[smem:$0x3FB6] =	sst s10  }
0x35: {  	s10 =	sld [smem:$0x3FB5];
	_ =	sdelay $0x3  }
0x36: {  	p1 =	seq.s32 s10, $0x1;
	s10 =	sld [smem:$0x3FB6];
	_ =	sdelay $0x3  }
0x37: {  	[smem:$0x3FB6] =	sst s10  }
0x38: {  	s10 =	sld [smem:$0x3FB7]  }
0x39: {  	_ = 	snop;
	(pc) =	sbr.ind lr, $3  }
0x3a: {  	_ = 	snop  }
0x3b: {  	_ = 	snop  }
0x3c: {  	p2 =	seq.s32 s10, $0x1;
	s10 =	sld [smem:$0x3FB6]  }
0x3d: {  	_ =	shalt  }
0x3e: {  	_ =	shalt  }
0x3f: {  	_ =	shalt  }
0x40: {  	_ =	shalt  }
0x41: {  	_ =	shalt  }
0x42: {  	_ =	shalt  }
0x43: {  	_ =	shalt  }
0x44: {  	_ =	shalt  }
0x45: {  	_ =	shalt  }
0x46: {  	_ =	shalt  }
0x47: {  	_ =	shalt  }
0x48: {  	_ =	shalt  }
0x49: {  	_ =	shalt  }
0x4a: {  	_ =	shalt  }
0x4b: {  	_ =	shalt  }
0x4c: {  	_ =	shalt  }
0x4d: {  	_ =	shalt  }
0x4e: {  	_ =	shalt  }
0x4f: {  	_ =	shalt  }
0x50: {  	_ =	shalt  }
0x51: {  	_ =	shalt  }
0x52: {  	_ =	shalt  }
0x53: {  	_ =	shalt  }
0x54: {  	_ =	shalt  }
0x55: {  	_ =	shalt  }
0x56: {  	_ =	shalt  }
0x57: {  	_ =	shalt  }
0x58: {  	_ =	shalt  }
0x59: {  	_ =	shalt  }
0x5a: {  	_ =	shalt  }
0x5b: {  	_ =	shalt  }
0x5c: {  	_ =	shalt  }
0x5d: {  	_ =	shalt  }
0x5e: {  	_ =	shalt  }
0x5f: {  	_ =	shalt  }
0x60: {  	_ =	shalt  }
0x61: {  	_ =	shalt  }
0x62: {  	_ =	shalt  }
0x63: {  	_ =	shalt  }
0x64: {  	_ =	shalt  }
0x65: {  	_ =	shalt  }
0x66: {  	_ =	shalt  }
0x67: {  	_ =	shalt  }
0x68: {  	_ =	shalt  }
0x69: {  	_ =	shalt  }
0x6a: {  	_ =	shalt  }
0x6b: {  	_ =	shalt  }
0x6c: {  	_ =	shalt  }
0x6d: {  	_ =	shalt  }
0x6e: {  	_ =	shalt  }
0x6f: {  	_ =	shalt  }
0x70: {  	_ =	shalt  }
0x71: {  	_ =	shalt  }
0x72: {  	_ =	shalt  }
0x73: {  	_ =	shalt  }
0x74: {  	_ =	shalt  }
0x75: {  	_ =	shalt  }
0x76: {  	_ =	shalt  }
0x77: {  	_ =	shalt  }
0x78: {  	_ =	shalt  }
0x79: {  	_ =	shalt  }
0x7a: {  	_ =	shalt  }
0x7b: {  	_ =	shalt  }
0x7c: {  	_ =	shalt  }
0x7d: {  	_ =	shalt  }
0x7e: {  	_ =	shalt  }
0x7f: {  	_ =	shalt  }
0x80: {  	_ =	shalt  }
0x81: {  	_ =	shalt  }
0x82: {  	_ =	shalt  }
0x83: {  	_ =	shalt  }
0x84: {  	_ =	shalt  }
0x85: {  	_ =	shalt  }
0x86: {  	_ =	shalt  }
0x87: {  	_ =	shalt  }
.Lfunc_end0:
.L_simem_size_0:
called_computation_lowered:
.L_overlay_start_0:
0x88: {  	s2 =	sld [smem:$0x3FD9]  }
0x89: {  	s3 =	sld [smem:$0x3FFE];
	_ =	sdelay $0x1  }
0x8a: {  	s1 =	srdreg.scid  }
0x8b: {  	s0 =	sand.u32 $0x1, s1  }
0x8c: {  	s17 =	sshll.u32 s0, $0xA;
	s2 =	sadd.s32 s3, s2  }
0x8d: {  	s2 =	sadd.s32 s2, s17  }
0x8e: {  	[smem:$0x3FC2] =	sst s2  }
0x8f: {  	_ = 	snop  }
0x90: {  	s2 =	sld [smem:$0x3FC8];
	(tm) =	ssettm $0x1  }
0x91: {  	s18 =	sld [smem:$0x3FFB];
	_ =	sdelay $0x3  }
0x92: {  	_ =	strace s18  }
0x93: {  	s3 =	sld [smem:$0x3FFC];
	_ =	sdelay $0x3  }
0x94: {  	_ =	strace s3  }
0x95: {  	s3 =	sld [smem:$0x3FFD];
	_ =	sdelay $0x3  }
0x96: {  	_ =	strace s3  }
0x97: {  	_ =	strace $0x8FFFFFFF  }
0x98: {  	s19 =	sld [smem:$0x3FDB];
	_ =	sdelay $0x1  }
0x99: {  	s4 =	simm.s32 $_scs_section_size  }
0x9a: {  	s5 =	simm.s32 $_size__tile_overlayer_lowered;
	s6 =	simm.s32 $_tile_overlayer_lowered  }
0x9b: {  	s22 =	simm.s32 $0x1BFF;
	s21 =	sshll.u32 s6, $0x1;
	s3 =	sadd.s32 s4, s19  }
0x9c: {  	s7 =	simm.s32 $0x0;
	s20 =	sshll.u32 s5, $0x1;
	s5 =	sadd.s32 s21, s3  }
0x9d: {  	[timem:s7], [sflag:s22] =	dma.local [hbm:s5], s20  }
0x9e: {  	_ =	swait.ge [sflag:s22], s20  }
0x9f: {  	s4 =	ssub.s32 $0x0, s20;
	[sflag:s22] =	ssyncset.done $0x0  }
0xa0: {  	[sflag:s22] =	ssyncadd.s32 s4;
	_ =	sdelay $0x1  }
0xa1: {  	s23 =	simm.s32 $0x1B8B  }
0xa2: {  	_ =	swait.ge [sflag:s23], $0x1  }
0xa3: {  	[sflag:s23] =	ssyncset.done $0x0  }
0xa4: {  	s25 =	simm.s32 $0x1B8E;
	s24 =	sld [smem:$0x3FFE];
	[sflag:s23] =	ssyncadd.s32 $0xFFFFFFFF  }
0xa5: {  	s26 =	simm.s32 $execute0_lowered;
	[smem:$0x3FD2] =	sst s25  }
0xa6: {  	s5 =	sshll.u32 s26, $0x1;
	_ =	strace $0x80000046;
	[dreg:$0x1] =	wrdreg $0xFFFFFFFF  }
0xa7: {  	s28 =	simm.s32 $_size_execute0_lowered;
	s3 =	sadd.s32 s3, s5;
	[dreg:$0x0] =	wrdreg $0x0  }
0xa8: {  	s5 =	sshll.u32 s28, $0x1;
	[dreg:$0x2] =	wrdreg s3  }
0xa9: {  	[dreg:$0x3] =	wrdreg s5  }
0xaa: {  	[dreg:$0x4] =	wrdreg $0xC0  }
0xab: {  	_ =	task [dreg:s7], $0x5FFFF  }
0xac: {  	[dreg:$0x1] =	wrdreg $0xFFFFFFFF  }
0xad: {  	[dreg:$0x0] =	wrdreg $0x60  }
0xae: {  	[dreg:$0x2] =	wrdreg s2  }
0xaf: {  	[dreg:$0x3] =	wrdreg s24  }
0xb0: {  	[dreg:$0x4] =	wrdreg $0x9  }
0xb1: {  	_ =	task.clear_ibuf [dreg:s7], $0x5FFFF;
	_ =	strace $0x90000046  }
0xb2: {  	s29 =	simm.s32 $0x9;
	_ =	strace $0x80000048  }
0xb3: {  	_ =	swait.ge [sflag:s29], $0x1  }
0xb4: {  	[sflag:s29] =	ssyncadd.s32 $0xFFFFFFFF  }
0xb5: {  	_ =	strace $0x90000048  }
0xb6: {  	_ =	sfence  }
0xb7: {  	s30 =	sld [smem:$0x0];
	_ =	sdelay $0x2  }
0xb8: {  	s31 =	sshll.u32 s1, $0xD;
	s1 =	sshrl.u32 s1, $0x2  }
0xb9: {  	s3 =	sand.u32 $0x4000, s31;
	s1 =	sadd.s32 s1, s30  }
0xba: {  	s0 =	sor.u32 s3, s0;
	s1 =	sshll.u32 s1, $0x11  }
0xbb: {  	s0 =	sor.u32 s1, s0  }
0xbc: {  	s0 =	sadd.s32 $0x8F2B, s0  }
0xbd: {  	[sflag:s0] =	ssyncadd.remote.s32 $0x1  }
0xbe: {  	_ =	sfence.sel $0xFFFF  }
0xbf: {  	[dreg:$0x0] =	wrdreg $0xFFFFFFFF;
	(pc) =	sbr.abs _section_cstart, $3  }
0xc0: {  	[dreg:$0x1] =	wrdreg $0xFFFFFFFF  }
0xc1: {  	_ =	task.clear_ibuf [dreg:s7], $0x2FFFF;
	_ =	strace $0x9FFFFFFF  }
0xc2: {  	(tm) =	ssettm $0x7FFFFFFF  }
0xc3: {  	_ =	shalt  }
tec
execute0_lowered:
.L_overlay_start_1:
0x0: {  	(tag) =	ssettag $0x1  }
0x1: {  	s2 =	rddreg [dreg:$0x0];
	s0 =	srdreg.scid  }
0x2: {  	s3 =	stileid.u32;
	s1 =	rddreg [dreg:$0x1]  }
0x3: {  	s15 =	simm.s32 $0x5;
	s16 =	simm.s32 $0x100;
	s17 =	simm.s32 $0x900  }
0x4: {  	s18 =	simm.s32 $0x8900;
	s19 =	simm.s32 $0x1;
	s20 =	simm.s32 $0x10900  }
0x5: {  	s22 =	simm.s32 $0x2;
	s23 =	simm.s32 $0x14900;
	s25 =	simm.s32 $0x3  }
0x6: {  	s28 =	simm.s32 $0x4;
	s0 =	sand.u32 $0x1, s0;
	s4 =	sshll.u32 s3, $0x1  }
0x7: {  	s29 =	simm.s32 $0x500;
	s30 =	simm.s32 $0x600;
	s4 =	sor.u32 s0, s4  }
0x8: {  	s31 =	simm.s32 $0x700;
	s3 =	simm.s32 $0x0;
	s5 =	smul.u32 $0x120, s4  }
0x9: {  	[smem:$0x7FF] =	sst s3;
	s0 =	ssub.s32 $0x2, s0;
	s6 =	smul.u32 $0x24000, s4  }
0xa: {  	_ =	strace $0x80000047;
	s7 =	sshrl.u32 s0, $0x1;
	s8 =	smul.u32 $0x4800, s4  }
0xb: {  	s0 =	ssub.s32 s0, s7;
	s5 =	sadd.s32 s5, s1;
	s1 =	sadd.s32 $0x4400, s1  }
0xc: {  	s6 =	sshrl.u32 s6, $0x3;
	s14 =	smax.u32 s0, $0x1;
	s0 =	simm.s32 $0x0  }
0xd: {  	s4 =	sadd.s32 $0x1400, s5;
	s5 =	sadd.s32 s1, s8;
	s1 =	sadd.s32 s1, s6  }
0xe: {  	s6 =	sadd.s32 $0x800, s1;
	s7 =	sadd.s32 $0x1000, s1;
	s8 =	sadd.s32 $0x1800, s1  }
0xf: {  	s9 =	sadd.s32 $0x2000, s1;
	s10 =	sadd.s32 $0x2800, s1;
	s11 =	sadd.s32 $0x3000, s1  }
0x10: {  	s12 =	sadd.s32 $0x3800, s1;
	s13 =	sadd.s32 $0x4000, s1;
	s1 =	simm.s32 $0x800  }
.LBB2_1:
0x11: {  	[tilespmem:s3], [sflag:$0x5] =	stream.linear.gather [hbm4b:s4+s3], $0x900, $0x38;
	[tilespmem:$0x18900] =	vst v63  }
0x12: {  	_ =	swait.ge [sflag:s15], $0x900  }
0x13: {  	[sflag:s15] =	ssyncset.done $0x0  }
0x14: {  	[sflag:s15] =	ssyncadd.s32 $0xFFFFF700  }
0x15: {  	[tilespmem:s17], [sflag:$0x1] =	stream.indirect.gather [hbm4b:s2+s16], $0x80, s3, s16, $0xb8;
	[tilespmem:$0x18900] =	vst v63  }
0x16: {  	_ = 	snop  }
0x17: {  	[tilespmem:s18], [sflag:$0x2] =	stream.indirect.gather [hbm4b:s2+s16], $0x80, s16, s16, $0xb8;
	[tilespmem:$0x18900] =	vst v63  }
0x18: {  	_ =	swait.ge [sflag:s19], $0x8000  }
0x19: {  	[sflag:s19] =	ssyncset.done $0x0  }
0x1a: {  	s21 =	simm.s32 $0x0;
	[sflag:s19] =	ssyncadd.s32 $0xFFFF8000  }
0x1b: {  	v0 =	vld [tilespmem:s21+$0x970]  }
0x1c: {  	v1 =	vld [tilespmem:s21+$0x4970]  }
0x1d: {  	v2 =	vld [tilespmem:s21+$0x900]  }
0x1e: {  	v3 =	vld [tilespmem:s21+$0x4900]  }
0x1f: {  	v4 =	vld [tilespmem:s21+$0x910]  }
0x20: {  	v5 =	vld [tilespmem:s21+$0x4910]  }
0x21: {  	v6 =	vld [tilespmem:s21+$0x920]  }
0x22: {  	v7 =	vld [tilespmem:s21+$0x4920];
	v0 =	vadd.s32 $0x8000, v0;
	v1 =	vadd.s32 $0x8000, v1;
	v2 =	vadd.s32 $0x8000, v2  }
0x23: {  	v8 =	vld [tilespmem:s21+$0x930];
	v3 =	vadd.s32 $0x8000, v3;
	v0 =	vshrl.u32 v0, $0x10;
	v1 =	vand.u32 $0xFFFF0000, v1  }
0x24: {  	v9 =	vld [tilespmem:s21+$0x4930];
	v0 =	vor.u32 v0, v1;
	v1 =	vshrl.u32 v2, $0x10;
	v2 =	vand.u32 $0xFFFF0000, v3  }
0x25: {  	v10 =	vld [tilespmem:s21+$0x940];
	[tilespmem:s21+$0x10970] =	vst v0;
	v0 =	vor.u32 v1, v2;
	v1 =	vadd.s32 $0x8000, v4;
	v2 =	vadd.s32 $0x8000, v5  }
0x26: {  	v5 =	vld [tilespmem:s21+$0x4940];
	[tilespmem:s21+$0x10900] =	vst v0;
	v0 =	vshrl.u32 v1, $0x10;
	v1 =	vand.u32 $0xFFFF0000, v2  }
0x27: {  	v3 =	vadd.s32 $0x8000, v7;
	v2 =	vadd.s32 $0x8000, v6;
	v0 =	vor.u32 v0, v1;
	v1 =	vld [tilespmem:s21+$0x950]  }
0x28: {  	[tilespmem:s21+$0x10910] =	vst v0;
	v0 =	vshrl.u32 v2, $0x10;
	v2 =	vand.u32 $0xFFFF0000, v3;
	v3 =	vld [tilespmem:s21+$0x4950]  }
0x29: {  	v4 =	vadd.s32 $0x8000, v8;
	v6 =	vadd.s32 $0x8000, v9;
	v0 =	vor.u32 v0, v2;
	v2 =	vld [tilespmem:s21+$0x960]  }
0x2a: {  	s24 =	simm.s32 $0x80;
	v8 =	vadd.s32 $0x8000, v10;
	v7 =	vshrl.u32 v4, $0x10;
	v4 =	vld [tilespmem:s21+$0x4960];
	v6 =	vand.u32 $0xFFFF0000, v6;
	[tilespmem:s21+$0x10920] =	vst v0  }
0x2b: {  	s26 =	simm.s32 $0x400;
	v6 =	vor.u32 v7, v6;
	v7 =	vadd.s32 $0x8000, v5;
	v5 =	vshrl.u32 v8, $0x10;
	v0 =	vld [tilespmem:s24+$0x970]  }
.LBB2_2:
0x2c: {  	p0 =	sne.s32 s26, $0xFE00;
	v8 =	vld [tilespmem:s24+$0x4970];
	[tilespmem:s21+$0x10930] =	vst v6;
	v6 =	vand.u32 $0xFFFF0000, v7;
	v1 =	vadd.s32 $0x8000, v1  }
0x2d: {  	v7 =	vld [tilespmem:s24+$0x900];
	v5 =	vor.u32 v5, v6;
	v3 =	vadd.s32 $0x8000, v3;
	v1 =	vshrl.u32 v1, $0x10  }
0x2e: {  	v6 =	vld [tilespmem:s24+$0x4900];
	[tilespmem:s21+$0x10940] =	vst v5;
	v3 =	vand.u32 $0xFFFF0000, v3;
	v2 =	vadd.s32 $0x8000, v2  }
0x2f: {  	v5 =	vld [tilespmem:s24+$0x910];
	v1 =	vor.u32 v1, v3;
	v3 =	vadd.s32 $0x8000, v4;
	v2 =	vshrl.u32 v2, $0x10  }
0x30: {  	v4 =	vld [tilespmem:s24+$0x4910];
	[tilespmem:s21+$0x10950] =	vst v1;
	v1 =	vand.u32 $0xFFFF0000, v3  }
0x31: {  	v0 =	vadd.s32 $0x8000, v0;
	v3 =	vld [tilespmem:s24+$0x920];
	v8 =	vadd.s32 $0x8000, v8;
	v1 =	vor.u32 v2, v1  }
0x32: {  	v0 =	vshrl.u32 v0, $0x10;
	v2 =	vadd.s32 $0x8000, v7;
	v7 =	vld [tilespmem:s24+$0x4920];
	v8 =	vand.u32 $0xFFFF0000, v8;
	[tilespmem:s21+$0x10960] =	vst v1;
	s21 =	smov.u32 s24  }
0x33: {  	v1 =	vadd.s32 $0x8000, v6;
	v2 =	vshrl.u32 v2, $0x10;
	v6 =	vld [tilespmem:s21+$0x930];
	v0 =	vor.u32 v0, v8  }
0x34: {  	v1 =	vand.u32 $0xFFFF0000, v1;
	v5 =	vadd.s32 $0x8000, v5;
	v8 =	vld [tilespmem:s21+$0x4930];
	[tilespmem:s21+$0x10970] =	vst v0  }
0x35: {  	v0 =	vor.u32 v2, v1;
	v1 =	vadd.s32 $0x8000, v4;
	v2 =	vshrl.u32 v5, $0x10;
	v4 =	vld [tilespmem:s21+$0x940]  }
0x36: {  	[tilespmem:s21+$0x10900] =	vst v0;
	v0 =	vand.u32 $0xFFFF0000, v1;
	v1 =	vadd.s32 $0x8000, v3;
	v5 =	vld [tilespmem:s21+$0x4940]  }
.Ltmp0:
0x37: {  	v0 =	vor.u32 v2, v0;
	v2 =	vadd.s32 $0x8000, v7;
	v7 =	vshrl.u32 v1, $0x10;
	v1 =	vld [tilespmem:s21+$0x950];
	(pc) =	sbr.rel @p0 .LBB2_2-.Ltmp0, $4  }
0x38: {  	[tilespmem:s21+$0x10910] =	vst v0;
	v0 =	vand.u32 $0xFFFF0000, v2;
	v2 =	vadd.s32 $0x8000, v6;
	v3 =	vld [tilespmem:s21+$0x4950]  }
0x39: {  	v0 =	vor.u32 v7, v0;
	v6 =	vadd.s32 $0x8000, v8;
	v7 =	vshrl.u32 v2, $0x10;
	v2 =	vld [tilespmem:s21+$0x960]  }
0x3a: {  	s24 =	sshra.s32 s26, $0x2;
	[tilespmem:s21+$0x10920] =	vst v0;
	v6 =	vand.u32 $0xFFFF0000, v6;
	v8 =	vadd.s32 $0x8000, v4;
	v4 =	vld [tilespmem:s21+$0x4960]  }
0x3b: {  	s26 =	sadd.s32 $0x200, s26;
	v0 =	vld [tilespmem:s24+$0x970];
	v6 =	vor.u32 v7, v6;
	v7 =	vadd.s32 $0x8000, v5;
	v5 =	vshrl.u32 v8, $0x10  }
0x3c: {  	v8 =	vld [tilespmem:s24+$0x4970];
	[tilespmem:s21+$0x10930] =	vst v6;
	v6 =	vand.u32 $0xFFFF0000, v7  }
0x3d: {  	v1 =	vadd.s32 $0x8000, v1;
	v7 =	vld [tilespmem:s24+$0x900];
	v5 =	vor.u32 v5, v6;
	v3 =	vadd.s32 $0x8000, v3  }
0x3e: {  	v6 =	vld [tilespmem:s24+$0x4900];
	v1 =	vshrl.u32 v1, $0x10;
	[tilespmem:s21+$0x10940] =	vst v5;
	v3 =	vand.u32 $0xFFFF0000, v3  }
0x3f: {  	v2 =	vadd.s32 $0x8000, v2;
	v5 =	vld [tilespmem:s24+$0x910];
	v1 =	vor.u32 v1, v3;
	v4 =	vadd.s32 $0x8000, v4  }
0x40: {  	v3 =	vld [tilespmem:s24+$0x4910];
	[tilespmem:s21+$0x10950] =	vst v1;
	v1 =	vshrl.u32 v2, $0x10;
	v2 =	vand.u32 $0xFFFF0000, v4  }
0x41: {  	v0 =	vadd.s32 $0x8000, v0;
	v4 =	vld [tilespmem:s24+$0x920];
	v1 =	vor.u32 v1, v2  }
0x42: {  	v2 =	vld [tilespmem:s24+$0x4920];
	v8 =	vadd.s32 $0x8000, v8;
	v0 =	vshrl.u32 v0, $0x10;
	[tilespmem:s21+$0x10960] =	vst v1  }
0x43: {  	v1 =	vand.u32 $0xFFFF0000, v8;
	v7 =	vadd.s32 $0x8000, v7;
	v6 =	vadd.s32 $0x8000, v6;
	v8 =	vld [tilespmem:s24+$0x930]  }
0x44: {  	v0 =	vor.u32 v0, v1;
	v1 =	vld [tilespmem:s24+$0x4930];
	v7 =	vshrl.u32 v7, $0x10;
	v6 =	vand.u32 $0xFFFF0000, v6  }
0x45: {  	[tilespmem:s24+$0x10970] =	vst v0;
	v0 =	vor.u32 v7, v6;
	v6 =	vld [tilespmem:s24+$0x940];
	v5 =	vadd.s32 $0x8000, v5;
	v3 =	vadd.s32 $0x8000, v3  }
0x46: {  	v7 =	vld [tilespmem:s24+$0x4960];
	[tilespmem:s24+$0x10900] =	vst v0;
	v0 =	vshrl.u32 v5, $0x10;
	v3 =	vand.u32 $0xFFFF0000, v3  }
0x47: {  	v5 =	vld [tilespmem:s24+$0x4940];
	v0 =	vor.u32 v0, v3;
	v4 =	vadd.s32 $0x8000, v4;
	v2 =	vadd.s32 $0x8000, v2  }
0x48: {  	v3 =	vld [tilespmem:s24+$0x950];
	[tilespmem:s24+$0x10910] =	vst v0;
	v0 =	vshrl.u32 v4, $0x10;
	v2 =	vand.u32 $0xFFFF0000, v2  }
0x49: {  	v4 =	vld [tilespmem:s24+$0x4950];
	v0 =	vor.u32 v0, v2  }
0x4a: {  	v2 =	vld [tilespmem:s24+$0x960];
	v1 =	vadd.s32 $0x8000, v1;
	[tilespmem:s24+$0x10920] =	vst v0;
	v0 =	vadd.s32 $0x8000, v8  }
0x4b: {  	v1 =	vand.u32 $0xFFFF0000, v1;
	v0 =	vshrl.u32 v0, $0x10  }
0x4c: {  	v6 =	vadd.s32 $0x8000, v6;
	v0 =	vor.u32 v0, v1;
	v1 =	vadd.s32 $0x8000, v5  }
0x4d: {  	v5 =	vshrl.u32 v6, $0x10;
	v3 =	vadd.s32 $0x8000, v3;
	v1 =	vand.u32 $0xFFFF0000, v1  }
0x4e: {  	v4 =	vadd.s32 $0x8000, v4;
	v3 =	vshrl.u32 v3, $0x10;
	v1 =	vor.u32 v5, v1  }
0x4f: {  	[tilespmem:s24+$0x10930] =	vst v0;
	v0 =	vand.u32 $0xFFFF0000, v4;
	v2 =	vadd.s32 $0x8000, v2;
	v4 =	vadd.s32 $0x8000, v7  }
0x50: {  	[tilespmem:s24+$0x10940] =	vst v1;
	v0 =	vor.u32 v3, v0;
	v1 =	vshrl.u32 v2, $0x10;
	v2 =	vand.u32 $0xFFFF0000, v4  }
0x51: {  	[tilespmem:s24+$0x10950] =	vst v0;
	v0 =	vor.u32 v1, v2  }
0x52: {  	[tilespmem:s24+$0x10960] =	vst v0;
	s24 =	simm.s32 $0x0  }
0x53: {  	[hbm4b:s5+s24] =	stream.linear.scatter [tilespmem:s20], [sflag:$0x3], $0x4000, $0x38;
	[tilespmem:$0x18900] =	vst v63  }
0x54: {  	s26 =	simm.s32 $0x200  }
0x55: {  	[tilespmem:s17], [sflag:$0x1] =	stream.indirect.gather [hbm4b:s2+s16], $0x80, s26, s16, $0xb8;
	[tilespmem:$0x18900] =	vst v63  }
0x56: {  	_ =	swait.ge [sflag:s22], $0x8000  }
0x57: {  	[sflag:s22] =	ssyncset.done $0x0  }
0x58: {  	s21 =	simm.s32 $0x0;
	[sflag:s22] =	ssyncadd.s32 $0xFFFF8000  }
0x59: {  	v0 =	vld [tilespmem:s21+$0x8970]  }
0x5a: {  	v1 =	vld [tilespmem:s21+$0xC970]  }
0x5b: {  	v2 =	vld [tilespmem:s21+$0x8900]  }
0x5c: {  	v3 =	vld [tilespmem:s21+$0xC900]  }
0x5d: {  	v4 =	vld [tilespmem:s21+$0x8910]  }
0x5e: {  	v5 =	vld [tilespmem:s21+$0xC910]  }
0x5f: {  	v6 =	vld [tilespmem:s21+$0x8920]  }
0x60: {  	v7 =	vld [tilespmem:s21+$0xC920];
	v0 =	vadd.s32 $0x8000, v0;
	v1 =	vadd.s32 $0x8000, v1;
	v2 =	vadd.s32 $0x8000, v2  }
0x61: {  	v8 =	vld [tilespmem:s21+$0x8930];
	v3 =	vadd.s32 $0x8000, v3;
	v0 =	vshrl.u32 v0, $0x10;
	v1 =	vand.u32 $0xFFFF0000, v1  }
0x62: {  	v9 =	vld [tilespmem:s21+$0xC930];
	v0 =	vor.u32 v0, v1;
	v1 =	vshrl.u32 v2, $0x10;
	v2 =	vand.u32 $0xFFFF0000, v3  }
0x63: {  	v10 =	vld [tilespmem:s21+$0x8940];
	[tilespmem:s21+$0x14970] =	vst v0;
	v0 =	vor.u32 v1, v2;
	v1 =	vadd.s32 $0x8000, v4;
	v2 =	vadd.s32 $0x8000, v5  }
0x64: {  	v5 =	vld [tilespmem:s21+$0xC940];
	[tilespmem:s21+$0x14900] =	vst v0;
	v0 =	vshrl.u32 v1, $0x10;
	v1 =	vand.u32 $0xFFFF0000, v2  }
0x65: {  	v3 =	vadd.s32 $0x8000, v7;
	v2 =	vadd.s32 $0x8000, v6;
	v0 =	vor.u32 v0, v1;
	v1 =	vld [tilespmem:s21+$0x8950]  }
0x66: {  	[tilespmem:s21+$0x14910] =	vst v0;
	v0 =	vshrl.u32 v2, $0x10;
	v2 =	vand.u32 $0xFFFF0000, v3;
	v3 =	vld [tilespmem:s21+$0xC950]  }
0x67: {  	v4 =	vadd.s32 $0x8000, v8;
	v6 =	vadd.s32 $0x8000, v9;
	v0 =	vor.u32 v0, v2;
	v2 =	vld [tilespmem:s21+$0x8960]  }
0x68: {  	s24 =	simm.s32 $0x80;
	v8 =	vadd.s32 $0x8000, v10;
	v7 =	vshrl.u32 v4, $0x10;
	v4 =	vld [tilespmem:s21+$0xC960];
	v6 =	vand.u32 $0xFFFF0000, v6;
	[tilespmem:s21+$0x14920] =	vst v0  }
0x69: {  	s26 =	simm.s32 $0x400;
	v6 =	vor.u32 v7, v6;
	v7 =	vadd.s32 $0x8000, v5;
	v5 =	vshrl.u32 v8, $0x10;
	v0 =	vld [tilespmem:s24+$0x8970]  }
.LBB2_4:
0x6a: {  	p0 =	sne.s32 s26, $0xFE00;
	v8 =	vld [tilespmem:s24+$0xC970];
	[tilespmem:s21+$0x14930] =	vst v6;
	v6 =	vand.u32 $0xFFFF0000, v7;
	v1 =	vadd.s32 $0x8000, v1  }
0x6b: {  	v7 =	vld [tilespmem:s24+$0x8900];
	v5 =	vor.u32 v5, v6;
	v3 =	vadd.s32 $0x8000, v3;
	v1 =	vshrl.u32 v1, $0x10  }
0x6c: {  	v6 =	vld [tilespmem:s24+$0xC900];
	[tilespmem:s21+$0x14940] =	vst v5;
	v3 =	vand.u32 $0xFFFF0000, v3;
	v2 =	vadd.s32 $0x8000, v2  }
0x6d: {  	v5 =	vld [tilespmem:s24+$0x8910];
	v1 =	vor.u32 v1, v3;
	v3 =	vadd.s32 $0x8000, v4;
	v2 =	vshrl.u32 v2, $0x10  }
0x6e: {  	v4 =	vld [tilespmem:s24+$0xC910];
	[tilespmem:s21+$0x14950] =	vst v1;
	v1 =	vand.u32 $0xFFFF0000, v3  }
0x6f: {  	v0 =	vadd.s32 $0x8000, v0;
	v3 =	vld [tilespmem:s24+$0x8920];
	v8 =	vadd.s32 $0x8000, v8;
	v1 =	vor.u32 v2, v1  }
0x70: {  	v0 =	vshrl.u32 v0, $0x10;
	v2 =	vadd.s32 $0x8000, v7;
	v7 =	vld [tilespmem:s24+$0xC920];
	v8 =	vand.u32 $0xFFFF0000, v8;
	[tilespmem:s21+$0x14960] =	vst v1;
	s21 =	smov.u32 s24  }
0x71: {  	v1 =	vadd.s32 $0x8000, v6;
	v2 =	vshrl.u32 v2, $0x10;
	v6 =	vld [tilespmem:s21+$0x8930];
	v0 =	vor.u32 v0, v8  }
0x72: {  	v1 =	vand.u32 $0xFFFF0000, v1;
	v5 =	vadd.s32 $0x8000, v5;
	v8 =	vld [tilespmem:s21+$0xC930];
	[tilespmem:s21+$0x14970] =	vst v0  }
0x73: {  	v0 =	vor.u32 v2, v1;
	v1 =	vadd.s32 $0x8000, v4;
	v2 =	vshrl.u32 v5, $0x10;
	v4 =	vld [tilespmem:s21+$0x8940]  }
0x74: {  	[tilespmem:s21+$0x14900] =	vst v0;
	v0 =	vand.u32 $0xFFFF0000, v1;
	v1 =	vadd.s32 $0x8000, v3;
	v5 =	vld [tilespmem:s21+$0xC940]  }
.Ltmp1:
0x75: {  	v0 =	vor.u32 v2, v0;
	v2 =	vadd.s32 $0x8000, v7;
	v7 =	vshrl.u32 v1, $0x10;
	v1 =	vld [tilespmem:s21+$0x8950];
	(pc) =	sbr.rel @p0 .LBB2_4-.Ltmp1, $4  }
0x76: {  	[tilespmem:s21+$0x14910] =	vst v0;
	v0 =	vand.u32 $0xFFFF0000, v2;
	v2 =	vadd.s32 $0x8000, v6;
	v3 =	vld [tilespmem:s21+$0xC950]  }
0x77: {  	v0 =	vor.u32 v7, v0;
	v6 =	vadd.s32 $0x8000, v8;
	v7 =	vshrl.u32 v2, $0x10;
	v2 =	vld [tilespmem:s21+$0x8960]  }
0x78: {  	s24 =	sshra.s32 s26, $0x2;
	[tilespmem:s21+$0x14920] =	vst v0;
	v6 =	vand.u32 $0xFFFF0000, v6;
	v8 =	vadd.s32 $0x8000, v4;
	v4 =	vld [tilespmem:s21+$0xC960]  }
0x79: {  	s26 =	sadd.s32 $0x200, s26;
	v0 =	vld [tilespmem:s24+$0x8970];
	v6 =	vor.u32 v7, v6;
	v7 =	vadd.s32 $0x8000, v5;
	v5 =	vshrl.u32 v8, $0x10  }
0x7a: {  	v8 =	vld [tilespmem:s24+$0xC970];
	[tilespmem:s21+$0x14930] =	vst v6;
	v6 =	vand.u32 $0xFFFF0000, v7  }
0x7b: {  	v1 =	vadd.s32 $0x8000, v1;
	v7 =	vld [tilespmem:s24+$0x8900];
	v5 =	vor.u32 v5, v6;
	v3 =	vadd.s32 $0x8000, v3  }
0x7c: {  	v6 =	vld [tilespmem:s24+$0xC900];
	v1 =	vshrl.u32 v1, $0x10;
	[tilespmem:s21+$0x14940] =	vst v5;
	v3 =	vand.u32 $0xFFFF0000, v3  }
0x7d: {  	v2 =	vadd.s32 $0x8000, v2;
	v5 =	vld [tilespmem:s24+$0x8910];
	v1 =	vor.u32 v1, v3;
	v4 =	vadd.s32 $0x8000, v4  }
0x7e: {  	v3 =	vld [tilespmem:s24+$0xC910];
	[tilespmem:s21+$0x14950] =	vst v1;
	v1 =	vshrl.u32 v2, $0x10;
	v2 =	vand.u32 $0xFFFF0000, v4  }
0x7f: {  	v0 =	vadd.s32 $0x8000, v0;
	v4 =	vld [tilespmem:s24+$0x8920];
	v1 =	vor.u32 v1, v2  }
0x80: {  	v2 =	vld [tilespmem:s24+$0xC920];
	v8 =	vadd.s32 $0x8000, v8;
	v0 =	vshrl.u32 v0, $0x10;
	[tilespmem:s21+$0x14960] =	vst v1  }
0x81: {  	v1 =	vand.u32 $0xFFFF0000, v8;
	v7 =	vadd.s32 $0x8000, v7;
	v6 =	vadd.s32 $0x8000, v6;
	v8 =	vld [tilespmem:s24+$0x8930]  }
0x82: {  	v0 =	vor.u32 v0, v1;
	v1 =	vld [tilespmem:s24+$0xC930];
	v7 =	vshrl.u32 v7, $0x10;
	v6 =	vand.u32 $0xFFFF0000, v6  }
0x83: {  	[tilespmem:s24+$0x14970] =	vst v0;
	v0 =	vor.u32 v7, v6;
	v6 =	vld [tilespmem:s24+$0x8940];
	v5 =	vadd.s32 $0x8000, v5;
	v3 =	vadd.s32 $0x8000, v3  }
0x84: {  	v7 =	vld [tilespmem:s24+$0xC960];
	[tilespmem:s24+$0x14900] =	vst v0;
	v0 =	vshrl.u32 v5, $0x10;
	v3 =	vand.u32 $0xFFFF0000, v3  }
0x85: {  	v5 =	vld [tilespmem:s24+$0xC940];
	v0 =	vor.u32 v0, v3;
	v4 =	vadd.s32 $0x8000, v4;
	v2 =	vadd.s32 $0x8000, v2  }
0x86: {  	v3 =	vld [tilespmem:s24+$0x8950];
	[tilespmem:s24+$0x14910] =	vst v0;
	v0 =	vshrl.u32 v4, $0x10;
	v2 =	vand.u32 $0xFFFF0000, v2  }
0x87: {  	v4 =	vld [tilespmem:s24+$0xC950];
	v0 =	vor.u32 v0, v2  }
0x88: {  	v2 =	vld [tilespmem:s24+$0x8960];
	v1 =	vadd.s32 $0x8000, v1;
	[tilespmem:s24+$0x14920] =	vst v0;
	v0 =	vadd.s32 $0x8000, v8  }
0x89: {  	v1 =	vand.u32 $0xFFFF0000, v1;
	v0 =	vshrl.u32 v0, $0x10  }
0x8a: {  	v6 =	vadd.s32 $0x8000, v6;
	v0 =	vor.u32 v0, v1;
	v1 =	vadd.s32 $0x8000, v5  }
0x8b: {  	v5 =	vshrl.u32 v6, $0x10;
	v3 =	vadd.s32 $0x8000, v3;
	v1 =	vand.u32 $0xFFFF0000, v1  }
0x8c: {  	v4 =	vadd.s32 $0x8000, v4;
	v3 =	vshrl.u32 v3, $0x10;
	v1 =	vor.u32 v5, v1  }
0x8d: {  	[tilespmem:s24+$0x14930] =	vst v0;
	v0 =	vand.u32 $0xFFFF0000, v4;
	v2 =	vadd.s32 $0x8000, v2;
	v4 =	vadd.s32 $0x8000, v7  }
0x8e: {  	[tilespmem:s24+$0x14940] =	vst v1;
	v0 =	vor.u32 v3, v0;
	v1 =	vshrl.u32 v2, $0x10;
	v2 =	vand.u32 $0xFFFF0000, v4  }
0x8f: {  	[tilespmem:s24+$0x14950] =	vst v0;
	v0 =	vor.u32 v1, v2  }
0x90: {  	[tilespmem:s24+$0x14960] =	vst v0;
	s24 =	simm.s32 $0x0  }
0x91: {  	[hbm4b:s6+s24] =	stream.linear.scatter [tilespmem:s23], [sflag:$0x4], $0x4000, $0x38;
	[tilespmem:$0x18900] =	vst v63  }
0x92: {  	s26 =	simm.s32 $0x300  }
0x93: {  	[tilespmem:s18], [sflag:$0x2] =	stream.indirect.gather [hbm4b:s2+s16], $0x80, s26, s16, $0xb8;
	[tilespmem:$0x18900] =	vst v63  }
0x94: {  	_ =	swait.ge [sflag:s19], $0x8000  }
0x95: {  	[sflag:s19] =	ssyncset.done $0x0  }
0x96: {  	[sflag:s19] =	ssyncadd.s32 $0xFFFF8000  }
0x97: {  	_ =	swait.ge [sflag:s25], $0x4000  }
0x98: {  	[sflag:s25] =	ssyncset.done $0x0  }
0x99: {  	s21 =	simm.s32 $0x0;
	[sflag:s25] =	ssyncadd.s32 $0xFFFFC000  }
0x9a: {  	v0 =	vld [tilespmem:s21+$0x970]  }
0x9b: {  	v1 =	vld [tilespmem:s21+$0x4970]  }
0x9c: {  	v2 =	vld [tilespmem:s21+$0x900]  }
0x9d: {  	v3 =	vld [tilespmem:s21+$0x4900]  }
0x9e: {  	v4 =	vld [tilespmem:s21+$0x910]  }
0x9f: {  	v5 =	vld [tilespmem:s21+$0x4910]  }
0xa0: {  	v6 =	vld [tilespmem:s21+$0x920]  }
0xa1: {  	v7 =	vld [tilespmem:s21+$0x4920];
	v0 =	vadd.s32 $0x8000, v0;
	v1 =	vadd.s32 $0x8000, v1;
	v2 =	vadd.s32 $0x8000, v2  }
0xa2: {  	v8 =	vld [tilespmem:s21+$0x930];
	v3 =	vadd.s32 $0x8000, v3;
	v0 =	vshrl.u32 v0, $0x10;
	v1 =	vand.u32 $0xFFFF0000, v1  }
0xa3: {  	v9 =	vld [tilespmem:s21+$0x4930];
	v0 =	vor.u32 v0, v1;
	v1 =	vshrl.u32 v2, $0x10;
	v2 =	vand.u32 $0xFFFF0000, v3  }
0xa4: {  	v10 =	vld [tilespmem:s21+$0x940];
	[tilespmem:s21+$0x10970] =	vst v0;
	v0 =	vor.u32 v1, v2;
	v1 =	vadd.s32 $0x8000, v4;
	v2 =	vadd.s32 $0x8000, v5  }
0xa5: {  	v5 =	vld [tilespmem:s21+$0x4940];
	[tilespmem:s21+$0x10900] =	vst v0;
	v0 =	vshrl.u32 v1, $0x10;
	v1 =	vand.u32 $0xFFFF0000, v2  }
0xa6: {  	v3 =	vadd.s32 $0x8000, v7;
	v2 =	vadd.s32 $0x8000, v6;
	v0 =	vor.u32 v0, v1;
	v1 =	vld [tilespmem:s21+$0x950]  }
0xa7: {  	[tilespmem:s21+$0x10910] =	vst v0;
	v0 =	vshrl.u32 v2, $0x10;
	v2 =	vand.u32 $0xFFFF0000, v3;
	v3 =	vld [tilespmem:s21+$0x4950]  }
0xa8: {  	v4 =	vadd.s32 $0x8000, v8;
	v6 =	vadd.s32 $0x8000, v9;
	v0 =	vor.u32 v0, v2;
	v2 =	vld [tilespmem:s21+$0x960]  }
0xa9: {  	s24 =	simm.s32 $0x80;
	v8 =	vadd.s32 $0x8000, v10;
	v7 =	vshrl.u32 v4, $0x10;
	v4 =	vld [tilespmem:s21+$0x4960];
	v6 =	vand.u32 $0xFFFF0000, v6;
	[tilespmem:s21+$0x10920] =	vst v0  }
0xaa: {  	s26 =	simm.s32 $0x400;
	v6 =	vor.u32 v7, v6;
	v7 =	vadd.s32 $0x8000, v5;
	v5 =	vshrl.u32 v8, $0x10;
	v0 =	vld [tilespmem:s24+$0x970]  }
.LBB2_6:
0xab: {  	p0 =	sne.s32 s26, $0xFE00;
	v8 =	vld [tilespmem:s24+$0x4970];
	[tilespmem:s21+$0x10930] =	vst v6;
	v6 =	vand.u32 $0xFFFF0000, v7;
	v1 =	vadd.s32 $0x8000, v1  }
0xac: {  	v7 =	vld [tilespmem:s24+$0x900];
	v5 =	vor.u32 v5, v6;
	v3 =	vadd.s32 $0x8000, v3;
	v1 =	vshrl.u32 v1, $0x10  }
0xad: {  	v6 =	vld [tilespmem:s24+$0x4900];
	[tilespmem:s21+$0x10940] =	vst v5;
	v3 =	vand.u32 $0xFFFF0000, v3;
	v2 =	vadd.s32 $0x8000, v2  }
0xae: {  	v5 =	vld [tilespmem:s24+$0x910];
	v1 =	vor.u32 v1, v3;
	v3 =	vadd.s32 $0x8000, v4;
	v2 =	vshrl.u32 v2, $0x10  }
0xaf: {  	v4 =	vld [tilespmem:s24+$0x4910];
	[tilespmem:s21+$0x10950] =	vst v1;
	v1 =	vand.u32 $0xFFFF0000, v3  }
0xb0: {  	v0 =	vadd.s32 $0x8000, v0;
	v3 =	vld [tilespmem:s24+$0x920];
	v8 =	vadd.s32 $0x8000, v8;
	v1 =	vor.u32 v2, v1  }
0xb1: {  	v0 =	vshrl.u32 v0, $0x10;
	v2 =	vadd.s32 $0x8000, v7;
	v7 =	vld [tilespmem:s24+$0x4920];
	v8 =	vand.u32 $0xFFFF0000, v8;
	[tilespmem:s21+$0x10960] =	vst v1;
	s21 =	smov.u32 s24  }
0xb2: {  	v1 =	vadd.s32 $0x8000, v6;
	v2 =	vshrl.u32 v2, $0x10;
	v6 =	vld [tilespmem:s21+$0x930];
	v0 =	vor.u32 v0, v8  }
0xb3: {  	v1 =	vand.u32 $0xFFFF0000, v1;
	v5 =	vadd.s32 $0x8000, v5;
	v8 =	vld [tilespmem:s21+$0x4930];
	[tilespmem:s21+$0x10970] =	vst v0  }
0xb4: {  	v0 =	vor.u32 v2, v1;
	v1 =	vadd.s32 $0x8000, v4;
	v2 =	vshrl.u32 v5, $0x10;
	v4 =	vld [tilespmem:s21+$0x940]  }
0xb5: {  	[tilespmem:s21+$0x10900] =	vst v0;
	v0 =	vand.u32 $0xFFFF0000, v1;
	v1 =	vadd.s32 $0x8000, v3;
	v5 =	vld [tilespmem:s21+$0x4940]  }
.Ltmp2:
0xb6: {  	v0 =	vor.u32 v2, v0;
	v2 =	vadd.s32 $0x8000, v7;
	v7 =	vshrl.u32 v1, $0x10;
	v1 =	vld [tilespmem:s21+$0x950];
	(pc) =	sbr.rel @p0 .LBB2_6-.Ltmp2, $4  }
0xb7: {  	[tilespmem:s21+$0x10910] =	vst v0;
	v0 =	vand.u32 $0xFFFF0000, v2;
	v2 =	vadd.s32 $0x8000, v6;
	v3 =	vld [tilespmem:s21+$0x4950]  }
0xb8: {  	v0 =	vor.u32 v7, v0;
	v6 =	vadd.s32 $0x8000, v8;
	v7 =	vshrl.u32 v2, $0x10;
	v2 =	vld [tilespmem:s21+$0x960]  }
0xb9: {  	s24 =	sshra.s32 s26, $0x2;
	[tilespmem:s21+$0x10920] =	vst v0;
	v6 =	vand.u32 $0xFFFF0000, v6;
	v8 =	vadd.s32 $0x8000, v4;
	v4 =	vld [tilespmem:s21+$0x4960]  }
0xba: {  	s26 =	sadd.s32 $0x200, s26;
	v0 =	vld [tilespmem:s24+$0x970];
	v6 =	vor.u32 v7, v6;
	v7 =	vadd.s32 $0x8000, v5;
	v5 =	vshrl.u32 v8, $0x10  }
0xbb: {  	v8 =	vld [tilespmem:s24+$0x4970];
	[tilespmem:s21+$0x10930] =	vst v6;
	v6 =	vand.u32 $0xFFFF0000, v7  }
0xbc: {  	v1 =	vadd.s32 $0x8000, v1;
	v7 =	vld [tilespmem:s24+$0x900];
	v5 =	vor.u32 v5, v6;
	v3 =	vadd.s32 $0x8000, v3  }
0xbd: {  	v6 =	vld [tilespmem:s24+$0x4900];
	v1 =	vshrl.u32 v1, $0x10;
	[tilespmem:s21+$0x10940] =	vst v5;
	v3 =	vand.u32 $0xFFFF0000, v3  }
0xbe: {  	v2 =	vadd.s32 $0x8000, v2;
	v5 =	vld [tilespmem:s24+$0x910];
	v1 =	vor.u32 v1, v3;
	v4 =	vadd.s32 $0x8000, v4  }
0xbf: {  	v3 =	vld [tilespmem:s24+$0x4910];
	[tilespmem:s21+$0x10950] =	vst v1;
	v1 =	vshrl.u32 v2, $0x10;
	v2 =	vand.u32 $0xFFFF0000, v4  }
0xc0: {  	v0 =	vadd.s32 $0x8000, v0;
	v4 =	vld [tilespmem:s24+$0x920];
	v1 =	vor.u32 v1, v2  }
0xc1: {  	v2 =	vld [tilespmem:s24+$0x4920];
	v8 =	vadd.s32 $0x8000, v8;
	v0 =	vshrl.u32 v0, $0x10;
	[tilespmem:s21+$0x10960] =	vst v1  }
0xc2: {  	v1 =	vand.u32 $0xFFFF0000, v8;
	v7 =	vadd.s32 $0x8000, v7;
	v6 =	vadd.s32 $0x8000, v6;
	v8 =	vld [tilespmem:s24+$0x930]  }
0xc3: {  	v0 =	vor.u32 v0, v1;
	v1 =	vld [tilespmem:s24+$0x4930];
	v7 =	vshrl.u32 v7, $0x10;
	v6 =	vand.u32 $0xFFFF0000, v6  }
0xc4: {  	[tilespmem:s24+$0x10970] =	vst v0;
	v0 =	vor.u32 v7, v6;
	v6 =	vld [tilespmem:s24+$0x940];
	v5 =	vadd.s32 $0x8000, v5;
	v3 =	vadd.s32 $0x8000, v3  }
0xc5: {  	v7 =	vld [tilespmem:s24+$0x4960];
	[tilespmem:s24+$0x10900] =	vst v0;
	v0 =	vshrl.u32 v5, $0x10;
	v3 =	vand.u32 $0xFFFF0000, v3  }
0xc6: {  	v5 =	vld [tilespmem:s24+$0x4940];
	v0 =	vor.u32 v0, v3;
	v4 =	vadd.s32 $0x8000, v4;
	v2 =	vadd.s32 $0x8000, v2  }
0xc7: {  	v3 =	vld [tilespmem:s24+$0x950];
	[tilespmem:s24+$0x10910] =	vst v0;
	v0 =	vshrl.u32 v4, $0x10;
	v2 =	vand.u32 $0xFFFF0000, v2  }
0xc8: {  	v4 =	vld [tilespmem:s24+$0x4950];
	v0 =	vor.u32 v0, v2  }
0xc9: {  	v2 =	vld [tilespmem:s24+$0x960];
	v1 =	vadd.s32 $0x8000, v1;
	[tilespmem:s24+$0x10920] =	vst v0;
	v0 =	vadd.s32 $0x8000, v8  }
0xca: {  	v1 =	vand.u32 $0xFFFF0000, v1;
	v0 =	vshrl.u32 v0, $0x10  }
0xcb: {  	v6 =	vadd.s32 $0x8000, v6;
	v0 =	vor.u32 v0, v1;
	v1 =	vadd.s32 $0x8000, v5  }
0xcc: {  	v5 =	vshrl.u32 v6, $0x10;
	v3 =	vadd.s32 $0x8000, v3;
	v1 =	vand.u32 $0xFFFF0000, v1  }
0xcd: {  	v4 =	vadd.s32 $0x8000, v4;
	v3 =	vshrl.u32 v3, $0x10;
	v1 =	vor.u32 v5, v1  }
0xce: {  	[tilespmem:s24+$0x10930] =	vst v0;
	v0 =	vand.u32 $0xFFFF0000, v4;
	v2 =	vadd.s32 $0x8000, v2;
	v4 =	vadd.s32 $0x8000, v7  }
0xcf: {  	[tilespmem:s24+$0x10940] =	vst v1;
	v0 =	vor.u32 v3, v0;
	v1 =	vshrl.u32 v2, $0x10;
	v2 =	vand.u32 $0xFFFF0000, v4  }
0xd0: {  	[tilespmem:s24+$0x10950] =	vst v0;
	v0 =	vor.u32 v1, v2  }
0xd1: {  	[tilespmem:s24+$0x10960] =	vst v0;
	s24 =	simm.s32 $0x0  }
0xd2: {  	[hbm4b:s7+s24] =	stream.linear.scatter [tilespmem:s20], [sflag:$0x3], $0x4000, $0x38;
	[tilespmem:$0x18900] =	vst v63  }
0xd3: {  	s26 =	simm.s32 $0x400  }
0xd4: {  	[tilespmem:s17], [sflag:$0x1] =	stream.indirect.gather [hbm4b:s2+s16], $0x80, s26, s16, $0xb8;
	[tilespmem:$0x18900] =	vst v63  }
0xd5: {  	_ =	swait.ge [sflag:s22], $0x8000  }
0xd6: {  	[sflag:s22] =	ssyncset.done $0x0  }
0xd7: {  	[sflag:s22] =	ssyncadd.s32 $0xFFFF8000  }
0xd8: {  	_ =	swait.ge [sflag:s28], $0x4000  }
0xd9: {  	[sflag:s28] =	ssyncset.done $0x0  }
0xda: {  	s21 =	simm.s32 $0x0;
	[sflag:s28] =	ssyncadd.s32 $0xFFFFC000  }
0xdb: {  	v0 =	vld [tilespmem:s21+$0x8970]  }
0xdc: {  	v1 =	vld [tilespmem:s21+$0xC970]  }
0xdd: {  	v2 =	vld [tilespmem:s21+$0x8900]  }
0xde: {  	v3 =	vld [tilespmem:s21+$0xC900]  }
0xdf: {  	v4 =	vld [tilespmem:s21+$0x8910]  }
0xe0: {  	v5 =	vld [tilespmem:s21+$0xC910]  }
0xe1: {  	v6 =	vld [tilespmem:s21+$0x8920]  }
0xe2: {  	v7 =	vld [tilespmem:s21+$0xC920];
	v0 =	vadd.s32 $0x8000, v0;
	v1 =	vadd.s32 $0x8000, v1;
	v2 =	vadd.s32 $0x8000, v2  }
0xe3: {  	v8 =	vld [tilespmem:s21+$0x8930];
	v3 =	vadd.s32 $0x8000, v3;
	v0 =	vshrl.u32 v0, $0x10;
	v1 =	vand.u32 $0xFFFF0000, v1  }
0xe4: {  	v9 =	vld [tilespmem:s21+$0xC930];
	v0 =	vor.u32 v0, v1;
	v1 =	vshrl.u32 v2, $0x10;
	v2 =	vand.u32 $0xFFFF0000, v3  }
0xe5: {  	v10 =	vld [tilespmem:s21+$0x8940];
	[tilespmem:s21+$0x14970] =	vst v0;
	v0 =	vor.u32 v1, v2;
	v1 =	vadd.s32 $0x8000, v4;
	v2 =	vadd.s32 $0x8000, v5  }
0xe6: {  	v5 =	vld [tilespmem:s21+$0xC940];
	[tilespmem:s21+$0x14900] =	vst v0;
	v0 =	vshrl.u32 v1, $0x10;
	v1 =	vand.u32 $0xFFFF0000, v2  }
0xe7: {  	v3 =	vadd.s32 $0x8000, v7;
	v2 =	vadd.s32 $0x8000, v6;
	v0 =	vor.u32 v0, v1;
	v1 =	vld [tilespmem:s21+$0x8950]  }
0xe8: {  	[tilespmem:s21+$0x14910] =	vst v0;
	v0 =	vshrl.u32 v2, $0x10;
	v2 =	vand.u32 $0xFFFF0000, v3;
	v3 =	vld [tilespmem:s21+$0xC950]  }
0xe9: {  	v4 =	vadd.s32 $0x8000, v8;
	v6 =	vadd.s32 $0x8000, v9;
	v0 =	vor.u32 v0, v2;
	v2 =	vld [tilespmem:s21+$0x8960]  }
0xea: {  	s24 =	simm.s32 $0x80;
	v8 =	vadd.s32 $0x8000, v10;
	v7 =	vshrl.u32 v4, $0x10;
	v4 =	vld [tilespmem:s21+$0xC960];
	v6 =	vand.u32 $0xFFFF0000, v6;
	[tilespmem:s21+$0x14920] =	vst v0  }
0xeb: {  	s26 =	simm.s32 $0x400;
	v6 =	vor.u32 v7, v6;
	v7 =	vadd.s32 $0x8000, v5;
	v5 =	vshrl.u32 v8, $0x10;
	v0 =	vld [tilespmem:s24+$0x8970]  }
.LBB2_8:
0xec: {  	p0 =	sne.s32 s26, $0xFE00;
	v8 =	vld [tilespmem:s24+$0xC970];
	[tilespmem:s21+$0x14930] =	vst v6;
	v6 =	vand.u32 $0xFFFF0000, v7;
	v1 =	vadd.s32 $0x8000, v1  }
0xed: {  	v7 =	vld [tilespmem:s24+$0x8900];
	v5 =	vor.u32 v5, v6;
	v3 =	vadd.s32 $0x8000, v3;
	v1 =	vshrl.u32 v1, $0x10  }
0xee: {  	v6 =	vld [tilespmem:s24+$0xC900];
	[tilespmem:s21+$0x14940] =	vst v5;
	v3 =	vand.u32 $0xFFFF0000, v3;
	v2 =	vadd.s32 $0x8000, v2  }
0xef: {  	v5 =	vld [tilespmem:s24+$0x8910];
	v1 =	vor.u32 v1, v3;
	v3 =	vadd.s32 $0x8000, v4;
	v2 =	vshrl.u32 v2, $0x10  }
0xf0: {  	v4 =	vld [tilespmem:s24+$0xC910];
	[tilespmem:s21+$0x14950] =	vst v1;
	v1 =	vand.u32 $0xFFFF0000, v3  }
0xf1: {  	v0 =	vadd.s32 $0x8000, v0;
	v3 =	vld [tilespmem:s24+$0x8920];
	v8 =	vadd.s32 $0x8000, v8;
	v1 =	vor.u32 v2, v1  }
0xf2: {  	v0 =	vshrl.u32 v0, $0x10;
	v2 =	vadd.s32 $0x8000, v7;
	v7 =	vld [tilespmem:s24+$0xC920];
	v8 =	vand.u32 $0xFFFF0000, v8;
	[tilespmem:s21+$0x14960] =	vst v1;
	s21 =	smov.u32 s24  }
0xf3: {  	v1 =	vadd.s32 $0x8000, v6;
	v2 =	vshrl.u32 v2, $0x10;
	v6 =	vld [tilespmem:s21+$0x8930];
	v0 =	vor.u32 v0, v8  }
0xf4: {  	v1 =	vand.u32 $0xFFFF0000, v1;
	v5 =	vadd.s32 $0x8000, v5;
	v8 =	vld [tilespmem:s21+$0xC930];
	[tilespmem:s21+$0x14970] =	vst v0  }
0xf5: {  	v0 =	vor.u32 v2, v1;
	v1 =	vadd.s32 $0x8000, v4;
	v2 =	vshrl.u32 v5, $0x10;
	v4 =	vld [tilespmem:s21+$0x8940]  }
0xf6: {  	[tilespmem:s21+$0x14900] =	vst v0;
	v0 =	vand.u32 $0xFFFF0000, v1;
	v1 =	vadd.s32 $0x8000, v3;
	v5 =	vld [tilespmem:s21+$0xC940]  }
.Ltmp3:
0xf7: {  	v0 =	vor.u32 v2, v0;
	v2 =	vadd.s32 $0x8000, v7;
	v7 =	vshrl.u32 v1, $0x10;
	v1 =	vld [tilespmem:s21+$0x8950];
	(pc) =	sbr.rel @p0 .LBB2_8-.Ltmp3, $4  }
0xf8: {  	[tilespmem:s21+$0x14910] =	vst v0;
	v0 =	vand.u32 $0xFFFF0000, v2;
	v2 =	vadd.s32 $0x8000, v6;
	v3 =	vld [tilespmem:s21+$0xC950]  }
0xf9: {  	v0 =	vor.u32 v7, v0;
	v6 =	vadd.s32 $0x8000, v8;
	v7 =	vshrl.u32 v2, $0x10;
	v2 =	vld [tilespmem:s21+$0x8960]  }
0xfa: {  	s24 =	sshra.s32 s26, $0x2;
	[tilespmem:s21+$0x14920] =	vst v0;
	v6 =	vand.u32 $0xFFFF0000, v6;
	v8 =	vadd.s32 $0x8000, v4;
	v4 =	vld [tilespmem:s21+$0xC960]  }
0xfb: {  	s26 =	sadd.s32 $0x200, s26;
	v0 =	vld [tilespmem:s24+$0x8970];
	v6 =	vor.u32 v7, v6;
	v7 =	vadd.s32 $0x8000, v5;
	v5 =	vshrl.u32 v8, $0x10  }
0xfc: {  	v8 =	vld [tilespmem:s24+$0xC970];
	[tilespmem:s21+$0x14930] =	vst v6;
	v6 =	vand.u32 $0xFFFF0000, v7  }
0xfd: {  	v1 =	vadd.s32 $0x8000, v1;
	v7 =	vld [tilespmem:s24+$0x8900];
	v5 =	vor.u32 v5, v6;
	v3 =	vadd.s32 $0x8000, v3  }
0xfe: {  	v6 =	vld [tilespmem:s24+$0xC900];
	v1 =	vshrl.u32 v1, $0x10;
	[tilespmem:s21+$0x14940] =	vst v5;
	v3 =	vand.u32 $0xFFFF0000, v3  }
0xff: {  	v2 =	vadd.s32 $0x8000, v2;
	v5 =	vld [tilespmem:s24+$0x8910];
	v1 =	vor.u32 v1, v3;
	v4 =	vadd.s32 $0x8000, v4  }
0x100: {  	v3 =	vld [tilespmem:s24+$0xC910];
	[tilespmem:s21+$0x14950] =	vst v1;
	v1 =	vshrl.u32 v2, $0x10;
	v2 =	vand.u32 $0xFFFF0000, v4  }
0x101: {  	v0 =	vadd.s32 $0x8000, v0;
	v4 =	vld [tilespmem:s24+$0x8920];
	v1 =	vor.u32 v1, v2  }
0x102: {  	v2 =	vld [tilespmem:s24+$0xC920];
	v8 =	vadd.s32 $0x8000, v8;
	v0 =	vshrl.u32 v0, $0x10;
	[tilespmem:s21+$0x14960] =	vst v1  }
0x103: {  	v1 =	vand.u32 $0xFFFF0000, v8;
	v7 =	vadd.s32 $0x8000, v7;
	v6 =	vadd.s32 $0x8000, v6;
	v8 =	vld [tilespmem:s24+$0x8930]  }
0x104: {  	v0 =	vor.u32 v0, v1;
	v1 =	vld [tilespmem:s24+$0xC930];
	v7 =	vshrl.u32 v7, $0x10;
	v6 =	vand.u32 $0xFFFF0000, v6  }
0x105: {  	[tilespmem:s24+$0x14970] =	vst v0;
	v0 =	vor.u32 v7, v6;
	v6 =	vld [tilespmem:s24+$0x8940];
	v5 =	vadd.s32 $0x8000, v5;
	v3 =	vadd.s32 $0x8000, v3  }
0x106: {  	v7 =	vld [tilespmem:s24+$0xC960];
	[tilespmem:s24+$0x14900] =	vst v0;
	v0 =	vshrl.u32 v5, $0x10;
	v3 =	vand.u32 $0xFFFF0000, v3  }
0x107: {  	v5 =	vld [tilespmem:s24+$0xC940];
	v0 =	vor.u32 v0, v3;
	v4 =	vadd.s32 $0x8000, v4;
	v2 =	vadd.s32 $0x8000, v2  }
0x108: {  	v3 =	vld [tilespmem:s24+$0x8950];
	[tilespmem:s24+$0x14910] =	vst v0;
	v0 =	vshrl.u32 v4, $0x10;
	v2 =	vand.u32 $0xFFFF0000, v2  }
0x109: {  	v4 =	vld [tilespmem:s24+$0xC950];
	v0 =	vor.u32 v0, v2  }
0x10a: {  	v2 =	vld [tilespmem:s24+$0x8960];
	v1 =	vadd.s32 $0x8000, v1;
	[tilespmem:s24+$0x14920] =	vst v0;
	v0 =	vadd.s32 $0x8000, v8  }
0x10b: {  	v1 =	vand.u32 $0xFFFF0000, v1;
	v0 =	vshrl.u32 v0, $0x10  }
0x10c: {  	v6 =	vadd.s32 $0x8000, v6;
	v0 =	vor.u32 v0, v1;
	v1 =	vadd.s32 $0x8000, v5  }
0x10d: {  	v5 =	vshrl.u32 v6, $0x10;
	v3 =	vadd.s32 $0x8000, v3;
	v1 =	vand.u32 $0xFFFF0000, v1  }
0x10e: {  	v4 =	vadd.s32 $0x8000, v4;
	v3 =	vshrl.u32 v3, $0x10;
	v1 =	vor.u32 v5, v1  }
0x10f: {  	[tilespmem:s24+$0x14930] =	vst v0;
	v0 =	vand.u32 $0xFFFF0000, v4;
	v2 =	vadd.s32 $0x8000, v2;
	v4 =	vadd.s32 $0x8000, v7  }
0x110: {  	[tilespmem:s24+$0x14940] =	vst v1;
	v0 =	vor.u32 v3, v0;
	v1 =	vshrl.u32 v2, $0x10;
	v2 =	vand.u32 $0xFFFF0000, v4  }
0x111: {  	[tilespmem:s24+$0x14950] =	vst v0;
	v0 =	vor.u32 v1, v2  }
0x112: {  	s26 =	simm.s32 $0x0;
	[tilespmem:s24+$0x14960] =	vst v0  }
0x113: {  	[hbm4b:s8+s26] =	stream.linear.scatter [tilespmem:s23], [sflag:$0x4], $0x4000, $0x38;
	[tilespmem:$0x18900] =	vst v63  }
0x114: {  	_ = 	snop  }
0x115: {  	[tilespmem:s18], [sflag:$0x2] =	stream.indirect.gather [hbm4b:s2+s16], $0x80, s29, s16, $0xb8;
	[tilespmem:$0x18900] =	vst v63  }
0x116: {  	_ =	swait.ge [sflag:s19], $0x8000  }
0x117: {  	[sflag:s19] =	ssyncset.done $0x0  }
0x118: {  	[sflag:s19] =	ssyncadd.s32 $0xFFFF8000  }
0x119: {  	_ =	swait.ge [sflag:s25], $0x4000  }
0x11a: {  	[sflag:s25] =	ssyncset.done $0x0  }
0x11b: {  	s21 =	simm.s32 $0x0;
	[sflag:s25] =	ssyncadd.s32 $0xFFFFC000  }
0x11c: {  	v0 =	vld [tilespmem:s21+$0x970]  }
0x11d: {  	v1 =	vld [tilespmem:s21+$0x4970]  }
0x11e: {  	v2 =	vld [tilespmem:s21+$0x900]  }
0x11f: {  	v3 =	vld [tilespmem:s21+$0x4900]  }
0x120: {  	v4 =	vld [tilespmem:s21+$0x910]  }
0x121: {  	v5 =	vld [tilespmem:s21+$0x4910]  }
0x122: {  	v6 =	vld [tilespmem:s21+$0x920]  }
0x123: {  	v7 =	vld [tilespmem:s21+$0x4920];
	v0 =	vadd.s32 $0x8000, v0;
	v1 =	vadd.s32 $0x8000, v1;
	v2 =	vadd.s32 $0x8000, v2  }
0x124: {  	v8 =	vld [tilespmem:s21+$0x930];
	v3 =	vadd.s32 $0x8000, v3;
	v0 =	vshrl.u32 v0, $0x10;
	v1 =	vand.u32 $0xFFFF0000, v1  }
0x125: {  	v9 =	vld [tilespmem:s21+$0x4930];
	v0 =	vor.u32 v0, v1;
	v1 =	vshrl.u32 v2, $0x10;
	v2 =	vand.u32 $0xFFFF0000, v3  }
0x126: {  	v10 =	vld [tilespmem:s21+$0x940];
	[tilespmem:s21+$0x10970] =	vst v0;
	v0 =	vor.u32 v1, v2;
	v1 =	vadd.s32 $0x8000, v4;
	v2 =	vadd.s32 $0x8000, v5  }
0x127: {  	v5 =	vld [tilespmem:s21+$0x4940];
	[tilespmem:s21+$0x10900] =	vst v0;
	v0 =	vshrl.u32 v1, $0x10;
	v1 =	vand.u32 $0xFFFF0000, v2  }
0x128: {  	v3 =	vadd.s32 $0x8000, v7;
	v2 =	vadd.s32 $0x8000, v6;
	v0 =	vor.u32 v0, v1;
	v1 =	vld [tilespmem:s21+$0x950]  }
0x129: {  	[tilespmem:s21+$0x10910] =	vst v0;
	v0 =	vshrl.u32 v2, $0x10;
	v2 =	vand.u32 $0xFFFF0000, v3;
	v3 =	vld [tilespmem:s21+$0x4950]  }
0x12a: {  	v4 =	vadd.s32 $0x8000, v8;
	v6 =	vadd.s32 $0x8000, v9;
	v0 =	vor.u32 v0, v2;
	v2 =	vld [tilespmem:s21+$0x960]  }
0x12b: {  	s24 =	simm.s32 $0x80;
	v8 =	vadd.s32 $0x8000, v10;
	v7 =	vshrl.u32 v4, $0x10;
	v4 =	vld [tilespmem:s21+$0x4960];
	v6 =	vand.u32 $0xFFFF0000, v6;
	[tilespmem:s21+$0x10920] =	vst v0  }
0x12c: {  	s26 =	simm.s32 $0x400;
	v6 =	vor.u32 v7, v6;
	v7 =	vadd.s32 $0x8000, v5;
	v5 =	vshrl.u32 v8, $0x10;
	v0 =	vld [tilespmem:s24+$0x970]  }
.LBB2_10:
0x12d: {  	p0 =	sne.s32 s26, $0xFE00;
	v8 =	vld [tilespmem:s24+$0x4970];
	[tilespmem:s21+$0x10930] =	vst v6;
	v6 =	vand.u32 $0xFFFF0000, v7;
	v1 =	vadd.s32 $0x8000, v1  }
0x12e: {  	v7 =	vld [tilespmem:s24+$0x900];
	v5 =	vor.u32 v5, v6;
	v3 =	vadd.s32 $0x8000, v3;
	v1 =	vshrl.u32 v1, $0x10  }
0x12f: {  	v6 =	vld [tilespmem:s24+$0x4900];
	[tilespmem:s21+$0x10940] =	vst v5;
	v3 =	vand.u32 $0xFFFF0000, v3;
	v2 =	vadd.s32 $0x8000, v2  }
0x130: {  	v5 =	vld [tilespmem:s24+$0x910];
	v1 =	vor.u32 v1, v3;
	v3 =	vadd.s32 $0x8000, v4;
	v2 =	vshrl.u32 v2, $0x10  }
0x131: {  	v4 =	vld [tilespmem:s24+$0x4910];
	[tilespmem:s21+$0x10950] =	vst v1;
	v1 =	vand.u32 $0xFFFF0000, v3  }
0x132: {  	v0 =	vadd.s32 $0x8000, v0;
	v3 =	vld [tilespmem:s24+$0x920];
	v8 =	vadd.s32 $0x8000, v8;
	v1 =	vor.u32 v2, v1  }
0x133: {  	v0 =	vshrl.u32 v0, $0x10;
	v2 =	vadd.s32 $0x8000, v7;
	v7 =	vld [tilespmem:s24+$0x4920];
	v8 =	vand.u32 $0xFFFF0000, v8;
	[tilespmem:s21+$0x10960] =	vst v1;
	s21 =	smov.u32 s24  }
0x134: {  	v1 =	vadd.s32 $0x8000, v6;
	v2 =	vshrl.u32 v2, $0x10;
	v6 =	vld [tilespmem:s21+$0x930];
	v0 =	vor.u32 v0, v8  }
0x135: {  	v1 =	vand.u32 $0xFFFF0000, v1;
	v5 =	vadd.s32 $0x8000, v5;
	v8 =	vld [tilespmem:s21+$0x4930];
	[tilespmem:s21+$0x10970] =	vst v0  }
0x136: {  	v0 =	vor.u32 v2, v1;
	v1 =	vadd.s32 $0x8000, v4;
	v2 =	vshrl.u32 v5, $0x10;
	v4 =	vld [tilespmem:s21+$0x940]  }
0x137: {  	[tilespmem:s21+$0x10900] =	vst v0;
	v0 =	vand.u32 $0xFFFF0000, v1;
	v1 =	vadd.s32 $0x8000, v3;
	v5 =	vld [tilespmem:s21+$0x4940]  }
.Ltmp4:
0x138: {  	v0 =	vor.u32 v2, v0;
	v2 =	vadd.s32 $0x8000, v7;
	v7 =	vshrl.u32 v1, $0x10;
	v1 =	vld [tilespmem:s21+$0x950];
	(pc) =	sbr.rel @p0 .LBB2_10-.Ltmp4, $4  }
0x139: {  	[tilespmem:s21+$0x10910] =	vst v0;
	v0 =	vand.u32 $0xFFFF0000, v2;
	v2 =	vadd.s32 $0x8000, v6;
	v3 =	vld [tilespmem:s21+$0x4950]  }
0x13a: {  	v0 =	vor.u32 v7, v0;
	v6 =	vadd.s32 $0x8000, v8;
	v7 =	vshrl.u32 v2, $0x10;
	v2 =	vld [tilespmem:s21+$0x960]  }
0x13b: {  	s24 =	sshra.s32 s26, $0x2;
	[tilespmem:s21+$0x10920] =	vst v0;
	v6 =	vand.u32 $0xFFFF0000, v6;
	v8 =	vadd.s32 $0x8000, v4;
	v4 =	vld [tilespmem:s21+$0x4960]  }
0x13c: {  	s26 =	sadd.s32 $0x200, s26;
	v0 =	vld [tilespmem:s24+$0x970];
	v6 =	vor.u32 v7, v6;
	v7 =	vadd.s32 $0x8000, v5;
	v5 =	vshrl.u32 v8, $0x10  }
0x13d: {  	v8 =	vld [tilespmem:s24+$0x4970];
	[tilespmem:s21+$0x10930] =	vst v6;
	v6 =	vand.u32 $0xFFFF0000, v7  }
0x13e: {  	v1 =	vadd.s32 $0x8000, v1;
	v7 =	vld [tilespmem:s24+$0x900];
	v5 =	vor.u32 v5, v6;
	v3 =	vadd.s32 $0x8000, v3  }
0x13f: {  	v6 =	vld [tilespmem:s24+$0x4900];
	v1 =	vshrl.u32 v1, $0x10;
	[tilespmem:s21+$0x10940] =	vst v5;
	v3 =	vand.u32 $0xFFFF0000, v3  }
0x140: {  	v2 =	vadd.s32 $0x8000, v2;
	v5 =	vld [tilespmem:s24+$0x910];
	v1 =	vor.u32 v1, v3;
	v4 =	vadd.s32 $0x8000, v4  }
0x141: {  	v3 =	vld [tilespmem:s24+$0x4910];
	[tilespmem:s21+$0x10950] =	vst v1;
	v1 =	vshrl.u32 v2, $0x10;
	v2 =	vand.u32 $0xFFFF0000, v4  }
0x142: {  	v0 =	vadd.s32 $0x8000, v0;
	v4 =	vld [tilespmem:s24+$0x920];
	v1 =	vor.u32 v1, v2  }
0x143: {  	v2 =	vld [tilespmem:s24+$0x4920];
	v8 =	vadd.s32 $0x8000, v8;
	v0 =	vshrl.u32 v0, $0x10;
	[tilespmem:s21+$0x10960] =	vst v1  }
0x144: {  	v1 =	vand.u32 $0xFFFF0000, v8;
	v7 =	vadd.s32 $0x8000, v7;
	v6 =	vadd.s32 $0x8000, v6;
	v8 =	vld [tilespmem:s24+$0x930]  }
0x145: {  	v0 =	vor.u32 v0, v1;
	v1 =	vld [tilespmem:s24+$0x4930];
	v7 =	vshrl.u32 v7, $0x10;
	v6 =	vand.u32 $0xFFFF0000, v6  }
0x146: {  	[tilespmem:s24+$0x10970] =	vst v0;
	v0 =	vor.u32 v7, v6;
	v6 =	vld [tilespmem:s24+$0x940];
	v5 =	vadd.s32 $0x8000, v5;
	v3 =	vadd.s32 $0x8000, v3  }
0x147: {  	v7 =	vld [tilespmem:s24+$0x4960];
	[tilespmem:s24+$0x10900] =	vst v0;
	v0 =	vshrl.u32 v5, $0x10;
	v3 =	vand.u32 $0xFFFF0000, v3  }
0x148: {  	v5 =	vld [tilespmem:s24+$0x4940];
	v0 =	vor.u32 v0, v3;
	v4 =	vadd.s32 $0x8000, v4;
	v2 =	vadd.s32 $0x8000, v2  }
0x149: {  	v3 =	vld [tilespmem:s24+$0x950];
	[tilespmem:s24+$0x10910] =	vst v0;
	v0 =	vshrl.u32 v4, $0x10;
	v2 =	vand.u32 $0xFFFF0000, v2  }
0x14a: {  	v4 =	vld [tilespmem:s24+$0x4950];
	v0 =	vor.u32 v0, v2  }
0x14b: {  	v2 =	vld [tilespmem:s24+$0x960];
	v1 =	vadd.s32 $0x8000, v1;
	[tilespmem:s24+$0x10920] =	vst v0;
	v0 =	vadd.s32 $0x8000, v8  }
0x14c: {  	v1 =	vand.u32 $0xFFFF0000, v1;
	v0 =	vshrl.u32 v0, $0x10  }
0x14d: {  	v6 =	vadd.s32 $0x8000, v6;
	v0 =	vor.u32 v0, v1;
	v1 =	vadd.s32 $0x8000, v5  }
0x14e: {  	v5 =	vshrl.u32 v6, $0x10;
	v3 =	vadd.s32 $0x8000, v3;
	v1 =	vand.u32 $0xFFFF0000, v1  }
0x14f: {  	v4 =	vadd.s32 $0x8000, v4;
	v3 =	vshrl.u32 v3, $0x10;
	v1 =	vor.u32 v5, v1  }
0x150: {  	[tilespmem:s24+$0x10930] =	vst v0;
	v0 =	vand.u32 $0xFFFF0000, v4;
	v2 =	vadd.s32 $0x8000, v2;
	v4 =	vadd.s32 $0x8000, v7  }
0x151: {  	[tilespmem:s24+$0x10940] =	vst v1;
	v0 =	vor.u32 v3, v0;
	v1 =	vshrl.u32 v2, $0x10;
	v2 =	vand.u32 $0xFFFF0000, v4  }
0x152: {  	[tilespmem:s24+$0x10950] =	vst v0;
	v0 =	vor.u32 v1, v2  }
0x153: {  	s26 =	simm.s32 $0x0;
	[tilespmem:s24+$0x10960] =	vst v0  }
0x154: {  	[hbm4b:s9+s26] =	stream.linear.scatter [tilespmem:s20], [sflag:$0x3], $0x4000, $0x38;
	[tilespmem:$0x18900] =	vst v63  }
0x155: {  	_ = 	snop  }
0x156: {  	[tilespmem:s17], [sflag:$0x1] =	stream.indirect.gather [hbm4b:s2+s16], $0x80, s30, s16, $0xb8;
	[tilespmem:$0x18900] =	vst v63  }
0x157: {  	_ =	swait.ge [sflag:s22], $0x8000  }
0x158: {  	[sflag:s22] =	ssyncset.done $0x0  }
0x159: {  	[sflag:s22] =	ssyncadd.s32 $0xFFFF8000  }
0x15a: {  	_ =	swait.ge [sflag:s28], $0x4000  }
0x15b: {  	[sflag:s28] =	ssyncset.done $0x0  }
0x15c: {  	s21 =	simm.s32 $0x0;
	[sflag:s28] =	ssyncadd.s32 $0xFFFFC000  }
0x15d: {  	v0 =	vld [tilespmem:s21+$0x8970]  }
0x15e: {  	v1 =	vld [tilespmem:s21+$0xC970]  }
0x15f: {  	v2 =	vld [tilespmem:s21+$0x8900]  }
0x160: {  	v3 =	vld [tilespmem:s21+$0xC900]  }
0x161: {  	v4 =	vld [tilespmem:s21+$0x8910]  }
0x162: {  	v5 =	vld [tilespmem:s21+$0xC910]  }
0x163: {  	v6 =	vld [tilespmem:s21+$0x8920]  }
0x164: {  	v7 =	vld [tilespmem:s21+$0xC920];
	v0 =	vadd.s32 $0x8000, v0;
	v1 =	vadd.s32 $0x8000, v1;
	v2 =	vadd.s32 $0x8000, v2  }
0x165: {  	v8 =	vld [tilespmem:s21+$0x8930];
	v3 =	vadd.s32 $0x8000, v3;
	v0 =	vshrl.u32 v0, $0x10;
	v1 =	vand.u32 $0xFFFF0000, v1  }
0x166: {  	v9 =	vld [tilespmem:s21+$0xC930];
	v0 =	vor.u32 v0, v1;
	v1 =	vshrl.u32 v2, $0x10;
	v2 =	vand.u32 $0xFFFF0000, v3  }
0x167: {  	v10 =	vld [tilespmem:s21+$0x8940];
	[tilespmem:s21+$0x14970] =	vst v0;
	v0 =	vor.u32 v1, v2;
	v1 =	vadd.s32 $0x8000, v4;
	v2 =	vadd.s32 $0x8000, v5  }
0x168: {  	v5 =	vld [tilespmem:s21+$0xC940];
	[tilespmem:s21+$0x14900] =	vst v0;
	v0 =	vshrl.u32 v1, $0x10;
	v1 =	vand.u32 $0xFFFF0000, v2  }
0x169: {  	v3 =	vadd.s32 $0x8000, v7;
	v2 =	vadd.s32 $0x8000, v6;
	v0 =	vor.u32 v0, v1;
	v1 =	vld [tilespmem:s21+$0x8950]  }
0x16a: {  	[tilespmem:s21+$0x14910] =	vst v0;
	v0 =	vshrl.u32 v2, $0x10;
	v2 =	vand.u32 $0xFFFF0000, v3;
	v3 =	vld [tilespmem:s21+$0xC950]  }
0x16b: {  	v4 =	vadd.s32 $0x8000, v8;
	v6 =	vadd.s32 $0x8000, v9;
	v0 =	vor.u32 v0, v2;
	v2 =	vld [tilespmem:s21+$0x8960]  }
0x16c: {  	s24 =	simm.s32 $0x80;
	v8 =	vadd.s32 $0x8000, v10;
	v7 =	vshrl.u32 v4, $0x10;
	v4 =	vld [tilespmem:s21+$0xC960];
	v6 =	vand.u32 $0xFFFF0000, v6;
	[tilespmem:s21+$0x14920] =	vst v0  }
0x16d: {  	s26 =	simm.s32 $0x400;
	v6 =	vor.u32 v7, v6;
	v7 =	vadd.s32 $0x8000, v5;
	v5 =	vshrl.u32 v8, $0x10;
	v0 =	vld [tilespmem:s24+$0x8970]  }
.LBB2_12:
0x16e: {  	p0 =	sne.s32 s26, $0xFE00;
	v8 =	vld [tilespmem:s24+$0xC970];
	[tilespmem:s21+$0x14930] =	vst v6;
	v6 =	vand.u32 $0xFFFF0000, v7;
	v1 =	vadd.s32 $0x8000, v1  }
0x16f: {  	v7 =	vld [tilespmem:s24+$0x8900];
	v5 =	vor.u32 v5, v6;
	v3 =	vadd.s32 $0x8000, v3;
	v1 =	vshrl.u32 v1, $0x10  }
0x170: {  	v6 =	vld [tilespmem:s24+$0xC900];
	[tilespmem:s21+$0x14940] =	vst v5;
	v3 =	vand.u32 $0xFFFF0000, v3;
	v2 =	vadd.s32 $0x8000, v2  }
0x171: {  	v5 =	vld [tilespmem:s24+$0x8910];
	v1 =	vor.u32 v1, v3;
	v3 =	vadd.s32 $0x8000, v4;
	v2 =	vshrl.u32 v2, $0x10  }
0x172: {  	v4 =	vld [tilespmem:s24+$0xC910];
	[tilespmem:s21+$0x14950] =	vst v1;
	v1 =	vand.u32 $0xFFFF0000, v3  }
0x173: {  	v0 =	vadd.s32 $0x8000, v0;
	v3 =	vld [tilespmem:s24+$0x8920];
	v8 =	vadd.s32 $0x8000, v8;
	v1 =	vor.u32 v2, v1  }
0x174: {  	v0 =	vshrl.u32 v0, $0x10;
	v2 =	vadd.s32 $0x8000, v7;
	v7 =	vld [tilespmem:s24+$0xC920];
	v8 =	vand.u32 $0xFFFF0000, v8;
	[tilespmem:s21+$0x14960] =	vst v1;
	s21 =	smov.u32 s24  }
0x175: {  	v1 =	vadd.s32 $0x8000, v6;
	v2 =	vshrl.u32 v2, $0x10;
	v6 =	vld [tilespmem:s21+$0x8930];
	v0 =	vor.u32 v0, v8  }
0x176: {  	v1 =	vand.u32 $0xFFFF0000, v1;
	v5 =	vadd.s32 $0x8000, v5;
	v8 =	vld [tilespmem:s21+$0xC930];
	[tilespmem:s21+$0x14970] =	vst v0  }
0x177: {  	v0 =	vor.u32 v2, v1;
	v1 =	vadd.s32 $0x8000, v4;
	v2 =	vshrl.u32 v5, $0x10;
	v4 =	vld [tilespmem:s21+$0x8940]  }
0x178: {  	[tilespmem:s21+$0x14900] =	vst v0;
	v0 =	vand.u32 $0xFFFF0000, v1;
	v1 =	vadd.s32 $0x8000, v3;
	v5 =	vld [tilespmem:s21+$0xC940]  }
.Ltmp5:
0x179: {  	v0 =	vor.u32 v2, v0;
	v2 =	vadd.s32 $0x8000, v7;
	v7 =	vshrl.u32 v1, $0x10;
	v1 =	vld [tilespmem:s21+$0x8950];
	(pc) =	sbr.rel @p0 .LBB2_12-.Ltmp5, $4  }
0x17a: {  	[tilespmem:s21+$0x14910] =	vst v0;
	v0 =	vand.u32 $0xFFFF0000, v2;
	v2 =	vadd.s32 $0x8000, v6;
	v3 =	vld [tilespmem:s21+$0xC950]  }
0x17b: {  	v0 =	vor.u32 v7, v0;
	v6 =	vadd.s32 $0x8000, v8;
	v7 =	vshrl.u32 v2, $0x10;
	v2 =	vld [tilespmem:s21+$0x8960]  }
0x17c: {  	s24 =	sshra.s32 s26, $0x2;
	[tilespmem:s21+$0x14920] =	vst v0;
	v6 =	vand.u32 $0xFFFF0000, v6;
	v8 =	vadd.s32 $0x8000, v4;
	v4 =	vld [tilespmem:s21+$0xC960]  }
0x17d: {  	s26 =	sadd.s32 $0x200, s26;
	v0 =	vld [tilespmem:s24+$0x8970];
	v6 =	vor.u32 v7, v6;
	v7 =	vadd.s32 $0x8000, v5;
	v5 =	vshrl.u32 v8, $0x10  }
0x17e: {  	v8 =	vld [tilespmem:s24+$0xC970];
	[tilespmem:s21+$0x14930] =	vst v6;
	v6 =	vand.u32 $0xFFFF0000, v7  }
0x17f: {  	v1 =	vadd.s32 $0x8000, v1;
	v7 =	vld [tilespmem:s24+$0x8900];
	v5 =	vor.u32 v5, v6;
	v3 =	vadd.s32 $0x8000, v3  }
0x180: {  	v6 =	vld [tilespmem:s24+$0xC900];
	v1 =	vshrl.u32 v1, $0x10;
	[tilespmem:s21+$0x14940] =	vst v5;
	v3 =	vand.u32 $0xFFFF0000, v3  }
0x181: {  	v2 =	vadd.s32 $0x8000, v2;
	v5 =	vld [tilespmem:s24+$0x8910];
	v1 =	vor.u32 v1, v3;
	v4 =	vadd.s32 $0x8000, v4  }
0x182: {  	v3 =	vld [tilespmem:s24+$0xC910];
	[tilespmem:s21+$0x14950] =	vst v1;
	v1 =	vshrl.u32 v2, $0x10;
	v2 =	vand.u32 $0xFFFF0000, v4  }
0x183: {  	v0 =	vadd.s32 $0x8000, v0;
	v4 =	vld [tilespmem:s24+$0x8920];
	v1 =	vor.u32 v1, v2  }
0x184: {  	v2 =	vld [tilespmem:s24+$0xC920];
	v8 =	vadd.s32 $0x8000, v8;
	v0 =	vshrl.u32 v0, $0x10;
	[tilespmem:s21+$0x14960] =	vst v1  }
0x185: {  	v1 =	vand.u32 $0xFFFF0000, v8;
	v7 =	vadd.s32 $0x8000, v7;
	v6 =	vadd.s32 $0x8000, v6;
	v8 =	vld [tilespmem:s24+$0x8930]  }
0x186: {  	v0 =	vor.u32 v0, v1;
	v1 =	vld [tilespmem:s24+$0xC930];
	v7 =	vshrl.u32 v7, $0x10;
	v6 =	vand.u32 $0xFFFF0000, v6  }
0x187: {  	[tilespmem:s24+$0x14970] =	vst v0;
	v0 =	vor.u32 v7, v6;
	v6 =	vld [tilespmem:s24+$0x8940];
	v5 =	vadd.s32 $0x8000, v5;
	v3 =	vadd.s32 $0x8000, v3  }
0x188: {  	v7 =	vld [tilespmem:s24+$0xC960];
	[tilespmem:s24+$0x14900] =	vst v0;
	v0 =	vshrl.u32 v5, $0x10;
	v3 =	vand.u32 $0xFFFF0000, v3  }
0x189: {  	v5 =	vld [tilespmem:s24+$0xC940];
	v0 =	vor.u32 v0, v3;
	v4 =	vadd.s32 $0x8000, v4;
	v2 =	vadd.s32 $0x8000, v2  }
0x18a: {  	v3 =	vld [tilespmem:s24+$0x8950];
	[tilespmem:s24+$0x14910] =	vst v0;
	v0 =	vshrl.u32 v4, $0x10;
	v2 =	vand.u32 $0xFFFF0000, v2  }
0x18b: {  	v4 =	vld [tilespmem:s24+$0xC950];
	v0 =	vor.u32 v0, v2  }
0x18c: {  	v2 =	vld [tilespmem:s24+$0x8960];
	v1 =	vadd.s32 $0x8000, v1;
	[tilespmem:s24+$0x14920] =	vst v0;
	v0 =	vadd.s32 $0x8000, v8  }
0x18d: {  	v1 =	vand.u32 $0xFFFF0000, v1;
	v0 =	vshrl.u32 v0, $0x10  }
0x18e: {  	v6 =	vadd.s32 $0x8000, v6;
	v0 =	vor.u32 v0, v1;
	v1 =	vadd.s32 $0x8000, v5  }
0x18f: {  	v5 =	vshrl.u32 v6, $0x10;
	v3 =	vadd.s32 $0x8000, v3;
	v1 =	vand.u32 $0xFFFF0000, v1  }
0x190: {  	v4 =	vadd.s32 $0x8000, v4;
	v3 =	vshrl.u32 v3, $0x10;
	v1 =	vor.u32 v5, v1  }
0x191: {  	[tilespmem:s24+$0x14930] =	vst v0;
	v0 =	vand.u32 $0xFFFF0000, v4;
	v2 =	vadd.s32 $0x8000, v2;
	v4 =	vadd.s32 $0x8000, v7  }
0x192: {  	[tilespmem:s24+$0x14940] =	vst v1;
	v0 =	vor.u32 v3, v0;
	v1 =	vshrl.u32 v2, $0x10;
	v2 =	vand.u32 $0xFFFF0000, v4  }
0x193: {  	[tilespmem:s24+$0x14950] =	vst v0;
	v0 =	vor.u32 v1, v2  }
0x194: {  	s26 =	simm.s32 $0x0;
	[tilespmem:s24+$0x14960] =	vst v0  }
0x195: {  	[hbm4b:s10+s26] =	stream.linear.scatter [tilespmem:s23], [sflag:$0x4], $0x4000, $0x38;
	[tilespmem:$0x18900] =	vst v63  }
0x196: {  	_ = 	snop  }
0x197: {  	[tilespmem:s18], [sflag:$0x2] =	stream.indirect.gather [hbm4b:s2+s16], $0x80, s31, s16, $0xb8;
	[tilespmem:$0x18900] =	vst v63  }
0x198: {  	_ =	swait.ge [sflag:s19], $0x8000  }
0x199: {  	[sflag:s19] =	ssyncset.done $0x0  }
0x19a: {  	[sflag:s19] =	ssyncadd.s32 $0xFFFF8000  }
0x19b: {  	_ =	swait.ge [sflag:s25], $0x4000  }
0x19c: {  	[sflag:s25] =	ssyncset.done $0x0  }
0x19d: {  	s21 =	simm.s32 $0x0;
	[sflag:s25] =	ssyncadd.s32 $0xFFFFC000  }
0x19e: {  	v0 =	vld [tilespmem:s21+$0x970]  }
0x19f: {  	v1 =	vld [tilespmem:s21+$0x4970]  }
0x1a0: {  	v2 =	vld [tilespmem:s21+$0x900]  }
0x1a1: {  	v3 =	vld [tilespmem:s21+$0x4900]  }
0x1a2: {  	v4 =	vld [tilespmem:s21+$0x910]  }
0x1a3: {  	v5 =	vld [tilespmem:s21+$0x4910]  }
0x1a4: {  	v6 =	vld [tilespmem:s21+$0x920]  }
0x1a5: {  	v7 =	vld [tilespmem:s21+$0x4920];
	v0 =	vadd.s32 $0x8000, v0;
	v1 =	vadd.s32 $0x8000, v1;
	v2 =	vadd.s32 $0x8000, v2  }
0x1a6: {  	v8 =	vld [tilespmem:s21+$0x930];
	v3 =	vadd.s32 $0x8000, v3;
	v0 =	vshrl.u32 v0, $0x10;
	v1 =	vand.u32 $0xFFFF0000, v1  }
0x1a7: {  	v9 =	vld [tilespmem:s21+$0x4930];
	v0 =	vor.u32 v0, v1;
	v1 =	vshrl.u32 v2, $0x10;
	v2 =	vand.u32 $0xFFFF0000, v3  }
0x1a8: {  	v10 =	vld [tilespmem:s21+$0x940];
	[tilespmem:s21+$0x10970] =	vst v0;
	v0 =	vor.u32 v1, v2;
	v1 =	vadd.s32 $0x8000, v4;
	v2 =	vadd.s32 $0x8000, v5  }
0x1a9: {  	v5 =	vld [tilespmem:s21+$0x4940];
	[tilespmem:s21+$0x10900] =	vst v0;
	v0 =	vshrl.u32 v1, $0x10;
	v1 =	vand.u32 $0xFFFF0000, v2  }
0x1aa: {  	v3 =	vadd.s32 $0x8000, v7;
	v2 =	vadd.s32 $0x8000, v6;
	v0 =	vor.u32 v0, v1;
	v1 =	vld [tilespmem:s21+$0x950]  }
0x1ab: {  	[tilespmem:s21+$0x10910] =	vst v0;
	v0 =	vshrl.u32 v2, $0x10;
	v2 =	vand.u32 $0xFFFF0000, v3;
	v3 =	vld [tilespmem:s21+$0x4950]  }
0x1ac: {  	v4 =	vadd.s32 $0x8000, v8;
	v6 =	vadd.s32 $0x8000, v9;
	v0 =	vor.u32 v0, v2;
	v2 =	vld [tilespmem:s21+$0x960]  }
0x1ad: {  	s24 =	simm.s32 $0x80;
	v8 =	vadd.s32 $0x8000, v10;
	v7 =	vshrl.u32 v4, $0x10;
	v4 =	vld [tilespmem:s21+$0x4960];
	v6 =	vand.u32 $0xFFFF0000, v6;
	[tilespmem:s21+$0x10920] =	vst v0  }
0x1ae: {  	s26 =	simm.s32 $0x400;
	v6 =	vor.u32 v7, v6;
	v7 =	vadd.s32 $0x8000, v5;
	v5 =	vshrl.u32 v8, $0x10;
	v0 =	vld [tilespmem:s24+$0x970]  }
.LBB2_14:
0x1af: {  	p0 =	sne.s32 s26, $0xFE00;
	v8 =	vld [tilespmem:s24+$0x4970];
	[tilespmem:s21+$0x10930] =	vst v6;
	v6 =	vand.u32 $0xFFFF0000, v7;
	v1 =	vadd.s32 $0x8000, v1  }
0x1b0: {  	v7 =	vld [tilespmem:s24+$0x900];
	v5 =	vor.u32 v5, v6;
	v3 =	vadd.s32 $0x8000, v3;
	v1 =	vshrl.u32 v1, $0x10  }
0x1b1: {  	v6 =	vld [tilespmem:s24+$0x4900];
	[tilespmem:s21+$0x10940] =	vst v5;
	v3 =	vand.u32 $0xFFFF0000, v3;
	v2 =	vadd.s32 $0x8000, v2  }
0x1b2: {  	v5 =	vld [tilespmem:s24+$0x910];
	v1 =	vor.u32 v1, v3;
	v3 =	vadd.s32 $0x8000, v4;
	v2 =	vshrl.u32 v2, $0x10  }
0x1b3: {  	v4 =	vld [tilespmem:s24+$0x4910];
	[tilespmem:s21+$0x10950] =	vst v1;
	v1 =	vand.u32 $0xFFFF0000, v3  }
0x1b4: {  	v0 =	vadd.s32 $0x8000, v0;
	v3 =	vld [tilespmem:s24+$0x920];
	v8 =	vadd.s32 $0x8000, v8;
	v1 =	vor.u32 v2, v1  }
0x1b5: {  	v0 =	vshrl.u32 v0, $0x10;
	v2 =	vadd.s32 $0x8000, v7;
	v7 =	vld [tilespmem:s24+$0x4920];
	v8 =	vand.u32 $0xFFFF0000, v8;
	[tilespmem:s21+$0x10960] =	vst v1;
	s21 =	smov.u32 s24  }
0x1b6: {  	v1 =	vadd.s32 $0x8000, v6;
	v2 =	vshrl.u32 v2, $0x10;
	v6 =	vld [tilespmem:s21+$0x930];
	v0 =	vor.u32 v0, v8  }
0x1b7: {  	v1 =	vand.u32 $0xFFFF0000, v1;
	v5 =	vadd.s32 $0x8000, v5;
	v8 =	vld [tilespmem:s21+$0x4930];
	[tilespmem:s21+$0x10970] =	vst v0  }
0x1b8: {  	v0 =	vor.u32 v2, v1;
	v1 =	vadd.s32 $0x8000, v4;
	v2 =	vshrl.u32 v5, $0x10;
	v4 =	vld [tilespmem:s21+$0x940]  }
0x1b9: {  	[tilespmem:s21+$0x10900] =	vst v0;
	v0 =	vand.u32 $0xFFFF0000, v1;
	v1 =	vadd.s32 $0x8000, v3;
	v5 =	vld [tilespmem:s21+$0x4940]  }
.Ltmp6:
0x1ba: {  	v0 =	vor.u32 v2, v0;
	v2 =	vadd.s32 $0x8000, v7;
	v7 =	vshrl.u32 v1, $0x10;
	v1 =	vld [tilespmem:s21+$0x950];
	(pc) =	sbr.rel @p0 .LBB2_14-.Ltmp6, $4  }
0x1bb: {  	[tilespmem:s21+$0x10910] =	vst v0;
	v0 =	vand.u32 $0xFFFF0000, v2;
	v2 =	vadd.s32 $0x8000, v6;
	v3 =	vld [tilespmem:s21+$0x4950]  }
0x1bc: {  	v0 =	vor.u32 v7, v0;
	v6 =	vadd.s32 $0x8000, v8;
	v7 =	vshrl.u32 v2, $0x10;
	v2 =	vld [tilespmem:s21+$0x960]  }
0x1bd: {  	s24 =	sshra.s32 s26, $0x2;
	[tilespmem:s21+$0x10920] =	vst v0;
	v6 =	vand.u32 $0xFFFF0000, v6;
	v8 =	vadd.s32 $0x8000, v4;
	v4 =	vld [tilespmem:s21+$0x4960]  }
0x1be: {  	s26 =	sadd.s32 $0x200, s26;
	v0 =	vld [tilespmem:s24+$0x970];
	v6 =	vor.u32 v7, v6;
	v7 =	vadd.s32 $0x8000, v5;
	v5 =	vshrl.u32 v8, $0x10  }
0x1bf: {  	v8 =	vld [tilespmem:s24+$0x4970];
	[tilespmem:s21+$0x10930] =	vst v6;
	v6 =	vand.u32 $0xFFFF0000, v7  }
0x1c0: {  	v1 =	vadd.s32 $0x8000, v1;
	v7 =	vld [tilespmem:s24+$0x900];
	v5 =	vor.u32 v5, v6;
	v3 =	vadd.s32 $0x8000, v3  }
0x1c1: {  	v6 =	vld [tilespmem:s24+$0x4900];
	v1 =	vshrl.u32 v1, $0x10;
	[tilespmem:s21+$0x10940] =	vst v5;
	v3 =	vand.u32 $0xFFFF0000, v3  }
0x1c2: {  	v2 =	vadd.s32 $0x8000, v2;
	v5 =	vld [tilespmem:s24+$0x910];
	v1 =	vor.u32 v1, v3;
	v4 =	vadd.s32 $0x8000, v4  }
0x1c3: {  	v3 =	vld [tilespmem:s24+$0x4910];
	[tilespmem:s21+$0x10950] =	vst v1;
	v1 =	vshrl.u32 v2, $0x10;
	v2 =	vand.u32 $0xFFFF0000, v4  }
0x1c4: {  	v0 =	vadd.s32 $0x8000, v0;
	v4 =	vld [tilespmem:s24+$0x920];
	v1 =	vor.u32 v1, v2  }
0x1c5: {  	v2 =	vld [tilespmem:s24+$0x4920];
	v8 =	vadd.s32 $0x8000, v8;
	v0 =	vshrl.u32 v0, $0x10;
	[tilespmem:s21+$0x10960] =	vst v1  }
0x1c6: {  	v1 =	vand.u32 $0xFFFF0000, v8;
	v7 =	vadd.s32 $0x8000, v7;
	v6 =	vadd.s32 $0x8000, v6;
	v8 =	vld [tilespmem:s24+$0x930]  }
0x1c7: {  	v0 =	vor.u32 v0, v1;
	v1 =	vld [tilespmem:s24+$0x4930];
	v7 =	vshrl.u32 v7, $0x10;
	v6 =	vand.u32 $0xFFFF0000, v6  }
0x1c8: {  	[tilespmem:s24+$0x10970] =	vst v0;
	v0 =	vor.u32 v7, v6;
	v6 =	vld [tilespmem:s24+$0x940];
	v5 =	vadd.s32 $0x8000, v5;
	v3 =	vadd.s32 $0x8000, v3  }
0x1c9: {  	v7 =	vld [tilespmem:s24+$0x4960];
	[tilespmem:s24+$0x10900] =	vst v0;
	v0 =	vshrl.u32 v5, $0x10;
	v3 =	vand.u32 $0xFFFF0000, v3  }
0x1ca: {  	v5 =	vld [tilespmem:s24+$0x4940];
	v0 =	vor.u32 v0, v3;
	v4 =	vadd.s32 $0x8000, v4;
	v2 =	vadd.s32 $0x8000, v2  }
0x1cb: {  	v3 =	vld [tilespmem:s24+$0x950];
	[tilespmem:s24+$0x10910] =	vst v0;
	v0 =	vshrl.u32 v4, $0x10;
	v2 =	vand.u32 $0xFFFF0000, v2  }
0x1cc: {  	v4 =	vld [tilespmem:s24+$0x4950];
	v0 =	vor.u32 v0, v2  }
0x1cd: {  	v2 =	vld [tilespmem:s24+$0x960];
	v1 =	vadd.s32 $0x8000, v1;
	[tilespmem:s24+$0x10920] =	vst v0;
	v0 =	vadd.s32 $0x8000, v8  }
0x1ce: {  	v1 =	vand.u32 $0xFFFF0000, v1;
	v0 =	vshrl.u32 v0, $0x10  }
0x1cf: {  	v6 =	vadd.s32 $0x8000, v6;
	v0 =	vor.u32 v0, v1;
	v1 =	vadd.s32 $0x8000, v5  }
0x1d0: {  	v5 =	vshrl.u32 v6, $0x10;
	v3 =	vadd.s32 $0x8000, v3;
	v1 =	vand.u32 $0xFFFF0000, v1  }
0x1d1: {  	v4 =	vadd.s32 $0x8000, v4;
	v3 =	vshrl.u32 v3, $0x10;
	v1 =	vor.u32 v5, v1  }
0x1d2: {  	[tilespmem:s24+$0x10930] =	vst v0;
	v0 =	vand.u32 $0xFFFF0000, v4;
	v2 =	vadd.s32 $0x8000, v2;
	v4 =	vadd.s32 $0x8000, v7  }
0x1d3: {  	[tilespmem:s24+$0x10940] =	vst v1;
	v0 =	vor.u32 v3, v0;
	v1 =	vshrl.u32 v2, $0x10;
	v2 =	vand.u32 $0xFFFF0000, v4  }
0x1d4: {  	[tilespmem:s24+$0x10950] =	vst v0;
	v0 =	vor.u32 v1, v2  }
0x1d5: {  	s26 =	simm.s32 $0x0;
	[tilespmem:s24+$0x10960] =	vst v0  }
0x1d6: {  	[hbm4b:s11+s26] =	stream.linear.scatter [tilespmem:s20], [sflag:$0x3], $0x4000, $0x38;
	[tilespmem:$0x18900] =	vst v63  }
0x1d7: {  	_ = 	snop  }
0x1d8: {  	[tilespmem:s17], [sflag:$0x1] =	stream.indirect.gather [hbm4b:s2+s16], $0x80, s1, s16, $0xb8;
	[tilespmem:$0x18900] =	vst v63  }
0x1d9: {  	_ =	swait.ge [sflag:s22], $0x8000  }
0x1da: {  	[sflag:s22] =	ssyncset.done $0x0  }
0x1db: {  	[sflag:s22] =	ssyncadd.s32 $0xFFFF8000  }
0x1dc: {  	_ =	swait.ge [sflag:s28], $0x4000  }
0x1dd: {  	[sflag:s28] =	ssyncset.done $0x0  }
0x1de: {  	s21 =	simm.s32 $0x0;
	[sflag:s28] =	ssyncadd.s32 $0xFFFFC000  }
0x1df: {  	v0 =	vld [tilespmem:s21+$0x8970]  }
0x1e0: {  	v1 =	vld [tilespmem:s21+$0xC970]  }
0x1e1: {  	v2 =	vld [tilespmem:s21+$0x8900]  }
0x1e2: {  	v3 =	vld [tilespmem:s21+$0xC900]  }
0x1e3: {  	v4 =	vld [tilespmem:s21+$0x8910]  }
0x1e4: {  	v5 =	vld [tilespmem:s21+$0xC910]  }
0x1e5: {  	v6 =	vld [tilespmem:s21+$0x8920]  }
0x1e6: {  	v7 =	vld [tilespmem:s21+$0xC920];
	v0 =	vadd.s32 $0x8000, v0;
	v1 =	vadd.s32 $0x8000, v1;
	v2 =	vadd.s32 $0x8000, v2  }
0x1e7: {  	v8 =	vld [tilespmem:s21+$0x8930];
	v3 =	vadd.s32 $0x8000, v3;
	v0 =	vshrl.u32 v0, $0x10;
	v1 =	vand.u32 $0xFFFF0000, v1  }
0x1e8: {  	v9 =	vld [tilespmem:s21+$0xC930];
	v0 =	vor.u32 v0, v1;
	v1 =	vshrl.u32 v2, $0x10;
	v2 =	vand.u32 $0xFFFF0000, v3  }
0x1e9: {  	v10 =	vld [tilespmem:s21+$0x8940];
	[tilespmem:s21+$0x14970] =	vst v0;
	v0 =	vor.u32 v1, v2;
	v1 =	vadd.s32 $0x8000, v4;
	v2 =	vadd.s32 $0x8000, v5  }
0x1ea: {  	v5 =	vld [tilespmem:s21+$0xC940];
	[tilespmem:s21+$0x14900] =	vst v0;
	v0 =	vshrl.u32 v1, $0x10;
	v1 =	vand.u32 $0xFFFF0000, v2  }
0x1eb: {  	v3 =	vadd.s32 $0x8000, v7;
	v2 =	vadd.s32 $0x8000, v6;
	v0 =	vor.u32 v0, v1;
	v1 =	vld [tilespmem:s21+$0x8950]  }
0x1ec: {  	[tilespmem:s21+$0x14910] =	vst v0;
	v0 =	vshrl.u32 v2, $0x10;
	v2 =	vand.u32 $0xFFFF0000, v3;
	v3 =	vld [tilespmem:s21+$0xC950]  }
0x1ed: {  	v4 =	vadd.s32 $0x8000, v8;
	v6 =	vadd.s32 $0x8000, v9;
	v0 =	vor.u32 v0, v2;
	v2 =	vld [tilespmem:s21+$0x8960]  }
0x1ee: {  	s24 =	simm.s32 $0x80;
	v8 =	vadd.s32 $0x8000, v10;
	v7 =	vshrl.u32 v4, $0x10;
	v4 =	vld [tilespmem:s21+$0xC960];
	v6 =	vand.u32 $0xFFFF0000, v6;
	[tilespmem:s21+$0x14920] =	vst v0  }
0x1ef: {  	s26 =	simm.s32 $0x400;
	v6 =	vor.u32 v7, v6;
	v7 =	vadd.s32 $0x8000, v5;
	v5 =	vshrl.u32 v8, $0x10;
	v0 =	vld [tilespmem:s24+$0x8970]  }
.LBB2_16:
0x1f0: {  	p0 =	sne.s32 s26, $0xFE00;
	v8 =	vld [tilespmem:s24+$0xC970];
	[tilespmem:s21+$0x14930] =	vst v6;
	v6 =	vand.u32 $0xFFFF0000, v7;
	v1 =	vadd.s32 $0x8000, v1  }
0x1f1: {  	v7 =	vld [tilespmem:s24+$0x8900];
	v5 =	vor.u32 v5, v6;
	v3 =	vadd.s32 $0x8000, v3;
	v1 =	vshrl.u32 v1, $0x10  }
0x1f2: {  	v6 =	vld [tilespmem:s24+$0xC900];
	[tilespmem:s21+$0x14940] =	vst v5;
	v3 =	vand.u32 $0xFFFF0000, v3;
	v2 =	vadd.s32 $0x8000, v2  }
0x1f3: {  	v5 =	vld [tilespmem:s24+$0x8910];
	v1 =	vor.u32 v1, v3;
	v3 =	vadd.s32 $0x8000, v4;
	v2 =	vshrl.u32 v2, $0x10  }
0x1f4: {  	v4 =	vld [tilespmem:s24+$0xC910];
	[tilespmem:s21+$0x14950] =	vst v1;
	v1 =	vand.u32 $0xFFFF0000, v3  }
0x1f5: {  	v0 =	vadd.s32 $0x8000, v0;
	v3 =	vld [tilespmem:s24+$0x8920];
	v8 =	vadd.s32 $0x8000, v8;
	v1 =	vor.u32 v2, v1  }
0x1f6: {  	v0 =	vshrl.u32 v0, $0x10;
	v2 =	vadd.s32 $0x8000, v7;
	v7 =	vld [tilespmem:s24+$0xC920];
	v8 =	vand.u32 $0xFFFF0000, v8;
	[tilespmem:s21+$0x14960] =	vst v1;
	s21 =	smov.u32 s24  }
0x1f7: {  	v1 =	vadd.s32 $0x8000, v6;
	v2 =	vshrl.u32 v2, $0x10;
	v6 =	vld [tilespmem:s21+$0x8930];
	v0 =	vor.u32 v0, v8  }
0x1f8: {  	v1 =	vand.u32 $0xFFFF0000, v1;
	v5 =	vadd.s32 $0x8000, v5;
	v8 =	vld [tilespmem:s21+$0xC930];
	[tilespmem:s21+$0x14970] =	vst v0  }
0x1f9: {  	v0 =	vor.u32 v2, v1;
	v1 =	vadd.s32 $0x8000, v4;
	v2 =	vshrl.u32 v5, $0x10;
	v4 =	vld [tilespmem:s21+$0x8940]  }
0x1fa: {  	[tilespmem:s21+$0x14900] =	vst v0;
	v0 =	vand.u32 $0xFFFF0000, v1;
	v1 =	vadd.s32 $0x8000, v3;
	v5 =	vld [tilespmem:s21+$0xC940]  }
.Ltmp7:
0x1fb: {  	v0 =	vor.u32 v2, v0;
	v2 =	vadd.s32 $0x8000, v7;
	v7 =	vshrl.u32 v1, $0x10;
	v1 =	vld [tilespmem:s21+$0x8950];
	(pc) =	sbr.rel @p0 .LBB2_16-.Ltmp7, $4  }
0x1fc: {  	[tilespmem:s21+$0x14910] =	vst v0;
	v0 =	vand.u32 $0xFFFF0000, v2;
	v2 =	vadd.s32 $0x8000, v6;
	v3 =	vld [tilespmem:s21+$0xC950]  }
0x1fd: {  	v0 =	vor.u32 v7, v0;
	v6 =	vadd.s32 $0x8000, v8;
	v7 =	vshrl.u32 v2, $0x10;
	v2 =	vld [tilespmem:s21+$0x8960]  }
0x1fe: {  	s24 =	sshra.s32 s26, $0x2;
	[tilespmem:s21+$0x14920] =	vst v0;
	v6 =	vand.u32 $0xFFFF0000, v6;
	v8 =	vadd.s32 $0x8000, v4;
	v4 =	vld [tilespmem:s21+$0xC960]  }
0x1ff: {  	s26 =	sadd.s32 $0x200, s26;
	v0 =	vld [tilespmem:s24+$0x8970];
	v6 =	vor.u32 v7, v6;
	v7 =	vadd.s32 $0x8000, v5;
	v5 =	vshrl.u32 v8, $0x10  }
0x200: {  	v8 =	vld [tilespmem:s24+$0xC970];
	[tilespmem:s21+$0x14930] =	vst v6;
	v6 =	vand.u32 $0xFFFF0000, v7  }
0x201: {  	v1 =	vadd.s32 $0x8000, v1;
	v7 =	vld [tilespmem:s24+$0x8900];
	v5 =	vor.u32 v5, v6;
	v3 =	vadd.s32 $0x8000, v3  }
0x202: {  	v6 =	vld [tilespmem:s24+$0xC900];
	v1 =	vshrl.u32 v1, $0x10;
	[tilespmem:s21+$0x14940] =	vst v5;
	v3 =	vand.u32 $0xFFFF0000, v3  }
0x203: {  	v2 =	vadd.s32 $0x8000, v2;
	v5 =	vld [tilespmem:s24+$0x8910];
	v1 =	vor.u32 v1, v3;
	v4 =	vadd.s32 $0x8000, v4  }
0x204: {  	v3 =	vld [tilespmem:s24+$0xC910];
	[tilespmem:s21+$0x14950] =	vst v1;
	v1 =	vshrl.u32 v2, $0x10;
	v2 =	vand.u32 $0xFFFF0000, v4  }
0x205: {  	v0 =	vadd.s32 $0x8000, v0;
	v4 =	vld [tilespmem:s24+$0x8920];
	v1 =	vor.u32 v1, v2  }
0x206: {  	v2 =	vld [tilespmem:s24+$0xC920];
	v8 =	vadd.s32 $0x8000, v8;
	v0 =	vshrl.u32 v0, $0x10;
	[tilespmem:s21+$0x14960] =	vst v1  }
0x207: {  	v1 =	vand.u32 $0xFFFF0000, v8;
	v7 =	vadd.s32 $0x8000, v7;
	v6 =	vadd.s32 $0x8000, v6;
	v8 =	vld [tilespmem:s24+$0x8930]  }
0x208: {  	v0 =	vor.u32 v0, v1;
	v1 =	vld [tilespmem:s24+$0xC930];
	v7 =	vshrl.u32 v7, $0x10;
	v6 =	vand.u32 $0xFFFF0000, v6  }
0x209: {  	[tilespmem:s24+$0x14970] =	vst v0;
	v0 =	vor.u32 v7, v6;
	v6 =	vld [tilespmem:s24+$0x8940];
	v5 =	vadd.s32 $0x8000, v5;
	v3 =	vadd.s32 $0x8000, v3  }
0x20a: {  	v7 =	vld [tilespmem:s24+$0xC960];
	[tilespmem:s24+$0x14900] =	vst v0;
	v0 =	vshrl.u32 v5, $0x10;
	v3 =	vand.u32 $0xFFFF0000, v3  }
0x20b: {  	v5 =	vld [tilespmem:s24+$0xC940];
	v0 =	vor.u32 v0, v3;
	v4 =	vadd.s32 $0x8000, v4;
	v2 =	vadd.s32 $0x8000, v2  }
0x20c: {  	v3 =	vld [tilespmem:s24+$0x8950];
	[tilespmem:s24+$0x14910] =	vst v0;
	v0 =	vshrl.u32 v4, $0x10;
	v2 =	vand.u32 $0xFFFF0000, v2  }
0x20d: {  	v4 =	vld [tilespmem:s24+$0xC950];
	v0 =	vor.u32 v0, v2  }
0x20e: {  	v2 =	vld [tilespmem:s24+$0x8960];
	v1 =	vadd.s32 $0x8000, v1;
	[tilespmem:s24+$0x14920] =	vst v0;
	v0 =	vadd.s32 $0x8000, v8  }
0x20f: {  	v1 =	vand.u32 $0xFFFF0000, v1;
	v0 =	vshrl.u32 v0, $0x10  }
0x210: {  	v6 =	vadd.s32 $0x8000, v6;
	v0 =	vor.u32 v0, v1;
	v1 =	vadd.s32 $0x8000, v5  }
0x211: {  	v5 =	vshrl.u32 v6, $0x10;
	v3 =	vadd.s32 $0x8000, v3;
	v1 =	vand.u32 $0xFFFF0000, v1  }
0x212: {  	v4 =	vadd.s32 $0x8000, v4;
	v3 =	vshrl.u32 v3, $0x10;
	v1 =	vor.u32 v5, v1  }
0x213: {  	[tilespmem:s24+$0x14930] =	vst v0;
	v0 =	vand.u32 $0xFFFF0000, v4;
	v2 =	vadd.s32 $0x8000, v2;
	v4 =	vadd.s32 $0x8000, v7  }
0x214: {  	[tilespmem:s24+$0x14940] =	vst v1;
	v0 =	vor.u32 v3, v0;
	v1 =	vshrl.u32 v2, $0x10;
	v2 =	vand.u32 $0xFFFF0000, v4  }
0x215: {  	[tilespmem:s24+$0x14950] =	vst v0;
	v0 =	vor.u32 v1, v2  }
0x216: {  	s26 =	simm.s32 $0x0;
	[tilespmem:s24+$0x14960] =	vst v0  }
0x217: {  	[hbm4b:s12+s26] =	stream.linear.scatter [tilespmem:s23], [sflag:$0x4], $0x4000, $0x38;
	[tilespmem:$0x18900] =	vst v63  }
0x218: {  	_ =	swait.ge [sflag:s19], $0x8000  }
0x219: {  	[sflag:s19] =	ssyncset.done $0x0  }
0x21a: {  	[sflag:s19] =	ssyncadd.s32 $0xFFFF8000  }
0x21b: {  	_ =	swait.ge [sflag:s25], $0x4000  }
0x21c: {  	[sflag:s25] =	ssyncset.done $0x0  }
0x21d: {  	s21 =	simm.s32 $0x0;
	[sflag:s25] =	ssyncadd.s32 $0xFFFFC000  }
0x21e: {  	v0 =	vld [tilespmem:s21+$0x970]  }
0x21f: {  	v1 =	vld [tilespmem:s21+$0x4970]  }
0x220: {  	v2 =	vld [tilespmem:s21+$0x900]  }
0x221: {  	v3 =	vld [tilespmem:s21+$0x4900]  }
0x222: {  	v4 =	vld [tilespmem:s21+$0x910]  }
0x223: {  	v5 =	vld [tilespmem:s21+$0x4910]  }
0x224: {  	v6 =	vld [tilespmem:s21+$0x920]  }
0x225: {  	v7 =	vld [tilespmem:s21+$0x4920];
	v0 =	vadd.s32 $0x8000, v0;
	v1 =	vadd.s32 $0x8000, v1;
	v2 =	vadd.s32 $0x8000, v2  }
0x226: {  	v8 =	vld [tilespmem:s21+$0x930];
	v3 =	vadd.s32 $0x8000, v3;
	v0 =	vshrl.u32 v0, $0x10;
	v1 =	vand.u32 $0xFFFF0000, v1  }
0x227: {  	v9 =	vld [tilespmem:s21+$0x4930];
	v0 =	vor.u32 v0, v1;
	v1 =	vshrl.u32 v2, $0x10;
	v2 =	vand.u32 $0xFFFF0000, v3  }
0x228: {  	v10 =	vld [tilespmem:s21+$0x940];
	[tilespmem:s21+$0x10970] =	vst v0;
	v0 =	vor.u32 v1, v2;
	v1 =	vadd.s32 $0x8000, v4;
	v2 =	vadd.s32 $0x8000, v5  }
0x229: {  	v5 =	vld [tilespmem:s21+$0x4940];
	[tilespmem:s21+$0x10900] =	vst v0;
	v0 =	vshrl.u32 v1, $0x10;
	v1 =	vand.u32 $0xFFFF0000, v2  }
0x22a: {  	v3 =	vadd.s32 $0x8000, v7;
	v2 =	vadd.s32 $0x8000, v6;
	v0 =	vor.u32 v0, v1;
	v1 =	vld [tilespmem:s21+$0x950]  }
0x22b: {  	[tilespmem:s21+$0x10910] =	vst v0;
	v0 =	vshrl.u32 v2, $0x10;
	v2 =	vand.u32 $0xFFFF0000, v3;
	v3 =	vld [tilespmem:s21+$0x4950]  }
0x22c: {  	v4 =	vadd.s32 $0x8000, v8;
	v6 =	vadd.s32 $0x8000, v9;
	v0 =	vor.u32 v0, v2;
	v2 =	vld [tilespmem:s21+$0x960]  }
0x22d: {  	s24 =	simm.s32 $0x80;
	v8 =	vadd.s32 $0x8000, v10;
	v7 =	vshrl.u32 v4, $0x10;
	v4 =	vld [tilespmem:s21+$0x4960];
	v6 =	vand.u32 $0xFFFF0000, v6;
	[tilespmem:s21+$0x10920] =	vst v0  }
0x22e: {  	s26 =	simm.s32 $0x400;
	v6 =	vor.u32 v7, v6;
	v7 =	vadd.s32 $0x8000, v5;
	v5 =	vshrl.u32 v8, $0x10;
	v0 =	vld [tilespmem:s24+$0x970]  }
.LBB2_18:
0x22f: {  	p0 =	sne.s32 s26, $0xFE00;
	v8 =	vld [tilespmem:s24+$0x4970];
	[tilespmem:s21+$0x10930] =	vst v6;
	v6 =	vand.u32 $0xFFFF0000, v7;
	v1 =	vadd.s32 $0x8000, v1  }
0x230: {  	v7 =	vld [tilespmem:s24+$0x900];
	v5 =	vor.u32 v5, v6;
	v3 =	vadd.s32 $0x8000, v3;
	v1 =	vshrl.u32 v1, $0x10  }
0x231: {  	v6 =	vld [tilespmem:s24+$0x4900];
	[tilespmem:s21+$0x10940] =	vst v5;
	v3 =	vand.u32 $0xFFFF0000, v3;
	v2 =	vadd.s32 $0x8000, v2  }
0x232: {  	v5 =	vld [tilespmem:s24+$0x910];
	v1 =	vor.u32 v1, v3;
	v3 =	vadd.s32 $0x8000, v4;
	v2 =	vshrl.u32 v2, $0x10  }
0x233: {  	v4 =	vld [tilespmem:s24+$0x4910];
	[tilespmem:s21+$0x10950] =	vst v1;
	v1 =	vand.u32 $0xFFFF0000, v3  }
0x234: {  	v0 =	vadd.s32 $0x8000, v0;
	v3 =	vld [tilespmem:s24+$0x920];
	v8 =	vadd.s32 $0x8000, v8;
	v1 =	vor.u32 v2, v1  }
0x235: {  	v0 =	vshrl.u32 v0, $0x10;
	v2 =	vadd.s32 $0x8000, v7;
	v7 =	vld [tilespmem:s24+$0x4920];
	v8 =	vand.u32 $0xFFFF0000, v8;
	[tilespmem:s21+$0x10960] =	vst v1;
	s21 =	smov.u32 s24  }
0x236: {  	v1 =	vadd.s32 $0x8000, v6;
	v2 =	vshrl.u32 v2, $0x10;
	v6 =	vld [tilespmem:s21+$0x930];
	v0 =	vor.u32 v0, v8  }
0x237: {  	v1 =	vand.u32 $0xFFFF0000, v1;
	v5 =	vadd.s32 $0x8000, v5;
	v8 =	vld [tilespmem:s21+$0x4930];
	[tilespmem:s21+$0x10970] =	vst v0  }
0x238: {  	v0 =	vor.u32 v2, v1;
	v1 =	vadd.s32 $0x8000, v4;
	v2 =	vshrl.u32 v5, $0x10;
	v4 =	vld [tilespmem:s21+$0x940]  }
0x239: {  	[tilespmem:s21+$0x10900] =	vst v0;
	v0 =	vand.u32 $0xFFFF0000, v1;
	v1 =	vadd.s32 $0x8000, v3;
	v5 =	vld [tilespmem:s21+$0x4940]  }
.Ltmp8:
0x23a: {  	v0 =	vor.u32 v2, v0;
	v2 =	vadd.s32 $0x8000, v7;
	v7 =	vshrl.u32 v1, $0x10;
	v1 =	vld [tilespmem:s21+$0x950];
	(pc) =	sbr.rel @p0 .LBB2_18-.Ltmp8, $4  }
0x23b: {  	[tilespmem:s21+$0x10910] =	vst v0;
	v0 =	vand.u32 $0xFFFF0000, v2;
	v2 =	vadd.s32 $0x8000, v6;
	v3 =	vld [tilespmem:s21+$0x4950]  }
0x23c: {  	v0 =	vor.u32 v7, v0;
	v6 =	vadd.s32 $0x8000, v8;
	v7 =	vshrl.u32 v2, $0x10;
	v2 =	vld [tilespmem:s21+$0x960]  }
0x23d: {  	s24 =	sshra.s32 s26, $0x2;
	[tilespmem:s21+$0x10920] =	vst v0;
	v6 =	vand.u32 $0xFFFF0000, v6;
	v8 =	vadd.s32 $0x8000, v4;
	v4 =	vld [tilespmem:s21+$0x4960]  }
0x23e: {  	s26 =	sadd.s32 $0x200, s26;
	v0 =	vld [tilespmem:s24+$0x970];
	v6 =	vor.u32 v7, v6;
	v7 =	vadd.s32 $0x8000, v5;
	v5 =	vshrl.u32 v8, $0x10  }
0x23f: {  	v8 =	vld [tilespmem:s24+$0x4970];
	[tilespmem:s21+$0x10930] =	vst v6;
	v36 =	vand.u32 $0xFFFF0000, v7  }
0x240: {  	v1 =	vadd.s32 $0x8000, v1;
	v37 =	vld [tilespmem:s24+$0x900];
	v5 =	vor.u32 v5, v36;
	v3 =	vadd.s32 $0x8000, v3  }
0x241: {  	v38 =	vld [tilespmem:s24+$0x4900];
	v1 =	vshrl.u32 v1, $0x10;
	[tilespmem:s21+$0x10940] =	vst v5;
	v3 =	vand.u32 $0xFFFF0000, v3  }
0x242: {  	v2 =	vadd.s32 $0x8000, v2;
	v5 =	vld [tilespmem:s24+$0x910];
	v1 =	vor.u32 v1, v3;
	v4 =	vadd.s32 $0x8000, v4  }
0x243: {  	v39 =	vld [tilespmem:s24+$0x4910];
	v40 =	vshrl.u32 v2, $0x10;
	[tilespmem:s21+$0x10950] =	vst v1;
	v41 =	vand.u32 $0xFFFF0000, v4  }
0x244: {  	v42 =	vld [tilespmem:s24+$0x920];
	v1 =	vor.u32 v40, v41  }
0x245: {  	v43 =	vld [tilespmem:s24+$0x4920];
	[tilespmem:s21+$0x10960] =	vst v1  }
0x246: {  	v45 =	vld [tilespmem:s24+$0x930]  }
0x247: {  	v46 =	vld [tilespmem:s24+$0x4930]  }
0x248: {  	v0 =	vadd.s32 $0x8000, v0;
	v48 =	vld [tilespmem:s24+$0x940]  }
0x249: {  	v8 =	vadd.s32 $0x8000, v8;
	v0 =	vshrl.u32 v0, $0x10;
	v50 =	vld [tilespmem:s24+$0x4940]  }
0x24a: {  	v44 =	vand.u32 $0xFFFF0000, v8;
	v7 =	vadd.s32 $0x8000, v37;
	v6 =	vadd.s32 $0x8000, v38;
	v51 =	vld [tilespmem:s24+$0x950]  }
0x24b: {  	v0 =	vor.u32 v0, v44;
	v7 =	vshrl.u32 v7, $0x10;
	v53 =	vld [tilespmem:s24+$0x4950];
	v5 =	vadd.s32 $0x8000, v5  }
0x24c: {  	v6 =	vand.u32 $0xFFFF0000, v6;
	v54 =	vld [tilespmem:s24+$0x960];
	v3 =	vadd.s32 $0x8000, v39;
	v49 =	vshrl.u32 v5, $0x10  }
0x24d: {  	v56 =	vld [tilespmem:s24+$0x4960];
	v3 =	vand.u32 $0xFFFF0000, v3;
	v4 =	vadd.s32 $0x8000, v42;
	v2 =	vadd.s32 $0x8000, v43  }
0x24e: {  	[tilespmem:s24+$0x10970] =	vst v0;
	v0 =	vor.u32 v49, v3;
	v52 =	vshrl.u32 v4, $0x10;
	v2 =	vand.u32 $0xFFFF0000, v2  }
0x24f: {  	v47 =	vor.u32 v7, v6;
	[tilespmem:s24+$0x10910] =	vst v0;
	v0 =	vor.u32 v52, v2;
	v55 =	vadd.s32 $0x8000, v45  }
0x250: {  	v1 =	vadd.s32 $0x8000, v46;
	v6 =	vadd.s32 $0x8000, v48;
	v57 =	vadd.s32 $0x8000, v50  }
0x251: {  	v3 =	vadd.s32 $0x8000, v51;
	v4 =	vadd.s32 $0x8000, v53;
	v2 =	vadd.s32 $0x8000, v54  }
0x252: {  	v60 =	vadd.s32 $0x8000, v56;
	[tilespmem:s24+$0x10920] =	vst v0;
	v0 =	vshrl.u32 v55, $0x10;
	v1 =	vand.u32 $0xFFFF0000, v1  }
0x253: {  	[tilespmem:s24+$0x10900] =	vst v47;
	v61 =	vshrl.u32 v2, $0x10;
	v62 =	vand.u32 $0xFFFF0000, v60;
	v0 =	vor.u32 v0, v1  }
0x254: {  	v58 =	vshrl.u32 v6, $0x10;
	v1 =	vand.u32 $0xFFFF0000, v57;
	v63 =	vor.u32 v61, v62;
	[tilespmem:s24+$0x10930] =	vst v0  }
0x255: {  	v3 =	vshrl.u32 v3, $0x10;
	v59 =	vand.u32 $0xFFFF0000, v4;
	v1 =	vor.u32 v58, v1;
	[tilespmem:s24+$0x10960] =	vst v63  }
0x256: {  	v0 =	vor.u32 v3, v59;
	[tilespmem:s24+$0x10940] =	vst v1  }
0x257: {  	s0 =	sadd.s32 $0x1, s0;
	[tilespmem:s24+$0x10950] =	vst v0  }
0x258: {  	[hbm4b:s13+s3] =	stream.linear.scatter [tilespmem:s20], [sflag:$0x3], $0x4000, $0x38;
	[tilespmem:$0x18900] =	vst v63  }
0x259: {  	p0 =	sne.s32 s0, s14;
	_ =	swait.ge [sflag:s28], $0x4000  }
.Ltmp9:
0x25a: {  	[sflag:s28] =	ssyncset.done $0x0;
	(pc) =	sbr.rel @p0 .LBB2_1-.Ltmp9, $4  }
0x25b: {  	[sflag:s28] =	ssyncadd.s32 $0xFFFFC000  }
0x25c: {  	_ =	swait.ge [sflag:s25], $0x4000  }
0x25d: {  	[sflag:s25] =	ssyncset.done $0x0  }
0x25e: {  	[sflag:s25] =	ssyncadd.s32 $0xFFFFC000  }
0x25f: {  	_ =	sfence.sel $0x180000  }
0x260: {  	[bflag:$0x0] =	sbarrier.arrive $0xFFFF  }
0x261: {  	_ =	strace $0x90000047  }
0x262: {  	s0 =	stileid.u32;
	[bflag:$0x2] =	sbarrier.arrive $0xFFFF  }
0x263: {  	p0 =	sne.s32 s0, $0x0;
	s0 =	rddreg [dreg:$0x2]  }
0x264: {  	s0 =	sadd.s32 @!p0 $0x100000, s0  }
0x265: {  	[sflag:s0] =	ssyncadd.tile.s32 @!p0 $0x1;
	_ =	shalt  }
.Lfunc_end2:
_tile_overlayer_lowered:
.L_overlay_start_2:
0x266: {  	(tag) =	ssettag $0x2  }
0x267: {  	s0 =	rddreg [dreg:$0x0];
	s2 =	stileid.u32  }
0x268: {  	s1 =	rddreg [dreg:$0x1];
	p0 =	sne.s32 s2, $0x0  }
0x269: {  	s3 =	rddreg [dreg:$0x2];
	[bflag:$0x3] =	sbarrier.arrive $0xFFFF;
	s2 =	simm.s32 @!p0 $0x1C05  }
0x26a: {  	[timem:s3], [sflag:s2] =	dma.local @!p0 [hbm:s0], s1  }
0x26b: {  	s0 =	simm.s32 @!p0 $0x5  }
0x26c: {  	_ =	swait.ge @!p0 [sflag:s0], s1  }
0x26d: {  	s1 =	ssub.s32 @!p0 $0x0, s1;
	[sflag:s0] =	ssyncset.done @!p0 $0x0  }
0x26e: {  	[sflag:s0] =	ssyncadd.s32 @!p0 s1  }
0x26f: {  	[bflag:$0x3] =	sbarrier.arrive $0xFFFF  }
0x270: {  	_ =	shalt  }

// kernel: kernel.9.cloned.1.call-start
scs
__scs_entry_jumppad:
0x0: {  	(pc) =	sbr.rel $0x88, $3  }
0x1: {  	(tag) =	ssettag $0x0;
	lr =	simm.s32 $0x1  }
0x2: {  	[smem:$0x3F9B] =	sst lr;
	_ =	strace $0xD0000000  }
0x3: {  	_ = 	snop  }
0x4: {  	_ = 	snop  }
0x5: {  	_ = 	snop  }
0x6: {  	_ = 	snop  }
0x7: {  	_ = 	snop  }
__scs_overlays_trampoline_lowered:
0x8: {  	[smem:$0x3FAA] =	sst s0  }
0x9: {  	[smem:$0x3FAB] =	sst s1  }
0xa: {  	[smem:$0x3FAC] =	sst s2  }
0xb: {  	[smem:$0x3FAD] =	sst s3  }
0xc: {  	[smem:$0x3FAE] =	sst s4  }
0xd: {  	[smem:$0x3FAF] =	sst s5  }
0xe: {  	[smem:$0x3FB0] =	sst s6  }
0xf: {  	[smem:$0x3FB1] =	sst s7  }
0x10: {  	[smem:$0x3FB2] =	sst s8  }
0x11: {  	[smem:$0x3FB3] =	sst s9;
	s0 =	simm.s32 @!p0 $0x0  }
0x12: {  	s1 =	sld [smem:$0x3F99];
	s0 =	simm.s32 @p0 $0x1  }
0x13: {  	[smem:$0x3FB4] =	sst s0;
	s0 =	simm.s32 @!p1 $0x0  }
0x14: {  	s2 =	sld [smem:$0x3F98];
	s0 =	simm.s32 @p1 $0x1  }
0x15: {  	[smem:$0x3FB5] =	sst s0;
	s0 =	simm.s32 @!p2 $0x0  }
0x16: {  	s3 =	sld [smem:$0x3FDB];
	s0 =	simm.s32 @p2 $0x1  }
0x17: {  	s4 =	simm.s32 $0x1BF5;
	[smem:$0x3FB7] =	sst s0  }
0x18: {  	s0 =	sld [smem:$0x3F9A];
	_ =	swait.ge [sflag:s4], $0x0  }
0x19: {  	s7 =	sld [smem:$0x3F9B]  }
0x1a: {  	s8 =	sadd.s32 $0xFFFFE003, lr  }
0x1b: {  	s9 =	sadd.s32 $0xFFFFFEF7, lr;
	s5 =	simm.s32 $0xFFFFFFFF;
	p2 =	slt.u32 s8, $0xFFFFF086  }
0x1c: {  	p1 =	slt.u32 s9, $0xF7A;
	s5 =	simm.s32 @!p2 $0x0  }
0x1d: {  	s5 =	simm.s32 @p1 $0x1;
	p0 =	seq.s32 s7, s2  }
0x1e: {  	s7 =	smul.u32 @!p0 $0xF7A, s2;
	p2 =	seq.s32 @!p0 s5, $0x0  }
0x1f: {  	s9 =	smul.u32 $0xF7A, s1;
	s8 =	simm.s32 @!p0 $0x1BF5;
	p2 =	por !p2, p0  }
0x20: {  	[sflag:s8] =	ssyncset.s32 @!p0 $0xFFFFF086;
	s6 =	sadd.s32 @!p0 s3, s7;
	s7 =	simm.s32 @!p0 $0x108  }
0x21: {  	s3 =	sadd.s32 s3, s9;
	s6 =	sadd.s32 @!p0 $0x88, s6;
	s7 =	simm.s32 @p2 $0x1082  }
0x22: {  	[simem:s7], [sflag:s8] =	dma.local @!p0 [hbm:s6], $0xF7A  }
0x23: {  	s9 =	sor.u32 $0xD0000000, s2;
	s6 =	simm.s32 $0x108;
	_ =	swait.ge @!p0 [sflag:s8], $0x0  }
0x24: {  	s3 =	sadd.s32 $0x88, s3;
	s6 =	simm.s32 @!p1 $0x1082;
	[sflag:s4] =	ssyncset.s32 $0xFFFFF086  }
0x25: {  	[simem:s6], [sflag:s4] =	dma.local [hbm:s3], $0xF7A  }
0x26: {  	[smem:$0x3F9B] =	sst s1;
	(tag) =	ssettag s2;
	_ =	strace s9  }
0x27: {  	s1 =	sld [smem:$0x3FAB]  }
0x28: {  	s2 =	sld [smem:$0x3FAC]  }
0x29: {  	s4 =	sld [smem:$0x3FAE]  }
0x2a: {  	p0 =	seq.s32 s5, $0x0;
	s5 =	sld [smem:$0x3FAF]  }
0x2b: {  	s6 =	sld [smem:$0x3FB0]  }
0x2c: {  	s7 =	sld [smem:$0x3FB1]  }
0x2d: {  	s3 =	simm.s32 $0x108;
	s8 =	sld [smem:$0x3FB2]  }
0x2e: {  	s3 =	simm.s32 @!p0 $0x1082;
	s9 =	sld [smem:$0x3FB3]  }
0x2f: {  	lr =	sadd.s32 s0, s3;
	s0 =	sld [smem:$0x3FAA]  }
0x30: {  	s3 =	sld [smem:$0x3FAD]  }
0x31: {  	[smem:$0x3FB6] =	sst s10  }
0x32: {  	s10 =	sld [smem:$0x3FB4];
	_ =	sdelay $0x3  }
0x33: {  	p0 =	seq.s32 s10, $0x1;
	s10 =	sld [smem:$0x3FB6];
	_ =	sdelay $0x3  }
0x34: {  	[smem:$0x3FB6] =	sst s10  }
0x35: {  	s10 =	sld [smem:$0x3FB5];
	_ =	sdelay $0x3  }
0x36: {  	p1 =	seq.s32 s10, $0x1;
	s10 =	sld [smem:$0x3FB6];
	_ =	sdelay $0x3  }
0x37: {  	[smem:$0x3FB6] =	sst s10  }
0x38: {  	s10 =	sld [smem:$0x3FB7]  }
0x39: {  	_ = 	snop;
	(pc) =	sbr.ind lr, $3  }
0x3a: {  	_ = 	snop  }
0x3b: {  	_ = 	snop  }
0x3c: {  	p2 =	seq.s32 s10, $0x1;
	s10 =	sld [smem:$0x3FB6]  }
0x3d: {  	_ =	shalt  }
0x3e: {  	_ =	shalt  }
0x3f: {  	_ =	shalt  }
0x40: {  	_ =	shalt  }
0x41: {  	_ =	shalt  }
0x42: {  	_ =	shalt  }
0x43: {  	_ =	shalt  }
0x44: {  	_ =	shalt  }
0x45: {  	_ =	shalt  }
0x46: {  	_ =	shalt  }
0x47: {  	_ =	shalt  }
0x48: {  	_ =	shalt  }
0x49: {  	_ =	shalt  }
0x4a: {  	_ =	shalt  }
0x4b: {  	_ =	shalt  }
0x4c: {  	_ =	shalt  }
0x4d: {  	_ =	shalt  }
0x4e: {  	_ =	shalt  }
0x4f: {  	_ =	shalt  }
0x50: {  	_ =	shalt  }
0x51: {  	_ =	shalt  }
0x52: {  	_ =	shalt  }
0x53: {  	_ =	shalt  }
0x54: {  	_ =	shalt  }
0x55: {  	_ =	shalt  }
0x56: {  	_ =	shalt  }
0x57: {  	_ =	shalt  }
0x58: {  	_ =	shalt  }
0x59: {  	_ =	shalt  }
0x5a: {  	_ =	shalt  }
0x5b: {  	_ =	shalt  }
0x5c: {  	_ =	shalt  }
0x5d: {  	_ =	shalt  }
0x5e: {  	_ =	shalt  }
0x5f: {  	_ =	shalt  }
0x60: {  	_ =	shalt  }
0x61: {  	_ =	shalt  }
0x62: {  	_ =	shalt  }
0x63: {  	_ =	shalt  }
0x64: {  	_ =	shalt  }
0x65: {  	_ =	shalt  }
0x66: {  	_ =	shalt  }
0x67: {  	_ =	shalt  }
0x68: {  	_ =	shalt  }
0x69: {  	_ =	shalt  }
0x6a: {  	_ =	shalt  }
0x6b: {  	_ =	shalt  }
0x6c: {  	_ =	shalt  }
0x6d: {  	_ =	shalt  }
0x6e: {  	_ =	shalt  }
0x6f: {  	_ =	shalt  }
0x70: {  	_ =	shalt  }
0x71: {  	_ =	shalt  }
0x72: {  	_ =	shalt  }
0x73: {  	_ =	shalt  }
0x74: {  	_ =	shalt  }
0x75: {  	_ =	shalt  }
0x76: {  	_ =	shalt  }
0x77: {  	_ =	shalt  }
0x78: {  	_ =	shalt  }
0x79: {  	_ =	shalt  }
0x7a: {  	_ =	shalt  }
0x7b: {  	_ =	shalt  }
0x7c: {  	_ =	shalt  }
0x7d: {  	_ =	shalt  }
0x7e: {  	_ =	shalt  }
0x7f: {  	_ =	shalt  }
0x80: {  	_ =	shalt  }
0x81: {  	_ =	shalt  }
0x82: {  	_ =	shalt  }
0x83: {  	_ =	shalt  }
0x84: {  	_ =	shalt  }
0x85: {  	_ =	shalt  }
0x86: {  	_ =	shalt  }
0x87: {  	_ =	shalt  }
.Lfunc_end0:
.L_simem_size_0:
called_computation.1_lowered:
.L_overlay_start_0:
0x88: {  	s2 =	sld [smem:$0x3FD9]  }
0x89: {  	s3 =	sld [smem:$0x3FFE];
	_ =	sdelay $0x1  }
0x8a: {  	s1 =	srdreg.scid  }
0x8b: {  	s0 =	sand.u32 $0x1, s1  }
0x8c: {  	s17 =	sshll.u32 s0, $0xA;
	s2 =	sadd.s32 s3, s2  }
0x8d: {  	s2 =	sadd.s32 s2, s17  }
0x8e: {  	[smem:$0x3FC2] =	sst s2  }
0x8f: {  	_ = 	snop  }
0x90: {  	s4 =	sld [smem:$0x3FC8]  }
0x91: {  	s18 =	sld [smem:$0x3FD0];
	(tm) =	ssettm $0x1  }
0x92: {  	s19 =	sld [smem:$0x3FFB];
	_ =	sdelay $0x3  }
0x93: {  	_ =	strace s19  }
0x94: {  	s2 =	sld [smem:$0x3FFC];
	_ =	sdelay $0x3  }
0x95: {  	_ =	strace s2  }
0x96: {  	s2 =	sld [smem:$0x3FFD];
	_ =	sdelay $0x3  }
0x97: {  	_ =	strace s2  }
0x98: {  	_ =	strace $0x8FFFFFFF  }
0x99: {  	s20 =	sld [smem:$0x3FDB];
	_ =	sdelay $0x1  }
0x9a: {  	s5 =	simm.s32 $_scs_section_size  }
0x9b: {  	s6 =	simm.s32 $_size__tile_overlayer_lowered;
	s7 =	simm.s32 $_tile_overlayer_lowered  }
0x9c: {  	s8 =	simm.s32 $0x1BFF;
	s21 =	sshll.u32 s7, $0x1;
	s5 =	sadd.s32 s5, s20  }
0x9d: {  	s22 =	simm.s32 $0x0;
	s6 =	sshll.u32 s6, $0x1;
	s7 =	sadd.s32 s21, s5  }
0x9e: {  	[timem:s22], [sflag:s8] =	dma.local [hbm:s7], s6  }
0x9f: {  	_ =	swait.ge [sflag:s8], s6  }
0xa0: {  	s6 =	ssub.s32 $0x0, s6;
	[sflag:s8] =	ssyncset.done $0x0  }
0xa1: {  	[sflag:s8] =	ssyncadd.s32 s6;
	_ =	sdelay $0x1  }
0xa2: {  	s23 =	simm.s32 $0x1B8B  }
0xa3: {  	_ =	swait.ge [sflag:s23], $0x1  }
0xa4: {  	[sflag:s23] =	ssyncset.done $0x0  }
0xa5: {  	[sflag:s23] =	ssyncadd.s32 $0xFFFFFFFF  }
0xa6: {  	s6 =	sld [smem:$0x0]  }
0xa7: {  	s7 =	sand.u32 $0xFFFFFFFE, s1  }
0xa8: {  	p0 =	sne.s32 s1, s7  }
0xa9: {  	s7 =	sshll.u32 @p0 s7, $0xE  }
0xaa: {  	s7 =	sadd.s32 @p0 $0x11B8D, s7;
	s8 =	sshll.u32 @p0 s6, $0x11  }
0xab: {  	s7 =	sor.u32 @p0 s8, s7  }
0xac: {  	[sflag:s7] =	ssyncadd.remote.s32 @p0 $0x1;
	_ =	sdelay $0x1  }
0xad: {  	s7 =	simm.s32 @p0 $0x1B8D  }
0xae: {  	_ =	swait.eq @p0 [sflag:s7], $0x1  }
0xaf: {  	[sflag:s7] =	ssyncadd.s32 @p0 $0xFFFFFFFF  }
0xb0: {  	s8 =	sshll.u32 @!p0 s1, $0xE  }
0xb1: {  	s8 =	sor.u32 @!p0 $0x4000, s8;
	s7 =	simm.s32 @!p0 $0x1B8D  }
0xb2: {  	s6 =	sshll.u32 @!p0 s6, $0x11;
	s8 =	sadd.s32 @!p0 $0x11B8D, s8;
	_ =	swait.eq @!p0 [sflag:s7], $0x1  }
0xb3: {  	s6 =	sor.u32 @!p0 s6, s8;
	[sflag:s7] =	ssyncadd.s32 @!p0 $0xFFFFFFFF  }
0xb4: {  	s25 =	simm.s32 $0x1B8E;
	s24 =	sld [smem:$0x3FFE];
	[sflag:s6] =	ssyncadd.remote.s32 @!p0 $0x1  }
0xb5: {  	s26 =	simm.s32 $execute0_lowered;
	[smem:$0x3FD2] =	sst s25  }
0xb6: {  	s7 =	sshll.u32 s26, $0x1;
	_ =	strace $0x80000049;
	[dreg:$0x1] =	wrdreg $0xFFFFFFFF  }
0xb7: {  	s28 =	simm.s32 $_size_execute0_lowered;
	s5 =	sadd.s32 s5, s7;
	[dreg:$0x0] =	wrdreg $0x0  }
0xb8: {  	s7 =	sshll.u32 s28, $0x1;
	[dreg:$0x2] =	wrdreg s5  }
0xb9: {  	[dreg:$0x3] =	wrdreg s7  }
0xba: {  	[dreg:$0x4] =	wrdreg $0xC0  }
0xbb: {  	_ =	task [dreg:s22], $0x5FFFF  }
0xbc: {  	[dreg:$0x1] =	wrdreg $0xFFFFFFFF  }
0xbd: {  	[dreg:$0x0] =	wrdreg $0x60  }
0xbe: {  	[dreg:$0x2] =	wrdreg s4  }
0xbf: {  	[dreg:$0x3] =	wrdreg s24  }
0xc0: {  	[dreg:$0x4] =	wrdreg s18  }
0xc1: {  	[dreg:$0x5] =	wrdreg $0xA  }
0xc2: {  	_ =	task.clear_ibuf [dreg:s22], $0x6FFFF;
	_ =	strace $0x90000049  }
0xc3: {  	s29 =	simm.s32 $0xA;
	_ =	strace $0x8000004B  }
0xc4: {  	_ =	swait.ge [sflag:s29], $0x1  }
0xc5: {  	[sflag:s29] =	ssyncadd.s32 $0xFFFFFFFF  }
0xc6: {  	_ =	strace $0x9000004B  }
0xc7: {  	_ =	sfence  }
0xc8: {  	s30 =	sld [smem:$0x0];
	_ =	sdelay $0x2  }
0xc9: {  	s31 =	sshll.u32 s1, $0xD;
	s1 =	sshrl.u32 s1, $0x2  }
0xca: {  	s4 =	sand.u32 $0x4000, s31;
	s1 =	sadd.s32 s1, s30  }
0xcb: {  	s0 =	sor.u32 s4, s0;
	s1 =	sshll.u32 s1, $0x11  }
0xcc: {  	s0 =	sor.u32 s1, s0  }
0xcd: {  	s0 =	sadd.s32 $0x8F2B, s0  }
0xce: {  	[sflag:s0] =	ssyncadd.remote.s32 $0x1  }
0xcf: {  	_ =	sfence.sel $0xFFFF  }
0xd0: {  	[dreg:$0x0] =	wrdreg $0xFFFFFFFF;
	(pc) =	sbr.abs _section_cstart, $3  }
0xd1: {  	[dreg:$0x1] =	wrdreg $0xFFFFFFFF  }
0xd2: {  	_ =	task.clear_ibuf [dreg:s22], $0x2FFFF;
	_ =	strace $0x9FFFFFFF  }
0xd3: {  	(tm) =	ssettm $0x7FFFFFFF  }
tec
execute0_lowered:
.L_overlay_start_1:
0x0: {  	(tag) =	ssettag $0x1  }
0x1: {  	s1 =	rddreg [dreg:$0x0]  }
0x2: {  	s4 =	rddreg [dreg:$0x1];
	s2 =	srdreg.scid  }
0x3: {  	s0 =	stileid.u32;
	s6 =	rddreg [dreg:$0x2];
	s3 =	simm.s32 $0x0  }
0x4: {  	s11 =	simm.s32 $0x300;
	s12 =	simm.s32 $0x8300;
	s13 =	simm.s32 $0x1  }
0x5: {  	s14 =	simm.s32 $0x10300;
	s15 =	simm.s32 $0x200;
	s16 =	simm.s32 $0x2  }
0x6: {  	s17 =	simm.s32 $0x14300;
	s5 =	sand.u32 $0x1, s2;
	s7 =	sshll.u32 s0, $0x1  }
0x7: {  	s18 =	simm.s32 $0x3;
	s19 =	simm.s32 $0x4;
	s7 =	sor.u32 s5, s7  }
0x8: {  	s20 =	simm.s32 $0x0;
	s2 =	rddreg [dreg:$0x3];
	s8 =	smul.u32 $0x300, s7  }
0x9: {  	[smem:$0x7FF] =	sst s3;
	s5 =	ssub.s32 $0x2, s5;
	s9 =	smul.u32 $0xC000, s7  }
0xa: {  	_ =	strace $0x8000004A;
	s10 =	sshrl.u32 s5, $0x1;
	s7 =	smul.u32 $0x1800, s7  }
0xb: {  	s10 =	ssub.s32 s5, s10;
	s8 =	sshrl.u32 s8, $0x3;
	s30 =	sshrl.u32 s9, $0x3  }
0xc: {  	s5 =	sadd.s32 s6, s7;
	s9 =	simm.s32 $0x5;
	s4 =	sadd.s32 s4, s8  }
0xd: {  	s31 =	sadd.s32 s6, s30;
	s8 =	smax.u32 s10, $0x1;
	s10 =	simm.s32 $0x100  }
0xe: {  	s4 =	sadd.s32 $0x3800, s4;
	s6 =	sadd.s32 $0x800, s31;
	s7 =	sadd.s32 $0x1000, s31  }
.LBB2_1:
0xf: {  	[tilespmem:s3], [sflag:$0x5] =	stream.linear.gather [hbm4b:s4+s3], $0x300, $0x38;
	[tilespmem:$0x18300] =	vst v63  }
0x10: {  	_ =	swait.ge [sflag:s9], $0x300  }
0x11: {  	[sflag:s9] =	ssyncset.done $0x0  }
0x12: {  	[sflag:s9] =	ssyncadd.s32 $0xFFFFFD00  }
0x13: {  	[tilespmem:s11], [sflag:$0x1] =	stream.indirect.gather [hbm4b:s1+s10], $0x80, s3, s10, $0xb8;
	[tilespmem:$0x18300] =	vst v63  }
0x14: {  	_ = 	snop  }
0x15: {  	[tilespmem:s12], [sflag:$0x2] =	stream.indirect.gather [hbm4b:s1+s10], $0x80, s10, s10, $0xb8;
	[tilespmem:$0x18300] =	vst v63  }
0x16: {  	_ =	swait.ge [sflag:s13], $0x8000  }
0x17: {  	[sflag:s13] =	ssyncset.done $0x0  }
0x18: {  	s21 =	simm.s32 $0x0;
	[sflag:s13] =	ssyncadd.s32 $0xFFFF8000  }
0x19: {  	v0 =	vld [tilespmem:s21+$0x370]  }
0x1a: {  	v1 =	vld [tilespmem:s21+$0x4370]  }
0x1b: {  	v2 =	vld [tilespmem:s21+$0x300]  }
0x1c: {  	v3 =	vld [tilespmem:s21+$0x4300]  }
0x1d: {  	v4 =	vld [tilespmem:s21+$0x310]  }
0x1e: {  	v5 =	vld [tilespmem:s21+$0x4310]  }
0x1f: {  	v6 =	vld [tilespmem:s21+$0x320]  }
0x20: {  	v7 =	vld [tilespmem:s21+$0x4320];
	v0 =	vadd.s32 $0x8000, v0;
	v1 =	vadd.s32 $0x8000, v1;
	v2 =	vadd.s32 $0x8000, v2  }
0x21: {  	v8 =	vld [tilespmem:s21+$0x330];
	v3 =	vadd.s32 $0x8000, v3;
	v0 =	vshrl.u32 v0, $0x10;
	v1 =	vand.u32 $0xFFFF0000, v1  }
0x22: {  	v9 =	vld [tilespmem:s21+$0x4330];
	v0 =	vor.u32 v0, v1;
	v1 =	vshrl.u32 v2, $0x10;
	v2 =	vand.u32 $0xFFFF0000, v3  }
0x23: {  	v10 =	vld [tilespmem:s21+$0x340];
	[tilespmem:s21+$0x10370] =	vst v0;
	v0 =	vor.u32 v1, v2;
	v1 =	vadd.s32 $0x8000, v4;
	v2 =	vadd.s32 $0x8000, v5  }
0x24: {  	v5 =	vld [tilespmem:s21+$0x4340];
	[tilespmem:s21+$0x10300] =	vst v0;
	v0 =	vshrl.u32 v1, $0x10;
	v1 =	vand.u32 $0xFFFF0000, v2  }
0x25: {  	v3 =	vadd.s32 $0x8000, v7;
	v2 =	vadd.s32 $0x8000, v6;
	v0 =	vor.u32 v0, v1;
	v1 =	vld [tilespmem:s21+$0x350]  }
0x26: {  	[tilespmem:s21+$0x10310] =	vst v0;
	v0 =	vshrl.u32 v2, $0x10;
	v2 =	vand.u32 $0xFFFF0000, v3;
	v3 =	vld [tilespmem:s21+$0x4350]  }
0x27: {  	v4 =	vadd.s32 $0x8000, v8;
	v6 =	vadd.s32 $0x8000, v9;
	v0 =	vor.u32 v0, v2;
	v2 =	vld [tilespmem:s21+$0x360]  }
0x28: {  	s22 =	simm.s32 $0x80;
	v8 =	vadd.s32 $0x8000, v10;
	v7 =	vshrl.u32 v4, $0x10;
	v4 =	vld [tilespmem:s21+$0x4360];
	v6 =	vand.u32 $0xFFFF0000, v6;
	[tilespmem:s21+$0x10320] =	vst v0  }
0x29: {  	s23 =	simm.s32 $0x400;
	v6 =	vor.u32 v7, v6;
	v7 =	vadd.s32 $0x8000, v5;
	v5 =	vshrl.u32 v8, $0x10;
	v0 =	vld [tilespmem:s22+$0x370]  }
.LBB2_2:
0x2a: {  	p0 =	sne.s32 s23, $0xFE00;
	v8 =	vld [tilespmem:s22+$0x4370];
	[tilespmem:s21+$0x10330] =	vst v6;
	v6 =	vand.u32 $0xFFFF0000, v7;
	v1 =	vadd.s32 $0x8000, v1  }
0x2b: {  	v7 =	vld [tilespmem:s22+$0x300];
	v5 =	vor.u32 v5, v6;
	v3 =	vadd.s32 $0x8000, v3;
	v1 =	vshrl.u32 v1, $0x10  }
0x2c: {  	v6 =	vld [tilespmem:s22+$0x4300];
	[tilespmem:s21+$0x10340] =	vst v5;
	v3 =	vand.u32 $0xFFFF0000, v3;
	v2 =	vadd.s32 $0x8000, v2  }
0x2d: {  	v5 =	vld [tilespmem:s22+$0x310];
	v1 =	vor.u32 v1, v3;
	v3 =	vadd.s32 $0x8000, v4;
	v2 =	vshrl.u32 v2, $0x10  }
0x2e: {  	v4 =	vld [tilespmem:s22+$0x4310];
	[tilespmem:s21+$0x10350] =	vst v1;
	v1 =	vand.u32 $0xFFFF0000, v3  }
0x2f: {  	v0 =	vadd.s32 $0x8000, v0;
	v3 =	vld [tilespmem:s22+$0x320];
	v8 =	vadd.s32 $0x8000, v8;
	v1 =	vor.u32 v2, v1  }
0x30: {  	v0 =	vshrl.u32 v0, $0x10;
	v2 =	vadd.s32 $0x8000, v7;
	v7 =	vld [tilespmem:s22+$0x4320];
	v8 =	vand.u32 $0xFFFF0000, v8;
	[tilespmem:s21+$0x10360] =	vst v1;
	s21 =	smov.u32 s22  }
0x31: {  	v1 =	vadd.s32 $0x8000, v6;
	v2 =	vshrl.u32 v2, $0x10;
	v6 =	vld [tilespmem:s21+$0x330];
	v0 =	vor.u32 v0, v8  }
0x32: {  	v1 =	vand.u32 $0xFFFF0000, v1;
	v5 =	vadd.s32 $0x8000, v5;
	v8 =	vld [tilespmem:s21+$0x4330];
	[tilespmem:s21+$0x10370] =	vst v0  }
0x33: {  	v0 =	vor.u32 v2, v1;
	v1 =	vadd.s32 $0x8000, v4;
	v2 =	vshrl.u32 v5, $0x10;
	v4 =	vld [tilespmem:s21+$0x340]  }
0x34: {  	[tilespmem:s21+$0x10300] =	vst v0;
	v0 =	vand.u32 $0xFFFF0000, v1;
	v1 =	vadd.s32 $0x8000, v3;
	v5 =	vld [tilespmem:s21+$0x4340]  }
.Ltmp0:
0x35: {  	v0 =	vor.u32 v2, v0;
	v2 =	vadd.s32 $0x8000, v7;
	v7 =	vshrl.u32 v1, $0x10;
	v1 =	vld [tilespmem:s21+$0x350];
	(pc) =	sbr.rel @p0 .LBB2_2-.Ltmp0, $4  }
0x36: {  	[tilespmem:s21+$0x10310] =	vst v0;
	v0 =	vand.u32 $0xFFFF0000, v2;
	v2 =	vadd.s32 $0x8000, v6;
	v3 =	vld [tilespmem:s21+$0x4350]  }
0x37: {  	v0 =	vor.u32 v7, v0;
	v6 =	vadd.s32 $0x8000, v8;
	v7 =	vshrl.u32 v2, $0x10;
	v2 =	vld [tilespmem:s21+$0x360]  }
0x38: {  	s22 =	sshra.s32 s23, $0x2;
	[tilespmem:s21+$0x10320] =	vst v0;
	v6 =	vand.u32 $0xFFFF0000, v6;
	v8 =	vadd.s32 $0x8000, v4;
	v4 =	vld [tilespmem:s21+$0x4360]  }
0x39: {  	s23 =	sadd.s32 $0x200, s23;
	v0 =	vld [tilespmem:s22+$0x370];
	v6 =	vor.u32 v7, v6;
	v7 =	vadd.s32 $0x8000, v5;
	v5 =	vshrl.u32 v8, $0x10  }
0x3a: {  	v8 =	vld [tilespmem:s22+$0x4370];
	[tilespmem:s21+$0x10330] =	vst v6;
	v6 =	vand.u32 $0xFFFF0000, v7  }
0x3b: {  	v1 =	vadd.s32 $0x8000, v1;
	v7 =	vld [tilespmem:s22+$0x300];
	v5 =	vor.u32 v5, v6;
	v3 =	vadd.s32 $0x8000, v3  }
0x3c: {  	v6 =	vld [tilespmem:s22+$0x4300];
	v1 =	vshrl.u32 v1, $0x10;
	[tilespmem:s21+$0x10340] =	vst v5;
	v3 =	vand.u32 $0xFFFF0000, v3  }
0x3d: {  	v2 =	vadd.s32 $0x8000, v2;
	v5 =	vld [tilespmem:s22+$0x310];
	v1 =	vor.u32 v1, v3;
	v4 =	vadd.s32 $0x8000, v4  }
0x3e: {  	v3 =	vld [tilespmem:s22+$0x4310];
	[tilespmem:s21+$0x10350] =	vst v1;
	v1 =	vshrl.u32 v2, $0x10;
	v2 =	vand.u32 $0xFFFF0000, v4  }
0x3f: {  	v0 =	vadd.s32 $0x8000, v0;
	v4 =	vld [tilespmem:s22+$0x320];
	v1 =	vor.u32 v1, v2  }
0x40: {  	v2 =	vld [tilespmem:s22+$0x4320];
	v8 =	vadd.s32 $0x8000, v8;
	v0 =	vshrl.u32 v0, $0x10;
	[tilespmem:s21+$0x10360] =	vst v1  }
0x41: {  	v1 =	vand.u32 $0xFFFF0000, v8;
	v7 =	vadd.s32 $0x8000, v7;
	v6 =	vadd.s32 $0x8000, v6;
	v8 =	vld [tilespmem:s22+$0x330]  }
0x42: {  	v0 =	vor.u32 v0, v1;
	v1 =	vld [tilespmem:s22+$0x4330];
	v7 =	vshrl.u32 v7, $0x10;
	v6 =	vand.u32 $0xFFFF0000, v6  }
0x43: {  	[tilespmem:s22+$0x10370] =	vst v0;
	v0 =	vor.u32 v7, v6;
	v6 =	vld [tilespmem:s22+$0x340];
	v5 =	vadd.s32 $0x8000, v5;
	v3 =	vadd.s32 $0x8000, v3  }
0x44: {  	v7 =	vld [tilespmem:s22+$0x4360];
	[tilespmem:s22+$0x10300] =	vst v0;
	v0 =	vshrl.u32 v5, $0x10;
	v3 =	vand.u32 $0xFFFF0000, v3  }
0x45: {  	v5 =	vld [tilespmem:s22+$0x4340];
	v0 =	vor.u32 v0, v3;
	v4 =	vadd.s32 $0x8000, v4;
	v2 =	vadd.s32 $0x8000, v2  }
0x46: {  	v3 =	vld [tilespmem:s22+$0x350];
	[tilespmem:s22+$0x10310] =	vst v0;
	v0 =	vshrl.u32 v4, $0x10;
	v2 =	vand.u32 $0xFFFF0000, v2  }
0x47: {  	v4 =	vld [tilespmem:s22+$0x4350];
	v0 =	vor.u32 v0, v2  }
0x48: {  	v2 =	vld [tilespmem:s22+$0x360];
	v1 =	vadd.s32 $0x8000, v1;
	[tilespmem:s22+$0x10320] =	vst v0;
	v0 =	vadd.s32 $0x8000, v8  }
0x49: {  	v1 =	vand.u32 $0xFFFF0000, v1;
	v0 =	vshrl.u32 v0, $0x10  }
0x4a: {  	v6 =	vadd.s32 $0x8000, v6;
	v0 =	vor.u32 v0, v1;
	v1 =	vadd.s32 $0x8000, v5  }
0x4b: {  	v5 =	vshrl.u32 v6, $0x10;
	v3 =	vadd.s32 $0x8000, v3;
	v1 =	vand.u32 $0xFFFF0000, v1  }
0x4c: {  	v4 =	vadd.s32 $0x8000, v4;
	v3 =	vshrl.u32 v3, $0x10;
	v1 =	vor.u32 v5, v1  }
0x4d: {  	[tilespmem:s22+$0x10330] =	vst v0;
	v0 =	vand.u32 $0xFFFF0000, v4;
	v2 =	vadd.s32 $0x8000, v2;
	v4 =	vadd.s32 $0x8000, v7  }
0x4e: {  	[tilespmem:s22+$0x10340] =	vst v1;
	v0 =	vor.u32 v3, v0;
	v1 =	vshrl.u32 v2, $0x10;
	v2 =	vand.u32 $0xFFFF0000, v4  }
0x4f: {  	[tilespmem:s22+$0x10350] =	vst v0;
	v0 =	vor.u32 v1, v2  }
0x50: {  	s31 =	simm.s32 $0x0;
	[tilespmem:s22+$0x10360] =	vst v0  }
0x51: {  	[hbm4b:s5+s31] =	stream.linear.scatter [tilespmem:s14], [sflag:$0x3], $0x4000, $0x38;
	[tilespmem:$0x18300] =	vst v63  }
0x52: {  	_ = 	snop  }
0x53: {  	[tilespmem:s11], [sflag:$0x1] =	stream.indirect.gather [hbm4b:s1+s10], $0x80, s15, s10, $0xb8;
	[tilespmem:$0x18300] =	vst v63  }
0x54: {  	_ =	swait.ge [sflag:s16], $0x8000  }
0x55: {  	[sflag:s16] =	ssyncset.done $0x0  }
0x56: {  	s21 =	simm.s32 $0x0;
	[sflag:s16] =	ssyncadd.s32 $0xFFFF8000  }
0x57: {  	v0 =	vld [tilespmem:s21+$0x8370]  }
0x58: {  	v1 =	vld [tilespmem:s21+$0xC370]  }
0x59: {  	v2 =	vld [tilespmem:s21+$0x8300]  }
0x5a: {  	v3 =	vld [tilespmem:s21+$0xC300]  }
0x5b: {  	v4 =	vld [tilespmem:s21+$0x8310]  }
0x5c: {  	v5 =	vld [tilespmem:s21+$0xC310]  }
0x5d: {  	v6 =	vld [tilespmem:s21+$0x8320]  }
0x5e: {  	v7 =	vld [tilespmem:s21+$0xC320];
	v0 =	vadd.s32 $0x8000, v0;
	v1 =	vadd.s32 $0x8000, v1;
	v2 =	vadd.s32 $0x8000, v2  }
0x5f: {  	v8 =	vld [tilespmem:s21+$0x8330];
	v3 =	vadd.s32 $0x8000, v3;
	v0 =	vshrl.u32 v0, $0x10;
	v1 =	vand.u32 $0xFFFF0000, v1  }
0x60: {  	v9 =	vld [tilespmem:s21+$0xC330];
	v0 =	vor.u32 v0, v1;
	v1 =	vshrl.u32 v2, $0x10;
	v2 =	vand.u32 $0xFFFF0000, v3  }
0x61: {  	v10 =	vld [tilespmem:s21+$0x8340];
	[tilespmem:s21+$0x14370] =	vst v0;
	v0 =	vor.u32 v1, v2;
	v1 =	vadd.s32 $0x8000, v4;
	v2 =	vadd.s32 $0x8000, v5  }
0x62: {  	v5 =	vld [tilespmem:s21+$0xC340];
	[tilespmem:s21+$0x14300] =	vst v0;
	v0 =	vshrl.u32 v1, $0x10;
	v1 =	vand.u32 $0xFFFF0000, v2  }
0x63: {  	v3 =	vadd.s32 $0x8000, v7;
	v2 =	vadd.s32 $0x8000, v6;
	v0 =	vor.u32 v0, v1;
	v1 =	vld [tilespmem:s21+$0x8350]  }
0x64: {  	[tilespmem:s21+$0x14310] =	vst v0;
	v0 =	vshrl.u32 v2, $0x10;
	v2 =	vand.u32 $0xFFFF0000, v3;
	v3 =	vld [tilespmem:s21+$0xC350]  }
0x65: {  	v4 =	vadd.s32 $0x8000, v8;
	v6 =	vadd.s32 $0x8000, v9;
	v0 =	vor.u32 v0, v2;
	v2 =	vld [tilespmem:s21+$0x8360]  }
0x66: {  	s22 =	simm.s32 $0x80;
	v8 =	vadd.s32 $0x8000, v10;
	v7 =	vshrl.u32 v4, $0x10;
	v4 =	vld [tilespmem:s21+$0xC360];
	v6 =	vand.u32 $0xFFFF0000, v6;
	[tilespmem:s21+$0x14320] =	vst v0  }
0x67: {  	s23 =	simm.s32 $0x400;
	v6 =	vor.u32 v7, v6;
	v7 =	vadd.s32 $0x8000, v5;
	v5 =	vshrl.u32 v8, $0x10;
	v0 =	vld [tilespmem:s22+$0x8370]  }
.LBB2_4:
0x68: {  	p0 =	sne.s32 s23, $0xFE00;
	v8 =	vld [tilespmem:s22+$0xC370];
	[tilespmem:s21+$0x14330] =	vst v6;
	v6 =	vand.u32 $0xFFFF0000, v7;
	v1 =	vadd.s32 $0x8000, v1  }
0x69: {  	v7 =	vld [tilespmem:s22+$0x8300];
	v5 =	vor.u32 v5, v6;
	v3 =	vadd.s32 $0x8000, v3;
	v1 =	vshrl.u32 v1, $0x10  }
0x6a: {  	v6 =	vld [tilespmem:s22+$0xC300];
	[tilespmem:s21+$0x14340] =	vst v5;
	v3 =	vand.u32 $0xFFFF0000, v3;
	v2 =	vadd.s32 $0x8000, v2  }
0x6b: {  	v5 =	vld [tilespmem:s22+$0x8310];
	v1 =	vor.u32 v1, v3;
	v3 =	vadd.s32 $0x8000, v4;
	v2 =	vshrl.u32 v2, $0x10  }
0x6c: {  	v4 =	vld [tilespmem:s22+$0xC310];
	[tilespmem:s21+$0x14350] =	vst v1;
	v1 =	vand.u32 $0xFFFF0000, v3  }
0x6d: {  	v0 =	vadd.s32 $0x8000, v0;
	v3 =	vld [tilespmem:s22+$0x8320];
	v8 =	vadd.s32 $0x8000, v8;
	v1 =	vor.u32 v2, v1  }
0x6e: {  	v0 =	vshrl.u32 v0, $0x10;
	v2 =	vadd.s32 $0x8000, v7;
	v7 =	vld [tilespmem:s22+$0xC320];
	v8 =	vand.u32 $0xFFFF0000, v8;
	[tilespmem:s21+$0x14360] =	vst v1;
	s21 =	smov.u32 s22  }
0x6f: {  	v1 =	vadd.s32 $0x8000, v6;
	v2 =	vshrl.u32 v2, $0x10;
	v6 =	vld [tilespmem:s21+$0x8330];
	v0 =	vor.u32 v0, v8  }
0x70: {  	v1 =	vand.u32 $0xFFFF0000, v1;
	v5 =	vadd.s32 $0x8000, v5;
	v8 =	vld [tilespmem:s21+$0xC330];
	[tilespmem:s21+$0x14370] =	vst v0  }
0x71: {  	v0 =	vor.u32 v2, v1;
	v1 =	vadd.s32 $0x8000, v4;
	v2 =	vshrl.u32 v5, $0x10;
	v4 =	vld [tilespmem:s21+$0x8340]  }
0x72: {  	[tilespmem:s21+$0x14300] =	vst v0;
	v0 =	vand.u32 $0xFFFF0000, v1;
	v1 =	vadd.s32 $0x8000, v3;
	v5 =	vld [tilespmem:s21+$0xC340]  }
.Ltmp1:
0x73: {  	v0 =	vor.u32 v2, v0;
	v2 =	vadd.s32 $0x8000, v7;
	v7 =	vshrl.u32 v1, $0x10;
	v1 =	vld [tilespmem:s21+$0x8350];
	(pc) =	sbr.rel @p0 .LBB2_4-.Ltmp1, $4  }
0x74: {  	[tilespmem:s21+$0x14310] =	vst v0;
	v0 =	vand.u32 $0xFFFF0000, v2;
	v2 =	vadd.s32 $0x8000, v6;
	v3 =	vld [tilespmem:s21+$0xC350]  }
0x75: {  	v0 =	vor.u32 v7, v0;
	v6 =	vadd.s32 $0x8000, v8;
	v7 =	vshrl.u32 v2, $0x10;
	v2 =	vld [tilespmem:s21+$0x8360]  }
0x76: {  	s22 =	sshra.s32 s23, $0x2;
	[tilespmem:s21+$0x14320] =	vst v0;
	v6 =	vand.u32 $0xFFFF0000, v6;
	v8 =	vadd.s32 $0x8000, v4;
	v4 =	vld [tilespmem:s21+$0xC360]  }
0x77: {  	s23 =	sadd.s32 $0x200, s23;
	v0 =	vld [tilespmem:s22+$0x8370];
	v6 =	vor.u32 v7, v6;
	v7 =	vadd.s32 $0x8000, v5;
	v5 =	vshrl.u32 v8, $0x10  }
0x78: {  	v8 =	vld [tilespmem:s22+$0xC370];
	[tilespmem:s21+$0x14330] =	vst v6;
	v6 =	vand.u32 $0xFFFF0000, v7  }
0x79: {  	v1 =	vadd.s32 $0x8000, v1;
	v7 =	vld [tilespmem:s22+$0x8300];
	v5 =	vor.u32 v5, v6;
	v3 =	vadd.s32 $0x8000, v3  }
0x7a: {  	v6 =	vld [tilespmem:s22+$0xC300];
	v1 =	vshrl.u32 v1, $0x10;
	[tilespmem:s21+$0x14340] =	vst v5;
	v3 =	vand.u32 $0xFFFF0000, v3  }
0x7b: {  	v2 =	vadd.s32 $0x8000, v2;
	v5 =	vld [tilespmem:s22+$0x8310];
	v1 =	vor.u32 v1, v3;
	v4 =	vadd.s32 $0x8000, v4  }
0x7c: {  	v3 =	vld [tilespmem:s22+$0xC310];
	[tilespmem:s21+$0x14350] =	vst v1;
	v1 =	vshrl.u32 v2, $0x10;
	v2 =	vand.u32 $0xFFFF0000, v4  }
0x7d: {  	v0 =	vadd.s32 $0x8000, v0;
	v4 =	vld [tilespmem:s22+$0x8320];
	v1 =	vor.u32 v1, v2  }
0x7e: {  	v2 =	vld [tilespmem:s22+$0xC320];
	v8 =	vadd.s32 $0x8000, v8;
	v0 =	vshrl.u32 v0, $0x10;
	[tilespmem:s21+$0x14360] =	vst v1  }
0x7f: {  	v1 =	vand.u32 $0xFFFF0000, v8;
	v7 =	vadd.s32 $0x8000, v7;
	v6 =	vadd.s32 $0x8000, v6;
	v8 =	vld [tilespmem:s22+$0x8330]  }
0x80: {  	v0 =	vor.u32 v0, v1;
	v1 =	vld [tilespmem:s22+$0xC330];
	v7 =	vshrl.u32 v7, $0x10;
	v6 =	vand.u32 $0xFFFF0000, v6  }
0x81: {  	[tilespmem:s22+$0x14370] =	vst v0;
	v0 =	vor.u32 v7, v6;
	v6 =	vld [tilespmem:s22+$0x8340];
	v5 =	vadd.s32 $0x8000, v5;
	v3 =	vadd.s32 $0x8000, v3  }
0x82: {  	v7 =	vld [tilespmem:s22+$0xC360];
	[tilespmem:s22+$0x14300] =	vst v0;
	v0 =	vshrl.u32 v5, $0x10;
	v3 =	vand.u32 $0xFFFF0000, v3  }
0x83: {  	v5 =	vld [tilespmem:s22+$0xC340];
	v0 =	vor.u32 v0, v3;
	v4 =	vadd.s32 $0x8000, v4;
	v2 =	vadd.s32 $0x8000, v2  }
0x84: {  	v3 =	vld [tilespmem:s22+$0x8350];
	[tilespmem:s22+$0x14310] =	vst v0;
	v0 =	vshrl.u32 v4, $0x10;
	v2 =	vand.u32 $0xFFFF0000, v2  }
0x85: {  	v4 =	vld [tilespmem:s22+$0xC350];
	v0 =	vor.u32 v0, v2  }
0x86: {  	v2 =	vld [tilespmem:s22+$0x8360];
	v1 =	vadd.s32 $0x8000, v1;
	[tilespmem:s22+$0x14320] =	vst v0;
	v0 =	vadd.s32 $0x8000, v8  }
0x87: {  	v1 =	vand.u32 $0xFFFF0000, v1;
	v0 =	vshrl.u32 v0, $0x10  }
0x88: {  	v6 =	vadd.s32 $0x8000, v6;
	v0 =	vor.u32 v0, v1;
	v1 =	vadd.s32 $0x8000, v5  }
0x89: {  	v5 =	vshrl.u32 v6, $0x10;
	v3 =	vadd.s32 $0x8000, v3;
	v1 =	vand.u32 $0xFFFF0000, v1  }
0x8a: {  	v4 =	vadd.s32 $0x8000, v4;
	v3 =	vshrl.u32 v3, $0x10;
	v1 =	vor.u32 v5, v1  }
0x8b: {  	[tilespmem:s22+$0x14330] =	vst v0;
	v0 =	vand.u32 $0xFFFF0000, v4;
	v2 =	vadd.s32 $0x8000, v2;
	v4 =	vadd.s32 $0x8000, v7  }
0x8c: {  	[tilespmem:s22+$0x14340] =	vst v1;
	v0 =	vor.u32 v3, v0;
	v1 =	vshrl.u32 v2, $0x10;
	v2 =	vand.u32 $0xFFFF0000, v4  }
0x8d: {  	[tilespmem:s22+$0x14350] =	vst v0;
	v0 =	vor.u32 v1, v2  }
0x8e: {  	s31 =	simm.s32 $0x0;
	[tilespmem:s22+$0x14360] =	vst v0  }
0x8f: {  	[hbm4b:s6+s31] =	stream.linear.scatter [tilespmem:s17], [sflag:$0x4], $0x4000, $0x38;
	[tilespmem:$0x18300] =	vst v63  }
0x90: {  	_ =	swait.ge [sflag:s13], $0x8000  }
0x91: {  	[sflag:s13] =	ssyncset.done $0x0  }
0x92: {  	[sflag:s13] =	ssyncadd.s32 $0xFFFF8000  }
0x93: {  	_ =	swait.ge [sflag:s18], $0x4000  }
0x94: {  	[sflag:s18] =	ssyncset.done $0x0  }
0x95: {  	s21 =	simm.s32 $0x0;
	[sflag:s18] =	ssyncadd.s32 $0xFFFFC000  }
0x96: {  	v0 =	vld [tilespmem:s21+$0x370]  }
0x97: {  	v1 =	vld [tilespmem:s21+$0x4370]  }
0x98: {  	v2 =	vld [tilespmem:s21+$0x300]  }
0x99: {  	v3 =	vld [tilespmem:s21+$0x4300]  }
0x9a: {  	v4 =	vld [tilespmem:s21+$0x310]  }
0x9b: {  	v5 =	vld [tilespmem:s21+$0x4310]  }
0x9c: {  	v6 =	vld [tilespmem:s21+$0x320]  }
0x9d: {  	v7 =	vld [tilespmem:s21+$0x4320];
	v0 =	vadd.s32 $0x8000, v0;
	v1 =	vadd.s32 $0x8000, v1;
	v2 =	vadd.s32 $0x8000, v2  }
0x9e: {  	v8 =	vld [tilespmem:s21+$0x330];
	v3 =	vadd.s32 $0x8000, v3;
	v0 =	vshrl.u32 v0, $0x10;
	v1 =	vand.u32 $0xFFFF0000, v1  }
0x9f: {  	v9 =	vld [tilespmem:s21+$0x4330];
	v0 =	vor.u32 v0, v1;
	v1 =	vshrl.u32 v2, $0x10;
	v2 =	vand.u32 $0xFFFF0000, v3  }
0xa0: {  	v10 =	vld [tilespmem:s21+$0x340];
	[tilespmem:s21+$0x10370] =	vst v0;
	v0 =	vor.u32 v1, v2;
	v1 =	vadd.s32 $0x8000, v4;
	v2 =	vadd.s32 $0x8000, v5  }
0xa1: {  	v5 =	vld [tilespmem:s21+$0x4340];
	[tilespmem:s21+$0x10300] =	vst v0;
	v0 =	vshrl.u32 v1, $0x10;
	v1 =	vand.u32 $0xFFFF0000, v2  }
0xa2: {  	v3 =	vadd.s32 $0x8000, v7;
	v2 =	vadd.s32 $0x8000, v6;
	v0 =	vor.u32 v0, v1;
	v1 =	vld [tilespmem:s21+$0x350]  }
0xa3: {  	[tilespmem:s21+$0x10310] =	vst v0;
	v0 =	vshrl.u32 v2, $0x10;
	v2 =	vand.u32 $0xFFFF0000, v3;
	v3 =	vld [tilespmem:s21+$0x4350]  }
0xa4: {  	v4 =	vadd.s32 $0x8000, v8;
	v6 =	vadd.s32 $0x8000, v9;
	v0 =	vor.u32 v0, v2;
	v2 =	vld [tilespmem:s21+$0x360]  }
0xa5: {  	s22 =	simm.s32 $0x80;
	v8 =	vadd.s32 $0x8000, v10;
	v7 =	vshrl.u32 v4, $0x10;
	v4 =	vld [tilespmem:s21+$0x4360];
	v6 =	vand.u32 $0xFFFF0000, v6;
	[tilespmem:s21+$0x10320] =	vst v0  }
0xa6: {  	s23 =	simm.s32 $0x400;
	v6 =	vor.u32 v7, v6;
	v7 =	vadd.s32 $0x8000, v5;
	v5 =	vshrl.u32 v8, $0x10;
	v0 =	vld [tilespmem:s22+$0x370]  }
.LBB2_6:
0xa7: {  	p0 =	sne.s32 s23, $0xFE00;
	v8 =	vld [tilespmem:s22+$0x4370];
	[tilespmem:s21+$0x10330] =	vst v6;
	v6 =	vand.u32 $0xFFFF0000, v7;
	v1 =	vadd.s32 $0x8000, v1  }
0xa8: {  	v7 =	vld [tilespmem:s22+$0x300];
	v5 =	vor.u32 v5, v6;
	v3 =	vadd.s32 $0x8000, v3;
	v1 =	vshrl.u32 v1, $0x10  }
0xa9: {  	v6 =	vld [tilespmem:s22+$0x4300];
	[tilespmem:s21+$0x10340] =	vst v5;
	v3 =	vand.u32 $0xFFFF0000, v3;
	v2 =	vadd.s32 $0x8000, v2  }
0xaa: {  	v5 =	vld [tilespmem:s22+$0x310];
	v1 =	vor.u32 v1, v3;
	v3 =	vadd.s32 $0x8000, v4;
	v2 =	vshrl.u32 v2, $0x10  }
0xab: {  	v4 =	vld [tilespmem:s22+$0x4310];
	[tilespmem:s21+$0x10350] =	vst v1;
	v1 =	vand.u32 $0xFFFF0000, v3  }
0xac: {  	v0 =	vadd.s32 $0x8000, v0;
	v3 =	vld [tilespmem:s22+$0x320];
	v8 =	vadd.s32 $0x8000, v8;
	v1 =	vor.u32 v2, v1  }
0xad: {  	v0 =	vshrl.u32 v0, $0x10;
	v2 =	vadd.s32 $0x8000, v7;
	v7 =	vld [tilespmem:s22+$0x4320];
	v8 =	vand.u32 $0xFFFF0000, v8;
	[tilespmem:s21+$0x10360] =	vst v1;
	s21 =	smov.u32 s22  }
0xae: {  	v1 =	vadd.s32 $0x8000, v6;
	v2 =	vshrl.u32 v2, $0x10;
	v6 =	vld [tilespmem:s21+$0x330];
	v0 =	vor.u32 v0, v8  }
0xaf: {  	v1 =	vand.u32 $0xFFFF0000, v1;
	v5 =	vadd.s32 $0x8000, v5;
	v8 =	vld [tilespmem:s21+$0x4330];
	[tilespmem:s21+$0x10370] =	vst v0  }
0xb0: {  	v0 =	vor.u32 v2, v1;
	v1 =	vadd.s32 $0x8000, v4;
	v2 =	vshrl.u32 v5, $0x10;
	v4 =	vld [tilespmem:s21+$0x340]  }
0xb1: {  	[tilespmem:s21+$0x10300] =	vst v0;
	v0 =	vand.u32 $0xFFFF0000, v1;
	v1 =	vadd.s32 $0x8000, v3;
	v5 =	vld [tilespmem:s21+$0x4340]  }
.Ltmp2:
0xb2: {  	v0 =	vor.u32 v2, v0;
	v2 =	vadd.s32 $0x8000, v7;
	v7 =	vshrl.u32 v1, $0x10;
	v1 =	vld [tilespmem:s21+$0x350];
	(pc) =	sbr.rel @p0 .LBB2_6-.Ltmp2, $4  }
0xb3: {  	[tilespmem:s21+$0x10310] =	vst v0;
	v0 =	vand.u32 $0xFFFF0000, v2;
	v2 =	vadd.s32 $0x8000, v6;
	v3 =	vld [tilespmem:s21+$0x4350]  }
0xb4: {  	v0 =	vor.u32 v7, v0;
	v6 =	vadd.s32 $0x8000, v8;
	v7 =	vshrl.u32 v2, $0x10;
	v2 =	vld [tilespmem:s21+$0x360]  }
0xb5: {  	s22 =	sshra.s32 s23, $0x2;
	[tilespmem:s21+$0x10320] =	vst v0;
	v6 =	vand.u32 $0xFFFF0000, v6;
	v8 =	vadd.s32 $0x8000, v4;
	v4 =	vld [tilespmem:s21+$0x4360]  }
0xb6: {  	s23 =	sadd.s32 $0x200, s23;
	v0 =	vld [tilespmem:s22+$0x370];
	v6 =	vor.u32 v7, v6;
	v7 =	vadd.s32 $0x8000, v5;
	v5 =	vshrl.u32 v8, $0x10  }
0xb7: {  	v8 =	vld [tilespmem:s22+$0x4370];
	[tilespmem:s21+$0x10330] =	vst v6;
	v36 =	vand.u32 $0xFFFF0000, v7  }
0xb8: {  	v1 =	vadd.s32 $0x8000, v1;
	v37 =	vld [tilespmem:s22+$0x300];
	v5 =	vor.u32 v5, v36;
	v3 =	vadd.s32 $0x8000, v3  }
0xb9: {  	v38 =	vld [tilespmem:s22+$0x4300];
	v1 =	vshrl.u32 v1, $0x10;
	[tilespmem:s21+$0x10340] =	vst v5;
	v3 =	vand.u32 $0xFFFF0000, v3  }
0xba: {  	v2 =	vadd.s32 $0x8000, v2;
	v5 =	vld [tilespmem:s22+$0x310];
	v1 =	vor.u32 v1, v3;
	v4 =	vadd.s32 $0x8000, v4  }
0xbb: {  	v39 =	vld [tilespmem:s22+$0x4310];
	v40 =	vshrl.u32 v2, $0x10;
	[tilespmem:s21+$0x10350] =	vst v1;
	v41 =	vand.u32 $0xFFFF0000, v4  }
0xbc: {  	v42 =	vld [tilespmem:s22+$0x320];
	v1 =	vor.u32 v40, v41  }
0xbd: {  	v43 =	vld [tilespmem:s22+$0x4320];
	[tilespmem:s21+$0x10360] =	vst v1  }
0xbe: {  	v45 =	vld [tilespmem:s22+$0x330]  }
0xbf: {  	v46 =	vld [tilespmem:s22+$0x4330]  }
0xc0: {  	v0 =	vadd.s32 $0x8000, v0;
	v48 =	vld [tilespmem:s22+$0x340]  }
0xc1: {  	v8 =	vadd.s32 $0x8000, v8;
	v0 =	vshrl.u32 v0, $0x10;
	v50 =	vld [tilespmem:s22+$0x4340]  }
0xc2: {  	v44 =	vand.u32 $0xFFFF0000, v8;
	v7 =	vadd.s32 $0x8000, v37;
	v6 =	vadd.s32 $0x8000, v38;
	v51 =	vld [tilespmem:s22+$0x350]  }
0xc3: {  	v0 =	vor.u32 v0, v44;
	v7 =	vshrl.u32 v7, $0x10;
	v53 =	vld [tilespmem:s22+$0x4350];
	v5 =	vadd.s32 $0x8000, v5  }
0xc4: {  	v6 =	vand.u32 $0xFFFF0000, v6;
	v54 =	vld [tilespmem:s22+$0x360];
	v3 =	vadd.s32 $0x8000, v39;
	v49 =	vshrl.u32 v5, $0x10  }
0xc5: {  	v56 =	vld [tilespmem:s22+$0x4360];
	v3 =	vand.u32 $0xFFFF0000, v3;
	v4 =	vadd.s32 $0x8000, v42;
	v2 =	vadd.s32 $0x8000, v43  }
0xc6: {  	[tilespmem:s22+$0x10370] =	vst v0;
	v0 =	vor.u32 v49, v3;
	v52 =	vshrl.u32 v4, $0x10;
	v2 =	vand.u32 $0xFFFF0000, v2  }
0xc7: {  	v47 =	vor.u32 v7, v6;
	[tilespmem:s22+$0x10310] =	vst v0;
	v0 =	vor.u32 v52, v2;
	v55 =	vadd.s32 $0x8000, v45  }
0xc8: {  	v1 =	vadd.s32 $0x8000, v46;
	v6 =	vadd.s32 $0x8000, v48;
	v57 =	vadd.s32 $0x8000, v50  }
0xc9: {  	v3 =	vadd.s32 $0x8000, v51;
	v4 =	vadd.s32 $0x8000, v53;
	v2 =	vadd.s32 $0x8000, v54  }
0xca: {  	v60 =	vadd.s32 $0x8000, v56;
	[tilespmem:s22+$0x10320] =	vst v0;
	v0 =	vshrl.u32 v55, $0x10;
	v1 =	vand.u32 $0xFFFF0000, v1  }
0xcb: {  	[tilespmem:s22+$0x10300] =	vst v47;
	v61 =	vshrl.u32 v2, $0x10;
	v62 =	vand.u32 $0xFFFF0000, v60;
	v0 =	vor.u32 v0, v1  }
0xcc: {  	v58 =	vshrl.u32 v6, $0x10;
	v1 =	vand.u32 $0xFFFF0000, v57;
	v63 =	vor.u32 v61, v62;
	[tilespmem:s22+$0x10330] =	vst v0  }
0xcd: {  	v3 =	vshrl.u32 v3, $0x10;
	v59 =	vand.u32 $0xFFFF0000, v4;
	v1 =	vor.u32 v58, v1;
	[tilespmem:s22+$0x10360] =	vst v63  }
0xce: {  	v0 =	vor.u32 v3, v59;
	[tilespmem:s22+$0x10340] =	vst v1  }
0xcf: {  	s20 =	sadd.s32 $0x1, s20;
	[tilespmem:s22+$0x10350] =	vst v0  }
0xd0: {  	[hbm4b:s7+s3] =	stream.linear.scatter [tilespmem:s14], [sflag:$0x3], $0x4000, $0x38;
	[tilespmem:$0x18300] =	vst v63  }
0xd1: {  	p0 =	sne.s32 s20, s8;
	_ =	swait.ge [sflag:s19], $0x4000  }
.Ltmp3:
0xd2: {  	[sflag:s19] =	ssyncset.done $0x0;
	(pc) =	sbr.rel @p0 .LBB2_1-.Ltmp3, $4  }
0xd3: {  	[sflag:s19] =	ssyncadd.s32 $0xFFFFC000  }
0xd4: {  	_ =	swait.ge [sflag:s18], $0x4000  }
0xd5: {  	[sflag:s18] =	ssyncset.done $0x0  }
0xd6: {  	[sflag:s18] =	ssyncadd.s32 $0xFFFFC000  }
0xd7: {  	_ =	sfence.sel $0x180000  }
0xd8: {  	[bflag:$0x0] =	sbarrier.arrive $0xFFFF  }
0xd9: {  	p0 =	sne.s32 s0, $0x0;
	_ =	strace $0x9000004A  }
0xda: {  	s0 =	sadd.s32 @!p0 $0x100000, s2;
	[bflag:$0x2] =	sbarrier.arrive $0xFFFF  }
0xdb: {  	[sflag:s0] =	ssyncadd.tile.s32 @!p0 $0x1;
	_ =	shalt  }
.Lfunc_end2:
_tile_overlayer_lowered:
.L_overlay_start_2:
0xdc: {  	(tag) =	ssettag $0x2  }
0xdd: {  	s0 =	rddreg [dreg:$0x0];
	s2 =	stileid.u32  }
0xde: {  	s1 =	rddreg [dreg:$0x1];
	p0 =	sne.s32 s2, $0x0  }
0xdf: {  	s3 =	rddreg [dreg:$0x2];
	[bflag:$0x3] =	sbarrier.arrive $0xFFFF;
	s2 =	simm.s32 @!p0 $0x1C05  }
0xe0: {  	[timem:s3], [sflag:s2] =	dma.local @!p0 [hbm:s0], s1  }
0xe1: {  	s0 =	simm.s32 @!p0 $0x5  }
0xe2: {  	_ =	swait.ge @!p0 [sflag:s0], s1  }
0xe3: {  	s1 =	ssub.s32 @!p0 $0x0, s1;
	[sflag:s0] =	ssyncset.done @!p0 $0x0  }
0xe4: {  	[sflag:s0] =	ssyncadd.s32 @!p0 s1  }
0xe5: {  	[bflag:$0x3] =	sbarrier.arrive $0xFFFF  }
0xe6: {  	_ =	shalt  }

</sc_bundles>
